<compile_context>
chip_gen: v7x
topology: tpu7x:2x2x1
jax: 0.10.2.dev20260603
libtpu: 0.0.44.dev20260713+nightly
codegen_flags: <defaults>
</compile_context>

<pallas_src>
import jax
import jax.numpy as jnp
from jax import lax
from jax.experimental import pallas as pl
from jax.experimental.pallas import tpu as pltpu
from jax.experimental.pallas import tpu_sc as plsc

_N = 10000
_E = 320000
_D = 128
_H = 8
_DH = 16
_SCALE = 1.0 / (_DH ** 0.5)

_NC = 2
_NS = 16
_NW = _NC * _NS

_EB = 40
_EPW = _E // _NW
_NBLK = _EPW // _EB

_NP = 10240
_RPT = _NP // _NS
_ZR = _NP * _H // _D
_ZPT = _ZR // _NS

_EB2 = 200
_NBLK2 = _EPW // _EB2

_HIGH = jax.lax.Precision.DEFAULT


def _cols_ab():
    ar = jnp.arange(_D // 2)
    w = ar // _DH
    d = ar % _DH
    cols_a = 32 * w + d
    return cols_a, cols_a + _DH


def _rne16(x):
    xi = lax.bitcast_convert_type(x, jnp.int32)
    return lax.shift_right_logical(
        xi + 0x7FFF + (lax.shift_right_logical(xi, 16) & 1), 16)


def _pack(a, b):
    return _rne16(a) | lax.shift_left(_rne16(b), 16)


def _proj_body(x_ref, w_ref, b_ref, q_ref, kv_ref, r_ref):
    o = jnp.dot(x_ref[...], w_ref[...], preferred_element_type=jnp.float32,
                precision=_HIGH) + b_ref[...]
    hd = _D // 2
    q_ref[:, 0:hd] = _pack(o[:, 0:hd], o[:, hd:2 * hd])
    q_ref[:, hd:2 * hd] = jnp.zeros((o.shape[0], hd), jnp.int32)
    kv_ref[:, 0:hd] = _pack(o[:, 2 * hd:3 * hd], o[:, 3 * hd:4 * hd])
    kv_ref[:, hd:2 * hd] = _pack(o[:, 4 * hd:5 * hd], o[:, 5 * hd:6 * hd])
    r_ref[...] = o[:, 6 * hd:8 * hd]


def _proj(x, wcat, bcat):
    blk = 1000
    grid = _N // blk
    return pl.pallas_call(
        _proj_body,
        grid=(grid,),
        in_specs=[
            pl.BlockSpec((blk, _D), lambda i: (i, 0)),
            pl.BlockSpec((_D, 4 * _D), lambda i: (0, 0)),
            pl.BlockSpec((1, 4 * _D), lambda i: (0, 0)),
        ],
        out_specs=[
            pl.BlockSpec((blk, _D), lambda i: (i, 0)),
            pl.BlockSpec((blk, _D), lambda i: (i, 0)),
            pl.BlockSpec((blk, _D), lambda i: (i, 0)),
        ],
        out_shape=[
            jax.ShapeDtypeStruct((_N, _D), jnp.int32),
            jax.ShapeDtypeStruct((_N, _D), jnp.int32),
            jax.ShapeDtypeStruct((_N, _D), jnp.float32),
        ],
    )(x, wcat, bcat)


def _eproj_body(y_ref, w_ref, b_ref, e_ref):
    o = jnp.dot(y_ref[...], w_ref[...], preferred_element_type=jnp.float32,
                precision=_HIGH) + b_ref[...]
    hd = _D // 2
    e_ref[...] = _pack(o[:, 0:hd], o[:, hd:2 * hd])


def _eproj(y, we, be):
    blk = 4000
    grid = _E // blk
    return pl.pallas_call(
        _eproj_body,
        grid=(grid,),
        in_specs=[
            pl.BlockSpec((blk, _D), lambda i: (i, 0)),
            pl.BlockSpec((_D, _D), lambda i: (0, 0)),
            pl.BlockSpec((1, _D), lambda i: (0, 0)),
        ],
        out_specs=pl.BlockSpec((blk, _D // 2), lambda i: (i, 0)),
        out_shape=jax.ShapeDtypeStruct((_E, _D // 2), jnp.int32),
    )(y, we, be)


def _split_body(ei_ref, src_ref, dst_ref):
    src_ref[...] = ei_ref[0]
    dst_ref[...] = ei_ref[1]


def _split_ei(ei):
    return pl.pallas_call(
        _split_body,
        out_shape=[
            jax.ShapeDtypeStruct((_E,), jnp.int32),
            jax.ShapeDtypeStruct((_E,), jnp.int32),
        ],
    )(ei)


def _edge_body(q_hbm, kv_hbm, e_hbm, src_hbm, dst_hbm, zero_hbm,
               esc_hbm, opart_hbm, zpart_hbm,
               src_s0, dst_s0, dst_v0, src_s1, dst_s1, dst_v1,
               qr0, kvr0, er0, qr1, kvr1, er1,
               esc0, esc1, wrow, dsto, wz, zrowo,
               acc, zacc, sem_i0, sem_i1, sem_o0, sem_o1, sem_z):
    c = lax.axis_index("c")
    s = lax.axis_index("s")
    wid = c * _NS + s
    lane = lax.broadcasted_iota(jnp.int32, (16,), 0)
    msk8 = lane < 8
    nmsk8 = jnp.logical_not(msk8)
    zero16 = jnp.zeros((16,), jnp.float32)
    hi_mask = jnp.full((16,), -65536, jnp.int32)

    idx_sets = ((src_s0, dst_s0, dst_v0), (src_s1, dst_s1, dst_v1))
    in_sets = ((qr0, kvr0, er0), (qr1, kvr1, er1))
    out_sets = (esc0, esc1)
    in_sems = (sem_i0, sem_i1)
    out_sems = (sem_o0, sem_o1)

    row0 = s * _RPT
    zr0 = s * _ZPT
    pltpu.sync_copy(zero_hbm, acc.at[pl.ds(row0, _RPT)])
    pltpu.sync_copy(zero_hbm.at[pl.ds(0, _ZPT)], zacc.at[pl.ds(zr0, _ZPT)])
    plsc.subcore_barrier()

    base_t = wid * _EPW

    def stage_idx(db, b):
        src_s, dst_s, dst_v = idx_sets[db]
        base = pl.multiple_of(base_t + b * _EB, 8)
        pltpu.sync_copy(src_hbm.at[pl.ds(base, _EB)], src_s)
        pltpu.sync_copy(dst_hbm.at[pl.ds(base, _EB)], dst_s)
        pltpu.sync_copy(dst_hbm.at[pl.ds(base, _EB)],
                        dst_v.at[pl.ds(0, _EB)])

    def issue_gathers(db, b):
        src_s, dst_s, _ = idx_sets[db]
        qr, kvr, er = in_sets[db]
        base = pl.multiple_of(base_t + b * _EB, 8)
        pltpu.make_async_copy(e_hbm.at[pl.ds(base, _EB)], er,
                              in_sems[db]).start()
        pltpu.make_async_copy(q_hbm.at[dst_s], qr, in_sems[db]).start()
        pltpu.make_async_copy(kv_hbm.at[src_s], kvr, in_sems[db]).start()

    def wait_gathers(db):
        qr, kvr, er = in_sets[db]
        pltpu.make_async_copy(e_hbm.at[pl.ds(0, _EB)], er,
                              in_sems[db]).wait()
        pltpu.make_async_copy(q_hbm.at[pl.ds(0, _EB)], qr,
                              in_sems[db]).wait()
        pltpu.make_async_copy(kv_hbm.at[pl.ds(0, _EB)], kvr,
                              in_sems[db]).wait()

    def drain_outs(db):
        pltpu.make_async_copy(out_sets[db].at[pl.ds(8, _EB * _H)],
                              esc_hbm.at[pl.ds(0, _EB * _H)],
                              out_sems[db]).wait()

    def drain_scat():
        pltpu.make_async_copy(wrow, acc.at[pl.ds(0, _EB)], sem_z).wait()
        pltpu.make_async_copy(wz, zacc.at[pl.ds(0, _EB)], sem_z).wait()

    def issue_outs(db, b):
        base = pl.multiple_of(base_t + b * _EB, 8)
        pltpu.make_async_copy(out_sets[db].at[pl.ds(8, _EB * _H)],
                              esc_hbm.at[pl.ds(base * _H, _EB * _H)],
                              out_sems[db]).start()
        pltpu.make_async_copy(wrow, acc.at[dsto], sem_z).start(add=True)
        pltpu.make_async_copy(wz, zacc.at[zrowo], sem_z).start(add=True)

    def unpk32(b32):
        lo = plsc.bitcast(lax.shift_left(b32, 16), jnp.float32)
        hi = plsc.bitcast(lax.bitwise_and(b32, hi_mask), jnp.float32)
        return lo, hi

    def compute(db):
        _, _, dst_v = idx_sets[db]
        qr, kvr, er = in_sets[db]
        esc_v = out_sets[db]

        for cc in range(3):
            dvc = dst_v[pl.ds(cc * 16, 16)]
            rem = _EB - cc * 16
            m = None if rem >= 16 else (lane < rem)
            plsc.store_scatter(dsto, [lane + cc * 16], dvc, mask=m)
            plsc.store_scatter(zrowo, [lane + cc * 16],
                               lax.shift_right_logical(dvc, 4), mask=m)

        def pair_body(p, _):
            sv = zero16
            ebf = []
            for eo in (0, 1):
                i = 2 * p + eo
                for w in range(_H // 2):
                    sl = pl.ds(w * 16, 16)
                    eb = plsc.bitcast(er[i, sl], jnp.bfloat16)
                    kb = plsc.bitcast(kvr[i, sl], jnp.bfloat16)
                    ebf.append(eb)
                    ke_lo, ke_hi = unpk32(plsc.bitcast(kb + eb, jnp.int32))
                    q_lo, q_hi = unpk32(qr[i, sl])
                    s_lo = jnp.sum(q_lo * ke_lo)
                    s_hi = jnp.sum(q_hi * ke_hi)
                    sv = jnp.where(lane == eo * 8 + 2 * w, s_lo, sv)
                    sv = jnp.where(lane == eo * 8 + 2 * w + 1, s_hi, sv)
            es = jnp.exp(sv)
            esc_v[pl.ds(8 + p * 16, 16)] = es
            i0 = 2 * p
            i1 = 2 * p + 1
            for eo in (0, 1):
                i = 2 * p + eo
                for w in range(_H // 2):
                    vb = plsc.bitcast(kvr[i, pl.ds(_D // 2 + w * 16, 16)],
                                      jnp.bfloat16)
                    ve_lo, ve_hi = unpk32(
                        plsc.bitcast(vb + ebf[eo * 4 + w], jnp.int32))
                    wrow[i, pl.ds((2 * w) * _DH, _DH)] = (
                        es[eo * 8 + 2 * w] * ve_lo)
                    wrow[i, pl.ds((2 * w + 1) * _DH, _DH)] = (
                        es[eo * 8 + 2 * w + 1] * ve_hi)
            eva = esc_v[pl.ds(p * 16, 16)]
            evc = esc_v[pl.ds(16 + p * 16, 16)]
            dvv = dst_v[pl.ds(2 * p, 16)]
            d0 = dvv[0]
            d1 = dvv[1]
            for cz in range(_D // 16):
                wz[i0, pl.ds(cz * 16, 16)] = zero16
                wz[i1, pl.ds(cz * 16, 16)] = zero16
            c0 = (d0 & 15) >> 1
            c1 = (d1 & 15) >> 1
            val0 = jnp.where((d0 & 1) == 0, jnp.where(msk8, es, 0.0),
                             jnp.where(nmsk8, eva, 0.0))
            val1 = jnp.where((d1 & 1) == 0, jnp.where(msk8, evc, 0.0),
                             jnp.where(nmsk8, es, 0.0))
            wz[i0, pl.ds(c0 * 16, 16)] = val0
            wz[i1, pl.ds(c1 * 16, 16)] = val1
            return 0
        lax.fori_loop(0, _EB // 2, pair_body, 0)

    stage_idx(0, 0)
    issue_gathers(0, 0)

    def iter_body(g, _):
        for db in (0, 1):
            b = 2 * g + db
            nx = 1 - db

            @pl.when(b + 1 < _NBLK)
            def _():
                stage_idx(nx, b + 1)
                issue_gathers(nx, b + 1)

            wait_gathers(db)

            @pl.when(b >= 2)
            def _():
                drain_outs(db)

            @pl.when(b >= 1)
            def _():
                drain_scat()

            compute(db)
            issue_outs(db, b)
        return 0

    lax.fori_loop(0, _NBLK // 2, iter_body, 0)
    drain_outs(0)
    drain_outs(1)
    drain_scat()

    plsc.subcore_barrier()
    pltpu.sync_copy(acc.at[pl.ds(row0, _RPT)],
                    opart_hbm.at[c, pl.ds(row0, _RPT)])
    pltpu.sync_copy(zacc.at[pl.ds(zr0, _ZPT)],
                    zpart_hbm.at[c, pl.ds(zr0, _ZPT)])


def _edge_pass(q, kv, e, src, dst, zero):
    mesh = plsc.VectorSubcoreMesh(core_axis_name="c", subcore_axis_name="s",
                                  num_cores=_NC, num_subcores=_NS)
    idx_t = [pltpu.VMEM((_EB,), jnp.int32),
             pltpu.VMEM((_EB,), jnp.int32),
             pltpu.VMEM((_EB + 16,), jnp.int32)]
    in_t = [pltpu.VMEM((_EB, _D), jnp.int32),
            pltpu.VMEM((_EB, _D), jnp.int32),
            pltpu.VMEM((_EB, _D // 2), jnp.int32)]
    out_t = [pltpu.VMEM((8 + _EB * _H + 16,), jnp.float32)]
    fn = pl.kernel(
        _edge_body,
        out_type=[
            jax.ShapeDtypeStruct((_E * _H,), jnp.float32),
            jax.ShapeDtypeStruct((_NC, _NP, _D), jnp.float32),
            jax.ShapeDtypeStruct((_NC, _ZR, _D), jnp.float32),
        ],
        mesh=mesh,
        scratch_types=(idx_t + idx_t + in_t + in_t + out_t + out_t + [
            pltpu.VMEM((_EB, _D), jnp.float32),
            pltpu.VMEM((_EB,), jnp.int32),
            pltpu.VMEM((_EB, _D), jnp.float32),
            pltpu.VMEM((_EB,), jnp.int32),
            pltpu.VMEM_SHARED((_NP, _D), jnp.float32),
            pltpu.VMEM_SHARED((_ZR, _D), jnp.float32),
            pltpu.SemaphoreType.DMA,
            pltpu.SemaphoreType.DMA,
            pltpu.SemaphoreType.DMA,
            pltpu.SemaphoreType.DMA,
            pltpu.SemaphoreType.DMA,
        ]),
        compiler_params=pltpu.CompilerParams(needs_layout_passes=False),
    )
    return fn(q, kv, e, src, dst, zero)


def _fin_body(op_ref, zp_ref, r_ref, wgh_ref, wgr_ref, bg_ref, lng_ref,
              lnb_ref, out_ref):
    blk = op_ref.shape[1]
    osum = op_ref[0] + op_ref[1]
    z = zp_ref[0] + zp_ref[1]
    zinv = _SCALE / (1e-8 + z)
    h = (osum.reshape(blk, _H, _DH) * zinv[:, :, None]).reshape(blk, _D)
    r = r_ref[...]
    g = jnp.dot(h, wgh_ref[...], preferred_element_type=jnp.float32,
                precision=_HIGH)
    g += jnp.dot(r, wgr_ref[...], preferred_element_type=jnp.float32,
                 precision=_HIGH)
    b = jax.nn.sigmoid(g + bg_ref[...])
    hb = h - b * h + b * r
    mu = jnp.mean(hb, axis=1, keepdims=True)
    var = jnp.mean((hb - mu) ** 2, axis=1, keepdims=True)
    ln = (hb - mu) / jnp.sqrt(var + 1e-5) * lng_ref[...] + lnb_ref[...]
    out_ref[...] = jnp.where(ln >= 0, ln, 0.01 * ln)


def _finalize(opart, zpart, r, wgh, wgr, bg, lng, lnb):
    blk = 2000
    grid = _N // blk
    return pl.pallas_call(
        _fin_body,
        grid=(grid,),
        in_specs=[
            pl.BlockSpec((_NC, blk, _D), lambda i: (0, i, 0)),
            pl.BlockSpec((_NC, blk, _H), lambda i: (0, i, 0)),
            pl.BlockSpec((blk, _D), lambda i: (i, 0)),
            pl.BlockSpec((_D, _D), lambda i: (0, 0)),
            pl.BlockSpec((_D, _D), lambda i: (0, 0)),
            pl.BlockSpec((1, _D), lambda i: (0, 0)),
            pl.BlockSpec((1, _D), lambda i: (0, 0)),
            pl.BlockSpec((1, _D), lambda i: (0, 0)),
        ],
        out_specs=pl.BlockSpec((blk, _D), lambda i: (i, 0)),
        out_shape=jax.ShapeDtypeStruct((_N, _D), jnp.float32),
    )(opart, zpart, r, wgh, wgr, bg, lng, lnb)


def _norm_body(esc_hbm, dst_hbm, zpart_hbm, out_hbm,
               zv, zp0, zp1, dst_v0, dst_v1, esc_v0, esc_v1, nrm_v0, nrm_v1,
               zish, sem_i0, sem_i1, sem_o0, sem_o1):
    c = lax.axis_index("c")
    s = lax.axis_index("s")
    wid = c * _NS + s
    lane = lax.broadcasted_iota(jnp.int32, (16,), 0)
    msk8 = lane < 8
    lo3 = lane & 7

    pltpu.sync_copy(zpart_hbm.at[0, pl.ds(s * _ZPT, _ZPT)], zp0)
    pltpu.sync_copy(zpart_hbm.at[1, pl.ds(s * _ZPT, _ZPT)], zp1)

    def zrow_body(t, _):
        rr = t // (_D // 16)
        sl = pl.ds((t % (_D // 16)) * 16, 16)
        zp0[rr, sl] = _SCALE / (1e-8 + (zp0[rr, sl] + zp1[rr, sl]))
        return 0
    lax.fori_loop(0, _ZPT * (_D // 16), zrow_body, 0)
    pltpu.sync_copy(zp0, zish.at[pl.ds(s * _ZPT, _ZPT)])
    plsc.subcore_barrier()
    pltpu.sync_copy(zish, zv)

    base_t = wid * _EPW

    dsts = (dst_v0, dst_v1)
    escs = (esc_v0, esc_v1)
    nrms = (nrm_v0, nrm_v1)
    in_sems = (sem_i0, sem_i1)
    out_sems = (sem_o0, sem_o1)

    def issue_in(db, b):
        base = pl.multiple_of(base_t + b * _EB2, 8)
        pltpu.make_async_copy(dst_hbm.at[pl.ds(base, _EB2)],
                              dsts[db].at[pl.ds(0, _EB2)],
                              in_sems[db]).start()
        pltpu.make_async_copy(esc_hbm.at[pl.ds(base * _H, _EB2 * _H)],
                              escs[db], in_sems[db]).start()

    def wait_in(db):
        pltpu.make_async_copy(dst_hbm.at[pl.ds(0, _EB2)],
                              dsts[db].at[pl.ds(0, _EB2)],
                              in_sems[db]).wait()
        pltpu.make_async_copy(esc_hbm.at[pl.ds(0, _EB2 * _H)], escs[db],
                              in_sems[db]).wait()

    def drain_out(db):
        pltpu.make_async_copy(nrms[db], out_hbm.at[pl.ds(0, _EB2 * _H)],
                              out_sems[db]).wait()

    def compute(db):
        dst_v = dsts[db]
        esc_v = escs[db]
        nrm_v = nrms[db]

        def pair(j, _):
            dv = dst_v[pl.ds(2 * j, 16)]
            d0 = dv[0]
            d1 = dv[1]
            row = jnp.where(msk8, d0 >> 4, d1 >> 4)
            colb = jnp.where(msk8, (d0 & 15) * _H, (d1 & 15) * _H)
            zi = plsc.load_gather(zv, [row, colb + lo3])
            sl = pl.ds(j * 16, 16)
            nrm_v[sl] = esc_v[sl] * zi
            return 0
        lax.fori_loop(0, _EB2 * _H // 16, pair, 0)

    def issue_out(db, b):
        base = pl.multiple_of(base_t + b * _EB2, 8)
        pltpu.make_async_copy(nrms[db],
                              out_hbm.at[pl.ds(base * _H, _EB2 * _H)],
                              out_sems[db]).start()

    issue_in(0, 0)

    def iter_body(g, _):
        for db in (0, 1):
            b = 2 * g + db
            nx = 1 - db

            @pl.when(b + 1 < _NBLK2)
            def _():
                issue_in(nx, b + 1)

            wait_in(db)

            @pl.when(b >= 2)
            def _():
                drain_out(db)

            compute(db)
            issue_out(db, b)
        return 0

    lax.fori_loop(0, _NBLK2 // 2, iter_body, 0)
    drain_out(0)
    drain_out(1)


def _norm_pass(esc, dst, zpart):
    mesh = plsc.VectorSubcoreMesh(core_axis_name="c", subcore_axis_name="s",
                                  num_cores=_NC, num_subcores=_NS)
    fn = pl.kernel(
        _norm_body,
        out_type=jax.ShapeDtypeStruct((_E * _H,), jnp.float32),
        mesh=mesh,
        scratch_types=[
            pltpu.VMEM((_ZR, _D), jnp.float32),
            pltpu.VMEM((_ZPT, _D), jnp.float32),
            pltpu.VMEM((_ZPT, _D), jnp.float32),
            pltpu.VMEM((_EB2 + 16,), jnp.int32),
            pltpu.VMEM((_EB2 + 16,), jnp.int32),
            pltpu.VMEM((_EB2 * _H,), jnp.float32),
            pltpu.VMEM((_EB2 * _H,), jnp.float32),
            pltpu.VMEM((_EB2 * _H,), jnp.float32),
            pltpu.VMEM((_EB2 * _H,), jnp.float32),
            pltpu.VMEM_SHARED((_ZR, _D), jnp.float32),
            pltpu.SemaphoreType.DMA,
            pltpu.SemaphoreType.DMA,
            pltpu.SemaphoreType.DMA,
            pltpu.SemaphoreType.DMA,
        ],
        compiler_params=pltpu.CompilerParams(needs_layout_passes=False),
    )
    return fn(esc, dst, zpart)


def kernel(x, y, edge_index, Wq, bq, Wk, bk, Wv, bv, We, be, Wr, br,
           Wg, bg, ln_g, ln_b):
    ca, cb = _cols_ab()
    wcat = jnp.concatenate([Wq[:, ca], Wq[:, cb], Wk[:, ca], Wk[:, cb],
                            Wv[:, ca], Wv[:, cb], Wr], axis=1)
    bcat = jnp.concatenate([bq[ca], bq[cb], bk[ca], bk[cb], bv[ca], bv[cb],
                            br]).reshape(1, 4 * _D)
    src, dst = _split_ei(edge_index)
    q, kv, r = _proj(x, wcat, bcat)
    e = _eproj(y, jnp.concatenate([We[:, ca], We[:, cb]], axis=1),
               jnp.concatenate([be[ca], be[cb]]).reshape(1, _D))
    zero = jnp.zeros((_RPT, _D), jnp.float32)
    esc, opart, zpart = _edge_pass(q, kv, e, src, dst, zero)
    wgh = Wg[0:_D] + Wg[2 * _D:3 * _D]
    wgr = Wg[_D:2 * _D] - Wg[2 * _D:3 * _D]
    out = _finalize(opart, zpart.reshape(_NC, _NP, _H), r, wgh, wgr,
                    bg.reshape(1, _D), ln_g.reshape(1, _D),
                    ln_b.reshape(1, _D))
    nrm = _norm_pass(esc, dst, zpart)
    return out, nrm.reshape(_E, _H, 1)

# --- scband reference (transcript-rebuilt; emitter-appended) ---
"""Pipeline reference for scband-gtransformer-homo-67997922230897 (READ-ONLY COPY).

The authoritative reference and input builder live on the scoring server;
editing this copy changes nothing except your own understanding.
"""

import jax, jax.numpy as jnp
import numpy as np

N = 10000
E = 320000
D = 128
H = 8
DH = D // H

def setup_inputs(seed: int = 0) -> dict:
    key = jax.random.key(seed)
    ks = jax.random.split(key, 20)
    s = 0.05
    inp = {}
    inp['x'] = jax.random.normal(ks[0], (N, D), dtype=jnp.float32)
    inp['y'] = jax.random.normal(ks[1], (E, D), dtype=jnp.float32)
    inp['edge_index'] = jax.random.randint(ks[2], (2, E), 0, N, dtype=jnp.int32)
    inp['Wq'] = jax.random.normal(ks[3], (D, D), dtype=jnp.float32) * s
    inp['bq'] = jnp.zeros((D,), dtype=jnp.float32)
    inp['Wk'] = jax.random.normal(ks[4], (D, D), dtype=jnp.float32) * s
    inp['bk'] = jnp.zeros((D,), dtype=jnp.float32)
    inp['Wv'] = jax.random.normal(ks[5], (D, D), dtype=jnp.float32) * s
    inp['bv'] = jnp.zeros((D,), dtype=jnp.float32)
    inp['We'] = jax.random.normal(ks[6], (D, D), dtype=jnp.float32) * s
    inp['be'] = jnp.zeros((D,), dtype=jnp.float32)
    inp['Wr'] = jax.random.normal(ks[7], (D, D), dtype=jnp.float32) * s
    inp['br'] = jnp.zeros((D,), dtype=jnp.float32)
    inp['Wg'] = jax.random.normal(ks[8], (3 * D, D), dtype=jnp.float32) * s
    inp['bg'] = jnp.zeros((D,), dtype=jnp.float32)
    inp['ln_g'] = jnp.ones((D,), dtype=jnp.float32)
    inp['ln_b'] = jnp.zeros((D,), dtype=jnp.float32)
    return inp

def reference(x, y, edge_index, Wq, bq, Wk, bk, Wv, bv, We, be, Wr, br, Wg, bg, ln_g, ln_b):
    src = edge_index[0]
    dst = edge_index[1]
    n = x.shape[0]
    q = (x @ Wq + bq).reshape(n, H, DH)
    k = (x @ Wk + bk).reshape(n, H, DH)
    v = (x @ Wv + bv).reshape(n, H, DH)
    e = (y @ We + be).reshape(-1, H, DH)
    # u_add_e: source node k + edge e
    ke = jnp.take(k, src, axis=0) + e
    # v_dot_e: dst node q dotted with edge ke
    score = jnp.sum(jnp.take(q, dst, axis=0) * ke, axis=-1, keepdims=True)  # [E, H, 1]
    escore = jnp.exp(score)
    z = jax.ops.segment_sum(escore, dst, num_segments=n)  # [N, H, 1]
    norm_escore = (1.0 / jnp.sqrt(float(DH))) * escore / (1e-8 + jnp.take(z, dst, axis=0))
    ve = jnp.take(v, src, axis=0) + e
    o = jax.ops.segment_sum(norm_escore * ve, dst, num_segments=n)  # [N, H, DH]
    h_update = o.reshape(n, H * DH)
    residual = x @ Wr + br
    cat_hr = jnp.concatenate([h_update, residual, h_update - residual], axis=1)
    b = jax.nn.sigmoid(cat_hr @ Wg + bg)
    hb = h_update - b * h_update + b * residual
    mu = jnp.mean(hb, axis=-1, keepdims=True)
    var = jnp.var(hb, axis=-1, keepdims=True)
    ln = (hb - mu) / jnp.sqrt(var + 1e-5) * ln_g + ln_b
    out = jnp.where(ln >= 0, ln, 0.01 * ln)
    return (out, norm_escore)

if __name__ == "__main__":
    import jax
    _d = setup_inputs()
    print(jax.jit(kernel)(*tuple(_d.values())))

</pallas_src>

<mosaic_0001>
#map = affine_map<(d0, d1) -> (0)>
#map1 = affine_map<(d0, d1) -> (0, 0, 0)>
module attributes {stable_mosaic.version = 14 : i64} {
  func.func @_norm_body(%arg0: i32, %arg1: i32, %arg2: memref<2560000xf32, #tpu.memory_space<hbm>>, %arg3: memref<320000xi32, #tpu.memory_space<hbm>>, %arg4: memref<2x640x128xf32, #tpu.memory_space<hbm>>, %arg5: memref<2560000xf32, #tpu.memory_space<hbm>>, %arg6: memref<640x128xf32, #tpu.memory_space<vmem>>, %arg7: memref<40x128xf32, #tpu.memory_space<vmem>>, %arg8: memref<40x128xf32, #tpu.memory_space<vmem>>, %arg9: memref<216xi32, #tpu.memory_space<vmem>>, %arg10: memref<216xi32, #tpu.memory_space<vmem>>, %arg11: memref<1600xf32, #tpu.memory_space<vmem>>, %arg12: memref<1600xf32, #tpu.memory_space<vmem>>, %arg13: memref<1600xf32, #tpu.memory_space<vmem>>, %arg14: memref<1600xf32, #tpu.memory_space<vmem>>, %arg15: memref<640x128xf32, #tpu.memory_space<vmem_shared>>, %arg16: memref<!tpu.dma_semaphore, #tpu.memory_space<semaphore_mem>>, %arg17: memref<!tpu.dma_semaphore, #tpu.memory_space<semaphore_mem>>, %arg18: memref<!tpu.dma_semaphore, #tpu.memory_space<semaphore_mem>>, %arg19: memref<!tpu.dma_semaphore, #tpu.memory_space<semaphore_mem>>) attributes {dimension_semantics = [#tpu.dimension_semantics<core_parallel>, #tpu.dimension_semantics<subcore_parallel>], iteration_bounds = array<i64: 2, 16>, scalar_prefetch = 0 : i64, scratch_operands = 14 : i64, tpu.core_type = #tpu.core_type<sc_vector_subcore>, window_params = [{transform_indices = #map}, {transform_indices = #map}, {transform_indices = #map1}, {transform_indices = #map}]} {
    %mul3A = arith.constant 16 : i32
    %mul3A_0 = arith.muli %arg0, %mul3A : i32
    %add3A = arith.addi %mul3A_0, %arg1 : i32
    %iota3A = tpu.iota {dimensions = array<i32: 0>} : vector<16xi32>
    %lt3A = arith.constant 8 : i32
    %lt3A_1 = vector.broadcast %lt3A : i32 to vector<16xi32>
    %lt3A_2 = arith.cmpi slt, %iota3A, %lt3A_1 : vector<16xi32>
    %and3A = arith.constant 7 : i32
    %and3A_3 = vector.broadcast %and3A : i32 to vector<16xi32>
    %and3A_4 = arith.andi %iota3A, %and3A_3 : vector<16xi32>
    %mul3A_5 = arith.constant 40 : i32
    %mul3A_6 = arith.muli %arg1, %mul3A_5 : i32
    %run_scoped3A = arith.constant 0 : i32
    "tpu.region"() ({
      %run_scoped3A_45 = tpu.sem_alloc : memref<!tpu.dma_semaphore, #tpu.memory_space<semaphore_mem>>
      %dma_start3A_46 = arith.constant 0 : i32
      %dma_start3A_47 = tpu.memref_slice %arg4[%run_scoped3A, %mul3A_6, %dma_start3A_46] : memref<2x640x128xf32, #tpu.memory_space<hbm>> -> memref<1x40x128xf32, #tpu.memory_space<hbm>>
      %dma_start3A_48 = tpu.memref_squeeze %dma_start3A_47 : memref<1x40x128xf32, #tpu.memory_space<hbm>> -> memref<40x128xf32, #tpu.memory_space<hbm>>
      %dma_start3A_49 = arith.constant 0 : i32
      %dma_start3A_50 = tpu.memref_slice %arg4[%run_scoped3A, %mul3A_6, %dma_start3A_49] : memref<2x640x128xf32, #tpu.memory_space<hbm>> -> memref<1x40x128xf32, #tpu.memory_space<hbm>>
      %dma_start3A_51 = tpu.memref_squeeze %dma_start3A_50 : memref<1x40x128xf32, #tpu.memory_space<hbm>> -> memref<40x128xf32, #tpu.memory_space<hbm>>
      tpu.enqueue_dma source(%dma_start3A_51 : memref<40x128xf32, #tpu.memory_space<hbm>>) target(%arg7 : memref<40x128xf32, #tpu.memory_space<vmem>>) target_semaphore(%run_scoped3A_45 : memref<!tpu.dma_semaphore, #tpu.memory_space<semaphore_mem>>)
      %dma_wait3A_52 = arith.constant 0 : i32
      %dma_wait3A_53 = tpu.memref_slice %arg4[%run_scoped3A, %mul3A_6, %dma_wait3A_52] : memref<2x640x128xf32, #tpu.memory_space<hbm>> -> memref<1x40x128xf32, #tpu.memory_space<hbm>>
      %dma_wait3A_54 = tpu.memref_squeeze %dma_wait3A_53 : memref<1x40x128xf32, #tpu.memory_space<hbm>> -> memref<40x128xf32, #tpu.memory_space<hbm>>
      %dma_wait3A_55 = arith.constant 0 : i32
      %dma_wait3A_56 = tpu.memref_slice %arg4[%run_scoped3A, %mul3A_6, %dma_wait3A_55] : memref<2x640x128xf32, #tpu.memory_space<hbm>> -> memref<1x40x128xf32, #tpu.memory_space<hbm>>
      %dma_wait3A_57 = tpu.memref_squeeze %dma_wait3A_56 : memref<1x40x128xf32, #tpu.memory_space<hbm>> -> memref<40x128xf32, #tpu.memory_space<hbm>>
      tpu.wait_dma2 semaphore(%run_scoped3A_45 : memref<!tpu.dma_semaphore, #tpu.memory_space<semaphore_mem>>) src(%dma_wait3A_57 : memref<40x128xf32, #tpu.memory_space<hbm>>) dst(%arg7 : memref<40x128xf32, #tpu.memory_space<vmem>>)
      tpu.yield
    }) : () -> ()
    %mul3A_7 = arith.constant 40 : i32
    %mul3A_8 = arith.muli %arg1, %mul3A_7 : i32
    %run_scoped3A_9 = arith.constant 1 : i32
    "tpu.region"() ({
      %run_scoped3A_45 = tpu.sem_alloc : memref<!tpu.dma_semaphore, #tpu.memory_space<semaphore_mem>>
      %dma_start3A_46 = arith.constant 0 : i32
      %dma_start3A_47 = tpu.memref_slice %arg4[%run_scoped3A_9, %mul3A_8, %dma_start3A_46] : memref<2x640x128xf32, #tpu.memory_space<hbm>> -> memref<1x40x128xf32, #tpu.memory_space<hbm>>
      %dma_start3A_48 = tpu.memref_squeeze %dma_start3A_47 : memref<1x40x128xf32, #tpu.memory_space<hbm>> -> memref<40x128xf32, #tpu.memory_space<hbm>>
      %dma_start3A_49 = arith.constant 0 : i32
      %dma_start3A_50 = tpu.memref_slice %arg4[%run_scoped3A_9, %mul3A_8, %dma_start3A_49] : memref<2x640x128xf32, #tpu.memory_space<hbm>> -> memref<1x40x128xf32, #tpu.memory_space<hbm>>
      %dma_start3A_51 = tpu.memref_squeeze %dma_start3A_50 : memref<1x40x128xf32, #tpu.memory_space<hbm>> -> memref<40x128xf32, #tpu.memory_space<hbm>>
      tpu.enqueue_dma source(%dma_start3A_51 : memref<40x128xf32, #tpu.memory_space<hbm>>) target(%arg8 : memref<40x128xf32, #tpu.memory_space<vmem>>) target_semaphore(%run_scoped3A_45 : memref<!tpu.dma_semaphore, #tpu.memory_space<semaphore_mem>>)
      %dma_wait3A_52 = arith.constant 0 : i32
      %dma_wait3A_53 = tpu.memref_slice %arg4[%run_scoped3A_9, %mul3A_8, %dma_wait3A_52] : memref<2x640x128xf32, #tpu.memory_space<hbm>> -> memref<1x40x128xf32, #tpu.memory_space<hbm>>
      %dma_wait3A_54 = tpu.memref_squeeze %dma_wait3A_53 : memref<1x40x128xf32, #tpu.memory_space<hbm>> -> memref<40x128xf32, #tpu.memory_space<hbm>>
      %dma_wait3A_55 = arith.constant 0 : i32
      %dma_wait3A_56 = tpu.memref_slice %arg4[%run_scoped3A_9, %mul3A_8, %dma_wait3A_55] : memref<2x640x128xf32, #tpu.memory_space<hbm>> -> memref<1x40x128xf32, #tpu.memory_space<hbm>>
      %dma_wait3A_57 = tpu.memref_squeeze %dma_wait3A_56 : memref<1x40x128xf32, #tpu.memory_space<hbm>> -> memref<40x128xf32, #tpu.memory_space<hbm>>
      tpu.wait_dma2 semaphore(%run_scoped3A_45 : memref<!tpu.dma_semaphore, #tpu.memory_space<semaphore_mem>>) src(%dma_wait3A_57 : memref<40x128xf32, #tpu.memory_space<hbm>>) dst(%arg8 : memref<40x128xf32, #tpu.memory_space<vmem>>)
      tpu.yield
    }) : () -> ()
    %scan3A = arith.constant 0 : i32
    %scan3A_10 = arith.constant 0 : i32
    %scan3A_11 = arith.constant 320 : i32
    %scan3A_12 = arith.addi %scan3A_10, %scan3A_11 : i32
    %scan3A_13 = arith.constant 1 : i32
    %scan3A_14 = scf.for %scan3A_45 = %scan3A_10 to %scan3A_12 step %scan3A_13 iter_args(%scan3A_46 = %scan3A) -> (i32)  : i32 {
      %jit3A = arith.constant 8 : i32
      %div3A = arith.divsi %scan3A_45, %jit3A : i32
      %sign3A = arith.constant 0 : i32
      %sign3A_47 = arith.cmpi sgt, %scan3A_45, %sign3A : i32
      %sign3A_48 = arith.extui %sign3A_47 : i1 to i32
      %sign3A_49 = arith.constant 0 : i32
      %sign3A_50 = arith.cmpi slt, %scan3A_45, %sign3A_49 : i32
      %sign3A_51 = arith.extui %sign3A_50 : i1 to i32
      %sign3A_52 = arith.subi %sign3A_48, %sign3A_51 : i32
      %sign3A_53 = arith.constant 0 : i32
      %sign3A_54 = arith.cmpi sgt, %jit3A, %sign3A_53 : i32
      %sign3A_55 = arith.extui %sign3A_54 : i1 to i32
      %sign3A_56 = arith.constant 0 : i32
      %sign3A_57 = arith.cmpi slt, %jit3A, %sign3A_56 : i32
      %sign3A_58 = arith.extui %sign3A_57 : i1 to i32
      %sign3A_59 = arith.subi %sign3A_55, %sign3A_58 : i32
      %ne3A = arith.cmpi ne, %sign3A_52, %sign3A_59 : i32
      %rem3A = arith.remsi %scan3A_45, %jit3A : i32
      %ne3A_60 = arith.constant 0 : i32
      %ne3A_61 = arith.cmpi ne, %rem3A, %ne3A_60 : i32
      %and3A_62 = arith.andi %ne3A, %ne3A_61 : i1
      %sub3A = arith.constant 1 : i32
      %sub3A_63 = arith.subi %div3A, %sub3A : i32
      %select_n3A = arith.select %and3A_62, %sub3A_63, %div3A : i32
      %jit3A_64 = arith.constant 8 : i32
      %eq3A = arith.constant 0 : i32
      %eq3A_65 = arith.cmpi eq, %jit3A_64, %eq3A : i32
      %jit3A_66 = arith.constant 1 : i32
      %select_n3A_67 = arith.select %eq3A_65, %jit3A_66, %jit3A_64 : i32
      %rem3A_68 = arith.remsi %scan3A_45, %select_n3A_67 : i32
      %ne3A_69 = arith.constant 0 : i32
      %ne3A_70 = arith.cmpi ne, %rem3A_68, %ne3A_69 : i32
      %lt3A_71 = arith.constant 0 : i32
      %lt3A_72 = arith.cmpi slt, %rem3A_68, %lt3A_71 : i32
      %lt3A_73 = arith.constant 0 : i32
      %lt3A_74 = arith.cmpi slt, %select_n3A_67, %lt3A_73 : i32
      %ne3A_75 = arith.xori %lt3A_72, %lt3A_74 : i1
      %and3A_76 = arith.andi %ne3A_75, %ne3A_70 : i1
      %add3A_77 = arith.addi %rem3A_68, %select_n3A_67 : i32
      %select_n3A_78 = arith.select %and3A_76, %add3A_77, %rem3A_68 : i32
      %mul3A_79 = arith.constant 16 : i32
      %mul3A_80 = arith.muli %select_n3A_78, %mul3A_79 : i32
      %get3A = arith.index_cast %select_n3A : i32 to index
      %get3A_81 = arith.index_cast %mul3A_80 : i32 to index
      %get3A_82 = tpu.vector_load %arg7[%get3A, %get3A_81] {strides = array<i32>} : memref<40x128xf32, #tpu.memory_space<vmem>>, vector<16xf32>,
      %get3A_83 = arith.index_cast %select_n3A : i32 to index
      %get3A_84 = arith.index_cast %mul3A_80 : i32 to index
      %get3A_85 = tpu.vector_load %arg8[%get3A_83, %get3A_84] {strides = array<i32>} : memref<40x128xf32, #tpu.memory_space<vmem>>, vector<16xf32>,
      %add3A_86 = arith.addf %get3A_82, %get3A_85 : vector<16xf32>
      %add3A_87 = arith.constant 9.99999993E-9 : f32
      %add3A_88 = vector.broadcast %add3A_87 : f32 to vector<16xf32>
      %add3A_89 = arith.addf %add3A_88, %add3A_86 : vector<16xf32>
      %div3A_90 = arith.constant 2.500000e-01 : f32
      %div3A_91 = vector.broadcast %div3A_90 : f32 to vector<16xf32>
      %div3A_92 = arith.divf %div3A_91, %add3A_89 : vector<16xf32>
      %swap3A = arith.index_cast %select_n3A : i32 to index
      %swap3A_93 = arith.index_cast %mul3A_80 : i32 to index
      %swap3A_94 = tpu.vector_load %arg7[%swap3A, %swap3A_93] {strides = array<i32>} : memref<40x128xf32, #tpu.memory_space<vmem>>, vector<16xf32>,
      tpu.vector_store %arg7[%swap3A, %swap3A_93], %div3A_92 {strides = array<i32>} : memref<40x128xf32, #tpu.memory_space<vmem>>, vector<16xf32>,
      %scan3A_95 = arith.constant 0 : i32
      scf.yield %scan3A_95 : i32
    }
    %scan3A_15 = arith.constant 320 : i32
    %mul3A_16 = arith.constant 40 : i32
    %mul3A_17 = arith.muli %arg1, %mul3A_16 : i32
    "tpu.region"() ({
      %run_scoped3A_45 = tpu.sem_alloc : memref<!tpu.dma_semaphore, #tpu.memory_space<semaphore_mem>>
      %dma_start3A_46 = arith.constant 0 : i32
      %dma_start3A_47 = tpu.memref_slice %arg15[%mul3A_17, %dma_start3A_46] : memref<640x128xf32, #tpu.memory_space<vmem_shared>> -> memref<40x128xf32, #tpu.memory_space<vmem_shared>>
      %dma_start3A_48 = arith.constant 0 : i32
      %dma_start3A_49 = tpu.memref_slice %arg15[%mul3A_17, %dma_start3A_48] : memref<640x128xf32, #tpu.memory_space<vmem_shared>> -> memref<40x128xf32, #tpu.memory_space<vmem_shared>>
      tpu.enqueue_dma source(%arg7 : memref<40x128xf32, #tpu.memory_space<vmem>>) target(%dma_start3A_49 : memref<40x128xf32, #tpu.memory_space<vmem_shared>>) target_semaphore(%run_scoped3A_45 : memref<!tpu.dma_semaphore, #tpu.memory_space<semaphore_mem>>)
      %dma_wait3A_50 = arith.constant 0 : i32
      %dma_wait3A_51 = tpu.memref_slice %arg15[%mul3A_17, %dma_wait3A_50] : memref<640x128xf32, #tpu.memory_space<vmem_shared>> -> memref<40x128xf32, #tpu.memory_space<vmem_shared>>
      %dma_wait3A_52 = arith.constant 0 : i32
      %dma_wait3A_53 = tpu.memref_slice %arg15[%mul3A_17, %dma_wait3A_52] : memref<640x128xf32, #tpu.memory_space<vmem_shared>> -> memref<40x128xf32, #tpu.memory_space<vmem_shared>>
      tpu.wait_dma2 semaphore(%run_scoped3A_45 : memref<!tpu.dma_semaphore, #tpu.memory_space<semaphore_mem>>) src(%arg7 : memref<40x128xf32, #tpu.memory_space<vmem>>) dst(%dma_wait3A_53 : memref<40x128xf32, #tpu.memory_space<vmem_shared>>)
      tpu.yield
    }) : () -> ()
    %barrier3A = arith.constant 0 : index
    tpu.barrier barrier_id(%barrier3A)
    "tpu.region"() ({
      %run_scoped3A_45 = tpu.sem_alloc : memref<!tpu.dma_semaphore, #tpu.memory_space<semaphore_mem>>
      tpu.enqueue_dma source(%arg15 : memref<640x128xf32, #tpu.memory_space<vmem_shared>>) target(%arg6 : memref<640x128xf32, #tpu.memory_space<vmem>>) target_semaphore(%run_scoped3A_45 : memref<!tpu.dma_semaphore, #tpu.memory_space<semaphore_mem>>)
      tpu.wait_dma2 semaphore(%run_scoped3A_45 : memref<!tpu.dma_semaphore, #tpu.memory_space<semaphore_mem>>) src(%arg15 : memref<640x128xf32, #tpu.memory_space<vmem_shared>>) dst(%arg6 : memref<640x128xf32, #tpu.memory_space<vmem>>)
      tpu.yield
    }) : () -> ()
    %mul3A_18 = arith.constant 10000 : i32
    %mul3A_19 = arith.muli %add3A, %mul3A_18 : i32
    %add3A_20 = arith.constant 0 : i32
    %add3A_21 = arith.addi %mul3A_19, %add3A_20 : i32
    %multiple_of3A = tpu.assume_multiple %add3A_21, 8 : i32
    %dma_start3A = arith.constant 0 : i32
    %dma_start3A_22 = tpu.memref_slice %arg9[%dma_start3A] : memref<216xi32, #tpu.memory_space<vmem>> -> memref<200xi32, #tpu.memory_space<vmem>>
    %dma_start3A_23 = tpu.memref_slice %arg3[%multiple_of3A] : memref<320000xi32, #tpu.memory_space<hbm>> -> memref<200xi32, #tpu.memory_space<hbm>>
    %dma_start3A_24 = arith.constant 0 : i32
    %dma_start3A_25 = tpu.memref_slice %arg9[%dma_start3A_24] : memref<216xi32, #tpu.memory_space<vmem>> -> memref<200xi32, #tpu.memory_space<vmem>>
    %dma_start3A_26 = tpu.memref_slice %arg3[%multiple_of3A] : memref<320000xi32, #tpu.memory_space<hbm>> -> memref<200xi32, #tpu.memory_space<hbm>>
    tpu.enqueue_dma source(%dma_start3A_26 : memref<200xi32, #tpu.memory_space<hbm>>) target(%dma_start3A_25 : memref<200xi32, #tpu.memory_space<vmem>>) target_semaphore(%arg16 : memref<!tpu.dma_semaphore, #tpu.memory_space<semaphore_mem>>)
    %mul3A_27 = arith.constant 8 : i32
    %mul3A_28 = arith.muli %multiple_of3A, %mul3A_27 : i32
    %dma_start3A_29 = tpu.memref_slice %arg2[%mul3A_28] : memref<2560000xf32, #tpu.memory_space<hbm>> -> memref<1600xf32, #tpu.memory_space<hbm>>
    %dma_start3A_30 = tpu.memref_slice %arg2[%mul3A_28] : memref<2560000xf32, #tpu.memory_space<hbm>> -> memref<1600xf32, #tpu.memory_space<hbm>>
    tpu.enqueue_dma source(%dma_start3A_30 : memref<1600xf32, #tpu.memory_space<hbm>>) target(%arg11 : memref<1600xf32, #tpu.memory_space<vmem>>) target_semaphore(%arg16 : memref<!tpu.dma_semaphore, #tpu.memory_space<semaphore_mem>>)
    %scan3A_31 = arith.constant 0 : i32
    %scan3A_32 = arith.constant 0 : i32
    %scan3A_33 = arith.constant 25 : i32
    %scan3A_34 = arith.addi %scan3A_32, %scan3A_33 : i32
    %scan3A_35 = arith.constant 1 : i32
    %scan3A_36 = scf.for %scan3A_45 = %scan3A_32 to %scan3A_34 step %scan3A_35 iter_args(%scan3A_46 = %scan3A_31) -> (i32)  : i32 {
      %mul3A_47 = arith.constant 2 : i32
      %mul3A_48 = arith.muli %mul3A_47, %scan3A_45 : i32
      %add3A_49 = arith.constant 0 : i32
      %add3A_50 = arith.addi %mul3A_48, %add3A_49 : i32
      %add3A_51 = arith.constant 1 : i32
      %add3A_52 = arith.addi %add3A_50, %add3A_51 : i32
      %lt3A_53 = arith.constant 50 : i32
      %lt3A_54 = arith.cmpi slt, %add3A_52, %lt3A_53 : i32
      %convert_element_type3A = arith.extui %lt3A_54 : i1 to i32
      %cond3A = arith.constant 0 : i32
      %cond3A_55 = arith.cmpi ne, %convert_element_type3A, %cond3A : i32
      scf.if %cond3A_55 {
        %add3A_131 = arith.constant 1 : i32
        %add3A_132 = arith.addi %add3A_50, %add3A_131 : i32
        %mul3A_133 = arith.constant 200 : i32
        %mul3A_134 = arith.muli %add3A_132, %mul3A_133 : i32
        %add3A_135 = arith.addi %mul3A_19, %mul3A_134 : i32
        %multiple_of3A_136 = tpu.assume_multiple %add3A_135, 8 : i32
        %dma_start3A_137 = arith.constant 0 : i32
        %dma_start3A_138 = tpu.memref_slice %arg10[%dma_start3A_137] : memref<216xi32, #tpu.memory_space<vmem>> -> memref<200xi32, #tpu.memory_space<vmem>>
        %dma_start3A_139 = tpu.memref_slice %arg3[%multiple_of3A_136] : memref<320000xi32, #tpu.memory_space<hbm>> -> memref<200xi32, #tpu.memory_space<hbm>>
        %dma_start3A_140 = arith.constant 0 : i32
        %dma_start3A_141 = tpu.memref_slice %arg10[%dma_start3A_140] : memref<216xi32, #tpu.memory_space<vmem>> -> memref<200xi32, #tpu.memory_space<vmem>>
        %dma_start3A_142 = tpu.memref_slice %arg3[%multiple_of3A_136] : memref<320000xi32, #tpu.memory_space<hbm>> -> memref<200xi32, #tpu.memory_space<hbm>>
        tpu.enqueue_dma source(%dma_start3A_142 : memref<200xi32, #tpu.memory_space<hbm>>) target(%dma_start3A_141 : memref<200xi32, #tpu.memory_space<vmem>>) target_semaphore(%arg17 : memref<!tpu.dma_semaphore, #tpu.memory_space<semaphore_mem>>)
        %mul3A_143 = arith.constant 8 : i32
        %mul3A_144 = arith.muli %multiple_of3A_136, %mul3A_143 : i32
        %dma_start3A_145 = tpu.memref_slice %arg2[%mul3A_144] : memref<2560000xf32, #tpu.memory_space<hbm>> -> memref<1600xf32, #tpu.memory_space<hbm>>
        %dma_start3A_146 = tpu.memref_slice %arg2[%mul3A_144] : memref<2560000xf32, #tpu.memory_space<hbm>> -> memref<1600xf32, #tpu.memory_space<hbm>>
        tpu.enqueue_dma source(%dma_start3A_146 : memref<1600xf32, #tpu.memory_space<hbm>>) target(%arg12 : memref<1600xf32, #tpu.memory_space<vmem>>) target_semaphore(%arg17 : memref<!tpu.dma_semaphore, #tpu.memory_space<semaphore_mem>>)
      } else {
      }
      %dma_wait3A_56 = arith.constant 0 : i32
      %dma_wait3A_57 = tpu.memref_slice %arg9[%dma_wait3A_56] : memref<216xi32, #tpu.memory_space<vmem>> -> memref<200xi32, #tpu.memory_space<vmem>>
      %dma_wait3A_58 = arith.constant 0 : i32
      %dma_wait3A_59 = tpu.memref_slice %arg3[%dma_wait3A_58] : memref<320000xi32, #tpu.memory_space<hbm>> -> memref<200xi32, #tpu.memory_space<hbm>>
      %dma_wait3A_60 = arith.constant 0 : i32
      %dma_wait3A_61 = tpu.memref_slice %arg9[%dma_wait3A_60] : memref<216xi32, #tpu.memory_space<vmem>> -> memref<200xi32, #tpu.memory_space<vmem>>
      %dma_wait3A_62 = arith.constant 0 : i32
      %dma_wait3A_63 = tpu.memref_slice %arg3[%dma_wait3A_62] : memref<320000xi32, #tpu.memory_space<hbm>> -> memref<200xi32, #tpu.memory_space<hbm>>
      tpu.wait_dma2 semaphore(%arg16 : memref<!tpu.dma_semaphore, #tpu.memory_space<semaphore_mem>>) src(%dma_wait3A_63 : memref<200xi32, #tpu.memory_space<hbm>>) dst(%dma_wait3A_61 : memref<200xi32, #tpu.memory_space<vmem>>)
      %dma_wait3A_64 = arith.constant 0 : i32
      %dma_wait3A_65 = tpu.memref_slice %arg2[%dma_wait3A_64] : memref<2560000xf32, #tpu.memory_space<hbm>> -> memref<1600xf32, #tpu.memory_space<hbm>>
      %dma_wait3A_66 = arith.constant 0 : i32
      %dma_wait3A_67 = tpu.memref_slice %arg2[%dma_wait3A_66] : memref<2560000xf32, #tpu.memory_space<hbm>> -> memref<1600xf32, #tpu.memory_space<hbm>>
      tpu.wait_dma2 semaphore(%arg16 : memref<!tpu.dma_semaphore, #tpu.memory_space<semaphore_mem>>) src(%dma_wait3A_67 : memref<1600xf32, #tpu.memory_space<hbm>>) dst(%arg11 : memref<1600xf32, #tpu.memory_space<vmem>>)
      %ge3A = arith.constant 2 : i32
      %ge3A_68 = arith.cmpi sge, %add3A_50, %ge3A : i32
      %convert_element_type3A_69 = arith.extui %ge3A_68 : i1 to i32
      %cond3A_70 = arith.constant 0 : i32
      %cond3A_71 = arith.cmpi ne, %convert_element_type3A_69, %cond3A_70 : i32
      scf.if %cond3A_71 {
        %dma_wait3A_131 = arith.constant 0 : i32
        %dma_wait3A_132 = tpu.memref_slice %arg5[%dma_wait3A_131] : memref<2560000xf32, #tpu.memory_space<hbm>> -> memref<1600xf32, #tpu.memory_space<hbm>>
        %dma_wait3A_133 = arith.constant 0 : i32
        %dma_wait3A_134 = tpu.memref_slice %arg5[%dma_wait3A_133] : memref<2560000xf32, #tpu.memory_space<hbm>> -> memref<1600xf32, #tpu.memory_space<hbm>>
        tpu.wait_dma2 semaphore(%arg18 : memref<!tpu.dma_semaphore, #tpu.memory_space<semaphore_mem>>) src(%arg13 : memref<1600xf32, #tpu.memory_space<vmem>>) dst(%dma_wait3A_134 : memref<1600xf32, #tpu.memory_space<hbm>>)
      } else {
      }
      %scan3A_72 = arith.constant 0 : i32
      %scan3A_73 = arith.constant 0 : i32
      %scan3A_74 = arith.constant 100 : i32
      %scan3A_75 = arith.addi %scan3A_73, %scan3A_74 : i32
      %scan3A_76 = arith.constant 1 : i32
      %scan3A_77 = scf.for %scan3A_131 = %scan3A_73 to %scan3A_75 step %scan3A_76 iter_args(%scan3A_132 = %scan3A_72) -> (i32)  : i32 {
        %mul3A_133 = arith.constant 2 : i32
        %mul3A_134 = arith.muli %mul3A_133, %scan3A_131 : i32
        %get3A = arith.index_cast %mul3A_134 : i32 to index
        %get3A_135 = tpu.vector_load %arg9[%get3A] {strides = array<i32>} : memref<216xi32, #tpu.memory_space<vmem>>, vector<16xi32>,
        %slice3A = vector.extract_strided_slice %get3A_135 {offsets = [0], sizes = [1], strides = [1]} : vector<16xi32> to vector<1xi32>
        %squeeze3A = vector.extract %slice3A[0] : i32 from vector<1xi32>
        %slice3A_136 = vector.extract_strided_slice %get3A_135 {offsets = [1], sizes = [1], strides = [1]} : vector<16xi32> to vector<1xi32>
        %squeeze3A_137 = vector.extract %slice3A_136[0] : i32 from vector<1xi32>
        %shift_right_arithmetic3A = arith.constant 4 : i32
        %shift_right_arithmetic3A_138 = arith.shrsi %squeeze3A, %shift_right_arithmetic3A : i32
        %shift_right_arithmetic3A_139 = arith.constant 4 : i32
        %shift_right_arithmetic3A_140 = arith.shrsi %squeeze3A_137, %shift_right_arithmetic3A_139 : i32
        %broadcast_in_dim3A = vector.broadcast %shift_right_arithmetic3A_138 : i32 to vector<16xi32>
        %broadcast_in_dim3A_141 = vector.broadcast %shift_right_arithmetic3A_140 : i32 to vector<16xi32>
        %select_n3A = arith.select %lt3A_2, %broadcast_in_dim3A, %broadcast_in_dim3A_141 : vector<16xi1>, vector<16xi32>
        %and3A_142 = arith.constant 15 : i32
        %and3A_143 = arith.andi %squeeze3A, %and3A_142 : i32
        %mul3A_144 = arith.constant 8 : i32
        %mul3A_145 = arith.muli %and3A_143, %mul3A_144 : i32
        %and3A_146 = arith.constant 15 : i32
        %and3A_147 = arith.andi %squeeze3A_137, %and3A_146 : i32
        %mul3A_148 = arith.constant 8 : i32
        %mul3A_149 = arith.muli %and3A_147, %mul3A_148 : i32
        %broadcast_in_dim3A_150 = vector.broadcast %mul3A_145 : i32 to vector<16xi32>
        %broadcast_in_dim3A_151 = vector.broadcast %mul3A_149 : i32 to vector<16xi32>
        %select_n3A_152 = arith.select %lt3A_2, %broadcast_in_dim3A_150, %broadcast_in_dim3A_151 : vector<16xi1>, vector<16xi32>
        %add3A_153 = arith.addi %select_n3A_152, %and3A_4 : vector<16xi32>
        %gather3A = tpu.vector_load_idx %arg6[%select_n3A, %add3A_153] : memref<640x128xf32, #tpu.memory_space<vmem>>[vector<16xi32>, vector<16xi32>], vector<16xf32>,
        %mul3A_154 = arith.constant 16 : i32
        %mul3A_155 = arith.muli %scan3A_131, %mul3A_154 : i32
        %get3A_156 = arith.index_cast %mul3A_155 : i32 to index
        %get3A_157 = tpu.vector_load %arg11[%get3A_156] {strides = array<i32>} : memref<1600xf32, #tpu.memory_space<vmem>>, vector<16xf32>,
        %mul3A_158 = arith.mulf %get3A_157, %gather3A : vector<16xf32>
        %swap3A = arith.index_cast %mul3A_155 : i32 to index
        %swap3A_159 = tpu.vector_load %arg13[%swap3A] {strides = array<i32>} : memref<1600xf32, #tpu.memory_space<vmem>>, vector<16xf32>,
        tpu.vector_store %arg13[%swap3A], %mul3A_158 {strides = array<i32>} : memref<1600xf32, #tpu.memory_space<vmem>>, vector<16xf32>,
        %scan3A_160 = arith.constant 0 : i32
        scf.yield %scan3A_160 : i32
      }
      %scan3A_78 = arith.constant 100 : i32
      %mul3A_79 = arith.constant 200 : i32
      %mul3A_80 = arith.muli %add3A_50, %mul3A_79 : i32
      %add3A_81 = arith.addi %mul3A_19, %mul3A_80 : i32
      %multiple_of3A_82 = tpu.assume_multiple %add3A_81, 8 : i32
      %mul3A_83 = arith.constant 8 : i32
      %mul3A_84 = arith.muli %multiple_of3A_82, %mul3A_83 : i32
      %dma_start3A_85 = tpu.memref_slice %arg5[%mul3A_84] : memref<2560000xf32, #tpu.memory_space<hbm>> -> memref<1600xf32, #tpu.memory_space<hbm>>
      %dma_start3A_86 = tpu.memref_slice %arg5[%mul3A_84] : memref<2560000xf32, #tpu.memory_space<hbm>> -> memref<1600xf32, #tpu.memory_space<hbm>>
      tpu.enqueue_dma source(%arg13 : memref<1600xf32, #tpu.memory_space<vmem>>) target(%dma_start3A_86 : memref<1600xf32, #tpu.memory_space<hbm>>) target_semaphore(%arg18 : memref<!tpu.dma_semaphore, #tpu.memory_space<semaphore_mem>>)
      %mul3A_87 = arith.constant 2 : i32
      %mul3A_88 = arith.muli %mul3A_87, %scan3A_45 : i32
      %add3A_89 = arith.constant 1 : i32
      %add3A_90 = arith.addi %mul3A_88, %add3A_89 : i32
      %add3A_91 = arith.constant 1 : i32
      %add3A_92 = arith.addi %add3A_90, %add3A_91 : i32
      %lt3A_93 = arith.constant 50 : i32
      %lt3A_94 = arith.cmpi slt, %add3A_92, %lt3A_93 : i32
      %convert_element_type3A_95 = arith.extui %lt3A_94 : i1 to i32
      %cond3A_96 = arith.constant 0 : i32
      %cond3A_97 = arith.cmpi ne, %convert_element_type3A_95, %cond3A_96 : i32
      scf.if %cond3A_97 {
        %add3A_131 = arith.constant 1 : i32
        %add3A_132 = arith.addi %add3A_90, %add3A_131 : i32
        %mul3A_133 = arith.constant 200 : i32
        %mul3A_134 = arith.muli %add3A_132, %mul3A_133 : i32
        %add3A_135 = arith.addi %mul3A_19, %mul3A_134 : i32
        %multiple_of3A_136 = tpu.assume_multiple %add3A_135, 8 : i32
        %dma_start3A_137 = arith.constant 0 : i32
        %dma_start3A_138 = tpu.memref_slice %arg9[%dma_start3A_137] : memref<216xi32, #tpu.memory_space<vmem>> -> memref<200xi32, #tpu.memory_space<vmem>>
        %dma_start3A_139 = tpu.memref_slice %arg3[%multiple_of3A_136] : memref<320000xi32, #tpu.memory_space<hbm>> -> memref<200xi32, #tpu.memory_space<hbm>>
        %dma_start3A_140 = arith.constant 0 : i32
        %dma_start3A_141 = tpu.memref_slice %arg9[%dma_start3A_140] : memref<216xi32, #tpu.memory_space<vmem>> -> memref<200xi32, #tpu.memory_space<vmem>>
        %dma_start3A_142 = tpu.memref_slice %arg3[%multiple_of3A_136] : memref<320000xi32, #tpu.memory_space<hbm>> -> memref<200xi32, #tpu.memory_space<hbm>>
        tpu.enqueue_dma source(%dma_start3A_142 : memref<200xi32, #tpu.memory_space<hbm>>) target(%dma_start3A_141 : memref<200xi32, #tpu.memory_space<vmem>>) target_semaphore(%arg16 : memref<!tpu.dma_semaphore, #tpu.memory_space<semaphore_mem>>)
        %mul3A_143 = arith.constant 8 : i32
        %mul3A_144 = arith.muli %multiple_of3A_136, %mul3A_143 : i32
        %dma_start3A_145 = tpu.memref_slice %arg2[%mul3A_144] : memref<2560000xf32, #tpu.memory_space<hbm>> -> memref<1600xf32, #tpu.memory_space<hbm>>
        %dma_start3A_146 = tpu.memref_slice %arg2[%mul3A_144] : memref<2560000xf32, #tpu.memory_space<hbm>> -> memref<1600xf32, #tpu.memory_space<hbm>>
        tpu.enqueue_dma source(%dma_start3A_146 : memref<1600xf32, #tpu.memory_space<hbm>>) target(%arg11 : memref<1600xf32, #tpu.memory_space<vmem>>) target_semaphore(%arg16 : memref<!tpu.dma_semaphore, #tpu.memory_space<semaphore_mem>>)
      } else {
      }
      %dma_wait3A_98 = arith.constant 0 : i32
      %dma_wait3A_99 = tpu.memref_slice %arg10[%dma_wait3A_98] : memref<216xi32, #tpu.memory_space<vmem>> -> memref<200xi32, #tpu.memory_space<vmem>>
      %dma_wait3A_100 = arith.constant 0 : i32
      %dma_wait3A_101 = tpu.memref_slice %arg3[%dma_wait3A_100] : memref<320000xi32, #tpu.memory_space<hbm>> -> memref<200xi32, #tpu.memory_space<hbm>>
      %dma_wait3A_102 = arith.constant 0 : i32
      %dma_wait3A_103 = tpu.memref_slice %arg10[%dma_wait3A_102] : memref<216xi32, #tpu.memory_space<vmem>> -> memref<200xi32, #tpu.memory_space<vmem>>
      %dma_wait3A_104 = arith.constant 0 : i32
      %dma_wait3A_105 = tpu.memref_slice %arg3[%dma_wait3A_104] : memref<320000xi32, #tpu.memory_space<hbm>> -> memref<200xi32, #tpu.memory_space<hbm>>
      tpu.wait_dma2 semaphore(%arg17 : memref<!tpu.dma_semaphore, #tpu.memory_space<semaphore_mem>>) src(%dma_wait3A_105 : memref<200xi32, #tpu.memory_space<hbm>>) dst(%dma_wait3A_103 : memref<200xi32, #tpu.memory_space<vmem>>)
      %dma_wait3A_106 = arith.constant 0 : i32
      %dma_wait3A_107 = tpu.memref_slice %arg2[%dma_wait3A_106] : memref<2560000xf32, #tpu.memory_space<hbm>> -> memref<1600xf32, #tpu.memory_space<hbm>>
      %dma_wait3A_108 = arith.constant 0 : i32
      %dma_wait3A_109 = tpu.memref_slice %arg2[%dma_wait3A_108] : memref<2560000xf32, #tpu.memory_space<hbm>> -> memref<1600xf32, #tpu.memory_space<hbm>>
      tpu.wait_dma2 semaphore(%arg17 : memref<!tpu.dma_semaphore, #tpu.memory_space<semaphore_mem>>) src(%dma_wait3A_109 : memref<1600xf32, #tpu.memory_space<hbm>>) dst(%arg12 : memref<1600xf32, #tpu.memory_space<vmem>>)
      %ge3A_110 = arith.constant 2 : i32
      %ge3A_111 = arith.cmpi sge, %add3A_90, %ge3A_110 : i32
      %convert_element_type3A_112 = arith.extui %ge3A_111 : i1 to i32
      %cond3A_113 = arith.constant 0 : i32
      %cond3A_114 = arith.cmpi ne, %convert_element_type3A_112, %cond3A_113 : i32
      scf.if %cond3A_114 {
        %dma_wait3A_131 = arith.constant 0 : i32
        %dma_wait3A_132 = tpu.memref_slice %arg5[%dma_wait3A_131] : memref<2560000xf32, #tpu.memory_space<hbm>> -> memref<1600xf32, #tpu.memory_space<hbm>>
        %dma_wait3A_133 = arith.constant 0 : i32
        %dma_wait3A_134 = tpu.memref_slice %arg5[%dma_wait3A_133] : memref<2560000xf32, #tpu.memory_space<hbm>> -> memref<1600xf32, #tpu.memory_space<hbm>>
        tpu.wait_dma2 semaphore(%arg19 : memref<!tpu.dma_semaphore, #tpu.memory_space<semaphore_mem>>) src(%arg14 : memref<1600xf32, #tpu.memory_space<vmem>>) dst(%dma_wait3A_134 : memref<1600xf32, #tpu.memory_space<hbm>>)
      } else {
      }
      %scan3A_115 = arith.constant 0 : i32
      %scan3A_116 = arith.constant 0 : i32
      %scan3A_117 = arith.constant 100 : i32
      %scan3A_118 = arith.addi %scan3A_116, %scan3A_117 : i32
      %scan3A_119 = arith.constant 1 : i32
      %scan3A_120 = scf.for %scan3A_131 = %scan3A_116 to %scan3A_118 step %scan3A_119 iter_args(%scan3A_132 = %scan3A_115) -> (i32)  : i32 {
        %mul3A_133 = arith.constant 2 : i32
        %mul3A_134 = arith.muli %mul3A_133, %scan3A_131 : i32
        %get3A = arith.index_cast %mul3A_134 : i32 to index
        %get3A_135 = tpu.vector_load %arg10[%get3A] {strides = array<i32>} : memref<216xi32, #tpu.memory_space<vmem>>, vector<16xi32>,
        %slice3A = vector.extract_strided_slice %get3A_135 {offsets = [0], sizes = [1], strides = [1]} : vector<16xi32> to vector<1xi32>
        %squeeze3A = vector.extract %slice3A[0] : i32 from vector<1xi32>
        %slice3A_136 = vector.extract_strided_slice %get3A_135 {offsets = [1], sizes = [1], strides = [1]} : vector<16xi32> to vector<1xi32>
        %squeeze3A_137 = vector.extract %slice3A_136[0] : i32 from vector<1xi32>
        %shift_right_arithmetic3A = arith.constant 4 : i32
        %shift_right_arithmetic3A_138 = arith.shrsi %squeeze3A, %shift_right_arithmetic3A : i32
        %shift_right_arithmetic3A_139 = arith.constant 4 : i32
        %shift_right_arithmetic3A_140 = arith.shrsi %squeeze3A_137, %shift_right_arithmetic3A_139 : i32
        %broadcast_in_dim3A = vector.broadcast %shift_right_arithmetic3A_138 : i32 to vector<16xi32>
        %broadcast_in_dim3A_141 = vector.broadcast %shift_right_arithmetic3A_140 : i32 to vector<16xi32>
        %select_n3A = arith.select %lt3A_2, %broadcast_in_dim3A, %broadcast_in_dim3A_141 : vector<16xi1>, vector<16xi32>
        %and3A_142 = arith.constant 15 : i32
        %and3A_143 = arith.andi %squeeze3A, %and3A_142 : i32
        %mul3A_144 = arith.constant 8 : i32
        %mul3A_145 = arith.muli %and3A_143, %mul3A_144 : i32
        %and3A_146 = arith.constant 15 : i32
        %and3A_147 = arith.andi %squeeze3A_137, %and3A_146 : i32
        %mul3A_148 = arith.constant 8 : i32
        %mul3A_149 = arith.muli %and3A_147, %mul3A_148 : i32
        %broadcast_in_dim3A_150 = vector.broadcast %mul3A_145 : i32 to vector<16xi32>
        %broadcast_in_dim3A_151 = vector.broadcast %mul3A_149 : i32 to vector<16xi32>
        %select_n3A_152 = arith.select %lt3A_2, %broadcast_in_dim3A_150, %broadcast_in_dim3A_151 : vector<16xi1>, vector<16xi32>
        %add3A_153 = arith.addi %select_n3A_152, %and3A_4 : vector<16xi32>
        %gather3A = tpu.vector_load_idx %arg6[%select_n3A, %add3A_153] : memref<640x128xf32, #tpu.memory_space<vmem>>[vector<16xi32>, vector<16xi32>], vector<16xf32>,
        %mul3A_154 = arith.constant 16 : i32
        %mul3A_155 = arith.muli %scan3A_131, %mul3A_154 : i32
        %get3A_156 = arith.index_cast %mul3A_155 : i32 to index
        %get3A_157 = tpu.vector_load %arg12[%get3A_156] {strides = array<i32>} : memref<1600xf32, #tpu.memory_space<vmem>>, vector<16xf32>,
        %mul3A_158 = arith.mulf %get3A_157, %gather3A : vector<16xf32>
        %swap3A = arith.index_cast %mul3A_155 : i32 to index
        %swap3A_159 = tpu.vector_load %arg14[%swap3A] {strides = array<i32>} : memref<1600xf32, #tpu.memory_space<vmem>>, vector<16xf32>,
        tpu.vector_store %arg14[%swap3A], %mul3A_158 {strides = array<i32>} : memref<1600xf32, #tpu.memory_space<vmem>>, vector<16xf32>,
        %scan3A_160 = arith.constant 0 : i32
        scf.yield %scan3A_160 : i32
      }
      %scan3A_121 = arith.constant 100 : i32
      %mul3A_122 = arith.constant 200 : i32
      %mul3A_123 = arith.muli %add3A_90, %mul3A_122 : i32
      %add3A_124 = arith.addi %mul3A_19, %mul3A_123 : i32
      %multiple_of3A_125 = tpu.assume_multiple %add3A_124, 8 : i32
      %mul3A_126 = arith.constant 8 : i32
      %mul3A_127 = arith.muli %multiple_of3A_125, %mul3A_126 : i32
      %dma_start3A_128 = tpu.memref_slice %arg5[%mul3A_127] : memref<2560000xf32, #tpu.memory_space<hbm>> -> memref<1600xf32, #tpu.memory_space<hbm>>
      %dma_start3A_129 = tpu.memref_slice %arg5[%mul3A_127] : memref<2560000xf32, #tpu.memory_space<hbm>> -> memref<1600xf32, #tpu.memory_space<hbm>>
      tpu.enqueue_dma source(%arg14 : memref<1600xf32, #tpu.memory_space<vmem>>) target(%dma_start3A_129 : memref<1600xf32, #tpu.memory_space<hbm>>) target_semaphore(%arg19 : memref<!tpu.dma_semaphore, #tpu.memory_space<semaphore_mem>>)
      %scan3A_130 = arith.constant 0 : i32
      scf.yield %scan3A_130 : i32
    }
    %scan3A_37 = arith.constant 25 : i32
    %dma_wait3A = arith.constant 0 : i32
    %dma_wait3A_38 = tpu.memref_slice %arg5[%dma_wait3A] : memref<2560000xf32, #tpu.memory_space<hbm>> -> memref<1600xf32, #tpu.memory_space<hbm>>
    %dma_wait3A_39 = arith.constant 0 : i32
    %dma_wait3A_40 = tpu.memref_slice %arg5[%dma_wait3A_39] : memref<2560000xf32, #tpu.memory_space<hbm>> -> memref<1600xf32, #tpu.memory_space<hbm>>
    tpu.wait_dma2 semaphore(%arg18 : memref<!tpu.dma_semaphore, #tpu.memory_space<semaphore_mem>>) src(%arg13 : memref<1600xf32, #tpu.memory_space<vmem>>) dst(%dma_wait3A_40 : memref<1600xf32, #tpu.memory_space<hbm>>)
    %dma_wait3A_41 = arith.constant 0 : i32
    %dma_wait3A_42 = tpu.memref_slice %arg5[%dma_wait3A_41] : memref<2560000xf32, #tpu.memory_space<hbm>> -> memref<1600xf32, #tpu.memory_space<hbm>>
    %dma_wait3A_43 = arith.constant 0 : i32
    %dma_wait3A_44 = tpu.memref_slice %arg5[%dma_wait3A_43] : memref<2560000xf32, #tpu.memory_space<hbm>> -> memref<1600xf32, #tpu.memory_space<hbm>>
    tpu.wait_dma2 semaphore(%arg19 : memref<!tpu.dma_semaphore, #tpu.memory_space<semaphore_mem>>) src(%arg14 : memref<1600xf32, #tpu.memory_space<vmem>>) dst(%dma_wait3A_44 : memref<1600xf32, #tpu.memory_space<hbm>>)
    return
  }
}

#map = affine_map<(d0, d1) -> (0, 0)>
#map1 = affine_map<(d0, d1) -> (0)>
#map2 = affine_map<(d0, d1) -> (0, 0, 0)>
module attributes {stable_mosaic.version = 14 : i64} {
  func.func @_edge_body(%arg0: i32, %arg1: i32, %arg2: memref<10000x128xi32, #tpu.memory_space<hbm>>, %arg3: memref<10000x128xi32, #tpu.memory_space<hbm>>, %arg4: memref<320000x64xi32, #tpu.memory_space<hbm>>, %arg5: memref<320000xi32, #tpu.memory_space<hbm>>, %arg6: memref<320000xi32, #tpu.memory_space<hbm>>, %arg7: memref<640x128xf32, #tpu.memory_space<hbm>>, %arg8: memref<2560000xf32, #tpu.memory_space<hbm>>, %arg9: memref<2x10240x128xf32, #tpu.memory_space<hbm>>, %arg10: memref<2x640x128xf32, #tpu.memory_space<hbm>>, %arg11: memref<40xi32, #tpu.memory_space<vmem>>, %arg12: memref<40xi32, #tpu.memory_space<vmem>>, %arg13: memref<56xi32, #tpu.memory_space<vmem>>, %arg14: memref<40xi32, #tpu.memory_space<vmem>>, %arg15: memref<40xi32, #tpu.memory_space<vmem>>, %arg16: memref<56xi32, #tpu.memory_space<vmem>>, %arg17: memref<40x128xi32, #tpu.memory_space<vmem>>, %arg18: memref<40x128xi32, #tpu.memory_space<vmem>>, %arg19: memref<40x64xi32, #tpu.memory_space<vmem>>, %arg20: memref<40x128xi32, #tpu.memory_space<vmem>>, %arg21: memref<40x128xi32, #tpu.memory_space<vmem>>, %arg22: memref<40x64xi32, #tpu.memory_space<vmem>>, %arg23: memref<344xf32, #tpu.memory_space<vmem>>, %arg24: memref<344xf32, #tpu.memory_space<vmem>>, %arg25: memref<40x128xf32, #tpu.memory_space<vmem>>, %arg26: memref<40xi32, #tpu.memory_space<vmem>>, %arg27: memref<40x128xf32, #tpu.memory_space<vmem>>, %arg28: memref<40xi32, #tpu.memory_space<vmem>>, %arg29: memref<10240x128xf32, #tpu.memory_space<vmem_shared>>, %arg30: memref<640x128xf32, #tpu.memory_space<vmem_shared>>, %arg31: memref<!tpu.dma_semaphore, #tpu.memory_space<semaphore_mem>>, %arg32: memref<!tpu.dma_semaphore, #tpu.memory_space<semaphore_mem>>, %arg33: memref<!tpu.dma_semaphore, #tpu.memory_space<semaphore_mem>>, %arg34: memref<!tpu.dma_semaphore, #tpu.memory_space<semaphore_mem>>, %arg35: memref<!tpu.dma_semaphore, #tpu.memory_space<semaphore_mem>>) attributes {dimension_semantics = [#tpu.dimension_semantics<core_parallel>, #tpu.dimension_semantics<subcore_parallel>], iteration_bounds = array<i64: 2, 16>, scalar_prefetch = 0 : i64, scratch_operands = 25 : i64, tpu.core_type = #tpu.core_type<sc_vector_subcore>, window_params = [{transform_indices = #map}, {transform_indices = #map}, {transform_indices = #map}, {transform_indices = #map1}, {transform_indices = #map1}, {transform_indices = #map}, {transform_indices = #map1}, {transform_indices = #map2}, {transform_indices = #map2}]} {
    %mul3A = arith.constant 16 : i32
    %mul3A_0 = arith.muli %arg0, %mul3A : i32
    %add3A = arith.addi %mul3A_0, %arg1 : i32
    %iota3A = tpu.iota {dimensions = array<i32: 0>} : vector<16xi32>
    %lt3A = arith.constant 8 : i32
    %lt3A_1 = vector.broadcast %lt3A : i32 to vector<16xi32>
    %lt3A_2 = arith.cmpi slt, %iota3A, %lt3A_1 : vector<16xi32>
    %not3A = arith.constant dense<true> : vector<16xi1>
    %not3A_3 = arith.xori %lt3A_2, %not3A : vector<16xi1>
    %broadcast_in_dim3A = arith.constant 0.000000e+00 : f32
    %broadcast_in_dim3A_4 = vector.broadcast %broadcast_in_dim3A : f32 to vector<16xf32>
    %broadcast_in_dim3A_5 = arith.constant -65536 : i32
    %broadcast_in_dim3A_6 = vector.broadcast %broadcast_in_dim3A_5 : i32 to vector<16xi32>
    %mul3A_7 = arith.constant 640 : i32
    %mul3A_8 = arith.muli %arg1, %mul3A_7 : i32
    %mul3A_9 = arith.constant 40 : i32
    %mul3A_10 = arith.muli %arg1, %mul3A_9 : i32
    "tpu.region"() ({
      %run_scoped3A = tpu.sem_alloc : memref<!tpu.dma_semaphore, #tpu.memory_space<semaphore_mem>>
      %dma_start3A_61 = arith.constant 0 : i32
      %dma_start3A_62 = tpu.memref_slice %arg29[%mul3A_8, %dma_start3A_61] : memref<10240x128xf32, #tpu.memory_space<vmem_shared>> -> memref<640x128xf32, #tpu.memory_space<vmem_shared>>
      tpu.enqueue_dma source(%arg7 : memref<640x128xf32, #tpu.memory_space<hbm>>) target(%dma_start3A_62 : memref<640x128xf32, #tpu.memory_space<vmem_shared>>) target_semaphore(%run_scoped3A : memref<!tpu.dma_semaphore, #tpu.memory_space<semaphore_mem>>)
      %dma_wait3A_63 = arith.constant 0 : i32
      %dma_wait3A_64 = tpu.memref_slice %arg29[%mul3A_8, %dma_wait3A_63] : memref<10240x128xf32, #tpu.memory_space<vmem_shared>> -> memref<640x128xf32, #tpu.memory_space<vmem_shared>>
      tpu.wait_dma2 semaphore(%run_scoped3A : memref<!tpu.dma_semaphore, #tpu.memory_space<semaphore_mem>>) src(%arg7 : memref<640x128xf32, #tpu.memory_space<hbm>>) dst(%dma_wait3A_64 : memref<640x128xf32, #tpu.memory_space<vmem_shared>>)
      tpu.yield
    }) : () -> ()
    "tpu.region"() ({
      %run_scoped3A = tpu.sem_alloc : memref<!tpu.dma_semaphore, #tpu.memory_space<semaphore_mem>>
      %dma_start3A_61 = arith.constant 0 : i32
      %dma_start3A_62 = tpu.memref_slice %arg30[%mul3A_10, %dma_start3A_61] : memref<640x128xf32, #tpu.memory_space<vmem_shared>> -> memref<40x128xf32, #tpu.memory_space<vmem_shared>>
      %dma_start3A_63 = arith.constant 0 : i32
      %dma_start3A_64 = arith.constant 0 : i32
      %dma_start3A_65 = tpu.memref_slice %arg7[%dma_start3A_63, %dma_start3A_64] : memref<640x128xf32, #tpu.memory_space<hbm>> -> memref<40x128xf32, #tpu.memory_space<hbm>>
      tpu.enqueue_dma source(%dma_start3A_65 : memref<40x128xf32, #tpu.memory_space<hbm>>) target(%dma_start3A_62 : memref<40x128xf32, #tpu.memory_space<vmem_shared>>) target_semaphore(%run_scoped3A : memref<!tpu.dma_semaphore, #tpu.memory_space<semaphore_mem>>)
      %dma_wait3A_66 = arith.constant 0 : i32
      %dma_wait3A_67 = tpu.memref_slice %arg30[%mul3A_10, %dma_wait3A_66] : memref<640x128xf32, #tpu.memory_space<vmem_shared>> -> memref<40x128xf32, #tpu.memory_space<vmem_shared>>
      %dma_wait3A_68 = arith.constant 0 : i32
      %dma_wait3A_69 = arith.constant 0 : i32
      %dma_wait3A_70 = tpu.memref_slice %arg7[%dma_wait3A_68, %dma_wait3A_69] : memref<640x128xf32, #tpu.memory_space<hbm>> -> memref<40x128xf32, #tpu.memory_space<hbm>>
      tpu.wait_dma2 semaphore(%run_scoped3A : memref<!tpu.dma_semaphore, #tpu.memory_space<semaphore_mem>>) src(%dma_wait3A_70 : memref<40x128xf32, #tpu.memory_space<hbm>>) dst(%dma_wait3A_67 : memref<40x128xf32, #tpu.memory_space<vmem_shared>>)
      tpu.yield
    }) : () -> ()
    %barrier3A = arith.constant 0 : index
    tpu.barrier barrier_id(%barrier3A)
    %mul3A_11 = arith.constant 10000 : i32
    %mul3A_12 = arith.muli %add3A, %mul3A_11 : i32
    %add3A_13 = arith.constant 0 : i32
    %add3A_14 = arith.addi %mul3A_12, %add3A_13 : i32
    %multiple_of3A = tpu.assume_multiple %add3A_14, 8 : i32
    "tpu.region"() ({
      %run_scoped3A = tpu.sem_alloc : memref<!tpu.dma_semaphore, #tpu.memory_space<semaphore_mem>>
      %dma_start3A_61 = tpu.memref_slice %arg5[%multiple_of3A] : memref<320000xi32, #tpu.memory_space<hbm>> -> memref<40xi32, #tpu.memory_space<hbm>>
      %dma_start3A_62 = tpu.memref_slice %arg5[%multiple_of3A] : memref<320000xi32, #tpu.memory_space<hbm>> -> memref<40xi32, #tpu.memory_space<hbm>>
      tpu.enqueue_dma source(%dma_start3A_62 : memref<40xi32, #tpu.memory_space<hbm>>) target(%arg11 : memref<40xi32, #tpu.memory_space<vmem>>) target_semaphore(%run_scoped3A : memref<!tpu.dma_semaphore, #tpu.memory_space<semaphore_mem>>)
      %dma_wait3A_63 = tpu.memref_slice %arg5[%multiple_of3A] : memref<320000xi32, #tpu.memory_space<hbm>> -> memref<40xi32, #tpu.memory_space<hbm>>
      %dma_wait3A_64 = tpu.memref_slice %arg5[%multiple_of3A] : memref<320000xi32, #tpu.memory_space<hbm>> -> memref<40xi32, #tpu.memory_space<hbm>>
      tpu.wait_dma2 semaphore(%run_scoped3A : memref<!tpu.dma_semaphore, #tpu.memory_space<semaphore_mem>>) src(%dma_wait3A_64 : memref<40xi32, #tpu.memory_space<hbm>>) dst(%arg11 : memref<40xi32, #tpu.memory_space<vmem>>)
      tpu.yield
    }) : () -> ()
    "tpu.region"() ({
      %run_scoped3A = tpu.sem_alloc : memref<!tpu.dma_semaphore, #tpu.memory_space<semaphore_mem>>
      %dma_start3A_61 = tpu.memref_slice %arg6[%multiple_of3A] : memref<320000xi32, #tpu.memory_space<hbm>> -> memref<40xi32, #tpu.memory_space<hbm>>
      %dma_start3A_62 = tpu.memref_slice %arg6[%multiple_of3A] : memref<320000xi32, #tpu.memory_space<hbm>> -> memref<40xi32, #tpu.memory_space<hbm>>
      tpu.enqueue_dma source(%dma_start3A_62 : memref<40xi32, #tpu.memory_space<hbm>>) target(%arg12 : memref<40xi32, #tpu.memory_space<vmem>>) target_semaphore(%run_scoped3A : memref<!tpu.dma_semaphore, #tpu.memory_space<semaphore_mem>>)
      %dma_wait3A_63 = tpu.memref_slice %arg6[%multiple_of3A] : memref<320000xi32, #tpu.memory_space<hbm>> -> memref<40xi32, #tpu.memory_space<hbm>>
      %dma_wait3A_64 = tpu.memref_slice %arg6[%multiple_of3A] : memref<320000xi32, #tpu.memory_space<hbm>> -> memref<40xi32, #tpu.memory_space<hbm>>
      tpu.wait_dma2 semaphore(%run_scoped3A : memref<!tpu.dma_semaphore, #tpu.memory_space<semaphore_mem>>) src(%dma_wait3A_64 : memref<40xi32, #tpu.memory_space<hbm>>) dst(%arg12 : memref<40xi32, #tpu.memory_space<vmem>>)
      tpu.yield
    }) : () -> ()
    "tpu.region"() ({
      %run_scoped3A = tpu.sem_alloc : memref<!tpu.dma_semaphore, #tpu.memory_space<semaphore_mem>>
      %dma_start3A_61 = arith.constant 0 : i32
      %dma_start3A_62 = tpu.memref_slice %arg13[%dma_start3A_61] : memref<56xi32, #tpu.memory_space<vmem>> -> memref<40xi32, #tpu.memory_space<vmem>>
      %dma_start3A_63 = tpu.memref_slice %arg6[%multiple_of3A] : memref<320000xi32, #tpu.memory_space<hbm>> -> memref<40xi32, #tpu.memory_space<hbm>>
      %dma_start3A_64 = arith.constant 0 : i32
      %dma_start3A_65 = tpu.memref_slice %arg13[%dma_start3A_64] : memref<56xi32, #tpu.memory_space<vmem>> -> memref<40xi32, #tpu.memory_space<vmem>>
      %dma_start3A_66 = tpu.memref_slice %arg6[%multiple_of3A] : memref<320000xi32, #tpu.memory_space<hbm>> -> memref<40xi32, #tpu.memory_space<hbm>>
      tpu.enqueue_dma source(%dma_start3A_66 : memref<40xi32, #tpu.memory_space<hbm>>) target(%dma_start3A_65 : memref<40xi32, #tpu.memory_space<vmem>>) target_semaphore(%run_scoped3A : memref<!tpu.dma_semaphore, #tpu.memory_space<semaphore_mem>>)
      %dma_wait3A_67 = arith.constant 0 : i32
      %dma_wait3A_68 = tpu.memref_slice %arg13[%dma_wait3A_67] : memref<56xi32, #tpu.memory_space<vmem>> -> memref<40xi32, #tpu.memory_space<vmem>>
      %dma_wait3A_69 = tpu.memref_slice %arg6[%multiple_of3A] : memref<320000xi32, #tpu.memory_space<hbm>> -> memref<40xi32, #tpu.memory_space<hbm>>
      %dma_wait3A_70 = arith.constant 0 : i32
      %dma_wait3A_71 = tpu.memref_slice %arg13[%dma_wait3A_70] : memref<56xi32, #tpu.memory_space<vmem>> -> memref<40xi32, #tpu.memory_space<vmem>>
      %dma_wait3A_72 = tpu.memref_slice %arg6[%multiple_of3A] : memref<320000xi32, #tpu.memory_space<hbm>> -> memref<40xi32, #tpu.memory_space<hbm>>
      tpu.wait_dma2 semaphore(%run_scoped3A : memref<!tpu.dma_semaphore, #tpu.memory_space<semaphore_mem>>) src(%dma_wait3A_72 : memref<40xi32, #tpu.memory_space<hbm>>) dst(%dma_wait3A_71 : memref<40xi32, #tpu.memory_space<vmem>>)
      tpu.yield
    }) : () -> ()
    %add3A_15 = arith.constant 0 : i32
    %add3A_16 = arith.addi %mul3A_12, %add3A_15 : i32
    %multiple_of3A_17 = tpu.assume_multiple %add3A_16, 8 : i32
    %dma_start3A = arith.constant 0 : i32
    %dma_start3A_18 = tpu.memref_slice %arg4[%multiple_of3A_17, %dma_start3A] : memref<320000x64xi32, #tpu.memory_space<hbm>> -> memref<40x64xi32, #tpu.memory_space<hbm>>
    %dma_start3A_19 = arith.constant 0 : i32
    %dma_start3A_20 = tpu.memref_slice %arg4[%multiple_of3A_17, %dma_start3A_19] : memref<320000x64xi32, #tpu.memory_space<hbm>> -> memref<40x64xi32, #tpu.memory_space<hbm>>
    tpu.enqueue_dma source(%dma_start3A_20 : memref<40x64xi32, #tpu.memory_space<hbm>>) target(%arg19 : memref<40x64xi32, #tpu.memory_space<vmem>>) target_semaphore(%arg31 : memref<!tpu.dma_semaphore, #tpu.memory_space<semaphore_mem>>)
    %dma_start3A_21 = arith.constant 0 : i32
    %dma_start3A_22 = arith.constant 0 : i32
    %dma_start3A_23 = tpu.memref_slice %arg2[%dma_start3A_21, %dma_start3A_22] : memref<10000x128xi32, #tpu.memory_space<hbm>> -> memref<10000x128xi32, #tpu.memory_space<hbm>>
    tpu.enqueue_indirect_dma source(%dma_start3A_23 : memref<10000x128xi32, #tpu.memory_space<hbm>>) target(%arg17 : memref<40x128xi32, #tpu.memory_space<vmem>>) offsets(%arg12 : memref<40xi32, #tpu.memory_space<vmem>>) semaphore(%arg31 : memref<!tpu.dma_semaphore, #tpu.memory_space<semaphore_mem>>)
    %dma_start3A_24 = arith.constant 0 : i32
    %dma_start3A_25 = arith.constant 0 : i32
    %dma_start3A_26 = tpu.memref_slice %arg3[%dma_start3A_24, %dma_start3A_25] : memref<10000x128xi32, #tpu.memory_space<hbm>> -> memref<10000x128xi32, #tpu.memory_space<hbm>>
    tpu.enqueue_indirect_dma source(%dma_start3A_26 : memref<10000x128xi32, #tpu.memory_space<hbm>>) target(%arg18 : memref<40x128xi32, #tpu.memory_space<vmem>>) offsets(%arg11 : memref<40xi32, #tpu.memory_space<vmem>>) semaphore(%arg31 : memref<!tpu.dma_semaphore, #tpu.memory_space<semaphore_mem>>)
    %scan3A = arith.constant 0 : i32
    %scan3A_27 = arith.constant 0 : i32
    %scan3A_28 = arith.constant 125 : i32
    %scan3A_29 = arith.addi %scan3A_27, %scan3A_28 : i32
    %scan3A_30 = arith.constant 1 : i32
    %scan3A_31 = scf.for %scan3A_61 = %scan3A_27 to %scan3A_29 step %scan3A_30 iter_args(%scan3A_62 = %scan3A) -> (i32)  : i32 {
      %mul3A_63 = arith.constant 2 : i32
      %mul3A_64 = arith.muli %mul3A_63, %scan3A_61 : i32
      %add3A_65 = arith.constant 0 : i32
      %add3A_66 = arith.addi %mul3A_64, %add3A_65 : i32
      %add3A_67 = arith.constant 1 : i32
      %add3A_68 = arith.addi %add3A_66, %add3A_67 : i32
      %lt3A_69 = arith.constant 250 : i32
      %lt3A_70 = arith.cmpi slt, %add3A_68, %lt3A_69 : i32
      %convert_element_type3A = arith.extui %lt3A_70 : i1 to i32
      %cond3A = arith.constant 0 : i32
      %cond3A_71 = arith.cmpi ne, %convert_element_type3A, %cond3A : i32
      scf.if %cond3A_71 {
        %add3A_259 = arith.constant 1 : i32
        %add3A_260 = arith.addi %add3A_66, %add3A_259 : i32
        %mul3A_261 = arith.constant 40 : i32
        %mul3A_262 = arith.muli %add3A_260, %mul3A_261 : i32
        %add3A_263 = arith.addi %mul3A_12, %mul3A_262 : i32
        %multiple_of3A_264 = tpu.assume_multiple %add3A_263, 8 : i32
        "tpu.region"() ({
          %run_scoped3A = tpu.sem_alloc : memref<!tpu.dma_semaphore, #tpu.memory_space<semaphore_mem>>
          %dma_start3A_281 = tpu.memref_slice %arg5[%multiple_of3A_264] : memref<320000xi32, #tpu.memory_space<hbm>> -> memref<40xi32, #tpu.memory_space<hbm>>
          %dma_start3A_282 = tpu.memref_slice %arg5[%multiple_of3A_264] : memref<320000xi32, #tpu.memory_space<hbm>> -> memref<40xi32, #tpu.memory_space<hbm>>
          tpu.enqueue_dma source(%dma_start3A_282 : memref<40xi32, #tpu.memory_space<hbm>>) target(%arg14 : memref<40xi32, #tpu.memory_space<vmem>>) target_semaphore(%run_scoped3A : memref<!tpu.dma_semaphore, #tpu.memory_space<semaphore_mem>>)
          %dma_wait3A_283 = tpu.memref_slice %arg5[%multiple_of3A_264] : memref<320000xi32, #tpu.memory_space<hbm>> -> memref<40xi32, #tpu.memory_space<hbm>>
          %dma_wait3A_284 = tpu.memref_slice %arg5[%multiple_of3A_264] : memref<320000xi32, #tpu.memory_space<hbm>> -> memref<40xi32, #tpu.memory_space<hbm>>
          tpu.wait_dma2 semaphore(%run_scoped3A : memref<!tpu.dma_semaphore, #tpu.memory_space<semaphore_mem>>) src(%dma_wait3A_284 : memref<40xi32, #tpu.memory_space<hbm>>) dst(%arg14 : memref<40xi32, #tpu.memory_space<vmem>>)
          tpu.yield
        }) : () -> ()
        "tpu.region"() ({
          %run_scoped3A = tpu.sem_alloc : memref<!tpu.dma_semaphore, #tpu.memory_space<semaphore_mem>>
          %dma_start3A_281 = tpu.memref_slice %arg6[%multiple_of3A_264] : memref<320000xi32, #tpu.memory_space<hbm>> -> memref<40xi32, #tpu.memory_space<hbm>>
          %dma_start3A_282 = tpu.memref_slice %arg6[%multiple_of3A_264] : memref<320000xi32, #tpu.memory_space<hbm>> -> memref<40xi32, #tpu.memory_space<hbm>>
          tpu.enqueue_dma source(%dma_start3A_282 : memref<40xi32, #tpu.memory_space<hbm>>) target(%arg15 : memref<40xi32, #tpu.memory_space<vmem>>) target_semaphore(%run_scoped3A : memref<!tpu.dma_semaphore, #tpu.memory_space<semaphore_mem>>)
          %dma_wait3A_283 = tpu.memref_slice %arg6[%multiple_of3A_264] : memref<320000xi32, #tpu.memory_space<hbm>> -> memref<40xi32, #tpu.memory_space<hbm>>
          %dma_wait3A_284 = tpu.memref_slice %arg6[%multiple_of3A_264] : memref<320000xi32, #tpu.memory_space<hbm>> -> memref<40xi32, #tpu.memory_space<hbm>>
          tpu.wait_dma2 semaphore(%run_scoped3A : memref<!tpu.dma_semaphore, #tpu.memory_space<semaphore_mem>>) src(%dma_wait3A_284 : memref<40xi32, #tpu.memory_space<hbm>>) dst(%arg15 : memref<40xi32, #tpu.memory_space<vmem>>)
          tpu.yield
        }) : () -> ()
        "tpu.region"() ({
          %run_scoped3A = tpu.sem_alloc : memref<!tpu.dma_semaphore, #tpu.memory_space<semaphore_mem>>
          %dma_start3A_281 = arith.constant 0 : i32
          %dma_start3A_282 = tpu.memref_slice %arg16[%dma_start3A_281] : memref<56xi32, #tpu.memory_space<vmem>> -> memref<40xi32, #tpu.memory_space<vmem>>
          %dma_start3A_283 = tpu.memref_slice %arg6[%multiple_of3A_264] : memref<320000xi32, #tpu.memory_space<hbm>> -> memref<40xi32, #tpu.memory_space<hbm>>
          %dma_start3A_284 = arith.constant 0 : i32
          %dma_start3A_285 = tpu.memref_slice %arg16[%dma_start3A_284] : memref<56xi32, #tpu.memory_space<vmem>> -> memref<40xi32, #tpu.memory_space<vmem>>
          %dma_start3A_286 = tpu.memref_slice %arg6[%multiple_of3A_264] : memref<320000xi32, #tpu.memory_space<hbm>> -> memref<40xi32, #tpu.memory_space<hbm>>
          tpu.enqueue_dma source(%dma_start3A_286 : memref<40xi32, #tpu.memory_space<hbm>>) target(%dma_start3A_285 : memref<40xi32, #tpu.memory_space<vmem>>) target_semaphore(%run_scoped3A : memref<!tpu.dma_semaphore, #tpu.memory_space<semaphore_mem>>)
          %dma_wait3A_287 = arith.constant 0 : i32
          %dma_wait3A_288 = tpu.memref_slice %arg16[%dma_wait3A_287] : memref<56xi32, #tpu.memory_space<vmem>> -> memref<40xi32, #tpu.memory_space<vmem>>
          %dma_wait3A_289 = tpu.memref_slice %arg6[%multiple_of3A_264] : memref<320000xi32, #tpu.memory_space<hbm>> -> memref<40xi32, #tpu.memory_space<hbm>>
          %dma_wait3A_290 = arith.constant 0 : i32
          %dma_wait3A_291 = tpu.memref_slice %arg16[%dma_wait3A_290] : memref<56xi32, #tpu.memory_space<vmem>> -> memref<40xi32, #tpu.memory_space<vmem>>
          %dma_wait3A_292 = tpu.memref_slice %arg6[%multiple_of3A_264] : memref<320000xi32, #tpu.memory_space<hbm>> -> memref<40xi32, #tpu.memory_space<hbm>>
          tpu.wait_dma2 semaphore(%run_scoped3A : memref<!tpu.dma_semaphore, #tpu.memory_space<semaphore_mem>>) src(%dma_wait3A_292 : memref<40xi32, #tpu.memory_space<hbm>>) dst(%dma_wait3A_291 : memref<40xi32, #tpu.memory_space<vmem>>)
          tpu.yield
        }) : () -> ()
        %add3A_265 = arith.constant 1 : i32
        %add3A_266 = arith.addi %add3A_66, %add3A_265 : i32
        %mul3A_267 = arith.constant 40 : i32
        %mul3A_268 = arith.muli %add3A_266, %mul3A_267 : i32
        %add3A_269 = arith.addi %mul3A_12, %mul3A_268 : i32
        %multiple_of3A_270 = tpu.assume_multiple %add3A_269, 8 : i32
        %dma_start3A_271 = arith.constant 0 : i32
        %dma_start3A_272 = tpu.memref_slice %arg4[%multiple_of3A_270, %dma_start3A_271] : memref<320000x64xi32, #tpu.memory_space<hbm>> -> memref<40x64xi32, #tpu.memory_space<hbm>>
        %dma_start3A_273 = arith.constant 0 : i32
        %dma_start3A_274 = tpu.memref_slice %arg4[%multiple_of3A_270, %dma_start3A_273] : memref<320000x64xi32, #tpu.memory_space<hbm>> -> memref<40x64xi32, #tpu.memory_space<hbm>>
        tpu.enqueue_dma source(%dma_start3A_274 : memref<40x64xi32, #tpu.memory_space<hbm>>) target(%arg22 : memref<40x64xi32, #tpu.memory_space<vmem>>) target_semaphore(%arg32 : memref<!tpu.dma_semaphore, #tpu.memory_space<semaphore_mem>>)
        %dma_start3A_275 = arith.constant 0 : i32
        %dma_start3A_276 = arith.constant 0 : i32
        %dma_start3A_277 = tpu.memref_slice %arg2[%dma_start3A_275, %dma_start3A_276] : memref<10000x128xi32, #tpu.memory_space<hbm>> -> memref<10000x128xi32, #tpu.memory_space<hbm>>
        tpu.enqueue_indirect_dma source(%dma_start3A_277 : memref<10000x128xi32, #tpu.memory_space<hbm>>) target(%arg20 : memref<40x128xi32, #tpu.memory_space<vmem>>) offsets(%arg15 : memref<40xi32, #tpu.memory_space<vmem>>) semaphore(%arg32 : memref<!tpu.dma_semaphore, #tpu.memory_space<semaphore_mem>>)
        %dma_start3A_278 = arith.constant 0 : i32
        %dma_start3A_279 = arith.constant 0 : i32
        %dma_start3A_280 = tpu.memref_slice %arg3[%dma_start3A_278, %dma_start3A_279] : memref<10000x128xi32, #tpu.memory_space<hbm>> -> memref<10000x128xi32, #tpu.memory_space<hbm>>
        tpu.enqueue_indirect_dma source(%dma_start3A_280 : memref<10000x128xi32, #tpu.memory_space<hbm>>) target(%arg21 : memref<40x128xi32, #tpu.memory_space<vmem>>) offsets(%arg14 : memref<40xi32, #tpu.memory_space<vmem>>) semaphore(%arg32 : memref<!tpu.dma_semaphore, #tpu.memory_space<semaphore_mem>>)
      } else {
      }
      %dma_wait3A_72 = arith.constant 0 : i32
      %dma_wait3A_73 = arith.constant 0 : i32
      %dma_wait3A_74 = tpu.memref_slice %arg4[%dma_wait3A_72, %dma_wait3A_73] : memref<320000x64xi32, #tpu.memory_space<hbm>> -> memref<40x64xi32, #tpu.memory_space<hbm>>
      %dma_wait3A_75 = arith.constant 0 : i32
      %dma_wait3A_76 = arith.constant 0 : i32
      %dma_wait3A_77 = tpu.memref_slice %arg4[%dma_wait3A_75, %dma_wait3A_76] : memref<320000x64xi32, #tpu.memory_space<hbm>> -> memref<40x64xi32, #tpu.memory_space<hbm>>
      tpu.wait_dma2 semaphore(%arg31 : memref<!tpu.dma_semaphore, #tpu.memory_space<semaphore_mem>>) src(%dma_wait3A_77 : memref<40x64xi32, #tpu.memory_space<hbm>>) dst(%arg19 : memref<40x64xi32, #tpu.memory_space<vmem>>)
      %dma_wait3A_78 = arith.constant 0 : i32
      %dma_wait3A_79 = arith.constant 0 : i32
      %dma_wait3A_80 = tpu.memref_slice %arg2[%dma_wait3A_78, %dma_wait3A_79] : memref<10000x128xi32, #tpu.memory_space<hbm>> -> memref<40x128xi32, #tpu.memory_space<hbm>>
      %dma_wait3A_81 = arith.constant 0 : i32
      %dma_wait3A_82 = arith.constant 0 : i32
      %dma_wait3A_83 = tpu.memref_slice %arg2[%dma_wait3A_81, %dma_wait3A_82] : memref<10000x128xi32, #tpu.memory_space<hbm>> -> memref<40x128xi32, #tpu.memory_space<hbm>>
      tpu.wait_dma2 semaphore(%arg31 : memref<!tpu.dma_semaphore, #tpu.memory_space<semaphore_mem>>) src(%dma_wait3A_83 : memref<40x128xi32, #tpu.memory_space<hbm>>) dst(%arg17 : memref<40x128xi32, #tpu.memory_space<vmem>>)
      %dma_wait3A_84 = arith.constant 0 : i32
      %dma_wait3A_85 = arith.constant 0 : i32
      %dma_wait3A_86 = tpu.memref_slice %arg3[%dma_wait3A_84, %dma_wait3A_85] : memref<10000x128xi32, #tpu.memory_space<hbm>> -> memref<40x128xi32, #tpu.memory_space<hbm>>
      %dma_wait3A_87 = arith.constant 0 : i32
      %dma_wait3A_88 = arith.constant 0 : i32
      %dma_wait3A_89 = tpu.memref_slice %arg3[%dma_wait3A_87, %dma_wait3A_88] : memref<10000x128xi32, #tpu.memory_space<hbm>> -> memref<40x128xi32, #tpu.memory_space<hbm>>
      tpu.wait_dma2 semaphore(%arg31 : memref<!tpu.dma_semaphore, #tpu.memory_space<semaphore_mem>>) src(%dma_wait3A_89 : memref<40x128xi32, #tpu.memory_space<hbm>>) dst(%arg18 : memref<40x128xi32, #tpu.memory_space<vmem>>)
      %ge3A = arith.constant 2 : i32
      %ge3A_90 = arith.cmpi sge, %add3A_66, %ge3A : i32
      %convert_element_type3A_91 = arith.extui %ge3A_90 : i1 to i32
      %cond3A_92 = arith.constant 0 : i32
      %cond3A_93 = arith.cmpi ne, %convert_element_type3A_91, %cond3A_92 : i32
      scf.if %cond3A_93 {
        %dma_wait3A_259 = arith.constant 8 : i32
        %dma_wait3A_260 = tpu.memref_slice %arg23[%dma_wait3A_259] : memref<344xf32, #tpu.memory_space<vmem>> -> memref<320xf32, #tpu.memory_space<vmem>>
        %dma_wait3A_261 = arith.constant 0 : i32
        %dma_wait3A_262 = tpu.memref_slice %arg8[%dma_wait3A_261] : memref<2560000xf32, #tpu.memory_space<hbm>> -> memref<320xf32, #tpu.memory_space<hbm>>
        %dma_wait3A_263 = arith.constant 0 : i32
        %dma_wait3A_264 = tpu.memref_slice %arg8[%dma_wait3A_263] : memref<2560000xf32, #tpu.memory_space<hbm>> -> memref<320xf32, #tpu.memory_space<hbm>>
        %dma_wait3A_265 = arith.constant 8 : i32
        %dma_wait3A_266 = tpu.memref_slice %arg23[%dma_wait3A_265] : memref<344xf32, #tpu.memory_space<vmem>> -> memref<320xf32, #tpu.memory_space<vmem>>
        tpu.wait_dma2 semaphore(%arg33 : memref<!tpu.dma_semaphore, #tpu.memory_space<semaphore_mem>>) src(%dma_wait3A_266 : memref<320xf32, #tpu.memory_space<vmem>>) dst(%dma_wait3A_264 : memref<320xf32, #tpu.memory_space<hbm>>)
      } else {
      }
      %ge3A_94 = arith.constant 1 : i32
      %ge3A_95 = arith.cmpi sge, %add3A_66, %ge3A_94 : i32
      %convert_element_type3A_96 = arith.extui %ge3A_95 : i1 to i32
      %cond3A_97 = arith.constant 0 : i32
      %cond3A_98 = arith.cmpi ne, %convert_element_type3A_96, %cond3A_97 : i32
      scf.if %cond3A_98 {
        %dma_wait3A_259 = arith.constant 0 : i32
        %dma_wait3A_260 = arith.constant 0 : i32
        %dma_wait3A_261 = tpu.memref_slice %arg29[%dma_wait3A_259, %dma_wait3A_260] : memref<10240x128xf32, #tpu.memory_space<vmem_shared>> -> memref<40x128xf32, #tpu.memory_space<vmem_shared>>
        %dma_wait3A_262 = arith.constant 0 : i32
        %dma_wait3A_263 = arith.constant 0 : i32
        %dma_wait3A_264 = tpu.memref_slice %arg29[%dma_wait3A_262, %dma_wait3A_263] : memref<10240x128xf32, #tpu.memory_space<vmem_shared>> -> memref<40x128xf32, #tpu.memory_space<vmem_shared>>
        tpu.wait_dma2 semaphore(%arg35 : memref<!tpu.dma_semaphore, #tpu.memory_space<semaphore_mem>>) src(%arg25 : memref<40x128xf32, #tpu.memory_space<vmem>>) dst(%dma_wait3A_264 : memref<40x128xf32, #tpu.memory_space<vmem_shared>>)
        %dma_wait3A_265 = arith.constant 0 : i32
        %dma_wait3A_266 = arith.constant 0 : i32
        %dma_wait3A_267 = tpu.memref_slice %arg30[%dma_wait3A_265, %dma_wait3A_266] : memref<640x128xf32, #tpu.memory_space<vmem_shared>> -> memref<40x128xf32, #tpu.memory_space<vmem_shared>>
        %dma_wait3A_268 = arith.constant 0 : i32
        %dma_wait3A_269 = arith.constant 0 : i32
        %dma_wait3A_270 = tpu.memref_slice %arg30[%dma_wait3A_268, %dma_wait3A_269] : memref<640x128xf32, #tpu.memory_space<vmem_shared>> -> memref<40x128xf32, #tpu.memory_space<vmem_shared>>
        tpu.wait_dma2 semaphore(%arg35 : memref<!tpu.dma_semaphore, #tpu.memory_space<semaphore_mem>>) src(%arg27 : memref<40x128xf32, #tpu.memory_space<vmem>>) dst(%dma_wait3A_270 : memref<40x128xf32, #tpu.memory_space<vmem_shared>>)
      } else {
      }
      %get3A = arith.constant 0 : index
      %get3A_99 = tpu.vector_load %arg13[%get3A] {strides = array<i32>} : memref<56xi32, #tpu.memory_space<vmem>>, vector<16xi32>,
      %add3A_100 = arith.constant 0 : i32
      %add3A_101 = vector.broadcast %add3A_100 : i32 to vector<16xi32>
      %add3A_102 = arith.addi %iota3A, %add3A_101 : vector<16xi32>
      tpu.vector_store_idx %arg26[%add3A_102], %get3A_99 : memref<40xi32, #tpu.memory_space<vmem>>[vector<16xi32>], vector<16xi32>,
      %add3A_103 = arith.constant 0 : i32
      %add3A_104 = vector.broadcast %add3A_103 : i32 to vector<16xi32>
      %add3A_105 = arith.addi %iota3A, %add3A_104 : vector<16xi32>
      %shift_right_logical3A = arith.constant 4 : i32
      %shift_right_logical3A_106 = vector.broadcast %shift_right_logical3A : i32 to vector<16xi32>
      %shift_right_logical3A_107 = arith.shrui %get3A_99, %shift_right_logical3A_106 : vector<16xi32>
      tpu.vector_store_idx %arg28[%add3A_105], %shift_right_logical3A_107 : memref<40xi32, #tpu.memory_space<vmem>>[vector<16xi32>], vector<16xi32>,
      %get3A_108 = arith.constant 16 : index
      %get3A_109 = tpu.vector_load %arg13[%get3A_108] {strides = array<i32>} : memref<56xi32, #tpu.memory_space<vmem>>, vector<16xi32>,
      %add3A_110 = arith.constant 16 : i32
      %add3A_111 = vector.broadcast %add3A_110 : i32 to vector<16xi32>
      %add3A_112 = arith.addi %iota3A, %add3A_111 : vector<16xi32>
      tpu.vector_store_idx %arg26[%add3A_112], %get3A_109 : memref<40xi32, #tpu.memory_space<vmem>>[vector<16xi32>], vector<16xi32>,
      %add3A_113 = arith.constant 16 : i32
      %add3A_114 = vector.broadcast %add3A_113 : i32 to vector<16xi32>
      %add3A_115 = arith.addi %iota3A, %add3A_114 : vector<16xi32>
      %shift_right_logical3A_116 = arith.constant 4 : i32
      %shift_right_logical3A_117 = vector.broadcast %shift_right_logical3A_116 : i32 to vector<16xi32>
      %shift_right_logical3A_118 = arith.shrui %get3A_109, %shift_right_logical3A_117 : vector<16xi32>
      tpu.vector_store_idx %arg28[%add3A_115], %shift_right_logical3A_118 : memref<40xi32, #tpu.memory_space<vmem>>[vector<16xi32>], vector<16xi32>,
      %get3A_119 = arith.constant 32 : index
      %get3A_120 = tpu.vector_load %arg13[%get3A_119] {strides = array<i32>} : memref<56xi32, #tpu.memory_space<vmem>>, vector<16xi32>,
      %lt3A_121 = arith.constant 8 : i32
      %lt3A_122 = vector.broadcast %lt3A_121 : i32 to vector<16xi32>
      %lt3A_123 = arith.cmpi slt, %iota3A, %lt3A_122 : vector<16xi32>
      %add3A_124 = arith.constant 32 : i32
      %add3A_125 = vector.broadcast %add3A_124 : i32 to vector<16xi32>
      %add3A_126 = arith.addi %iota3A, %add3A_125 : vector<16xi32>
      tpu.vector_store_idx %arg26[%add3A_126], %get3A_120 masked %lt3A_123 : memref<40xi32, #tpu.memory_space<vmem>>[vector<16xi32>], vector<16xi32>, vector<16xi1>
      %add3A_127 = arith.constant 32 : i32
      %add3A_128 = vector.broadcast %add3A_127 : i32 to vector<16xi32>
      %add3A_129 = arith.addi %iota3A, %add3A_128 : vector<16xi32>
      %shift_right_logical3A_130 = arith.constant 4 : i32
      %shift_right_logical3A_131 = vector.broadcast %shift_right_logical3A_130 : i32 to vector<16xi32>
      %shift_right_logical3A_132 = arith.shrui %get3A_120, %shift_right_logical3A_131 : vector<16xi32>
      tpu.vector_store_idx %arg28[%add3A_129], %shift_right_logical3A_132 masked %lt3A_123 : memref<40xi32, #tpu.memory_space<vmem>>[vector<16xi32>], vector<16xi32>, vector<16xi1>
      %scan3A_133 = arith.constant 0 : i32
      %scan3A_134 = arith.constant 0 : i32
      %scan3A_135 = arith.constant 20 : i32
      %scan3A_136 = arith.addi %scan3A_134, %scan3A_135 : i32
      %scan3A_137 = arith.constant 1 : i32
      %scan3A_138 = scf.for %scan3A_259 = %scan3A_134 to %scan3A_136 step %scan3A_137 iter_args(%scan3A_260 = %scan3A_133) -> (i32)  : i32 {
        %mul3A_261 = arith.constant 2 : i32
        %mul3A_262 = arith.muli %mul3A_261, %scan3A_259 : i32
        %add3A_263 = arith.constant 0 : i32
        %add3A_264 = arith.addi %mul3A_262, %add3A_263 : i32
        %get3A_265 = arith.index_cast %add3A_264 : i32 to index
        %get3A_266 = arith.constant 0 : index
        %get3A_267 = tpu.vector_load %arg19[%get3A_265, %get3A_266] {strides = array<i32>} : memref<40x64xi32, #tpu.memory_space<vmem>>, vector<16xi32>,
        %bitcast3A = vector.bitcast %get3A_267 : vector<16xi32> to vector<32xbf16>
        %get3A_268 = arith.index_cast %add3A_264 : i32 to index
        %get3A_269 = arith.constant 0 : index
        %get3A_270 = tpu.vector_load %arg18[%get3A_268, %get3A_269] {strides = array<i32>} : memref<40x128xi32, #tpu.memory_space<vmem>>, vector<16xi32>,
        %bitcast3A_271 = vector.bitcast %get3A_270 : vector<16xi32> to vector<32xbf16>
        %add3A_272 = arith.addf %bitcast3A_271, %bitcast3A : vector<32xbf16>
        %bitcast3A_273 = vector.bitcast %add3A_272 : vector<32xbf16> to vector<16xi32>
        %shift_left3A = arith.constant 16 : i32
        %shift_left3A_274 = vector.broadcast %shift_left3A : i32 to vector<16xi32>
        %shift_left3A_275 = arith.shli %bitcast3A_273, %shift_left3A_274 : vector<16xi32>
        %bitcast3A_276 = vector.bitcast %shift_left3A_275 : vector<16xi32> to vector<16xf32>
        %and3A = arith.andi %bitcast3A_273, %broadcast_in_dim3A_6 : vector<16xi32>
        %bitcast3A_277 = vector.bitcast %and3A : vector<16xi32> to vector<16xf32>
        %get3A_278 = arith.index_cast %add3A_264 : i32 to index
        %get3A_279 = arith.constant 0 : index
        %get3A_280 = tpu.vector_load %arg17[%get3A_278, %get3A_279] {strides = array<i32>} : memref<40x128xi32, #tpu.memory_space<vmem>>, vector<16xi32>,
        %shift_left3A_281 = arith.constant 16 : i32
        %shift_left3A_282 = vector.broadcast %shift_left3A_281 : i32 to vector<16xi32>
        %shift_left3A_283 = arith.shli %get3A_280, %shift_left3A_282 : vector<16xi32>
        %bitcast3A_284 = vector.bitcast %shift_left3A_283 : vector<16xi32> to vector<16xf32>
        %and3A_285 = arith.andi %get3A_280, %broadcast_in_dim3A_6 : vector<16xi32>
        %bitcast3A_286 = vector.bitcast %and3A_285 : vector<16xi32> to vector<16xf32>
        %mul3A_287 = arith.mulf %bitcast3A_284, %bitcast3A_276 : vector<16xf32>
        %reduce_sum3A = arith.constant true
        %reduce_sum3A_288 = vector.broadcast %reduce_sum3A : i1 to vector<16xi1>
        %reduce_sum3A_289 = tpu.scan <sum>, %mul3A_287 masked %reduce_sum3A_288 : vector<16xf32>, vector<16xi1> -> vector<16xf32>
        %reduce_sum3A_290 = vector.extract %reduce_sum3A_289[15] : f32 from vector<16xf32>
        %mul3A_291 = arith.mulf %bitcast3A_286, %bitcast3A_277 : vector<16xf32>
        %reduce_sum3A_292 = arith.constant true
        %reduce_sum3A_293 = vector.broadcast %reduce_sum3A_292 : i1 to vector<16xi1>
        %reduce_sum3A_294 = tpu.scan <sum>, %mul3A_291 masked %reduce_sum3A_293 : vector<16xf32>, vector<16xi1> -> vector<16xf32>
        %reduce_sum3A_295 = vector.extract %reduce_sum3A_294[15] : f32 from vector<16xf32>
        %eq3A = arith.constant 0 : i32
        %eq3A_296 = vector.broadcast %eq3A : i32 to vector<16xi32>
        %eq3A_297 = arith.cmpi eq, %iota3A, %eq3A_296 : vector<16xi32>
        %broadcast_in_dim3A_298 = vector.broadcast %reduce_sum3A_290 : f32 to vector<16xf32>
        %select_n3A = arith.select %eq3A_297, %broadcast_in_dim3A_298, %broadcast_in_dim3A_4 : vector<16xi1>, vector<16xf32>
        %eq3A_299 = arith.constant 1 : i32
        %eq3A_300 = vector.broadcast %eq3A_299 : i32 to vector<16xi32>
        %eq3A_301 = arith.cmpi eq, %iota3A, %eq3A_300 : vector<16xi32>
        %broadcast_in_dim3A_302 = vector.broadcast %reduce_sum3A_295 : f32 to vector<16xf32>
        %select_n3A_303 = arith.select %eq3A_301, %broadcast_in_dim3A_302, %select_n3A : vector<16xi1>, vector<16xf32>
        %get3A_304 = arith.index_cast %add3A_264 : i32 to index
        %get3A_305 = arith.constant 16 : index
        %get3A_306 = tpu.vector_load %arg19[%get3A_304, %get3A_305] {strides = array<i32>} : memref<40x64xi32, #tpu.memory_space<vmem>>, vector<16xi32>,
        %bitcast3A_307 = vector.bitcast %get3A_306 : vector<16xi32> to vector<32xbf16>
        %get3A_308 = arith.index_cast %add3A_264 : i32 to index
        %get3A_309 = arith.constant 16 : index
        %get3A_310 = tpu.vector_load %arg18[%get3A_308, %get3A_309] {strides = array<i32>} : memref<40x128xi32, #tpu.memory_space<vmem>>, vector<16xi32>,
        %bitcast3A_311 = vector.bitcast %get3A_310 : vector<16xi32> to vector<32xbf16>
        %add3A_312 = arith.addf %bitcast3A_311, %bitcast3A_307 : vector<32xbf16>
        %bitcast3A_313 = vector.bitcast %add3A_312 : vector<32xbf16> to vector<16xi32>
        %shift_left3A_314 = arith.constant 16 : i32
        %shift_left3A_315 = vector.broadcast %shift_left3A_314 : i32 to vector<16xi32>
        %shift_left3A_316 = arith.shli %bitcast3A_313, %shift_left3A_315 : vector<16xi32>
        %bitcast3A_317 = vector.bitcast %shift_left3A_316 : vector<16xi32> to vector<16xf32>
        %and3A_318 = arith.andi %bitcast3A_313, %broadcast_in_dim3A_6 : vector<16xi32>
        %bitcast3A_319 = vector.bitcast %and3A_318 : vector<16xi32> to vector<16xf32>
        %get3A_320 = arith.index_cast %add3A_264 : i32 to index
        %get3A_321 = arith.constant 16 : index
        %get3A_322 = tpu.vector_load %arg17[%get3A_320, %get3A_321] {strides = array<i32>} : memref<40x128xi32, #tpu.memory_space<vmem>>, vector<16xi32>,
        %shift_left3A_323 = arith.constant 16 : i32
        %shift_left3A_324 = vector.broadcast %shift_left3A_323 : i32 to vector<16xi32>
        %shift_left3A_325 = arith.shli %get3A_322, %shift_left3A_324 : vector<16xi32>
        %bitcast3A_326 = vector.bitcast %shift_left3A_325 : vector<16xi32> to vector<16xf32>
        %and3A_327 = arith.andi %get3A_322, %broadcast_in_dim3A_6 : vector<16xi32>
        %bitcast3A_328 = vector.bitcast %and3A_327 : vector<16xi32> to vector<16xf32>
        %mul3A_329 = arith.mulf %bitcast3A_326, %bitcast3A_317 : vector<16xf32>
        %reduce_sum3A_330 = arith.constant true
        %reduce_sum3A_331 = vector.broadcast %reduce_sum3A_330 : i1 to vector<16xi1>
        %reduce_sum3A_332 = tpu.scan <sum>, %mul3A_329 masked %reduce_sum3A_331 : vector<16xf32>, vector<16xi1> -> vector<16xf32>
        %reduce_sum3A_333 = vector.extract %reduce_sum3A_332[15] : f32 from vector<16xf32>
        %mul3A_334 = arith.mulf %bitcast3A_328, %bitcast3A_319 : vector<16xf32>
        %reduce_sum3A_335 = arith.constant true
        %reduce_sum3A_336 = vector.broadcast %reduce_sum3A_335 : i1 to vector<16xi1>
        %reduce_sum3A_337 = tpu.scan <sum>, %mul3A_334 masked %reduce_sum3A_336 : vector<16xf32>, vector<16xi1> -> vector<16xf32>
        %reduce_sum3A_338 = vector.extract %reduce_sum3A_337[15] : f32 from vector<16xf32>
        %eq3A_339 = arith.constant 2 : i32
        %eq3A_340 = vector.broadcast %eq3A_339 : i32 to vector<16xi32>
        %eq3A_341 = arith.cmpi eq, %iota3A, %eq3A_340 : vector<16xi32>
        %broadcast_in_dim3A_342 = vector.broadcast %reduce_sum3A_333 : f32 to vector<16xf32>
        %select_n3A_343 = arith.select %eq3A_341, %broadcast_in_dim3A_342, %select_n3A_303 : vector<16xi1>, vector<16xf32>
        %eq3A_344 = arith.constant 3 : i32
        %eq3A_345 = vector.broadcast %eq3A_344 : i32 to vector<16xi32>
        %eq3A_346 = arith.cmpi eq, %iota3A, %eq3A_345 : vector<16xi32>
        %broadcast_in_dim3A_347 = vector.broadcast %reduce_sum3A_338 : f32 to vector<16xf32>
        %select_n3A_348 = arith.select %eq3A_346, %broadcast_in_dim3A_347, %select_n3A_343 : vector<16xi1>, vector<16xf32>
        %get3A_349 = arith.index_cast %add3A_264 : i32 to index
        %get3A_350 = arith.constant 32 : index
        %get3A_351 = tpu.vector_load %arg19[%get3A_349, %get3A_350] {strides = array<i32>} : memref<40x64xi32, #tpu.memory_space<vmem>>, vector<16xi32>,
        %bitcast3A_352 = vector.bitcast %get3A_351 : vector<16xi32> to vector<32xbf16>
        %get3A_353 = arith.index_cast %add3A_264 : i32 to index
        %get3A_354 = arith.constant 32 : index
        %get3A_355 = tpu.vector_load %arg18[%get3A_353, %get3A_354] {strides = array<i32>} : memref<40x128xi32, #tpu.memory_space<vmem>>, vector<16xi32>,
        %bitcast3A_356 = vector.bitcast %get3A_355 : vector<16xi32> to vector<32xbf16>
        %add3A_357 = arith.addf %bitcast3A_356, %bitcast3A_352 : vector<32xbf16>
        %bitcast3A_358 = vector.bitcast %add3A_357 : vector<32xbf16> to vector<16xi32>
        %shift_left3A_359 = arith.constant 16 : i32
        %shift_left3A_360 = vector.broadcast %shift_left3A_359 : i32 to vector<16xi32>
        %shift_left3A_361 = arith.shli %bitcast3A_358, %shift_left3A_360 : vector<16xi32>
        %bitcast3A_362 = vector.bitcast %shift_left3A_361 : vector<16xi32> to vector<16xf32>
        %and3A_363 = arith.andi %bitcast3A_358, %broadcast_in_dim3A_6 : vector<16xi32>
        %bitcast3A_364 = vector.bitcast %and3A_363 : vector<16xi32> to vector<16xf32>
        %get3A_365 = arith.index_cast %add3A_264 : i32 to index
        %get3A_366 = arith.constant 32 : index
        %get3A_367 = tpu.vector_load %arg17[%get3A_365, %get3A_366] {strides = array<i32>} : memref<40x128xi32, #tpu.memory_space<vmem>>, vector<16xi32>,
        %shift_left3A_368 = arith.constant 16 : i32
        %shift_left3A_369 = vector.broadcast %shift_left3A_368 : i32 to vector<16xi32>
        %shift_left3A_370 = arith.shli %get3A_367, %shift_left3A_369 : vector<16xi32>
        %bitcast3A_371 = vector.bitcast %shift_left3A_370 : vector<16xi32> to vector<16xf32>
        %and3A_372 = arith.andi %get3A_367, %broadcast_in_dim3A_6 : vector<16xi32>
        %bitcast3A_373 = vector.bitcast %and3A_372 : vector<16xi32> to vector<16xf32>
        %mul3A_374 = arith.mulf %bitcast3A_371, %bitcast3A_362 : vector<16xf32>
        %reduce_sum3A_375 = arith.constant true
        %reduce_sum3A_376 = vector.broadcast %reduce_sum3A_375 : i1 to vector<16xi1>
        %reduce_sum3A_377 = tpu.scan <sum>, %mul3A_374 masked %reduce_sum3A_376 : vector<16xf32>, vector<16xi1> -> vector<16xf32>
        %reduce_sum3A_378 = vector.extract %reduce_sum3A_377[15] : f32 from vector<16xf32>
        %mul3A_379 = arith.mulf %bitcast3A_373, %bitcast3A_364 : vector<16xf32>
        %reduce_sum3A_380 = arith.constant true
        %reduce_sum3A_381 = vector.broadcast %reduce_sum3A_380 : i1 to vector<16xi1>
        %reduce_sum3A_382 = tpu.scan <sum>, %mul3A_379 masked %reduce_sum3A_381 : vector<16xf32>, vector<16xi1> -> vector<16xf32>
        %reduce_sum3A_383 = vector.extract %reduce_sum3A_382[15] : f32 from vector<16xf32>
        %eq3A_384 = arith.constant 4 : i32
        %eq3A_385 = vector.broadcast %eq3A_384 : i32 to vector<16xi32>
        %eq3A_386 = arith.cmpi eq, %iota3A, %eq3A_385 : vector<16xi32>
        %broadcast_in_dim3A_387 = vector.broadcast %reduce_sum3A_378 : f32 to vector<16xf32>
        %select_n3A_388 = arith.select %eq3A_386, %broadcast_in_dim3A_387, %select_n3A_348 : vector<16xi1>, vector<16xf32>
        %eq3A_389 = arith.constant 5 : i32
        %eq3A_390 = vector.broadcast %eq3A_389 : i32 to vector<16xi32>
        %eq3A_391 = arith.cmpi eq, %iota3A, %eq3A_390 : vector<16xi32>
        %broadcast_in_dim3A_392 = vector.broadcast %reduce_sum3A_383 : f32 to vector<16xf32>
        %select_n3A_393 = arith.select %eq3A_391, %broadcast_in_dim3A_392, %select_n3A_388 : vector<16xi1>, vector<16xf32>
        %get3A_394 = arith.index_cast %add3A_264 : i32 to index
        %get3A_395 = arith.constant 48 : index
        %get3A_396 = tpu.vector_load %arg19[%get3A_394, %get3A_395] {strides = array<i32>} : memref<40x64xi32, #tpu.memory_space<vmem>>, vector<16xi32>,
        %bitcast3A_397 = vector.bitcast %get3A_396 : vector<16xi32> to vector<32xbf16>
        %get3A_398 = arith.index_cast %add3A_264 : i32 to index
        %get3A_399 = arith.constant 48 : index
        %get3A_400 = tpu.vector_load %arg18[%get3A_398, %get3A_399] {strides = array<i32>} : memref<40x128xi32, #tpu.memory_space<vmem>>, vector<16xi32>,
        %bitcast3A_401 = vector.bitcast %get3A_400 : vector<16xi32> to vector<32xbf16>
        %add3A_402 = arith.addf %bitcast3A_401, %bitcast3A_397 : vector<32xbf16>
        %bitcast3A_403 = vector.bitcast %add3A_402 : vector<32xbf16> to vector<16xi32>
        %shift_left3A_404 = arith.constant 16 : i32
        %shift_left3A_405 = vector.broadcast %shift_left3A_404 : i32 to vector<16xi32>
        %shift_left3A_406 = arith.shli %bitcast3A_403, %shift_left3A_405 : vector<16xi32>
        %bitcast3A_407 = vector.bitcast %shift_left3A_406 : vector<16xi32> to vector<16xf32>
        %and3A_408 = arith.andi %bitcast3A_403, %broadcast_in_dim3A_6 : vector<16xi32>
        %bitcast3A_409 = vector.bitcast %and3A_408 : vector<16xi32> to vector<16xf32>
        %get3A_410 = arith.index_cast %add3A_264 : i32 to index
        %get3A_411 = arith.constant 48 : index
        %get3A_412 = tpu.vector_load %arg17[%get3A_410, %get3A_411] {strides = array<i32>} : memref<40x128xi32, #tpu.memory_space<vmem>>, vector<16xi32>,
        %shift_left3A_413 = arith.constant 16 : i32
        %shift_left3A_414 = vector.broadcast %shift_left3A_413 : i32 to vector<16xi32>
        %shift_left3A_415 = arith.shli %get3A_412, %shift_left3A_414 : vector<16xi32>
        %bitcast3A_416 = vector.bitcast %shift_left3A_415 : vector<16xi32> to vector<16xf32>
        %and3A_417 = arith.andi %get3A_412, %broadcast_in_dim3A_6 : vector<16xi32>
        %bitcast3A_418 = vector.bitcast %and3A_417 : vector<16xi32> to vector<16xf32>
        %mul3A_419 = arith.mulf %bitcast3A_416, %bitcast3A_407 : vector<16xf32>
        %reduce_sum3A_420 = arith.constant true
        %reduce_sum3A_421 = vector.broadcast %reduce_sum3A_420 : i1 to vector<16xi1>
        %reduce_sum3A_422 = tpu.scan <sum>, %mul3A_419 masked %reduce_sum3A_421 : vector<16xf32>, vector<16xi1> -> vector<16xf32>
        %reduce_sum3A_423 = vector.extract %reduce_sum3A_422[15] : f32 from vector<16xf32>
        %mul3A_424 = arith.mulf %bitcast3A_418, %bitcast3A_409 : vector<16xf32>
        %reduce_sum3A_425 = arith.constant true
        %reduce_sum3A_426 = vector.broadcast %reduce_sum3A_425 : i1 to vector<16xi1>
        %reduce_sum3A_427 = tpu.scan <sum>, %mul3A_424 masked %reduce_sum3A_426 : vector<16xf32>, vector<16xi1> -> vector<16xf32>
        %reduce_sum3A_428 = vector.extract %reduce_sum3A_427[15] : f32 from vector<16xf32>
        %eq3A_429 = arith.constant 6 : i32
        %eq3A_430 = vector.broadcast %eq3A_429 : i32 to vector<16xi32>
        %eq3A_431 = arith.cmpi eq, %iota3A, %eq3A_430 : vector<16xi32>
        %broadcast_in_dim3A_432 = vector.broadcast %reduce_sum3A_423 : f32 to vector<16xf32>
        %select_n3A_433 = arith.select %eq3A_431, %broadcast_in_dim3A_432, %select_n3A_393 : vector<16xi1>, vector<16xf32>
        %eq3A_434 = arith.constant 7 : i32
        %eq3A_435 = vector.broadcast %eq3A_434 : i32 to vector<16xi32>
        %eq3A_436 = arith.cmpi eq, %iota3A, %eq3A_435 : vector<16xi32>
        %broadcast_in_dim3A_437 = vector.broadcast %reduce_sum3A_428 : f32 to vector<16xf32>
        %select_n3A_438 = arith.select %eq3A_436, %broadcast_in_dim3A_437, %select_n3A_433 : vector<16xi1>, vector<16xf32>
        %mul3A_439 = arith.constant 2 : i32
        %mul3A_440 = arith.muli %mul3A_439, %scan3A_259 : i32
        %add3A_441 = arith.constant 1 : i32
        %add3A_442 = arith.addi %mul3A_440, %add3A_441 : i32
        %get3A_443 = arith.index_cast %add3A_442 : i32 to index
        %get3A_444 = arith.constant 0 : index
        %get3A_445 = tpu.vector_load %arg19[%get3A_443, %get3A_444] {strides = array<i32>} : memref<40x64xi32, #tpu.memory_space<vmem>>, vector<16xi32>,
        %bitcast3A_446 = vector.bitcast %get3A_445 : vector<16xi32> to vector<32xbf16>
        %get3A_447 = arith.index_cast %add3A_442 : i32 to index
        %get3A_448 = arith.constant 0 : index
        %get3A_449 = tpu.vector_load %arg18[%get3A_447, %get3A_448] {strides = array<i32>} : memref<40x128xi32, #tpu.memory_space<vmem>>, vector<16xi32>,
        %bitcast3A_450 = vector.bitcast %get3A_449 : vector<16xi32> to vector<32xbf16>
        %add3A_451 = arith.addf %bitcast3A_450, %bitcast3A_446 : vector<32xbf16>
        %bitcast3A_452 = vector.bitcast %add3A_451 : vector<32xbf16> to vector<16xi32>
        %shift_left3A_453 = arith.constant 16 : i32
        %shift_left3A_454 = vector.broadcast %shift_left3A_453 : i32 to vector<16xi32>
        %shift_left3A_455 = arith.shli %bitcast3A_452, %shift_left3A_454 : vector<16xi32>
        %bitcast3A_456 = vector.bitcast %shift_left3A_455 : vector<16xi32> to vector<16xf32>
        %and3A_457 = arith.andi %bitcast3A_452, %broadcast_in_dim3A_6 : vector<16xi32>
        %bitcast3A_458 = vector.bitcast %and3A_457 : vector<16xi32> to vector<16xf32>
        %get3A_459 = arith.index_cast %add3A_442 : i32 to index
        %get3A_460 = arith.constant 0 : index
        %get3A_461 = tpu.vector_load %arg17[%get3A_459, %get3A_460] {strides = array<i32>} : memref<40x128xi32, #tpu.memory_space<vmem>>, vector<16xi32>,
        %shift_left3A_462 = arith.constant 16 : i32
        %shift_left3A_463 = vector.broadcast %shift_left3A_462 : i32 to vector<16xi32>
        %shift_left3A_464 = arith.shli %get3A_461, %shift_left3A_463 : vector<16xi32>
        %bitcast3A_465 = vector.bitcast %shift_left3A_464 : vector<16xi32> to vector<16xf32>
        %and3A_466 = arith.andi %get3A_461, %broadcast_in_dim3A_6 : vector<16xi32>
        %bitcast3A_467 = vector.bitcast %and3A_466 : vector<16xi32> to vector<16xf32>
        %mul3A_468 = arith.mulf %bitcast3A_465, %bitcast3A_456 : vector<16xf32>
        %reduce_sum3A_469 = arith.constant true
        %reduce_sum3A_470 = vector.broadcast %reduce_sum3A_469 : i1 to vector<16xi1>
        %reduce_sum3A_471 = tpu.scan <sum>, %mul3A_468 masked %reduce_sum3A_470 : vector<16xf32>, vector<16xi1> -> vector<16xf32>
        %reduce_sum3A_472 = vector.extract %reduce_sum3A_471[15] : f32 from vector<16xf32>
        %mul3A_473 = arith.mulf %bitcast3A_467, %bitcast3A_458 : vector<16xf32>
        %reduce_sum3A_474 = arith.constant true
        %reduce_sum3A_475 = vector.broadcast %reduce_sum3A_474 : i1 to vector<16xi1>
        %reduce_sum3A_476 = tpu.scan <sum>, %mul3A_473 masked %reduce_sum3A_475 : vector<16xf32>, vector<16xi1> -> vector<16xf32>
        %reduce_sum3A_477 = vector.extract %reduce_sum3A_476[15] : f32 from vector<16xf32>
        %eq3A_478 = arith.constant 8 : i32
        %eq3A_479 = vector.broadcast %eq3A_478 : i32 to vector<16xi32>
        %eq3A_480 = arith.cmpi eq, %iota3A, %eq3A_479 : vector<16xi32>
        %broadcast_in_dim3A_481 = vector.broadcast %reduce_sum3A_472 : f32 to vector<16xf32>
        %select_n3A_482 = arith.select %eq3A_480, %broadcast_in_dim3A_481, %select_n3A_438 : vector<16xi1>, vector<16xf32>
        %eq3A_483 = arith.constant 9 : i32
        %eq3A_484 = vector.broadcast %eq3A_483 : i32 to vector<16xi32>
        %eq3A_485 = arith.cmpi eq, %iota3A, %eq3A_484 : vector<16xi32>
        %broadcast_in_dim3A_486 = vector.broadcast %reduce_sum3A_477 : f32 to vector<16xf32>
        %select_n3A_487 = arith.select %eq3A_485, %broadcast_in_dim3A_486, %select_n3A_482 : vector<16xi1>, vector<16xf32>
        %get3A_488 = arith.index_cast %add3A_442 : i32 to index
        %get3A_489 = arith.constant 16 : index
        %get3A_490 = tpu.vector_load %arg19[%get3A_488, %get3A_489] {strides = array<i32>} : memref<40x64xi32, #tpu.memory_space<vmem>>, vector<16xi32>,
        %bitcast3A_491 = vector.bitcast %get3A_490 : vector<16xi32> to vector<32xbf16>
        %get3A_492 = arith.index_cast %add3A_442 : i32 to index
        %get3A_493 = arith.constant 16 : index
        %get3A_494 = tpu.vector_load %arg18[%get3A_492, %get3A_493] {strides = array<i32>} : memref<40x128xi32, #tpu.memory_space<vmem>>, vector<16xi32>,
        %bitcast3A_495 = vector.bitcast %get3A_494 : vector<16xi32> to vector<32xbf16>
        %add3A_496 = arith.addf %bitcast3A_495, %bitcast3A_491 : vector<32xbf16>
        %bitcast3A_497 = vector.bitcast %add3A_496 : vector<32xbf16> to vector<16xi32>
        %shift_left3A_498 = arith.constant 16 : i32
        %shift_left3A_499 = vector.broadcast %shift_left3A_498 : i32 to vector<16xi32>
        %shift_left3A_500 = arith.shli %bitcast3A_497, %shift_left3A_499 : vector<16xi32>
        %bitcast3A_501 = vector.bitcast %shift_left3A_500 : vector<16xi32> to vector<16xf32>
        %and3A_502 = arith.andi %bitcast3A_497, %broadcast_in_dim3A_6 : vector<16xi32>
        %bitcast3A_503 = vector.bitcast %and3A_502 : vector<16xi32> to vector<16xf32>
        %get3A_504 = arith.index_cast %add3A_442 : i32 to index
        %get3A_505 = arith.constant 16 : index
        %get3A_506 = tpu.vector_load %arg17[%get3A_504, %get3A_505] {strides = array<i32>} : memref<40x128xi32, #tpu.memory_space<vmem>>, vector<16xi32>,
        %shift_left3A_507 = arith.constant 16 : i32
        %shift_left3A_508 = vector.broadcast %shift_left3A_507 : i32 to vector<16xi32>
        %shift_left3A_509 = arith.shli %get3A_506, %shift_left3A_508 : vector<16xi32>
        %bitcast3A_510 = vector.bitcast %shift_left3A_509 : vector<16xi32> to vector<16xf32>
        %and3A_511 = arith.andi %get3A_506, %broadcast_in_dim3A_6 : vector<16xi32>
        %bitcast3A_512 = vector.bitcast %and3A_511 : vector<16xi32> to vector<16xf32>
        %mul3A_513 = arith.mulf %bitcast3A_510, %bitcast3A_501 : vector<16xf32>
        %reduce_sum3A_514 = arith.constant true
        %reduce_sum3A_515 = vector.broadcast %reduce_sum3A_514 : i1 to vector<16xi1>
        %reduce_sum3A_516 = tpu.scan <sum>, %mul3A_513 masked %reduce_sum3A_515 : vector<16xf32>, vector<16xi1> -> vector<16xf32>
        %reduce_sum3A_517 = vector.extract %reduce_sum3A_516[15] : f32 from vector<16xf32>
        %mul3A_518 = arith.mulf %bitcast3A_512, %bitcast3A_503 : vector<16xf32>
        %reduce_sum3A_519 = arith.constant true
        %reduce_sum3A_520 = vector.broadcast %reduce_sum3A_519 : i1 to vector<16xi1>
        %reduce_sum3A_521 = tpu.scan <sum>, %mul3A_518 masked %reduce_sum3A_520 : vector<16xf32>, vector<16xi1> -> vector<16xf32>
        %reduce_sum3A_522 = vector.extract %reduce_sum3A_521[15] : f32 from vector<16xf32>
        %eq3A_523 = arith.constant 10 : i32
        %eq3A_524 = vector.broadcast %eq3A_523 : i32 to vector<16xi32>
        %eq3A_525 = arith.cmpi eq, %iota3A, %eq3A_524 : vector<16xi32>
        %broadcast_in_dim3A_526 = vector.broadcast %reduce_sum3A_517 : f32 to vector<16xf32>
        %select_n3A_527 = arith.select %eq3A_525, %broadcast_in_dim3A_526, %select_n3A_487 : vector<16xi1>, vector<16xf32>
        %eq3A_528 = arith.constant 11 : i32
        %eq3A_529 = vector.broadcast %eq3A_528 : i32 to vector<16xi32>
        %eq3A_530 = arith.cmpi eq, %iota3A, %eq3A_529 : vector<16xi32>
        %broadcast_in_dim3A_531 = vector.broadcast %reduce_sum3A_522 : f32 to vector<16xf32>
        %select_n3A_532 = arith.select %eq3A_530, %broadcast_in_dim3A_531, %select_n3A_527 : vector<16xi1>, vector<16xf32>
        %get3A_533 = arith.index_cast %add3A_442 : i32 to index
        %get3A_534 = arith.constant 32 : index
        %get3A_535 = tpu.vector_load %arg19[%get3A_533, %get3A_534] {strides = array<i32>} : memref<40x64xi32, #tpu.memory_space<vmem>>, vector<16xi32>,
        %bitcast3A_536 = vector.bitcast %get3A_535 : vector<16xi32> to vector<32xbf16>
        %get3A_537 = arith.index_cast %add3A_442 : i32 to index
        %get3A_538 = arith.constant 32 : index
        %get3A_539 = tpu.vector_load %arg18[%get3A_537, %get3A_538] {strides = array<i32>} : memref<40x128xi32, #tpu.memory_space<vmem>>, vector<16xi32>,
        %bitcast3A_540 = vector.bitcast %get3A_539 : vector<16xi32> to vector<32xbf16>
        %add3A_541 = arith.addf %bitcast3A_540, %bitcast3A_536 : vector<32xbf16>
        %bitcast3A_542 = vector.bitcast %add3A_541 : vector<32xbf16> to vector<16xi32>
        %shift_left3A_543 = arith.constant 16 : i32
        %shift_left3A_544 = vector.broadcast %shift_left3A_543 : i32 to vector<16xi32>
        %shift_left3A_545 = arith.shli %bitcast3A_542, %shift_left3A_544 : vector<16xi32>
        %bitcast3A_546 = vector.bitcast %shift_left3A_545 : vector<16xi32> to vector<16xf32>
        %and3A_547 = arith.andi %bitcast3A_542, %broadcast_in_dim3A_6 : vector<16xi32>
        %bitcast3A_548 = vector.bitcast %and3A_547 : vector<16xi32> to vector<16xf32>
        %get3A_549 = arith.index_cast %add3A_442 : i32 to index
        %get3A_550 = arith.constant 32 : index
        %get3A_551 = tpu.vector_load %arg17[%get3A_549, %get3A_550] {strides = array<i32>} : memref<40x128xi32, #tpu.memory_space<vmem>>, vector<16xi32>,
        %shift_left3A_552 = arith.constant 16 : i32
        %shift_left3A_553 = vector.broadcast %shift_left3A_552 : i32 to vector<16xi32>
        %shift_left3A_554 = arith.shli %get3A_551, %shift_left3A_553 : vector<16xi32>
        %bitcast3A_555 = vector.bitcast %shift_left3A_554 : vector<16xi32> to vector<16xf32>
        %and3A_556 = arith.andi %get3A_551, %broadcast_in_dim3A_6 : vector<16xi32>
        %bitcast3A_557 = vector.bitcast %and3A_556 : vector<16xi32> to vector<16xf32>
        %mul3A_558 = arith.mulf %bitcast3A_555, %bitcast3A_546 : vector<16xf32>
        %reduce_sum3A_559 = arith.constant true
        %reduce_sum3A_560 = vector.broadcast %reduce_sum3A_559 : i1 to vector<16xi1>
        %reduce_sum3A_561 = tpu.scan <sum>, %mul3A_558 masked %reduce_sum3A_560 : vector<16xf32>, vector<16xi1> -> vector<16xf32>
        %reduce_sum3A_562 = vector.extract %reduce_sum3A_561[15] : f32 from vector<16xf32>
        %mul3A_563 = arith.mulf %bitcast3A_557, %bitcast3A_548 : vector<16xf32>
        %reduce_sum3A_564 = arith.constant true
        %reduce_sum3A_565 = vector.broadcast %reduce_sum3A_564 : i1 to vector<16xi1>
        %reduce_sum3A_566 = tpu.scan <sum>, %mul3A_563 masked %reduce_sum3A_565 : vector<16xf32>, vector<16xi1> -> vector<16xf32>
        %reduce_sum3A_567 = vector.extract %reduce_sum3A_566[15] : f32 from vector<16xf32>
        %eq3A_568 = arith.constant 12 : i32
        %eq3A_569 = vector.broadcast %eq3A_568 : i32 to vector<16xi32>
        %eq3A_570 = arith.cmpi eq, %iota3A, %eq3A_569 : vector<16xi32>
        %broadcast_in_dim3A_571 = vector.broadcast %reduce_sum3A_562 : f32 to vector<16xf32>
        %select_n3A_572 = arith.select %eq3A_570, %broadcast_in_dim3A_571, %select_n3A_532 : vector<16xi1>, vector<16xf32>
        %eq3A_573 = arith.constant 13 : i32
        %eq3A_574 = vector.broadcast %eq3A_573 : i32 to vector<16xi32>
        %eq3A_575 = arith.cmpi eq, %iota3A, %eq3A_574 : vector<16xi32>
        %broadcast_in_dim3A_576 = vector.broadcast %reduce_sum3A_567 : f32 to vector<16xf32>
        %select_n3A_577 = arith.select %eq3A_575, %broadcast_in_dim3A_576, %select_n3A_572 : vector<16xi1>, vector<16xf32>
        %get3A_578 = arith.index_cast %add3A_442 : i32 to index
        %get3A_579 = arith.constant 48 : index
        %get3A_580 = tpu.vector_load %arg19[%get3A_578, %get3A_579] {strides = array<i32>} : memref<40x64xi32, #tpu.memory_space<vmem>>, vector<16xi32>,
        %bitcast3A_581 = vector.bitcast %get3A_580 : vector<16xi32> to vector<32xbf16>
        %get3A_582 = arith.index_cast %add3A_442 : i32 to index
        %get3A_583 = arith.constant 48 : index
        %get3A_584 = tpu.vector_load %arg18[%get3A_582, %get3A_583] {strides = array<i32>} : memref<40x128xi32, #tpu.memory_space<vmem>>, vector<16xi32>,
        %bitcast3A_585 = vector.bitcast %get3A_584 : vector<16xi32> to vector<32xbf16>
        %add3A_586 = arith.addf %bitcast3A_585, %bitcast3A_581 : vector<32xbf16>
        %bitcast3A_587 = vector.bitcast %add3A_586 : vector<32xbf16> to vector<16xi32>
        %shift_left3A_588 = arith.constant 16 : i32
        %shift_left3A_589 = vector.broadcast %shift_left3A_588 : i32 to vector<16xi32>
        %shift_left3A_590 = arith.shli %bitcast3A_587, %shift_left3A_589 : vector<16xi32>
        %bitcast3A_591 = vector.bitcast %shift_left3A_590 : vector<16xi32> to vector<16xf32>
        %and3A_592 = arith.andi %bitcast3A_587, %broadcast_in_dim3A_6 : vector<16xi32>
        %bitcast3A_593 = vector.bitcast %and3A_592 : vector<16xi32> to vector<16xf32>
        %get3A_594 = arith.index_cast %add3A_442 : i32 to index
        %get3A_595 = arith.constant 48 : index
        %get3A_596 = tpu.vector_load %arg17[%get3A_594, %get3A_595] {strides = array<i32>} : memref<40x128xi32, #tpu.memory_space<vmem>>, vector<16xi32>,
        %shift_left3A_597 = arith.constant 16 : i32
        %shift_left3A_598 = vector.broadcast %shift_left3A_597 : i32 to vector<16xi32>
        %shift_left3A_599 = arith.shli %get3A_596, %shift_left3A_598 : vector<16xi32>
        %bitcast3A_600 = vector.bitcast %shift_left3A_599 : vector<16xi32> to vector<16xf32>
        %and3A_601 = arith.andi %get3A_596, %broadcast_in_dim3A_6 : vector<16xi32>
        %bitcast3A_602 = vector.bitcast %and3A_601 : vector<16xi32> to vector<16xf32>
        %mul3A_603 = arith.mulf %bitcast3A_600, %bitcast3A_591 : vector<16xf32>
        %reduce_sum3A_604 = arith.constant true
        %reduce_sum3A_605 = vector.broadcast %reduce_sum3A_604 : i1 to vector<16xi1>
        %reduce_sum3A_606 = tpu.scan <sum>, %mul3A_603 masked %reduce_sum3A_605 : vector<16xf32>, vector<16xi1> -> vector<16xf32>
        %reduce_sum3A_607 = vector.extract %reduce_sum3A_606[15] : f32 from vector<16xf32>
        %mul3A_608 = arith.mulf %bitcast3A_602, %bitcast3A_593 : vector<16xf32>
        %reduce_sum3A_609 = arith.constant true
        %reduce_sum3A_610 = vector.broadcast %reduce_sum3A_609 : i1 to vector<16xi1>
        %reduce_sum3A_611 = tpu.scan <sum>, %mul3A_608 masked %reduce_sum3A_610 : vector<16xf32>, vector<16xi1> -> vector<16xf32>
        %reduce_sum3A_612 = vector.extract %reduce_sum3A_611[15] : f32 from vector<16xf32>
        %eq3A_613 = arith.constant 14 : i32
        %eq3A_614 = vector.broadcast %eq3A_613 : i32 to vector<16xi32>
        %eq3A_615 = arith.cmpi eq, %iota3A, %eq3A_614 : vector<16xi32>
        %broadcast_in_dim3A_616 = vector.broadcast %reduce_sum3A_607 : f32 to vector<16xf32>
        %select_n3A_617 = arith.select %eq3A_615, %broadcast_in_dim3A_616, %select_n3A_577 : vector<16xi1>, vector<16xf32>
        %eq3A_618 = arith.constant 15 : i32
        %eq3A_619 = vector.broadcast %eq3A_618 : i32 to vector<16xi32>
        %eq3A_620 = arith.cmpi eq, %iota3A, %eq3A_619 : vector<16xi32>
        %broadcast_in_dim3A_621 = vector.broadcast %reduce_sum3A_612 : f32 to vector<16xf32>
        %select_n3A_622 = arith.select %eq3A_620, %broadcast_in_dim3A_621, %select_n3A_617 : vector<16xi1>, vector<16xf32>
        %exp3A = math.exp %select_n3A_622 : vector<16xf32>
        %mul3A_623 = arith.constant 16 : i32
        %mul3A_624 = arith.muli %scan3A_259, %mul3A_623 : i32
        %add3A_625 = arith.constant 8 : i32
        %add3A_626 = arith.addi %add3A_625, %mul3A_624 : i32
        %swap3A = arith.index_cast %add3A_626 : i32 to index
        %swap3A_627 = tpu.vector_load %arg23[%swap3A] {strides = array<i32>} : memref<344xf32, #tpu.memory_space<vmem>>, vector<16xf32>,
        tpu.vector_store %arg23[%swap3A], %exp3A {strides = array<i32>} : memref<344xf32, #tpu.memory_space<vmem>>, vector<16xf32>,
        %mul3A_628 = arith.constant 2 : i32
        %mul3A_629 = arith.muli %mul3A_628, %scan3A_259 : i32
        %mul3A_630 = arith.constant 2 : i32
        %mul3A_631 = arith.muli %mul3A_630, %scan3A_259 : i32
        %add3A_632 = arith.constant 1 : i32
        %add3A_633 = arith.addi %mul3A_631, %add3A_632 : i32
        %mul3A_634 = arith.constant 2 : i32
        %mul3A_635 = arith.muli %mul3A_634, %scan3A_259 : i32
        %add3A_636 = arith.constant 0 : i32
        %add3A_637 = arith.addi %mul3A_635, %add3A_636 : i32
        %get3A_638 = arith.index_cast %add3A_637 : i32 to index
        %get3A_639 = arith.constant 64 : index
        %get3A_640 = tpu.vector_load %arg18[%get3A_638, %get3A_639] {strides = array<i32>} : memref<40x128xi32, #tpu.memory_space<vmem>>, vector<16xi32>,
        %bitcast3A_641 = vector.bitcast %get3A_640 : vector<16xi32> to vector<32xbf16>
        %add3A_642 = arith.addf %bitcast3A_641, %bitcast3A : vector<32xbf16>
        %bitcast3A_643 = vector.bitcast %add3A_642 : vector<32xbf16> to vector<16xi32>
        %shift_left3A_644 = arith.constant 16 : i32
        %shift_left3A_645 = vector.broadcast %shift_left3A_644 : i32 to vector<16xi32>
        %shift_left3A_646 = arith.shli %bitcast3A_643, %shift_left3A_645 : vector<16xi32>
        %bitcast3A_647 = vector.bitcast %shift_left3A_646 : vector<16xi32> to vector<16xf32>
        %and3A_648 = arith.andi %bitcast3A_643, %broadcast_in_dim3A_6 : vector<16xi32>
        %bitcast3A_649 = vector.bitcast %and3A_648 : vector<16xi32> to vector<16xf32>
        %slice3A = vector.extract_strided_slice %exp3A {offsets = [0], sizes = [1], strides = [1]} : vector<16xf32> to vector<1xf32>
        %squeeze3A = vector.extract %slice3A[0] : f32 from vector<1xf32>
        %mul3A_650 = vector.broadcast %squeeze3A : f32 to vector<16xf32>
        %mul3A_651 = arith.mulf %mul3A_650, %bitcast3A_647 : vector<16xf32>
        %swap3A_652 = arith.index_cast %add3A_637 : i32 to index
        %swap3A_653 = arith.constant 0 : index
        %swap3A_654 = tpu.vector_load %arg25[%swap3A_652, %swap3A_653] {strides = array<i32>} : memref<40x128xf32, #tpu.memory_space<vmem>>, vector<16xf32>,
        tpu.vector_store %arg25[%swap3A_652, %swap3A_653], %mul3A_651 {strides = array<i32>} : memref<40x128xf32, #tpu.memory_space<vmem>>, vector<16xf32>,
        %slice3A_655 = vector.extract_strided_slice %exp3A {offsets = [1], sizes = [1], strides = [1]} : vector<16xf32> to vector<1xf32>
        %squeeze3A_656 = vector.extract %slice3A_655[0] : f32 from vector<1xf32>
        %mul3A_657 = vector.broadcast %squeeze3A_656 : f32 to vector<16xf32>
        %mul3A_658 = arith.mulf %mul3A_657, %bitcast3A_649 : vector<16xf32>
        %swap3A_659 = arith.index_cast %add3A_637 : i32 to index
        %swap3A_660 = arith.constant 16 : index
        %swap3A_661 = tpu.vector_load %arg25[%swap3A_659, %swap3A_660] {strides = array<i32>} : memref<40x128xf32, #tpu.memory_space<vmem>>, vector<16xf32>,
        tpu.vector_store %arg25[%swap3A_659, %swap3A_660], %mul3A_658 {strides = array<i32>} : memref<40x128xf32, #tpu.memory_space<vmem>>, vector<16xf32>,
        %get3A_662 = arith.index_cast %add3A_637 : i32 to index
        %get3A_663 = arith.constant 80 : index
        %get3A_664 = tpu.vector_load %arg18[%get3A_662, %get3A_663] {strides = array<i32>} : memref<40x128xi32, #tpu.memory_space<vmem>>, vector<16xi32>,
        %bitcast3A_665 = vector.bitcast %get3A_664 : vector<16xi32> to vector<32xbf16>
        %add3A_666 = arith.addf %bitcast3A_665, %bitcast3A_307 : vector<32xbf16>
        %bitcast3A_667 = vector.bitcast %add3A_666 : vector<32xbf16> to vector<16xi32>
        %shift_left3A_668 = arith.constant 16 : i32
        %shift_left3A_669 = vector.broadcast %shift_left3A_668 : i32 to vector<16xi32>
        %shift_left3A_670 = arith.shli %bitcast3A_667, %shift_left3A_669 : vector<16xi32>
        %bitcast3A_671 = vector.bitcast %shift_left3A_670 : vector<16xi32> to vector<16xf32>
        %and3A_672 = arith.andi %bitcast3A_667, %broadcast_in_dim3A_6 : vector<16xi32>
        %bitcast3A_673 = vector.bitcast %and3A_672 : vector<16xi32> to vector<16xf32>
        %slice3A_674 = vector.extract_strided_slice %exp3A {offsets = [2], sizes = [1], strides = [1]} : vector<16xf32> to vector<1xf32>
        %squeeze3A_675 = vector.extract %slice3A_674[0] : f32 from vector<1xf32>
        %mul3A_676 = vector.broadcast %squeeze3A_675 : f32 to vector<16xf32>
        %mul3A_677 = arith.mulf %mul3A_676, %bitcast3A_671 : vector<16xf32>
        %swap3A_678 = arith.index_cast %add3A_637 : i32 to index
        %swap3A_679 = arith.constant 32 : index
        %swap3A_680 = tpu.vector_load %arg25[%swap3A_678, %swap3A_679] {strides = array<i32>} : memref<40x128xf32, #tpu.memory_space<vmem>>, vector<16xf32>,
        tpu.vector_store %arg25[%swap3A_678, %swap3A_679], %mul3A_677 {strides = array<i32>} : memref<40x128xf32, #tpu.memory_space<vmem>>, vector<16xf32>,
        %slice3A_681 = vector.extract_strided_slice %exp3A {offsets = [3], sizes = [1], strides = [1]} : vector<16xf32> to vector<1xf32>
        %squeeze3A_682 = vector.extract %slice3A_681[0] : f32 from vector<1xf32>
        %mul3A_683 = vector.broadcast %squeeze3A_682 : f32 to vector<16xf32>
        %mul3A_684 = arith.mulf %mul3A_683, %bitcast3A_673 : vector<16xf32>
        %swap3A_685 = arith.index_cast %add3A_637 : i32 to index
        %swap3A_686 = arith.constant 48 : index
        %swap3A_687 = tpu.vector_load %arg25[%swap3A_685, %swap3A_686] {strides = array<i32>} : memref<40x128xf32, #tpu.memory_space<vmem>>, vector<16xf32>,
        tpu.vector_store %arg25[%swap3A_685, %swap3A_686], %mul3A_684 {strides = array<i32>} : memref<40x128xf32, #tpu.memory_space<vmem>>, vector<16xf32>,
        %get3A_688 = arith.index_cast %add3A_637 : i32 to index
        %get3A_689 = arith.constant 96 : index
        %get3A_690 = tpu.vector_load %arg18[%get3A_688, %get3A_689] {strides = array<i32>} : memref<40x128xi32, #tpu.memory_space<vmem>>, vector<16xi32>,
        %bitcast3A_691 = vector.bitcast %get3A_690 : vector<16xi32> to vector<32xbf16>
        %add3A_692 = arith.addf %bitcast3A_691, %bitcast3A_352 : vector<32xbf16>
        %bitcast3A_693 = vector.bitcast %add3A_692 : vector<32xbf16> to vector<16xi32>
        %shift_left3A_694 = arith.constant 16 : i32
        %shift_left3A_695 = vector.broadcast %shift_left3A_694 : i32 to vector<16xi32>
        %shift_left3A_696 = arith.shli %bitcast3A_693, %shift_left3A_695 : vector<16xi32>
        %bitcast3A_697 = vector.bitcast %shift_left3A_696 : vector<16xi32> to vector<16xf32>
        %and3A_698 = arith.andi %bitcast3A_693, %broadcast_in_dim3A_6 : vector<16xi32>
        %bitcast3A_699 = vector.bitcast %and3A_698 : vector<16xi32> to vector<16xf32>
        %slice3A_700 = vector.extract_strided_slice %exp3A {offsets = [4], sizes = [1], strides = [1]} : vector<16xf32> to vector<1xf32>
        %squeeze3A_701 = vector.extract %slice3A_700[0] : f32 from vector<1xf32>
        %mul3A_702 = vector.broadcast %squeeze3A_701 : f32 to vector<16xf32>
        %mul3A_703 = arith.mulf %mul3A_702, %bitcast3A_697 : vector<16xf32>
        %swap3A_704 = arith.index_cast %add3A_637 : i32 to index
        %swap3A_705 = arith.constant 64 : index
        %swap3A_706 = tpu.vector_load %arg25[%swap3A_704, %swap3A_705] {strides = array<i32>} : memref<40x128xf32, #tpu.memory_space<vmem>>, vector<16xf32>,
        tpu.vector_store %arg25[%swap3A_704, %swap3A_705], %mul3A_703 {strides = array<i32>} : memref<40x128xf32, #tpu.memory_space<vmem>>, vector<16xf32>,
        %slice3A_707 = vector.extract_strided_slice %exp3A {offsets = [5], sizes = [1], strides = [1]} : vector<16xf32> to vector<1xf32>
        %squeeze3A_708 = vector.extract %slice3A_707[0] : f32 from vector<1xf32>
        %mul3A_709 = vector.broadcast %squeeze3A_708 : f32 to vector<16xf32>
        %mul3A_710 = arith.mulf %mul3A_709, %bitcast3A_699 : vector<16xf32>
        %swap3A_711 = arith.index_cast %add3A_637 : i32 to index
        %swap3A_712 = arith.constant 80 : index
        %swap3A_713 = tpu.vector_load %arg25[%swap3A_711, %swap3A_712] {strides = array<i32>} : memref<40x128xf32, #tpu.memory_space<vmem>>, vector<16xf32>,
        tpu.vector_store %arg25[%swap3A_711, %swap3A_712], %mul3A_710 {strides = array<i32>} : memref<40x128xf32, #tpu.memory_space<vmem>>, vector<16xf32>,
        %get3A_714 = arith.index_cast %add3A_637 : i32 to index
        %get3A_715 = arith.constant 112 : index
        %get3A_716 = tpu.vector_load %arg18[%get3A_714, %get3A_715] {strides = array<i32>} : memref<40x128xi32, #tpu.memory_space<vmem>>, vector<16xi32>,
        %bitcast3A_717 = vector.bitcast %get3A_716 : vector<16xi32> to vector<32xbf16>
        %add3A_718 = arith.addf %bitcast3A_717, %bitcast3A_397 : vector<32xbf16>
        %bitcast3A_719 = vector.bitcast %add3A_718 : vector<32xbf16> to vector<16xi32>
        %shift_left3A_720 = arith.constant 16 : i32
        %shift_left3A_721 = vector.broadcast %shift_left3A_720 : i32 to vector<16xi32>
        %shift_left3A_722 = arith.shli %bitcast3A_719, %shift_left3A_721 : vector<16xi32>
        %bitcast3A_723 = vector.bitcast %shift_left3A_722 : vector<16xi32> to vector<16xf32>
        %and3A_724 = arith.andi %bitcast3A_719, %broadcast_in_dim3A_6 : vector<16xi32>
        %bitcast3A_725 = vector.bitcast %and3A_724 : vector<16xi32> to vector<16xf32>
        %slice3A_726 = vector.extract_strided_slice %exp3A {offsets = [6], sizes = [1], strides = [1]} : vector<16xf32> to vector<1xf32>
        %squeeze3A_727 = vector.extract %slice3A_726[0] : f32 from vector<1xf32>
        %mul3A_728 = vector.broadcast %squeeze3A_727 : f32 to vector<16xf32>
        %mul3A_729 = arith.mulf %mul3A_728, %bitcast3A_723 : vector<16xf32>
        %swap3A_730 = arith.index_cast %add3A_637 : i32 to index
        %swap3A_731 = arith.constant 96 : index
        %swap3A_732 = tpu.vector_load %arg25[%swap3A_730, %swap3A_731] {strides = array<i32>} : memref<40x128xf32, #tpu.memory_space<vmem>>, vector<16xf32>,
        tpu.vector_store %arg25[%swap3A_730, %swap3A_731], %mul3A_729 {strides = array<i32>} : memref<40x128xf32, #tpu.memory_space<vmem>>, vector<16xf32>,
        %slice3A_733 = vector.extract_strided_slice %exp3A {offsets = [7], sizes = [1], strides = [1]} : vector<16xf32> to vector<1xf32>
        %squeeze3A_734 = vector.extract %slice3A_733[0] : f32 from vector<1xf32>
        %mul3A_735 = vector.broadcast %squeeze3A_734 : f32 to vector<16xf32>
        %mul3A_736 = arith.mulf %mul3A_735, %bitcast3A_725 : vector<16xf32>
        %swap3A_737 = arith.index_cast %add3A_637 : i32 to index
        %swap3A_738 = arith.constant 112 : index
        %swap3A_739 = tpu.vector_load %arg25[%swap3A_737, %swap3A_738] {strides = array<i32>} : memref<40x128xf32, #tpu.memory_space<vmem>>, vector<16xf32>,
        tpu.vector_store %arg25[%swap3A_737, %swap3A_738], %mul3A_736 {strides = array<i32>} : memref<40x128xf32, #tpu.memory_space<vmem>>, vector<16xf32>,
        %mul3A_740 = arith.constant 2 : i32
        %mul3A_741 = arith.muli %mul3A_740, %scan3A_259 : i32
        %add3A_742 = arith.constant 1 : i32
        %add3A_743 = arith.addi %mul3A_741, %add3A_742 : i32
        %get3A_744 = arith.index_cast %add3A_743 : i32 to index
        %get3A_745 = arith.constant 64 : index
        %get3A_746 = tpu.vector_load %arg18[%get3A_744, %get3A_745] {strides = array<i32>} : memref<40x128xi32, #tpu.memory_space<vmem>>, vector<16xi32>,
        %bitcast3A_747 = vector.bitcast %get3A_746 : vector<16xi32> to vector<32xbf16>
        %add3A_748 = arith.addf %bitcast3A_747, %bitcast3A_446 : vector<32xbf16>
        %bitcast3A_749 = vector.bitcast %add3A_748 : vector<32xbf16> to vector<16xi32>
        %shift_left3A_750 = arith.constant 16 : i32
        %shift_left3A_751 = vector.broadcast %shift_left3A_750 : i32 to vector<16xi32>
        %shift_left3A_752 = arith.shli %bitcast3A_749, %shift_left3A_751 : vector<16xi32>
        %bitcast3A_753 = vector.bitcast %shift_left3A_752 : vector<16xi32> to vector<16xf32>
        %and3A_754 = arith.andi %bitcast3A_749, %broadcast_in_dim3A_6 : vector<16xi32>
        %bitcast3A_755 = vector.bitcast %and3A_754 : vector<16xi32> to vector<16xf32>
        %slice3A_756 = vector.extract_strided_slice %exp3A {offsets = [8], sizes = [1], strides = [1]} : vector<16xf32> to vector<1xf32>
        %squeeze3A_757 = vector.extract %slice3A_756[0] : f32 from vector<1xf32>
        %mul3A_758 = vector.broadcast %squeeze3A_757 : f32 to vector<16xf32>
        %mul3A_759 = arith.mulf %mul3A_758, %bitcast3A_753 : vector<16xf32>
        %swap3A_760 = arith.index_cast %add3A_743 : i32 to index
        %swap3A_761 = arith.constant 0 : index
        %swap3A_762 = tpu.vector_load %arg25[%swap3A_760, %swap3A_761] {strides = array<i32>} : memref<40x128xf32, #tpu.memory_space<vmem>>, vector<16xf32>,
        tpu.vector_store %arg25[%swap3A_760, %swap3A_761], %mul3A_759 {strides = array<i32>} : memref<40x128xf32, #tpu.memory_space<vmem>>, vector<16xf32>,
        %slice3A_763 = vector.extract_strided_slice %exp3A {offsets = [9], sizes = [1], strides = [1]} : vector<16xf32> to vector<1xf32>
        %squeeze3A_764 = vector.extract %slice3A_763[0] : f32 from vector<1xf32>
        %mul3A_765 = vector.broadcast %squeeze3A_764 : f32 to vector<16xf32>
        %mul3A_766 = arith.mulf %mul3A_765, %bitcast3A_755 : vector<16xf32>
        %swap3A_767 = arith.index_cast %add3A_743 : i32 to index
        %swap3A_768 = arith.constant 16 : index
        %swap3A_769 = tpu.vector_load %arg25[%swap3A_767, %swap3A_768] {strides = array<i32>} : memref<40x128xf32, #tpu.memory_space<vmem>>, vector<16xf32>,
        tpu.vector_store %arg25[%swap3A_767, %swap3A_768], %mul3A_766 {strides = array<i32>} : memref<40x128xf32, #tpu.memory_space<vmem>>, vector<16xf32>,
        %get3A_770 = arith.index_cast %add3A_743 : i32 to index
        %get3A_771 = arith.constant 80 : index
        %get3A_772 = tpu.vector_load %arg18[%get3A_770, %get3A_771] {strides = array<i32>} : memref<40x128xi32, #tpu.memory_space<vmem>>, vector<16xi32>,
        %bitcast3A_773 = vector.bitcast %get3A_772 : vector<16xi32> to vector<32xbf16>
        %add3A_774 = arith.addf %bitcast3A_773, %bitcast3A_491 : vector<32xbf16>
        %bitcast3A_775 = vector.bitcast %add3A_774 : vector<32xbf16> to vector<16xi32>
        %shift_left3A_776 = arith.constant 16 : i32
        %shift_left3A_777 = vector.broadcast %shift_left3A_776 : i32 to vector<16xi32>
        %shift_left3A_778 = arith.shli %bitcast3A_775, %shift_left3A_777 : vector<16xi32>
        %bitcast3A_779 = vector.bitcast %shift_left3A_778 : vector<16xi32> to vector<16xf32>
        %and3A_780 = arith.andi %bitcast3A_775, %broadcast_in_dim3A_6 : vector<16xi32>
        %bitcast3A_781 = vector.bitcast %and3A_780 : vector<16xi32> to vector<16xf32>
        %slice3A_782 = vector.extract_strided_slice %exp3A {offsets = [10], sizes = [1], strides = [1]} : vector<16xf32> to vector<1xf32>
        %squeeze3A_783 = vector.extract %slice3A_782[0] : f32 from vector<1xf32>
        %mul3A_784 = vector.broadcast %squeeze3A_783 : f32 to vector<16xf32>
        %mul3A_785 = arith.mulf %mul3A_784, %bitcast3A_779 : vector<16xf32>
        %swap3A_786 = arith.index_cast %add3A_743 : i32 to index
        %swap3A_787 = arith.constant 32 : index
        %swap3A_788 = tpu.vector_load %arg25[%swap3A_786, %swap3A_787] {strides = array<i32>} : memref<40x128xf32, #tpu.memory_space<vmem>>, vector<16xf32>,
        tpu.vector_store %arg25[%swap3A_786, %swap3A_787], %mul3A_785 {strides = array<i32>} : memref<40x128xf32, #tpu.memory_space<vmem>>, vector<16xf32>,
        %slice3A_789 = vector.extract_strided_slice %exp3A {offsets = [11], sizes = [1], strides = [1]} : vector<16xf32> to vector<1xf32>
        %squeeze3A_790 = vector.extract %slice3A_789[0] : f32 from vector<1xf32>
        %mul3A_791 = vector.broadcast %squeeze3A_790 : f32 to vector<16xf32>
        %mul3A_792 = arith.mulf %mul3A_791, %bitcast3A_781 : vector<16xf32>
        %swap3A_793 = arith.index_cast %add3A_743 : i32 to index
        %swap3A_794 = arith.constant 48 : index
        %swap3A_795 = tpu.vector_load %arg25[%swap3A_793, %swap3A_794] {strides = array<i32>} : memref<40x128xf32, #tpu.memory_space<vmem>>, vector<16xf32>,
        tpu.vector_store %arg25[%swap3A_793, %swap3A_794], %mul3A_792 {strides = array<i32>} : memref<40x128xf32, #tpu.memory_space<vmem>>, vector<16xf32>,
        %get3A_796 = arith.index_cast %add3A_743 : i32 to index
        %get3A_797 = arith.constant 96 : index
        %get3A_798 = tpu.vector_load %arg18[%get3A_796, %get3A_797] {strides = array<i32>} : memref<40x128xi32, #tpu.memory_space<vmem>>, vector<16xi32>,
        %bitcast3A_799 = vector.bitcast %get3A_798 : vector<16xi32> to vector<32xbf16>
        %add3A_800 = arith.addf %bitcast3A_799, %bitcast3A_536 : vector<32xbf16>
        %bitcast3A_801 = vector.bitcast %add3A_800 : vector<32xbf16> to vector<16xi32>
        %shift_left3A_802 = arith.constant 16 : i32
        %shift_left3A_803 = vector.broadcast %shift_left3A_802 : i32 to vector<16xi32>
        %shift_left3A_804 = arith.shli %bitcast3A_801, %shift_left3A_803 : vector<16xi32>
        %bitcast3A_805 = vector.bitcast %shift_left3A_804 : vector<16xi32> to vector<16xf32>
        %and3A_806 = arith.andi %bitcast3A_801, %broadcast_in_dim3A_6 : vector<16xi32>
        %bitcast3A_807 = vector.bitcast %and3A_806 : vector<16xi32> to vector<16xf32>
        %slice3A_808 = vector.extract_strided_slice %exp3A {offsets = [12], sizes = [1], strides = [1]} : vector<16xf32> to vector<1xf32>
        %squeeze3A_809 = vector.extract %slice3A_808[0] : f32 from vector<1xf32>
        %mul3A_810 = vector.broadcast %squeeze3A_809 : f32 to vector<16xf32>
        %mul3A_811 = arith.mulf %mul3A_810, %bitcast3A_805 : vector<16xf32>
        %swap3A_812 = arith.index_cast %add3A_743 : i32 to index
        %swap3A_813 = arith.constant 64 : index
        %swap3A_814 = tpu.vector_load %arg25[%swap3A_812, %swap3A_813] {strides = array<i32>} : memref<40x128xf32, #tpu.memory_space<vmem>>, vector<16xf32>,
        tpu.vector_store %arg25[%swap3A_812, %swap3A_813], %mul3A_811 {strides = array<i32>} : memref<40x128xf32, #tpu.memory_space<vmem>>, vector<16xf32>,
        %slice3A_815 = vector.extract_strided_slice %exp3A {offsets = [13], sizes = [1], strides = [1]} : vector<16xf32> to vector<1xf32>
        %squeeze3A_816 = vector.extract %slice3A_815[0] : f32 from vector<1xf32>
        %mul3A_817 = vector.broadcast %squeeze3A_816 : f32 to vector<16xf32>
        %mul3A_818 = arith.mulf %mul3A_817, %bitcast3A_807 : vector<16xf32>
        %swap3A_819 = arith.index_cast %add3A_743 : i32 to index
        %swap3A_820 = arith.constant 80 : index
        %swap3A_821 = tpu.vector_load %arg25[%swap3A_819, %swap3A_820] {strides = array<i32>} : memref<40x128xf32, #tpu.memory_space<vmem>>, vector<16xf32>,
        tpu.vector_store %arg25[%swap3A_819, %swap3A_820], %mul3A_818 {strides = array<i32>} : memref<40x128xf32, #tpu.memory_space<vmem>>, vector<16xf32>,
        %get3A_822 = arith.index_cast %add3A_743 : i32 to index
        %get3A_823 = arith.constant 112 : index
        %get3A_824 = tpu.vector_load %arg18[%get3A_822, %get3A_823] {strides = array<i32>} : memref<40x128xi32, #tpu.memory_space<vmem>>, vector<16xi32>,
        %bitcast3A_825 = vector.bitcast %get3A_824 : vector<16xi32> to vector<32xbf16>
        %add3A_826 = arith.addf %bitcast3A_825, %bitcast3A_581 : vector<32xbf16>
        %bitcast3A_827 = vector.bitcast %add3A_826 : vector<32xbf16> to vector<16xi32>
        %shift_left3A_828 = arith.constant 16 : i32
        %shift_left3A_829 = vector.broadcast %shift_left3A_828 : i32 to vector<16xi32>
        %shift_left3A_830 = arith.shli %bitcast3A_827, %shift_left3A_829 : vector<16xi32>
        %bitcast3A_831 = vector.bitcast %shift_left3A_830 : vector<16xi32> to vector<16xf32>
        %and3A_832 = arith.andi %bitcast3A_827, %broadcast_in_dim3A_6 : vector<16xi32>
        %bitcast3A_833 = vector.bitcast %and3A_832 : vector<16xi32> to vector<16xf32>
        %slice3A_834 = vector.extract_strided_slice %exp3A {offsets = [14], sizes = [1], strides = [1]} : vector<16xf32> to vector<1xf32>
        %squeeze3A_835 = vector.extract %slice3A_834[0] : f32 from vector<1xf32>
        %mul3A_836 = vector.broadcast %squeeze3A_835 : f32 to vector<16xf32>
        %mul3A_837 = arith.mulf %mul3A_836, %bitcast3A_831 : vector<16xf32>
        %swap3A_838 = arith.index_cast %add3A_743 : i32 to index
        %swap3A_839 = arith.constant 96 : index
        %swap3A_840 = tpu.vector_load %arg25[%swap3A_838, %swap3A_839] {strides = array<i32>} : memref<40x128xf32, #tpu.memory_space<vmem>>, vector<16xf32>,
        tpu.vector_store %arg25[%swap3A_838, %swap3A_839], %mul3A_837 {strides = array<i32>} : memref<40x128xf32, #tpu.memory_space<vmem>>, vector<16xf32>,
        %slice3A_841 = vector.extract_strided_slice %exp3A {offsets = [15], sizes = [1], strides = [1]} : vector<16xf32> to vector<1xf32>
        %squeeze3A_842 = vector.extract %slice3A_841[0] : f32 from vector<1xf32>
        %mul3A_843 = vector.broadcast %squeeze3A_842 : f32 to vector<16xf32>
        %mul3A_844 = arith.mulf %mul3A_843, %bitcast3A_833 : vector<16xf32>
        %swap3A_845 = arith.index_cast %add3A_743 : i32 to index
        %swap3A_846 = arith.constant 112 : index
        %swap3A_847 = tpu.vector_load %arg25[%swap3A_845, %swap3A_846] {strides = array<i32>} : memref<40x128xf32, #tpu.memory_space<vmem>>, vector<16xf32>,
        tpu.vector_store %arg25[%swap3A_845, %swap3A_846], %mul3A_844 {strides = array<i32>} : memref<40x128xf32, #tpu.memory_space<vmem>>, vector<16xf32>,
        %mul3A_848 = arith.constant 16 : i32
        %mul3A_849 = arith.muli %scan3A_259, %mul3A_848 : i32
        %get3A_850 = arith.index_cast %mul3A_849 : i32 to index
        %get3A_851 = tpu.vector_load %arg23[%get3A_850] {strides = array<i32>} : memref<344xf32, #tpu.memory_space<vmem>>, vector<16xf32>,
        %mul3A_852 = arith.constant 16 : i32
        %mul3A_853 = arith.muli %scan3A_259, %mul3A_852 : i32
        %add3A_854 = arith.constant 16 : i32
        %add3A_855 = arith.addi %add3A_854, %mul3A_853 : i32
        %get3A_856 = arith.index_cast %add3A_855 : i32 to index
        %get3A_857 = tpu.vector_load %arg23[%get3A_856] {strides = array<i32>} : memref<344xf32, #tpu.memory_space<vmem>>, vector<16xf32>,
        %mul3A_858 = arith.constant 2 : i32
        %mul3A_859 = arith.muli %mul3A_858, %scan3A_259 : i32
        %get3A_860 = arith.index_cast %mul3A_859 : i32 to index
        %get3A_861 = tpu.vector_load %arg13[%get3A_860] {strides = array<i32>} : memref<56xi32, #tpu.memory_space<vmem>>, vector<16xi32>,
        %slice3A_862 = vector.extract_strided_slice %get3A_861 {offsets = [0], sizes = [1], strides = [1]} : vector<16xi32> to vector<1xi32>
        %squeeze3A_863 = vector.extract %slice3A_862[0] : i32 from vector<1xi32>
        %slice3A_864 = vector.extract_strided_slice %get3A_861 {offsets = [1], sizes = [1], strides = [1]} : vector<16xi32> to vector<1xi32>
        %squeeze3A_865 = vector.extract %slice3A_864[0] : i32 from vector<1xi32>
        %swap3A_866 = arith.index_cast %mul3A_629 : i32 to index
        %swap3A_867 = arith.constant 0 : index
        %swap3A_868 = tpu.vector_load %arg27[%swap3A_866, %swap3A_867] {strides = array<i32>} : memref<40x128xf32, #tpu.memory_space<vmem>>, vector<16xf32>,
        tpu.vector_store %arg27[%swap3A_866, %swap3A_867], %broadcast_in_dim3A_4 {strides = array<i32>} : memref<40x128xf32, #tpu.memory_space<vmem>>, vector<16xf32>,
        %swap3A_869 = arith.index_cast %add3A_633 : i32 to index
        %swap3A_870 = arith.constant 0 : index
        %swap3A_871 = tpu.vector_load %arg27[%swap3A_869, %swap3A_870] {strides = array<i32>} : memref<40x128xf32, #tpu.memory_space<vmem>>, vector<16xf32>,
        tpu.vector_store %arg27[%swap3A_869, %swap3A_870], %broadcast_in_dim3A_4 {strides = array<i32>} : memref<40x128xf32, #tpu.memory_space<vmem>>, vector<16xf32>,
        %swap3A_872 = arith.index_cast %mul3A_629 : i32 to index
        %swap3A_873 = arith.constant 16 : index
        %swap3A_874 = tpu.vector_load %arg27[%swap3A_872, %swap3A_873] {strides = array<i32>} : memref<40x128xf32, #tpu.memory_space<vmem>>, vector<16xf32>,
        tpu.vector_store %arg27[%swap3A_872, %swap3A_873], %broadcast_in_dim3A_4 {strides = array<i32>} : memref<40x128xf32, #tpu.memory_space<vmem>>, vector<16xf32>,
        %swap3A_875 = arith.index_cast %add3A_633 : i32 to index
        %swap3A_876 = arith.constant 16 : index
        %swap3A_877 = tpu.vector_load %arg27[%swap3A_875, %swap3A_876] {strides = array<i32>} : memref<40x128xf32, #tpu.memory_space<vmem>>, vector<16xf32>,
        tpu.vector_store %arg27[%swap3A_875, %swap3A_876], %broadcast_in_dim3A_4 {strides = array<i32>} : memref<40x128xf32, #tpu.memory_space<vmem>>, vector<16xf32>,
        %swap3A_878 = arith.index_cast %mul3A_629 : i32 to index
        %swap3A_879 = arith.constant 32 : index
        %swap3A_880 = tpu.vector_load %arg27[%swap3A_878, %swap3A_879] {strides = array<i32>} : memref<40x128xf32, #tpu.memory_space<vmem>>, vector<16xf32>,
        tpu.vector_store %arg27[%swap3A_878, %swap3A_879], %broadcast_in_dim3A_4 {strides = array<i32>} : memref<40x128xf32, #tpu.memory_space<vmem>>, vector<16xf32>,
        %swap3A_881 = arith.index_cast %add3A_633 : i32 to index
        %swap3A_882 = arith.constant 32 : index
        %swap3A_883 = tpu.vector_load %arg27[%swap3A_881, %swap3A_882] {strides = array<i32>} : memref<40x128xf32, #tpu.memory_space<vmem>>, vector<16xf32>,
        tpu.vector_store %arg27[%swap3A_881, %swap3A_882], %broadcast_in_dim3A_4 {strides = array<i32>} : memref<40x128xf32, #tpu.memory_space<vmem>>, vector<16xf32>,
        %swap3A_884 = arith.index_cast %mul3A_629 : i32 to index
        %swap3A_885 = arith.constant 48 : index
        %swap3A_886 = tpu.vector_load %arg27[%swap3A_884, %swap3A_885] {strides = array<i32>} : memref<40x128xf32, #tpu.memory_space<vmem>>, vector<16xf32>,
        tpu.vector_store %arg27[%swap3A_884, %swap3A_885], %broadcast_in_dim3A_4 {strides = array<i32>} : memref<40x128xf32, #tpu.memory_space<vmem>>, vector<16xf32>,
        %swap3A_887 = arith.index_cast %add3A_633 : i32 to index
        %swap3A_888 = arith.constant 48 : index
        %swap3A_889 = tpu.vector_load %arg27[%swap3A_887, %swap3A_888] {strides = array<i32>} : memref<40x128xf32, #tpu.memory_space<vmem>>, vector<16xf32>,
        tpu.vector_store %arg27[%swap3A_887, %swap3A_888], %broadcast_in_dim3A_4 {strides = array<i32>} : memref<40x128xf32, #tpu.memory_space<vmem>>, vector<16xf32>,
        %swap3A_890 = arith.index_cast %mul3A_629 : i32 to index
        %swap3A_891 = arith.constant 64 : index
        %swap3A_892 = tpu.vector_load %arg27[%swap3A_890, %swap3A_891] {strides = array<i32>} : memref<40x128xf32, #tpu.memory_space<vmem>>, vector<16xf32>,
        tpu.vector_store %arg27[%swap3A_890, %swap3A_891], %broadcast_in_dim3A_4 {strides = array<i32>} : memref<40x128xf32, #tpu.memory_space<vmem>>, vector<16xf32>,
        %swap3A_893 = arith.index_cast %add3A_633 : i32 to index
        %swap3A_894 = arith.constant 64 : index
        %swap3A_895 = tpu.vector_load %arg27[%swap3A_893, %swap3A_894] {strides = array<i32>} : memref<40x128xf32, #tpu.memory_space<vmem>>, vector<16xf32>,
        tpu.vector_store %arg27[%swap3A_893, %swap3A_894], %broadcast_in_dim3A_4 {strides = array<i32>} : memref<40x128xf32, #tpu.memory_space<vmem>>, vector<16xf32>,
        %swap3A_896 = arith.index_cast %mul3A_629 : i32 to index
        %swap3A_897 = arith.constant 80 : index
        %swap3A_898 = tpu.vector_load %arg27[%swap3A_896, %swap3A_897] {strides = array<i32>} : memref<40x128xf32, #tpu.memory_space<vmem>>, vector<16xf32>,
        tpu.vector_store %arg27[%swap3A_896, %swap3A_897], %broadcast_in_dim3A_4 {strides = array<i32>} : memref<40x128xf32, #tpu.memory_space<vmem>>, vector<16xf32>,
        %swap3A_899 = arith.index_cast %add3A_633 : i32 to index
        %swap3A_900 = arith.constant 80 : index
        %swap3A_901 = tpu.vector_load %arg27[%swap3A_899, %swap3A_900] {strides = array<i32>} : memref<40x128xf32, #tpu.memory_space<vmem>>, vector<16xf32>,
        tpu.vector_store %arg27[%swap3A_899, %swap3A_900], %broadcast_in_dim3A_4 {strides = array<i32>} : memref<40x128xf32, #tpu.memory_space<vmem>>, vector<16xf32>,
        %swap3A_902 = arith.index_cast %mul3A_629 : i32 to index
        %swap3A_903 = arith.constant 96 : index
        %swap3A_904 = tpu.vector_load %arg27[%swap3A_902, %swap3A_903] {strides = array<i32>} : memref<40x128xf32, #tpu.memory_space<vmem>>, vector<16xf32>,
        tpu.vector_store %arg27[%swap3A_902, %swap3A_903], %broadcast_in_dim3A_4 {strides = array<i32>} : memref<40x128xf32, #tpu.memory_space<vmem>>, vector<16xf32>,
        %swap3A_905 = arith.index_cast %add3A_633 : i32 to index
        %swap3A_906 = arith.constant 96 : index
        %swap3A_907 = tpu.vector_load %arg27[%swap3A_905, %swap3A_906] {strides = array<i32>} : memref<40x128xf32, #tpu.memory_space<vmem>>, vector<16xf32>,
        tpu.vector_store %arg27[%swap3A_905, %swap3A_906], %broadcast_in_dim3A_4 {strides = array<i32>} : memref<40x128xf32, #tpu.memory_space<vmem>>, vector<16xf32>,
        %swap3A_908 = arith.index_cast %mul3A_629 : i32 to index
        %swap3A_909 = arith.constant 112 : index
        %swap3A_910 = tpu.vector_load %arg27[%swap3A_908, %swap3A_909] {strides = array<i32>} : memref<40x128xf32, #tpu.memory_space<vmem>>, vector<16xf32>,
        tpu.vector_store %arg27[%swap3A_908, %swap3A_909], %broadcast_in_dim3A_4 {strides = array<i32>} : memref<40x128xf32, #tpu.memory_space<vmem>>, vector<16xf32>,
        %swap3A_911 = arith.index_cast %add3A_633 : i32 to index
        %swap3A_912 = arith.constant 112 : index
        %swap3A_913 = tpu.vector_load %arg27[%swap3A_911, %swap3A_912] {strides = array<i32>} : memref<40x128xf32, #tpu.memory_space<vmem>>, vector<16xf32>,
        tpu.vector_store %arg27[%swap3A_911, %swap3A_912], %broadcast_in_dim3A_4 {strides = array<i32>} : memref<40x128xf32, #tpu.memory_space<vmem>>, vector<16xf32>,
        %and3A_914 = arith.constant 15 : i32
        %and3A_915 = arith.andi %squeeze3A_863, %and3A_914 : i32
        %shift_right_arithmetic3A = arith.constant 1 : i32
        %shift_right_arithmetic3A_916 = arith.shrsi %and3A_915, %shift_right_arithmetic3A : i32
        %and3A_917 = arith.constant 15 : i32
        %and3A_918 = arith.andi %squeeze3A_865, %and3A_917 : i32
        %shift_right_arithmetic3A_919 = arith.constant 1 : i32
        %shift_right_arithmetic3A_920 = arith.shrsi %and3A_918, %shift_right_arithmetic3A_919 : i32
        %and3A_921 = arith.constant 1 : i32
        %and3A_922 = arith.andi %squeeze3A_863, %and3A_921 : i32
        %eq3A_923 = arith.constant 0 : i32
        %eq3A_924 = arith.cmpi eq, %and3A_922, %eq3A_923 : i32
        %jit3A = arith.constant 0.000000e+00 : f32
        %broadcast_in_dim3A_925 = vector.broadcast %jit3A : f32 to vector<16xf32>
        %select_n3A_926 = arith.select %lt3A_2, %exp3A, %broadcast_in_dim3A_925 : vector<16xi1>, vector<16xf32>
        %jit3A_927 = arith.constant 0.000000e+00 : f32
        %broadcast_in_dim3A_928 = vector.broadcast %jit3A_927 : f32 to vector<16xf32>
        %select_n3A_929 = arith.select %not3A_3, %get3A_851, %broadcast_in_dim3A_928 : vector<16xi1>, vector<16xf32>
        %select_n3A_930 = arith.select %eq3A_924, %select_n3A_926, %select_n3A_929 : vector<16xf32>
        %and3A_931 = arith.constant 1 : i32
        %and3A_932 = arith.andi %squeeze3A_865, %and3A_931 : i32
        %eq3A_933 = arith.constant 0 : i32
        %eq3A_934 = arith.cmpi eq, %and3A_932, %eq3A_933 : i32
        %jit3A_935 = arith.constant 0.000000e+00 : f32
        %broadcast_in_dim3A_936 = vector.broadcast %jit3A_935 : f32 to vector<16xf32>
        %select_n3A_937 = arith.select %lt3A_2, %get3A_857, %broadcast_in_dim3A_936 : vector<16xi1>, vector<16xf32>
        %jit3A_938 = arith.constant 0.000000e+00 : f32
        %broadcast_in_dim3A_939 = vector.broadcast %jit3A_938 : f32 to vector<16xf32>
        %select_n3A_940 = arith.select %not3A_3, %exp3A, %broadcast_in_dim3A_939 : vector<16xi1>, vector<16xf32>
        %select_n3A_941 = arith.select %eq3A_934, %select_n3A_937, %select_n3A_940 : vector<16xf32>
        %mul3A_942 = arith.constant 16 : i32
        %mul3A_943 = arith.muli %shift_right_arithmetic3A_916, %mul3A_942 : i32
        %swap3A_944 = arith.index_cast %mul3A_629 : i32 to index
        %swap3A_945 = arith.index_cast %mul3A_943 : i32 to index
        %swap3A_946 = tpu.vector_load %arg27[%swap3A_944, %swap3A_945] {strides = array<i32>} : memref<40x128xf32, #tpu.memory_space<vmem>>, vector<16xf32>,
        tpu.vector_store %arg27[%swap3A_944, %swap3A_945], %select_n3A_930 {strides = array<i32>} : memref<40x128xf32, #tpu.memory_space<vmem>>, vector<16xf32>,
        %mul3A_947 = arith.constant 16 : i32
        %mul3A_948 = arith.muli %shift_right_arithmetic3A_920, %mul3A_947 : i32
        %swap3A_949 = arith.index_cast %add3A_633 : i32 to index
        %swap3A_950 = arith.index_cast %mul3A_948 : i32 to index
        %swap3A_951 = tpu.vector_load %arg27[%swap3A_949, %swap3A_950] {strides = array<i32>} : memref<40x128xf32, #tpu.memory_space<vmem>>, vector<16xf32>,
        tpu.vector_store %arg27[%swap3A_949, %swap3A_950], %select_n3A_941 {strides = array<i32>} : memref<40x128xf32, #tpu.memory_space<vmem>>, vector<16xf32>,
        %scan3A_952 = arith.constant 0 : i32
        scf.yield %scan3A_952 : i32
      }
      %scan3A_139 = arith.constant 20 : i32
      %mul3A_140 = arith.constant 40 : i32
      %mul3A_141 = arith.muli %add3A_66, %mul3A_140 : i32
      %add3A_142 = arith.addi %mul3A_12, %mul3A_141 : i32
      %multiple_of3A_143 = tpu.assume_multiple %add3A_142, 8 : i32
      %mul3A_144 = arith.constant 8 : i32
      %mul3A_145 = arith.muli %multiple_of3A_143, %mul3A_144 : i32
      %dma_start3A_146 = arith.constant 8 : i32
      %dma_start3A_147 = tpu.memref_slice %arg23[%dma_start3A_146] : memref<344xf32, #tpu.memory_space<vmem>> -> memref<320xf32, #tpu.memory_space<vmem>>
      %dma_start3A_148 = tpu.memref_slice %arg8[%mul3A_145] : memref<2560000xf32, #tpu.memory_space<hbm>> -> memref<320xf32, #tpu.memory_space<hbm>>
      %dma_start3A_149 = tpu.memref_slice %arg8[%mul3A_145] : memref<2560000xf32, #tpu.memory_space<hbm>> -> memref<320xf32, #tpu.memory_space<hbm>>
      %dma_start3A_150 = arith.constant 8 : i32
      %dma_start3A_151 = tpu.memref_slice %arg23[%dma_start3A_150] : memref<344xf32, #tpu.memory_space<vmem>> -> memref<320xf32, #tpu.memory_space<vmem>>
      tpu.enqueue_dma source(%dma_start3A_151 : memref<320xf32, #tpu.memory_space<vmem>>) target(%dma_start3A_149 : memref<320xf32, #tpu.memory_space<hbm>>) target_semaphore(%arg33 : memref<!tpu.dma_semaphore, #tpu.memory_space<semaphore_mem>>)
      %dma_start3A_152 = arith.constant 0 : i32
      %dma_start3A_153 = arith.constant 0 : i32
      %dma_start3A_154 = tpu.memref_slice %arg29[%dma_start3A_152, %dma_start3A_153] : memref<10240x128xf32, #tpu.memory_space<vmem_shared>> -> memref<10240x128xf32, #tpu.memory_space<vmem_shared>>
      tpu.enqueue_indirect_dma source(%arg25 : memref<40x128xf32, #tpu.memory_space<vmem>>) target(%dma_start3A_154 : memref<10240x128xf32, #tpu.memory_space<vmem_shared>>) offsets(%arg26 : memref<40xi32, #tpu.memory_space<vmem>>) semaphore(%arg35 : memref<!tpu.dma_semaphore, #tpu.memory_space<semaphore_mem>>) {add = true}
      %dma_start3A_155 = arith.constant 0 : i32
      %dma_start3A_156 = arith.constant 0 : i32
      %dma_start3A_157 = tpu.memref_slice %arg30[%dma_start3A_155, %dma_start3A_156] : memref<640x128xf32, #tpu.memory_space<vmem_shared>> -> memref<640x128xf32, #tpu.memory_space<vmem_shared>>
      tpu.enqueue_indirect_dma source(%arg27 : memref<40x128xf32, #tpu.memory_space<vmem>>) target(%dma_start3A_157 : memref<640x128xf32, #tpu.memory_space<vmem_shared>>) offsets(%arg28 : memref<40xi32, #tpu.memory_space<vmem>>) semaphore(%arg35 : memref<!tpu.dma_semaphore, #tpu.memory_space<semaphore_mem>>) {add = true}
      %mul3A_158 = arith.constant 2 : i32
      %mul3A_159 = arith.muli %mul3A_158, %scan3A_61 : i32
      %add3A_160 = arith.constant 1 : i32
      %add3A_161 = arith.addi %mul3A_159, %add3A_160 : i32
      %add3A_162 = arith.constant 1 : i32
      %add3A_163 = arith.addi %add3A_161, %add3A_162 : i32
      %lt3A_164 = arith.constant 250 : i32
      %lt3A_165 = arith.cmpi slt, %add3A_163, %lt3A_164 : i32
      %convert_element_type3A_166 = arith.extui %lt3A_165 : i1 to i32
      %cond3A_167 = arith.constant 0 : i32
      %cond3A_168 = arith.cmpi ne, %convert_element_type3A_166, %cond3A_167 : i32
      scf.if %cond3A_168 {
        %add3A_259 = arith.constant 1 : i32
        %add3A_260 = arith.addi %add3A_161, %add3A_259 : i32
        %mul3A_261 = arith.constant 40 : i32
        %mul3A_262 = arith.muli %add3A_260, %mul3A_261 : i32
        %add3A_263 = arith.addi %mul3A_12, %mul3A_262 : i32
        %multiple_of3A_264 = tpu.assume_multiple %add3A_263, 8 : i32
        "tpu.region"() ({
          %run_scoped3A = tpu.sem_alloc : memref<!tpu.dma_semaphore, #tpu.memory_space<semaphore_mem>>
          %dma_start3A_281 = tpu.memref_slice %arg5[%multiple_of3A_264] : memref<320000xi32, #tpu.memory_space<hbm>> -> memref<40xi32, #tpu.memory_space<hbm>>
          %dma_start3A_282 = tpu.memref_slice %arg5[%multiple_of3A_264] : memref<320000xi32, #tpu.memory_space<hbm>> -> memref<40xi32, #tpu.memory_space<hbm>>
          tpu.enqueue_dma source(%dma_start3A_282 : memref<40xi32, #tpu.memory_space<hbm>>) target(%arg11 : memref<40xi32, #tpu.memory_space<vmem>>) target_semaphore(%run_scoped3A : memref<!tpu.dma_semaphore, #tpu.memory_space<semaphore_mem>>)
          %dma_wait3A_283 = tpu.memref_slice %arg5[%multiple_of3A_264] : memref<320000xi32, #tpu.memory_space<hbm>> -> memref<40xi32, #tpu.memory_space<hbm>>
          %dma_wait3A_284 = tpu.memref_slice %arg5[%multiple_of3A_264] : memref<320000xi32, #tpu.memory_space<hbm>> -> memref<40xi32, #tpu.memory_space<hbm>>
          tpu.wait_dma2 semaphore(%run_scoped3A : memref<!tpu.dma_semaphore, #tpu.memory_space<semaphore_mem>>) src(%dma_wait3A_284 : memref<40xi32, #tpu.memory_space<hbm>>) dst(%arg11 : memref<40xi32, #tpu.memory_space<vmem>>)
          tpu.yield
        }) : () -> ()
        "tpu.region"() ({
          %run_scoped3A = tpu.sem_alloc : memref<!tpu.dma_semaphore, #tpu.memory_space<semaphore_mem>>
          %dma_start3A_281 = tpu.memref_slice %arg6[%multiple_of3A_264] : memref<320000xi32, #tpu.memory_space<hbm>> -> memref<40xi32, #tpu.memory_space<hbm>>
          %dma_start3A_282 = tpu.memref_slice %arg6[%multiple_of3A_264] : memref<320000xi32, #tpu.memory_space<hbm>> -> memref<40xi32, #tpu.memory_space<hbm>>
          tpu.enqueue_dma source(%dma_start3A_282 : memref<40xi32, #tpu.memory_space<hbm>>) target(%arg12 : memref<40xi32, #tpu.memory_space<vmem>>) target_semaphore(%run_scoped3A : memref<!tpu.dma_semaphore, #tpu.memory_space<semaphore_mem>>)
          %dma_wait3A_283 = tpu.memref_slice %arg6[%multiple_of3A_264] : memref<320000xi32, #tpu.memory_space<hbm>> -> memref<40xi32, #tpu.memory_space<hbm>>
          %dma_wait3A_284 = tpu.memref_slice %arg6[%multiple_of3A_264] : memref<320000xi32, #tpu.memory_space<hbm>> -> memref<40xi32, #tpu.memory_space<hbm>>
          tpu.wait_dma2 semaphore(%run_scoped3A : memref<!tpu.dma_semaphore, #tpu.memory_space<semaphore_mem>>) src(%dma_wait3A_284 : memref<40xi32, #tpu.memory_space<hbm>>) dst(%arg12 : memref<40xi32, #tpu.memory_space<vmem>>)
          tpu.yield
        }) : () -> ()
        "tpu.region"() ({
          %run_scoped3A = tpu.sem_alloc : memref<!tpu.dma_semaphore, #tpu.memory_space<semaphore_mem>>
          %dma_start3A_281 = arith.constant 0 : i32
          %dma_start3A_282 = tpu.memref_slice %arg13[%dma_start3A_281] : memref<56xi32, #tpu.memory_space<vmem>> -> memref<40xi32, #tpu.memory_space<vmem>>
          %dma_start3A_283 = tpu.memref_slice %arg6[%multiple_of3A_264] : memref<320000xi32, #tpu.memory_space<hbm>> -> memref<40xi32, #tpu.memory_space<hbm>>
          %dma_start3A_284 = arith.constant 0 : i32
          %dma_start3A_285 = tpu.memref_slice %arg13[%dma_start3A_284] : memref<56xi32, #tpu.memory_space<vmem>> -> memref<40xi32, #tpu.memory_space<vmem>>
          %dma_start3A_286 = tpu.memref_slice %arg6[%multiple_of3A_264] : memref<320000xi32, #tpu.memory_space<hbm>> -> memref<40xi32, #tpu.memory_space<hbm>>
          tpu.enqueue_dma source(%dma_start3A_286 : memref<40xi32, #tpu.memory_space<hbm>>) target(%dma_start3A_285 : memref<40xi32, #tpu.memory_space<vmem>>) target_semaphore(%run_scoped3A : memref<!tpu.dma_semaphore, #tpu.memory_space<semaphore_mem>>)
          %dma_wait3A_287 = arith.constant 0 : i32
          %dma_wait3A_288 = tpu.memref_slice %arg13[%dma_wait3A_287] : memref<56xi32, #tpu.memory_space<vmem>> -> memref<40xi32, #tpu.memory_space<vmem>>
          %dma_wait3A_289 = tpu.memref_slice %arg6[%multiple_of3A_264] : memref<320000xi32, #tpu.memory_space<hbm>> -> memref<40xi32, #tpu.memory_space<hbm>>
          %dma_wait3A_290 = arith.constant 0 : i32
          %dma_wait3A_291 = tpu.memref_slice %arg13[%dma_wait3A_290] : memref<56xi32, #tpu.memory_space<vmem>> -> memref<40xi32, #tpu.memory_space<vmem>>
          %dma_wait3A_292 = tpu.memref_slice %arg6[%multiple_of3A_264] : memref<320000xi32, #tpu.memory_space<hbm>> -> memref<40xi32, #tpu.memory_space<hbm>>
          tpu.wait_dma2 semaphore(%run_scoped3A : memref<!tpu.dma_semaphore, #tpu.memory_space<semaphore_mem>>) src(%dma_wait3A_292 : memref<40xi32, #tpu.memory_space<hbm>>) dst(%dma_wait3A_291 : memref<40xi32, #tpu.memory_space<vmem>>)
          tpu.yield
        }) : () -> ()
        %add3A_265 = arith.constant 1 : i32
        %add3A_266 = arith.addi %add3A_161, %add3A_265 : i32
        %mul3A_267 = arith.constant 40 : i32
        %mul3A_268 = arith.muli %add3A_266, %mul3A_267 : i32
        %add3A_269 = arith.addi %mul3A_12, %mul3A_268 : i32
        %multiple_of3A_270 = tpu.assume_multiple %add3A_269, 8 : i32
        %dma_start3A_271 = arith.constant 0 : i32
        %dma_start3A_272 = tpu.memref_slice %arg4[%multiple_of3A_270, %dma_start3A_271] : memref<320000x64xi32, #tpu.memory_space<hbm>> -> memref<40x64xi32, #tpu.memory_space<hbm>>
        %dma_start3A_273 = arith.constant 0 : i32
        %dma_start3A_274 = tpu.memref_slice %arg4[%multiple_of3A_270, %dma_start3A_273] : memref<320000x64xi32, #tpu.memory_space<hbm>> -> memref<40x64xi32, #tpu.memory_space<hbm>>
        tpu.enqueue_dma source(%dma_start3A_274 : memref<40x64xi32, #tpu.memory_space<hbm>>) target(%arg19 : memref<40x64xi32, #tpu.memory_space<vmem>>) target_semaphore(%arg31 : memref<!tpu.dma_semaphore, #tpu.memory_space<semaphore_mem>>)
        %dma_start3A_275 = arith.constant 0 : i32
        %dma_start3A_276 = arith.constant 0 : i32
        %dma_start3A_277 = tpu.memref_slice %arg2[%dma_start3A_275, %dma_start3A_276] : memref<10000x128xi32, #tpu.memory_space<hbm>> -> memref<10000x128xi32, #tpu.memory_space<hbm>>
        tpu.enqueue_indirect_dma source(%dma_start3A_277 : memref<10000x128xi32, #tpu.memory_space<hbm>>) target(%arg17 : memref<40x128xi32, #tpu.memory_space<vmem>>) offsets(%arg12 : memref<40xi32, #tpu.memory_space<vmem>>) semaphore(%arg31 : memref<!tpu.dma_semaphore, #tpu.memory_space<semaphore_mem>>)
        %dma_start3A_278 = arith.constant 0 : i32
        %dma_start3A_279 = arith.constant 0 : i32
        %dma_start3A_280 = tpu.memref_slice %arg3[%dma_start3A_278, %dma_start3A_279] : memref<10000x128xi32, #tpu.memory_space<hbm>> -> memref<10000x128xi32, #tpu.memory_space<hbm>>
        tpu.enqueue_indirect_dma source(%dma_start3A_280 : memref<10000x128xi32, #tpu.memory_space<hbm>>) target(%arg18 : memref<40x128xi32, #tpu.memory_space<vmem>>) offsets(%arg11 : memref<40xi32, #tpu.memory_space<vmem>>) semaphore(%arg31 : memref<!tpu.dma_semaphore, #tpu.memory_space<semaphore_mem>>)
      } else {
      }
      %dma_wait3A_169 = arith.constant 0 : i32
      %dma_wait3A_170 = arith.constant 0 : i32
      %dma_wait3A_171 = tpu.memref_slice %arg4[%dma_wait3A_169, %dma_wait3A_170] : memref<320000x64xi32, #tpu.memory_space<hbm>> -> memref<40x64xi32, #tpu.memory_space<hbm>>
      %dma_wait3A_172 = arith.constant 0 : i32
      %dma_wait3A_173 = arith.constant 0 : i32
      %dma_wait3A_174 = tpu.memref_slice %arg4[%dma_wait3A_172, %dma_wait3A_173] : memref<320000x64xi32, #tpu.memory_space<hbm>> -> memref<40x64xi32, #tpu.memory_space<hbm>>
      tpu.wait_dma2 semaphore(%arg32 : memref<!tpu.dma_semaphore, #tpu.memory_space<semaphore_mem>>) src(%dma_wait3A_174 : memref<40x64xi32, #tpu.memory_space<hbm>>) dst(%arg22 : memref<40x64xi32, #tpu.memory_space<vmem>>)
      %dma_wait3A_175 = arith.constant 0 : i32
      %dma_wait3A_176 = arith.constant 0 : i32
      %dma_wait3A_177 = tpu.memref_slice %arg2[%dma_wait3A_175, %dma_wait3A_176] : memref<10000x128xi32, #tpu.memory_space<hbm>> -> memref<40x128xi32, #tpu.memory_space<hbm>>
      %dma_wait3A_178 = arith.constant 0 : i32
      %dma_wait3A_179 = arith.constant 0 : i32
      %dma_wait3A_180 = tpu.memref_slice %arg2[%dma_wait3A_178, %dma_wait3A_179] : memref<10000x128xi32, #tpu.memory_space<hbm>> -> memref<40x128xi32, #tpu.memory_space<hbm>>
      tpu.wait_dma2 semaphore(%arg32 : memref<!tpu.dma_semaphore, #tpu.memory_space<semaphore_mem>>) src(%dma_wait3A_180 : memref<40x128xi32, #tpu.memory_space<hbm>>) dst(%arg20 : memref<40x128xi32, #tpu.memory_space<vmem>>)
      %dma_wait3A_181 = arith.constant 0 : i32
      %dma_wait3A_182 = arith.constant 0 : i32
      %dma_wait3A_183 = tpu.memref_slice %arg3[%dma_wait3A_181, %dma_wait3A_182] : memref<10000x128xi32, #tpu.memory_space<hbm>> -> memref<40x128xi32, #tpu.memory_space<hbm>>
      %dma_wait3A_184 = arith.constant 0 : i32
      %dma_wait3A_185 = arith.constant 0 : i32
      %dma_wait3A_186 = tpu.memref_slice %arg3[%dma_wait3A_184, %dma_wait3A_185] : memref<10000x128xi32, #tpu.memory_space<hbm>> -> memref<40x128xi32, #tpu.memory_space<hbm>>
      tpu.wait_dma2 semaphore(%arg32 : memref<!tpu.dma_semaphore, #tpu.memory_space<semaphore_mem>>) src(%dma_wait3A_186 : memref<40x128xi32, #tpu.memory_space<hbm>>) dst(%arg21 : memref<40x128xi32, #tpu.memory_space<vmem>>)
      %ge3A_187 = arith.constant 2 : i32
      %ge3A_188 = arith.cmpi sge, %add3A_161, %ge3A_187 : i32
      %convert_element_type3A_189 = arith.extui %ge3A_188 : i1 to i32
      %cond3A_190 = arith.constant 0 : i32
      %cond3A_191 = arith.cmpi ne, %convert_element_type3A_189, %cond3A_190 : i32
      scf.if %cond3A_191 {
        %dma_wait3A_259 = arith.constant 8 : i32
        %dma_wait3A_260 = tpu.memref_slice %arg24[%dma_wait3A_259] : memref<344xf32, #tpu.memory_space<vmem>> -> memref<320xf32, #tpu.memory_space<vmem>>
        %dma_wait3A_261 = arith.constant 0 : i32
        %dma_wait3A_262 = tpu.memref_slice %arg8[%dma_wait3A_261] : memref<2560000xf32, #tpu.memory_space<hbm>> -> memref<320xf32, #tpu.memory_space<hbm>>
        %dma_wait3A_263 = arith.constant 0 : i32
        %dma_wait3A_264 = tpu.memref_slice %arg8[%dma_wait3A_263] : memref<2560000xf32, #tpu.memory_space<hbm>> -> memref<320xf32, #tpu.memory_space<hbm>>
        %dma_wait3A_265 = arith.constant 8 : i32
        %dma_wait3A_266 = tpu.memref_slice %arg24[%dma_wait3A_265] : memref<344xf32, #tpu.memory_space<vmem>> -> memref<320xf32, #tpu.memory_space<vmem>>
        tpu.wait_dma2 semaphore(%arg34 : memref<!tpu.dma_semaphore, #tpu.memory_space<semaphore_mem>>) src(%dma_wait3A_266 : memref<320xf32, #tpu.memory_space<vmem>>) dst(%dma_wait3A_264 : memref<320xf32, #tpu.memory_space<hbm>>)
      } else {
      }
      %ge3A_192 = arith.constant 1 : i32
      %ge3A_193 = arith.cmpi sge, %add3A_161, %ge3A_192 : i32
      %convert_element_type3A_194 = arith.extui %ge3A_193 : i1 to i32
      %cond3A_195 = arith.constant 0 : i32
      %cond3A_196 = arith.cmpi ne, %convert_element_type3A_194, %cond3A_195 : i32
      scf.if %cond3A_196 {
        %dma_wait3A_259 = arith.constant 0 : i32
        %dma_wait3A_260 = arith.constant 0 : i32
        %dma_wait3A_261 = tpu.memref_slice %arg29[%dma_wait3A_259, %dma_wait3A_260] : memref<10240x128xf32, #tpu.memory_space<vmem_shared>> -> memref<40x128xf32, #tpu.memory_space<vmem_shared>>
        %dma_wait3A_262 = arith.constant 0 : i32
        %dma_wait3A_263 = arith.constant 0 : i32
        %dma_wait3A_264 = tpu.memref_slice %arg29[%dma_wait3A_262, %dma_wait3A_263] : memref<10240x128xf32, #tpu.memory_space<vmem_shared>> -> memref<40x128xf32, #tpu.memory_space<vmem_shared>>
        tpu.wait_dma2 semaphore(%arg35 : memref<!tpu.dma_semaphore, #tpu.memory_space<semaphore_mem>>) src(%arg25 : memref<40x128xf32, #tpu.memory_space<vmem>>) dst(%dma_wait3A_264 : memref<40x128xf32, #tpu.memory_space<vmem_shared>>)
        %dma_wait3A_265 = arith.constant 0 : i32
        %dma_wait3A_266 = arith.constant 0 : i32
        %dma_wait3A_267 = tpu.memref_slice %arg30[%dma_wait3A_265, %dma_wait3A_266] : memref<640x128xf32, #tpu.memory_space<vmem_shared>> -> memref<40x128xf32, #tpu.memory_space<vmem_shared>>
        %dma_wait3A_268 = arith.constant 0 : i32
        %dma_wait3A_269 = arith.constant 0 : i32
        %dma_wait3A_270 = tpu.memref_slice %arg30[%dma_wait3A_268, %dma_wait3A_269] : memref<640x128xf32, #tpu.memory_space<vmem_shared>> -> memref<40x128xf32, #tpu.memory_space<vmem_shared>>
        tpu.wait_dma2 semaphore(%arg35 : memref<!tpu.dma_semaphore, #tpu.memory_space<semaphore_mem>>) src(%arg27 : memref<40x128xf32, #tpu.memory_space<vmem>>) dst(%dma_wait3A_270 : memref<40x128xf32, #tpu.memory_space<vmem_shared>>)
      } else {
      }
      %get3A_197 = arith.constant 0 : index
      %get3A_198 = tpu.vector_load %arg16[%get3A_197] {strides = array<i32>} : memref<56xi32, #tpu.memory_space<vmem>>, vector<16xi32>,
      %add3A_199 = arith.constant 0 : i32
      %add3A_200 = vector.broadcast %add3A_199 : i32 to vector<16xi32>
      %add3A_201 = arith.addi %iota3A, %add3A_200 : vector<16xi32>
      tpu.vector_store_idx %arg26[%add3A_201], %get3A_198 : memref<40xi32, #tpu.memory_space<vmem>>[vector<16xi32>], vector<16xi32>,
      %add3A_202 = arith.constant 0 : i32
      %add3A_203 = vector.broadcast %add3A_202 : i32 to vector<16xi32>
      %add3A_204 = arith.addi %iota3A, %add3A_203 : vector<16xi32>
      %shift_right_logical3A_205 = arith.constant 4 : i32
      %shift_right_logical3A_206 = vector.broadcast %shift_right_logical3A_205 : i32 to vector<16xi32>
      %shift_right_logical3A_207 = arith.shrui %get3A_198, %shift_right_logical3A_206 : vector<16xi32>
      tpu.vector_store_idx %arg28[%add3A_204], %shift_right_logical3A_207 : memref<40xi32, #tpu.memory_space<vmem>>[vector<16xi32>], vector<16xi32>,
      %get3A_208 = arith.constant 16 : index
      %get3A_209 = tpu.vector_load %arg16[%get3A_208] {strides = array<i32>} : memref<56xi32, #tpu.memory_space<vmem>>, vector<16xi32>,
      %add3A_210 = arith.constant 16 : i32
      %add3A_211 = vector.broadcast %add3A_210 : i32 to vector<16xi32>
      %add3A_212 = arith.addi %iota3A, %add3A_211 : vector<16xi32>
      tpu.vector_store_idx %arg26[%add3A_212], %get3A_209 : memref<40xi32, #tpu.memory_space<vmem>>[vector<16xi32>], vector<16xi32>,
      %add3A_213 = arith.constant 16 : i32
      %add3A_214 = vector.broadcast %add3A_213 : i32 to vector<16xi32>
      %add3A_215 = arith.addi %iota3A, %add3A_214 : vector<16xi32>
      %shift_right_logical3A_216 = arith.constant 4 : i32
      %shift_right_logical3A_217 = vector.broadcast %shift_right_logical3A_216 : i32 to vector<16xi32>
      %shift_right_logical3A_218 = arith.shrui %get3A_209, %shift_right_logical3A_217 : vector<16xi32>
      tpu.vector_store_idx %arg28[%add3A_215], %shift_right_logical3A_218 : memref<40xi32, #tpu.memory_space<vmem>>[vector<16xi32>], vector<16xi32>,
      %get3A_219 = arith.constant 32 : index
      %get3A_220 = tpu.vector_load %arg16[%get3A_219] {strides = array<i32>} : memref<56xi32, #tpu.memory_space<vmem>>, vector<16xi32>,
      %lt3A_221 = arith.constant 8 : i32
      %lt3A_222 = vector.broadcast %lt3A_221 : i32 to vector<16xi32>
      %lt3A_223 = arith.cmpi slt, %iota3A, %lt3A_222 : vector<16xi32>
      %add3A_224 = arith.constant 32 : i32
      %add3A_225 = vector.broadcast %add3A_224 : i32 to vector<16xi32>
      %add3A_226 = arith.addi %iota3A, %add3A_225 : vector<16xi32>
      tpu.vector_store_idx %arg26[%add3A_226], %get3A_220 masked %lt3A_223 : memref<40xi32, #tpu.memory_space<vmem>>[vector<16xi32>], vector<16xi32>, vector<16xi1>
      %add3A_227 = arith.constant 32 : i32
      %add3A_228 = vector.broadcast %add3A_227 : i32 to vector<16xi32>
      %add3A_229 = arith.addi %iota3A, %add3A_228 : vector<16xi32>
      %shift_right_logical3A_230 = arith.constant 4 : i32
      %shift_right_logical3A_231 = vector.broadcast %shift_right_logical3A_230 : i32 to vector<16xi32>
      %shift_right_logical3A_232 = arith.shrui %get3A_220, %shift_right_logical3A_231 : vector<16xi32>
      tpu.vector_store_idx %arg28[%add3A_229], %shift_right_logical3A_232 masked %lt3A_223 : memref<40xi32, #tpu.memory_space<vmem>>[vector<16xi32>], vector<16xi32>, vector<16xi1>
      %scan3A_233 = arith.constant 0 : i32
      %scan3A_234 = arith.constant 0 : i32
      %scan3A_235 = arith.constant 20 : i32
      %scan3A_236 = arith.addi %scan3A_234, %scan3A_235 : i32
      %scan3A_237 = arith.constant 1 : i32
      %scan3A_238 = scf.for %scan3A_259 = %scan3A_234 to %scan3A_236 step %scan3A_237 iter_args(%scan3A_260 = %scan3A_233) -> (i32)  : i32 {
        %mul3A_261 = arith.constant 2 : i32
        %mul3A_262 = arith.muli %mul3A_261, %scan3A_259 : i32
        %add3A_263 = arith.constant 0 : i32
        %add3A_264 = arith.addi %mul3A_262, %add3A_263 : i32
        %get3A_265 = arith.index_cast %add3A_264 : i32 to index
        %get3A_266 = arith.constant 0 : index
        %get3A_267 = tpu.vector_load %arg22[%get3A_265, %get3A_266] {strides = array<i32>} : memref<40x64xi32, #tpu.memory_space<vmem>>, vector<16xi32>,
        %bitcast3A = vector.bitcast %get3A_267 : vector<16xi32> to vector<32xbf16>
        %get3A_268 = arith.index_cast %add3A_264 : i32 to index
        %get3A_269 = arith.constant 0 : index
        %get3A_270 = tpu.vector_load %arg21[%get3A_268, %get3A_269] {strides = array<i32>} : memref<40x128xi32, #tpu.memory_space<vmem>>, vector<16xi32>,
        %bitcast3A_271 = vector.bitcast %get3A_270 : vector<16xi32> to vector<32xbf16>
        %add3A_272 = arith.addf %bitcast3A_271, %bitcast3A : vector<32xbf16>
        %bitcast3A_273 = vector.bitcast %add3A_272 : vector<32xbf16> to vector<16xi32>
        %shift_left3A = arith.constant 16 : i32
        %shift_left3A_274 = vector.broadcast %shift_left3A : i32 to vector<16xi32>
        %shift_left3A_275 = arith.shli %bitcast3A_273, %shift_left3A_274 : vector<16xi32>
        %bitcast3A_276 = vector.bitcast %shift_left3A_275 : vector<16xi32> to vector<16xf32>
        %and3A = arith.andi %bitcast3A_273, %broadcast_in_dim3A_6 : vector<16xi32>
        %bitcast3A_277 = vector.bitcast %and3A : vector<16xi32> to vector<16xf32>
        %get3A_278 = arith.index_cast %add3A_264 : i32 to index
        %get3A_279 = arith.constant 0 : index
        %get3A_280 = tpu.vector_load %arg20[%get3A_278, %get3A_279] {strides = array<i32>} : memref<40x128xi32, #tpu.memory_space<vmem>>, vector<16xi32>,
        %shift_left3A_281 = arith.constant 16 : i32
        %shift_left3A_282 = vector.broadcast %shift_left3A_281 : i32 to vector<16xi32>
        %shift_left3A_283 = arith.shli %get3A_280, %shift_left3A_282 : vector<16xi32>
        %bitcast3A_284 = vector.bitcast %shift_left3A_283 : vector<16xi32> to vector<16xf32>
        %and3A_285 = arith.andi %get3A_280, %broadcast_in_dim3A_6 : vector<16xi32>
        %bitcast3A_286 = vector.bitcast %and3A_285 : vector<16xi32> to vector<16xf32>
        %mul3A_287 = arith.mulf %bitcast3A_284, %bitcast3A_276 : vector<16xf32>
        %reduce_sum3A = arith.constant true
        %reduce_sum3A_288 = vector.broadcast %reduce_sum3A : i1 to vector<16xi1>
        %reduce_sum3A_289 = tpu.scan <sum>, %mul3A_287 masked %reduce_sum3A_288 : vector<16xf32>, vector<16xi1> -> vector<16xf32>
        %reduce_sum3A_290 = vector.extract %reduce_sum3A_289[15] : f32 from vector<16xf32>
        %mul3A_291 = arith.mulf %bitcast3A_286, %bitcast3A_277 : vector<16xf32>
        %reduce_sum3A_292 = arith.constant true
        %reduce_sum3A_293 = vector.broadcast %reduce_sum3A_292 : i1 to vector<16xi1>
        %reduce_sum3A_294 = tpu.scan <sum>, %mul3A_291 masked %reduce_sum3A_293 : vector<16xf32>, vector<16xi1> -> vector<16xf32>
        %reduce_sum3A_295 = vector.extract %reduce_sum3A_294[15] : f32 from vector<16xf32>
        %eq3A = arith.constant 0 : i32
        %eq3A_296 = vector.broadcast %eq3A : i32 to vector<16xi32>
        %eq3A_297 = arith.cmpi eq, %iota3A, %eq3A_296 : vector<16xi32>
        %broadcast_in_dim3A_298 = vector.broadcast %reduce_sum3A_290 : f32 to vector<16xf32>
        %select_n3A = arith.select %eq3A_297, %broadcast_in_dim3A_298, %broadcast_in_dim3A_4 : vector<16xi1>, vector<16xf32>
        %eq3A_299 = arith.constant 1 : i32
        %eq3A_300 = vector.broadcast %eq3A_299 : i32 to vector<16xi32>
        %eq3A_301 = arith.cmpi eq, %iota3A, %eq3A_300 : vector<16xi32>
        %broadcast_in_dim3A_302 = vector.broadcast %reduce_sum3A_295 : f32 to vector<16xf32>
        %select_n3A_303 = arith.select %eq3A_301, %broadcast_in_dim3A_302, %select_n3A : vector<16xi1>, vector<16xf32>
        %get3A_304 = arith.index_cast %add3A_264 : i32 to index
        %get3A_305 = arith.constant 16 : index
        %get3A_306 = tpu.vector_load %arg22[%get3A_304, %get3A_305] {strides = array<i32>} : memref<40x64xi32, #tpu.memory_space<vmem>>, vector<16xi32>,
        %bitcast3A_307 = vector.bitcast %get3A_306 : vector<16xi32> to vector<32xbf16>
        %get3A_308 = arith.index_cast %add3A_264 : i32 to index
        %get3A_309 = arith.constant 16 : index
        %get3A_310 = tpu.vector_load %arg21[%get3A_308, %get3A_309] {strides = array<i32>} : memref<40x128xi32, #tpu.memory_space<vmem>>, vector<16xi32>,
        %bitcast3A_311 = vector.bitcast %get3A_310 : vector<16xi32> to vector<32xbf16>
        %add3A_312 = arith.addf %bitcast3A_311, %bitcast3A_307 : vector<32xbf16>
        %bitcast3A_313 = vector.bitcast %add3A_312 : vector<32xbf16> to vector<16xi32>
        %shift_left3A_314 = arith.constant 16 : i32
        %shift_left3A_315 = vector.broadcast %shift_left3A_314 : i32 to vector<16xi32>
        %shift_left3A_316 = arith.shli %bitcast3A_313, %shift_left3A_315 : vector<16xi32>
        %bitcast3A_317 = vector.bitcast %shift_left3A_316 : vector<16xi32> to vector<16xf32>
        %and3A_318 = arith.andi %bitcast3A_313, %broadcast_in_dim3A_6 : vector<16xi32>
        %bitcast3A_319 = vector.bitcast %and3A_318 : vector<16xi32> to vector<16xf32>
        %get3A_320 = arith.index_cast %add3A_264 : i32 to index
        %get3A_321 = arith.constant 16 : index
        %get3A_322 = tpu.vector_load %arg20[%get3A_320, %get3A_321] {strides = array<i32>} : memref<40x128xi32, #tpu.memory_space<vmem>>, vector<16xi32>,
        %shift_left3A_323 = arith.constant 16 : i32
        %shift_left3A_324 = vector.broadcast %shift_left3A_323 : i32 to vector<16xi32>
        %shift_left3A_325 = arith.shli %get3A_322, %shift_left3A_324 : vector<16xi32>
        %bitcast3A_326 = vector.bitcast %shift_left3A_325 : vector<16xi32> to vector<16xf32>
        %and3A_327 = arith.andi %get3A_322, %broadcast_in_dim3A_6 : vector<16xi32>
        %bitcast3A_328 = vector.bitcast %and3A_327 : vector<16xi32> to vector<16xf32>
        %mul3A_329 = arith.mulf %bitcast3A_326, %bitcast3A_317 : vector<16xf32>
        %reduce_sum3A_330 = arith.constant true
        %reduce_sum3A_331 = vector.broadcast %reduce_sum3A_330 : i1 to vector<16xi1>
        %reduce_sum3A_332 = tpu.scan <sum>, %mul3A_329 masked %reduce_sum3A_331 : vector<16xf32>, vector<16xi1> -> vector<16xf32>
        %reduce_sum3A_333 = vector.extract %reduce_sum3A_332[15] : f32 from vector<16xf32>
        %mul3A_334 = arith.mulf %bitcast3A_328, %bitcast3A_319 : vector<16xf32>
        %reduce_sum3A_335 = arith.constant true
        %reduce_sum3A_336 = vector.broadcast %reduce_sum3A_335 : i1 to vector<16xi1>
        %reduce_sum3A_337 = tpu.scan <sum>, %mul3A_334 masked %reduce_sum3A_336 : vector<16xf32>, vector<16xi1> -> vector<16xf32>
        %reduce_sum3A_338 = vector.extract %reduce_sum3A_337[15] : f32 from vector<16xf32>
        %eq3A_339 = arith.constant 2 : i32
        %eq3A_340 = vector.broadcast %eq3A_339 : i32 to vector<16xi32>
        %eq3A_341 = arith.cmpi eq, %iota3A, %eq3A_340 : vector<16xi32>
        %broadcast_in_dim3A_342 = vector.broadcast %reduce_sum3A_333 : f32 to vector<16xf32>
        %select_n3A_343 = arith.select %eq3A_341, %broadcast_in_dim3A_342, %select_n3A_303 : vector<16xi1>, vector<16xf32>
        %eq3A_344 = arith.constant 3 : i32
        %eq3A_345 = vector.broadcast %eq3A_344 : i32 to vector<16xi32>
        %eq3A_346 = arith.cmpi eq, %iota3A, %eq3A_345 : vector<16xi32>
        %broadcast_in_dim3A_347 = vector.broadcast %reduce_sum3A_338 : f32 to vector<16xf32>
        %select_n3A_348 = arith.select %eq3A_346, %broadcast_in_dim3A_347, %select_n3A_343 : vector<16xi1>, vector<16xf32>
        %get3A_349 = arith.index_cast %add3A_264 : i32 to index
        %get3A_350 = arith.constant 32 : index
        %get3A_351 = tpu.vector_load %arg22[%get3A_349, %get3A_350] {strides = array<i32>} : memref<40x64xi32, #tpu.memory_space<vmem>>, vector<16xi32>,
        %bitcast3A_352 = vector.bitcast %get3A_351 : vector<16xi32> to vector<32xbf16>
        %get3A_353 = arith.index_cast %add3A_264 : i32 to index
        %get3A_354 = arith.constant 32 : index
        %get3A_355 = tpu.vector_load %arg21[%get3A_353, %get3A_354] {strides = array<i32>} : memref<40x128xi32, #tpu.memory_space<vmem>>, vector<16xi32>,
        %bitcast3A_356 = vector.bitcast %get3A_355 : vector<16xi32> to vector<32xbf16>
        %add3A_357 = arith.addf %bitcast3A_356, %bitcast3A_352 : vector<32xbf16>
        %bitcast3A_358 = vector.bitcast %add3A_357 : vector<32xbf16> to vector<16xi32>
        %shift_left3A_359 = arith.constant 16 : i32
        %shift_left3A_360 = vector.broadcast %shift_left3A_359 : i32 to vector<16xi32>
        %shift_left3A_361 = arith.shli %bitcast3A_358, %shift_left3A_360 : vector<16xi32>
        %bitcast3A_362 = vector.bitcast %shift_left3A_361 : vector<16xi32> to vector<16xf32>
        %and3A_363 = arith.andi %bitcast3A_358, %broadcast_in_dim3A_6 : vector<16xi32>
        %bitcast3A_364 = vector.bitcast %and3A_363 : vector<16xi32> to vector<16xf32>
        %get3A_365 = arith.index_cast %add3A_264 : i32 to index
        %get3A_366 = arith.constant 32 : index
        %get3A_367 = tpu.vector_load %arg20[%get3A_365, %get3A_366] {strides = array<i32>} : memref<40x128xi32, #tpu.memory_space<vmem>>, vector<16xi32>,
        %shift_left3A_368 = arith.constant 16 : i32
        %shift_left3A_369 = vector.broadcast %shift_left3A_368 : i32 to vector<16xi32>
        %shift_left3A_370 = arith.shli %get3A_367, %shift_left3A_369 : vector<16xi32>
        %bitcast3A_371 = vector.bitcast %shift_left3A_370 : vector<16xi32> to vector<16xf32>
        %and3A_372 = arith.andi %get3A_367, %broadcast_in_dim3A_6 : vector<16xi32>
        %bitcast3A_373 = vector.bitcast %and3A_372 : vector<16xi32> to vector<16xf32>
        %mul3A_374 = arith.mulf %bitcast3A_371, %bitcast3A_362 : vector<16xf32>
        %reduce_sum3A_375 = arith.constant true
        %reduce_sum3A_376 = vector.broadcast %reduce_sum3A_375 : i1 to vector<16xi1>
        %reduce_sum3A_377 = tpu.scan <sum>, %mul3A_374 masked %reduce_sum3A_376 : vector<16xf32>, vector<16xi1> -> vector<16xf32>
        %reduce_sum3A_378 = vector.extract %reduce_sum3A_377[15] : f32 from vector<16xf32>
        %mul3A_379 = arith.mulf %bitcast3A_373, %bitcast3A_364 : vector<16xf32>
        %reduce_sum3A_380 = arith.constant true
        %reduce_sum3A_381 = vector.broadcast %reduce_sum3A_380 : i1 to vector<16xi1>
        %reduce_sum3A_382 = tpu.scan <sum>, %mul3A_379 masked %reduce_sum3A_381 : vector<16xf32>, vector<16xi1> -> vector<16xf32>
        %reduce_sum3A_383 = vector.extract %reduce_sum3A_382[15] : f32 from vector<16xf32>
        %eq3A_384 = arith.constant 4 : i32
        %eq3A_385 = vector.broadcast %eq3A_384 : i32 to vector<16xi32>
        %eq3A_386 = arith.cmpi eq, %iota3A, %eq3A_385 : vector<16xi32>
        %broadcast_in_dim3A_387 = vector.broadcast %reduce_sum3A_378 : f32 to vector<16xf32>
        %select_n3A_388 = arith.select %eq3A_386, %broadcast_in_dim3A_387, %select_n3A_348 : vector<16xi1>, vector<16xf32>
        %eq3A_389 = arith.constant 5 : i32
        %eq3A_390 = vector.broadcast %eq3A_389 : i32 to vector<16xi32>
        %eq3A_391 = arith.cmpi eq, %iota3A, %eq3A_390 : vector<16xi32>
        %broadcast_in_dim3A_392 = vector.broadcast %reduce_sum3A_383 : f32 to vector<16xf32>
        %select_n3A_393 = arith.select %eq3A_391, %broadcast_in_dim3A_392, %select_n3A_388 : vector<16xi1>, vector<16xf32>
        %get3A_394 = arith.index_cast %add3A_264 : i32 to index
        %get3A_395 = arith.constant 48 : index
        %get3A_396 = tpu.vector_load %arg22[%get3A_394, %get3A_395] {strides = array<i32>} : memref<40x64xi32, #tpu.memory_space<vmem>>, vector<16xi32>,
        %bitcast3A_397 = vector.bitcast %get3A_396 : vector<16xi32> to vector<32xbf16>
        %get3A_398 = arith.index_cast %add3A_264 : i32 to index
        %get3A_399 = arith.constant 48 : index
        %get3A_400 = tpu.vector_load %arg21[%get3A_398, %get3A_399] {strides = array<i32>} : memref<40x128xi32, #tpu.memory_space<vmem>>, vector<16xi32>,
        %bitcast3A_401 = vector.bitcast %get3A_400 : vector<16xi32> to vector<32xbf16>
        %add3A_402 = arith.addf %bitcast3A_401, %bitcast3A_397 : vector<32xbf16>
        %bitcast3A_403 = vector.bitcast %add3A_402 : vector<32xbf16> to vector<16xi32>
        %shift_left3A_404 = arith.constant 16 : i32
        %shift_left3A_405 = vector.broadcast %shift_left3A_404 : i32 to vector<16xi32>
        %shift_left3A_406 = arith.shli %bitcast3A_403, %shift_left3A_405 : vector<16xi32>
        %bitcast3A_407 = vector.bitcast %shift_left3A_406 : vector<16xi32> to vector<16xf32>
        %and3A_408 = arith.andi %bitcast3A_403, %broadcast_in_dim3A_6 : vector<16xi32>
        %bitcast3A_409 = vector.bitcast %and3A_408 : vector<16xi32> to vector<16xf32>
        %get3A_410 = arith.index_cast %add3A_264 : i32 to index
        %get3A_411 = arith.constant 48 : index
        %get3A_412 = tpu.vector_load %arg20[%get3A_410, %get3A_411] {strides = array<i32>} : memref<40x128xi32, #tpu.memory_space<vmem>>, vector<16xi32>,
        %shift_left3A_413 = arith.constant 16 : i32
        %shift_left3A_414 = vector.broadcast %shift_left3A_413 : i32 to vector<16xi32>
        %shift_left3A_415 = arith.shli %get3A_412, %shift_left3A_414 : vector<16xi32>
        %bitcast3A_416 = vector.bitcast %shift_left3A_415 : vector<16xi32> to vector<16xf32>
        %and3A_417 = arith.andi %get3A_412, %broadcast_in_dim3A_6 : vector<16xi32>
        %bitcast3A_418 = vector.bitcast %and3A_417 : vector<16xi32> to vector<16xf32>
        %mul3A_419 = arith.mulf %bitcast3A_416, %bitcast3A_407 : vector<16xf32>
        %reduce_sum3A_420 = arith.constant true
        %reduce_sum3A_421 = vector.broadcast %reduce_sum3A_420 : i1 to vector<16xi1>
        %reduce_sum3A_422 = tpu.scan <sum>, %mul3A_419 masked %reduce_sum3A_421 : vector<16xf32>, vector<16xi1> -> vector<16xf32>
        %reduce_sum3A_423 = vector.extract %reduce_sum3A_422[15] : f32 from vector<16xf32>
        %mul3A_424 = arith.mulf %bitcast3A_418, %bitcast3A_409 : vector<16xf32>
        %reduce_sum3A_425 = arith.constant true
        %reduce_sum3A_426 = vector.broadcast %reduce_sum3A_425 : i1 to vector<16xi1>
        %reduce_sum3A_427 = tpu.scan <sum>, %mul3A_424 masked %reduce_sum3A_426 : vector<16xf32>, vector<16xi1> -> vector<16xf32>
        %reduce_sum3A_428 = vector.extract %reduce_sum3A_427[15] : f32 from vector<16xf32>
        %eq3A_429 = arith.constant 6 : i32
        %eq3A_430 = vector.broadcast %eq3A_429 : i32 to vector<16xi32>
        %eq3A_431 = arith.cmpi eq, %iota3A, %eq3A_430 : vector<16xi32>
        %broadcast_in_dim3A_432 = vector.broadcast %reduce_sum3A_423 : f32 to vector<16xf32>
        %select_n3A_433 = arith.select %eq3A_431, %broadcast_in_dim3A_432, %select_n3A_393 : vector<16xi1>, vector<16xf32>
        %eq3A_434 = arith.constant 7 : i32
        %eq3A_435 = vector.broadcast %eq3A_434 : i32 to vector<16xi32>
        %eq3A_436 = arith.cmpi eq, %iota3A, %eq3A_435 : vector<16xi32>
        %broadcast_in_dim3A_437 = vector.broadcast %reduce_sum3A_428 : f32 to vector<16xf32>
        %select_n3A_438 = arith.select %eq3A_436, %broadcast_in_dim3A_437, %select_n3A_433 : vector<16xi1>, vector<16xf32>
        %mul3A_439 = arith.constant 2 : i32
        %mul3A_440 = arith.muli %mul3A_439, %scan3A_259 : i32
        %add3A_441 = arith.constant 1 : i32
        %add3A_442 = arith.addi %mul3A_440, %add3A_441 : i32
        %get3A_443 = arith.index_cast %add3A_442 : i32 to index
        %get3A_444 = arith.constant 0 : index
        %get3A_445 = tpu.vector_load %arg22[%get3A_443, %get3A_444] {strides = array<i32>} : memref<40x64xi32, #tpu.memory_space<vmem>>, vector<16xi32>,
        %bitcast3A_446 = vector.bitcast %get3A_445 : vector<16xi32> to vector<32xbf16>
        %get3A_447 = arith.index_cast %add3A_442 : i32 to index
        %get3A_448 = arith.constant 0 : index
        %get3A_449 = tpu.vector_load %arg21[%get3A_447, %get3A_448] {strides = array<i32>} : memref<40x128xi32, #tpu.memory_space<vmem>>, vector<16xi32>,
        %bitcast3A_450 = vector.bitcast %get3A_449 : vector<16xi32> to vector<32xbf16>
        %add3A_451 = arith.addf %bitcast3A_450, %bitcast3A_446 : vector<32xbf16>
        %bitcast3A_452 = vector.bitcast %add3A_451 : vector<32xbf16> to vector<16xi32>
        %shift_left3A_453 = arith.constant 16 : i32
        %shift_left3A_454 = vector.broadcast %shift_left3A_453 : i32 to vector<16xi32>
        %shift_left3A_455 = arith.shli %bitcast3A_452, %shift_left3A_454 : vector<16xi32>
        %bitcast3A_456 = vector.bitcast %shift_left3A_455 : vector<16xi32> to vector<16xf32>
        %and3A_457 = arith.andi %bitcast3A_452, %broadcast_in_dim3A_6 : vector<16xi32>
        %bitcast3A_458 = vector.bitcast %and3A_457 : vector<16xi32> to vector<16xf32>
        %get3A_459 = arith.index_cast %add3A_442 : i32 to index
        %get3A_460 = arith.constant 0 : index
        %get3A_461 = tpu.vector_load %arg20[%get3A_459, %get3A_460] {strides = array<i32>} : memref<40x128xi32, #tpu.memory_space<vmem>>, vector<16xi32>,
        %shift_left3A_462 = arith.constant 16 : i32
        %shift_left3A_463 = vector.broadcast %shift_left3A_462 : i32 to vector<16xi32>
        %shift_left3A_464 = arith.shli %get3A_461, %shift_left3A_463 : vector<16xi32>
        %bitcast3A_465 = vector.bitcast %shift_left3A_464 : vector<16xi32> to vector<16xf32>
        %and3A_466 = arith.andi %get3A_461, %broadcast_in_dim3A_6 : vector<16xi32>
        %bitcast3A_467 = vector.bitcast %and3A_466 : vector<16xi32> to vector<16xf32>
        %mul3A_468 = arith.mulf %bitcast3A_465, %bitcast3A_456 : vector<16xf32>
        %reduce_sum3A_469 = arith.constant true
        %reduce_sum3A_470 = vector.broadcast %reduce_sum3A_469 : i1 to vector<16xi1>
        %reduce_sum3A_471 = tpu.scan <sum>, %mul3A_468 masked %reduce_sum3A_470 : vector<16xf32>, vector<16xi1> -> vector<16xf32>
        %reduce_sum3A_472 = vector.extract %reduce_sum3A_471[15] : f32 from vector<16xf32>
        %mul3A_473 = arith.mulf %bitcast3A_467, %bitcast3A_458 : vector<16xf32>
        %reduce_sum3A_474 = arith.constant true
        %reduce_sum3A_475 = vector.broadcast %reduce_sum3A_474 : i1 to vector<16xi1>
        %reduce_sum3A_476 = tpu.scan <sum>, %mul3A_473 masked %reduce_sum3A_475 : vector<16xf32>, vector<16xi1> -> vector<16xf32>
        %reduce_sum3A_477 = vector.extract %reduce_sum3A_476[15] : f32 from vector<16xf32>
        %eq3A_478 = arith.constant 8 : i32
        %eq3A_479 = vector.broadcast %eq3A_478 : i32 to vector<16xi32>
        %eq3A_480 = arith.cmpi eq, %iota3A, %eq3A_479 : vector<16xi32>
        %broadcast_in_dim3A_481 = vector.broadcast %reduce_sum3A_472 : f32 to vector<16xf32>
        %select_n3A_482 = arith.select %eq3A_480, %broadcast_in_dim3A_481, %select_n3A_438 : vector<16xi1>, vector<16xf32>
        %eq3A_483 = arith.constant 9 : i32
        %eq3A_484 = vector.broadcast %eq3A_483 : i32 to vector<16xi32>
        %eq3A_485 = arith.cmpi eq, %iota3A, %eq3A_484 : vector<16xi32>
        %broadcast_in_dim3A_486 = vector.broadcast %reduce_sum3A_477 : f32 to vector<16xf32>
        %select_n3A_487 = arith.select %eq3A_485, %broadcast_in_dim3A_486, %select_n3A_482 : vector<16xi1>, vector<16xf32>
        %get3A_488 = arith.index_cast %add3A_442 : i32 to index
        %get3A_489 = arith.constant 16 : index
        %get3A_490 = tpu.vector_load %arg22[%get3A_488, %get3A_489] {strides = array<i32>} : memref<40x64xi32, #tpu.memory_space<vmem>>, vector<16xi32>,
        %bitcast3A_491 = vector.bitcast %get3A_490 : vector<16xi32> to vector<32xbf16>
        %get3A_492 = arith.index_cast %add3A_442 : i32 to index
        %get3A_493 = arith.constant 16 : index
        %get3A_494 = tpu.vector_load %arg21[%get3A_492, %get3A_493] {strides = array<i32>} : memref<40x128xi32, #tpu.memory_space<vmem>>, vector<16xi32>,
        %bitcast3A_495 = vector.bitcast %get3A_494 : vector<16xi32> to vector<32xbf16>
        %add3A_496 = arith.addf %bitcast3A_495, %bitcast3A_491 : vector<32xbf16>
        %bitcast3A_497 = vector.bitcast %add3A_496 : vector<32xbf16> to vector<16xi32>
        %shift_left3A_498 = arith.constant 16 : i32
        %shift_left3A_499 = vector.broadcast %shift_left3A_498 : i32 to vector<16xi32>
        %shift_left3A_500 = arith.shli %bitcast3A_497, %shift_left3A_499 : vector<16xi32>
        %bitcast3A_501 = vector.bitcast %shift_left3A_500 : vector<16xi32> to vector<16xf32>
        %and3A_502 = arith.andi %bitcast3A_497, %broadcast_in_dim3A_6 : vector<16xi32>
        %bitcast3A_503 = vector.bitcast %and3A_502 : vector<16xi32> to vector<16xf32>
        %get3A_504 = arith.index_cast %add3A_442 : i32 to index
        %get3A_505 = arith.constant 16 : index
        %get3A_506 = tpu.vector_load %arg20[%get3A_504, %get3A_505] {strides = array<i32>} : memref<40x128xi32, #tpu.memory_space<vmem>>, vector<16xi32>,
        %shift_left3A_507 = arith.constant 16 : i32
        %shift_left3A_508 = vector.broadcast %shift_left3A_507 : i32 to vector<16xi32>
        %shift_left3A_509 = arith.shli %get3A_506, %shift_left3A_508 : vector<16xi32>
        %bitcast3A_510 = vector.bitcast %shift_left3A_509 : vector<16xi32> to vector<16xf32>
        %and3A_511 = arith.andi %get3A_506, %broadcast_in_dim3A_6 : vector<16xi32>
        %bitcast3A_512 = vector.bitcast %and3A_511 : vector<16xi32> to vector<16xf32>
        %mul3A_513 = arith.mulf %bitcast3A_510, %bitcast3A_501 : vector<16xf32>
        %reduce_sum3A_514 = arith.constant true
        %reduce_sum3A_515 = vector.broadcast %reduce_sum3A_514 : i1 to vector<16xi1>
        %reduce_sum3A_516 = tpu.scan <sum>, %mul3A_513 masked %reduce_sum3A_515 : vector<16xf32>, vector<16xi1> -> vector<16xf32>
        %reduce_sum3A_517 = vector.extract %reduce_sum3A_516[15] : f32 from vector<16xf32>
        %mul3A_518 = arith.mulf %bitcast3A_512, %bitcast3A_503 : vector<16xf32>
        %reduce_sum3A_519 = arith.constant true
        %reduce_sum3A_520 = vector.broadcast %reduce_sum3A_519 : i1 to vector<16xi1>
        %reduce_sum3A_521 = tpu.scan <sum>, %mul3A_518 masked %reduce_sum3A_520 : vector<16xf32>, vector<16xi1> -> vector<16xf32>
        %reduce_sum3A_522 = vector.extract %reduce_sum3A_521[15] : f32 from vector<16xf32>
        %eq3A_523 = arith.constant 10 : i32
        %eq3A_524 = vector.broadcast %eq3A_523 : i32 to vector<16xi32>
        %eq3A_525 = arith.cmpi eq, %iota3A, %eq3A_524 : vector<16xi32>
        %broadcast_in_dim3A_526 = vector.broadcast %reduce_sum3A_517 : f32 to vector<16xf32>
        %select_n3A_527 = arith.select %eq3A_525, %broadcast_in_dim3A_526, %select_n3A_487 : vector<16xi1>, vector<16xf32>
        %eq3A_528 = arith.constant 11 : i32
        %eq3A_529 = vector.broadcast %eq3A_528 : i32 to vector<16xi32>
        %eq3A_530 = arith.cmpi eq, %iota3A, %eq3A_529 : vector<16xi32>
        %broadcast_in_dim3A_531 = vector.broadcast %reduce_sum3A_522 : f32 to vector<16xf32>
        %select_n3A_532 = arith.select %eq3A_530, %broadcast_in_dim3A_531, %select_n3A_527 : vector<16xi1>, vector<16xf32>
        %get3A_533 = arith.index_cast %add3A_442 : i32 to index
        %get3A_534 = arith.constant 32 : index
        %get3A_535 = tpu.vector_load %arg22[%get3A_533, %get3A_534] {strides = array<i32>} : memref<40x64xi32, #tpu.memory_space<vmem>>, vector<16xi32>,
        %bitcast3A_536 = vector.bitcast %get3A_535 : vector<16xi32> to vector<32xbf16>
        %get3A_537 = arith.index_cast %add3A_442 : i32 to index
        %get3A_538 = arith.constant 32 : index
        %get3A_539 = tpu.vector_load %arg21[%get3A_537, %get3A_538] {strides = array<i32>} : memref<40x128xi32, #tpu.memory_space<vmem>>, vector<16xi32>,
        %bitcast3A_540 = vector.bitcast %get3A_539 : vector<16xi32> to vector<32xbf16>
        %add3A_541 = arith.addf %bitcast3A_540, %bitcast3A_536 : vector<32xbf16>
        %bitcast3A_542 = vector.bitcast %add3A_541 : vector<32xbf16> to vector<16xi32>
        %shift_left3A_543 = arith.constant 16 : i32
        %shift_left3A_544 = vector.broadcast %shift_left3A_543 : i32 to vector<16xi32>
        %shift_left3A_545 = arith.shli %bitcast3A_542, %shift_left3A_544 : vector<16xi32>
        %bitcast3A_546 = vector.bitcast %shift_left3A_545 : vector<16xi32> to vector<16xf32>
        %and3A_547 = arith.andi %bitcast3A_542, %broadcast_in_dim3A_6 : vector<16xi32>
        %bitcast3A_548 = vector.bitcast %and3A_547 : vector<16xi32> to vector<16xf32>
        %get3A_549 = arith.index_cast %add3A_442 : i32 to index
        %get3A_550 = arith.constant 32 : index
        %get3A_551 = tpu.vector_load %arg20[%get3A_549, %get3A_550] {strides = array<i32>} : memref<40x128xi32, #tpu.memory_space<vmem>>, vector<16xi32>,
        %shift_left3A_552 = arith.constant 16 : i32
        %shift_left3A_553 = vector.broadcast %shift_left3A_552 : i32 to vector<16xi32>
        %shift_left3A_554 = arith.shli %get3A_551, %shift_left3A_553 : vector<16xi32>
        %bitcast3A_555 = vector.bitcast %shift_left3A_554 : vector<16xi32> to vector<16xf32>
        %and3A_556 = arith.andi %get3A_551, %broadcast_in_dim3A_6 : vector<16xi32>
        %bitcast3A_557 = vector.bitcast %and3A_556 : vector<16xi32> to vector<16xf32>
        %mul3A_558 = arith.mulf %bitcast3A_555, %bitcast3A_546 : vector<16xf32>
        %reduce_sum3A_559 = arith.constant true
        %reduce_sum3A_560 = vector.broadcast %reduce_sum3A_559 : i1 to vector<16xi1>
        %reduce_sum3A_561 = tpu.scan <sum>, %mul3A_558 masked %reduce_sum3A_560 : vector<16xf32>, vector<16xi1> -> vector<16xf32>
        %reduce_sum3A_562 = vector.extract %reduce_sum3A_561[15] : f32 from vector<16xf32>
        %mul3A_563 = arith.mulf %bitcast3A_557, %bitcast3A_548 : vector<16xf32>
        %reduce_sum3A_564 = arith.constant true
        %reduce_sum3A_565 = vector.broadcast %reduce_sum3A_564 : i1 to vector<16xi1>
        %reduce_sum3A_566 = tpu.scan <sum>, %mul3A_563 masked %reduce_sum3A_565 : vector<16xf32>, vector<16xi1> -> vector<16xf32>
        %reduce_sum3A_567 = vector.extract %reduce_sum3A_566[15] : f32 from vector<16xf32>
        %eq3A_568 = arith.constant 12 : i32
        %eq3A_569 = vector.broadcast %eq3A_568 : i32 to vector<16xi32>
        %eq3A_570 = arith.cmpi eq, %iota3A, %eq3A_569 : vector<16xi32>
        %broadcast_in_dim3A_571 = vector.broadcast %reduce_sum3A_562 : f32 to vector<16xf32>
        %select_n3A_572 = arith.select %eq3A_570, %broadcast_in_dim3A_571, %select_n3A_532 : vector<16xi1>, vector<16xf32>
        %eq3A_573 = arith.constant 13 : i32
        %eq3A_574 = vector.broadcast %eq3A_573 : i32 to vector<16xi32>
        %eq3A_575 = arith.cmpi eq, %iota3A, %eq3A_574 : vector<16xi32>
        %broadcast_in_dim3A_576 = vector.broadcast %reduce_sum3A_567 : f32 to vector<16xf32>
        %select_n3A_577 = arith.select %eq3A_575, %broadcast_in_dim3A_576, %select_n3A_572 : vector<16xi1>, vector<16xf32>
        %get3A_578 = arith.index_cast %add3A_442 : i32 to index
        %get3A_579 = arith.constant 48 : index
        %get3A_580 = tpu.vector_load %arg22[%get3A_578, %get3A_579] {strides = array<i32>} : memref<40x64xi32, #tpu.memory_space<vmem>>, vector<16xi32>,
        %bitcast3A_581 = vector.bitcast %get3A_580 : vector<16xi32> to vector<32xbf16>
        %get3A_582 = arith.index_cast %add3A_442 : i32 to index
        %get3A_583 = arith.constant 48 : index
        %get3A_584 = tpu.vector_load %arg21[%get3A_582, %get3A_583] {strides = array<i32>} : memref<40x128xi32, #tpu.memory_space<vmem>>, vector<16xi32>,
        %bitcast3A_585 = vector.bitcast %get3A_584 : vector<16xi32> to vector<32xbf16>
        %add3A_586 = arith.addf %bitcast3A_585, %bitcast3A_581 : vector<32xbf16>
        %bitcast3A_587 = vector.bitcast %add3A_586 : vector<32xbf16> to vector<16xi32>
        %shift_left3A_588 = arith.constant 16 : i32
        %shift_left3A_589 = vector.broadcast %shift_left3A_588 : i32 to vector<16xi32>
        %shift_left3A_590 = arith.shli %bitcast3A_587, %shift_left3A_589 : vector<16xi32>
        %bitcast3A_591 = vector.bitcast %shift_left3A_590 : vector<16xi32> to vector<16xf32>
        %and3A_592 = arith.andi %bitcast3A_587, %broadcast_in_dim3A_6 : vector<16xi32>
        %bitcast3A_593 = vector.bitcast %and3A_592 : vector<16xi32> to vector<16xf32>
        %get3A_594 = arith.index_cast %add3A_442 : i32 to index
        %get3A_595 = arith.constant 48 : index
        %get3A_596 = tpu.vector_load %arg20[%get3A_594, %get3A_595] {strides = array<i32>} : memref<40x128xi32, #tpu.memory_space<vmem>>, vector<16xi32>,
        %shift_left3A_597 = arith.constant 16 : i32
        %shift_left3A_598 = vector.broadcast %shift_left3A_597 : i32 to vector<16xi32>
        %shift_left3A_599 = arith.shli %get3A_596, %shift_left3A_598 : vector<16xi32>
        %bitcast3A_600 = vector.bitcast %shift_left3A_599 : vector<16xi32> to vector<16xf32>
        %and3A_601 = arith.andi %get3A_596, %broadcast_in_dim3A_6 : vector<16xi32>
        %bitcast3A_602 = vector.bitcast %and3A_601 : vector<16xi32> to vector<16xf32>
        %mul3A_603 = arith.mulf %bitcast3A_600, %bitcast3A_591 : vector<16xf32>
        %reduce_sum3A_604 = arith.constant true
        %reduce_sum3A_605 = vector.broadcast %reduce_sum3A_604 : i1 to vector<16xi1>
        %reduce_sum3A_606 = tpu.scan <sum>, %mul3A_603 masked %reduce_sum3A_605 : vector<16xf32>, vector<16xi1> -> vector<16xf32>
        %reduce_sum3A_607 = vector.extract %reduce_sum3A_606[15] : f32 from vector<16xf32>
        %mul3A_608 = arith.mulf %bitcast3A_602, %bitcast3A_593 : vector<16xf32>
        %reduce_sum3A_609 = arith.constant true
        %reduce_sum3A_610 = vector.broadcast %reduce_sum3A_609 : i1 to vector<16xi1>
        %reduce_sum3A_611 = tpu.scan <sum>, %mul3A_608 masked %reduce_sum3A_610 : vector<16xf32>, vector<16xi1> -> vector<16xf32>
        %reduce_sum3A_612 = vector.extract %reduce_sum3A_611[15] : f32 from vector<16xf32>
        %eq3A_613 = arith.constant 14 : i32
        %eq3A_614 = vector.broadcast %eq3A_613 : i32 to vector<16xi32>
        %eq3A_615 = arith.cmpi eq, %iota3A, %eq3A_614 : vector<16xi32>
        %broadcast_in_dim3A_616 = vector.broadcast %reduce_sum3A_607 : f32 to vector<16xf32>
        %select_n3A_617 = arith.select %eq3A_615, %broadcast_in_dim3A_616, %select_n3A_577 : vector<16xi1>, vector<16xf32>
        %eq3A_618 = arith.constant 15 : i32
        %eq3A_619 = vector.broadcast %eq3A_618 : i32 to vector<16xi32>
        %eq3A_620 = arith.cmpi eq, %iota3A, %eq3A_619 : vector<16xi32>
        %broadcast_in_dim3A_621 = vector.broadcast %reduce_sum3A_612 : f32 to vector<16xf32>
        %select_n3A_622 = arith.select %eq3A_620, %broadcast_in_dim3A_621, %select_n3A_617 : vector<16xi1>, vector<16xf32>
        %exp3A = math.exp %select_n3A_622 : vector<16xf32>
        %mul3A_623 = arith.constant 16 : i32
        %mul3A_624 = arith.muli %scan3A_259, %mul3A_623 : i32
        %add3A_625 = arith.constant 8 : i32
        %add3A_626 = arith.addi %add3A_625, %mul3A_624 : i32
        %swap3A = arith.index_cast %add3A_626 : i32 to index
        %swap3A_627 = tpu.vector_load %arg24[%swap3A] {strides = array<i32>} : memref<344xf32, #tpu.memory_space<vmem>>, vector<16xf32>,
        tpu.vector_store %arg24[%swap3A], %exp3A {strides = array<i32>} : memref<344xf32, #tpu.memory_space<vmem>>, vector<16xf32>,
        %mul3A_628 = arith.constant 2 : i32
        %mul3A_629 = arith.muli %mul3A_628, %scan3A_259 : i32
        %mul3A_630 = arith.constant 2 : i32
        %mul3A_631 = arith.muli %mul3A_630, %scan3A_259 : i32
        %add3A_632 = arith.constant 1 : i32
        %add3A_633 = arith.addi %mul3A_631, %add3A_632 : i32
        %mul3A_634 = arith.constant 2 : i32
        %mul3A_635 = arith.muli %mul3A_634, %scan3A_259 : i32
        %add3A_636 = arith.constant 0 : i32
        %add3A_637 = arith.addi %mul3A_635, %add3A_636 : i32
        %get3A_638 = arith.index_cast %add3A_637 : i32 to index
        %get3A_639 = arith.constant 64 : index
        %get3A_640 = tpu.vector_load %arg21[%get3A_638, %get3A_639] {strides = array<i32>} : memref<40x128xi32, #tpu.memory_space<vmem>>, vector<16xi32>,
        %bitcast3A_641 = vector.bitcast %get3A_640 : vector<16xi32> to vector<32xbf16>
        %add3A_642 = arith.addf %bitcast3A_641, %bitcast3A : vector<32xbf16>
        %bitcast3A_643 = vector.bitcast %add3A_642 : vector<32xbf16> to vector<16xi32>
        %shift_left3A_644 = arith.constant 16 : i32
        %shift_left3A_645 = vector.broadcast %shift_left3A_644 : i32 to vector<16xi32>
        %shift_left3A_646 = arith.shli %bitcast3A_643, %shift_left3A_645 : vector<16xi32>
        %bitcast3A_647 = vector.bitcast %shift_left3A_646 : vector<16xi32> to vector<16xf32>
        %and3A_648 = arith.andi %bitcast3A_643, %broadcast_in_dim3A_6 : vector<16xi32>
        %bitcast3A_649 = vector.bitcast %and3A_648 : vector<16xi32> to vector<16xf32>
        %slice3A = vector.extract_strided_slice %exp3A {offsets = [0], sizes = [1], strides = [1]} : vector<16xf32> to vector<1xf32>
        %squeeze3A = vector.extract %slice3A[0] : f32 from vector<1xf32>
        %mul3A_650 = vector.broadcast %squeeze3A : f32 to vector<16xf32>
        %mul3A_651 = arith.mulf %mul3A_650, %bitcast3A_647 : vector<16xf32>
        %swap3A_652 = arith.index_cast %add3A_637 : i32 to index
        %swap3A_653 = arith.constant 0 : index
        %swap3A_654 = tpu.vector_load %arg25[%swap3A_652, %swap3A_653] {strides = array<i32>} : memref<40x128xf32, #tpu.memory_space<vmem>>, vector<16xf32>,
        tpu.vector_store %arg25[%swap3A_652, %swap3A_653], %mul3A_651 {strides = array<i32>} : memref<40x128xf32, #tpu.memory_space<vmem>>, vector<16xf32>,
        %slice3A_655 = vector.extract_strided_slice %exp3A {offsets = [1], sizes = [1], strides = [1]} : vector<16xf32> to vector<1xf32>
        %squeeze3A_656 = vector.extract %slice3A_655[0] : f32 from vector<1xf32>
        %mul3A_657 = vector.broadcast %squeeze3A_656 : f32 to vector<16xf32>
        %mul3A_658 = arith.mulf %mul3A_657, %bitcast3A_649 : vector<16xf32>
        %swap3A_659 = arith.index_cast %add3A_637 : i32 to index
        %swap3A_660 = arith.constant 16 : index
        %swap3A_661 = tpu.vector_load %arg25[%swap3A_659, %swap3A_660] {strides = array<i32>} : memref<40x128xf32, #tpu.memory_space<vmem>>, vector<16xf32>,
        tpu.vector_store %arg25[%swap3A_659, %swap3A_660], %mul3A_658 {strides = array<i32>} : memref<40x128xf32, #tpu.memory_space<vmem>>, vector<16xf32>,
        %get3A_662 = arith.index_cast %add3A_637 : i32 to index
        %get3A_663 = arith.constant 80 : index
        %get3A_664 = tpu.vector_load %arg21[%get3A_662, %get3A_663] {strides = array<i32>} : memref<40x128xi32, #tpu.memory_space<vmem>>, vector<16xi32>,
        %bitcast3A_665 = vector.bitcast %get3A_664 : vector<16xi32> to vector<32xbf16>
        %add3A_666 = arith.addf %bitcast3A_665, %bitcast3A_307 : vector<32xbf16>
        %bitcast3A_667 = vector.bitcast %add3A_666 : vector<32xbf16> to vector<16xi32>
        %shift_left3A_668 = arith.constant 16 : i32
        %shift_left3A_669 = vector.broadcast %shift_left3A_668 : i32 to vector<16xi32>
        %shift_left3A_670 = arith.shli %bitcast3A_667, %shift_left3A_669 : vector<16xi32>
        %bitcast3A_671 = vector.bitcast %shift_left3A_670 : vector<16xi32> to vector<16xf32>
        %and3A_672 = arith.andi %bitcast3A_667, %broadcast_in_dim3A_6 : vector<16xi32>
        %bitcast3A_673 = vector.bitcast %and3A_672 : vector<16xi32> to vector<16xf32>
        %slice3A_674 = vector.extract_strided_slice %exp3A {offsets = [2], sizes = [1], strides = [1]} : vector<16xf32> to vector<1xf32>
        %squeeze3A_675 = vector.extract %slice3A_674[0] : f32 from vector<1xf32>
        %mul3A_676 = vector.broadcast %squeeze3A_675 : f32 to vector<16xf32>
        %mul3A_677 = arith.mulf %mul3A_676, %bitcast3A_671 : vector<16xf32>
        %swap3A_678 = arith.index_cast %add3A_637 : i32 to index
        %swap3A_679 = arith.constant 32 : index
        %swap3A_680 = tpu.vector_load %arg25[%swap3A_678, %swap3A_679] {strides = array<i32>} : memref<40x128xf32, #tpu.memory_space<vmem>>, vector<16xf32>,
        tpu.vector_store %arg25[%swap3A_678, %swap3A_679], %mul3A_677 {strides = array<i32>} : memref<40x128xf32, #tpu.memory_space<vmem>>, vector<16xf32>,
        %slice3A_681 = vector.extract_strided_slice %exp3A {offsets = [3], sizes = [1], strides = [1]} : vector<16xf32> to vector<1xf32>
        %squeeze3A_682 = vector.extract %slice3A_681[0] : f32 from vector<1xf32>
        %mul3A_683 = vector.broadcast %squeeze3A_682 : f32 to vector<16xf32>
        %mul3A_684 = arith.mulf %mul3A_683, %bitcast3A_673 : vector<16xf32>
        %swap3A_685 = arith.index_cast %add3A_637 : i32 to index
        %swap3A_686 = arith.constant 48 : index
        %swap3A_687 = tpu.vector_load %arg25[%swap3A_685, %swap3A_686] {strides = array<i32>} : memref<40x128xf32, #tpu.memory_space<vmem>>, vector<16xf32>,
        tpu.vector_store %arg25[%swap3A_685, %swap3A_686], %mul3A_684 {strides = array<i32>} : memref<40x128xf32, #tpu.memory_space<vmem>>, vector<16xf32>,
        %get3A_688 = arith.index_cast %add3A_637 : i32 to index
        %get3A_689 = arith.constant 96 : index
        %get3A_690 = tpu.vector_load %arg21[%get3A_688, %get3A_689] {strides = array<i32>} : memref<40x128xi32, #tpu.memory_space<vmem>>, vector<16xi32>,
        %bitcast3A_691 = vector.bitcast %get3A_690 : vector<16xi32> to vector<32xbf16>
        %add3A_692 = arith.addf %bitcast3A_691, %bitcast3A_352 : vector<32xbf16>
        %bitcast3A_693 = vector.bitcast %add3A_692 : vector<32xbf16> to vector<16xi32>
        %shift_left3A_694 = arith.constant 16 : i32
        %shift_left3A_695 = vector.broadcast %shift_left3A_694 : i32 to vector<16xi32>
        %shift_left3A_696 = arith.shli %bitcast3A_693, %shift_left3A_695 : vector<16xi32>
        %bitcast3A_697 = vector.bitcast %shift_left3A_696 : vector<16xi32> to vector<16xf32>
        %and3A_698 = arith.andi %bitcast3A_693, %broadcast_in_dim3A_6 : vector<16xi32>
        %bitcast3A_699 = vector.bitcast %and3A_698 : vector<16xi32> to vector<16xf32>
        %slice3A_700 = vector.extract_strided_slice %exp3A {offsets = [4], sizes = [1], strides = [1]} : vector<16xf32> to vector<1xf32>
        %squeeze3A_701 = vector.extract %slice3A_700[0] : f32 from vector<1xf32>
        %mul3A_702 = vector.broadcast %squeeze3A_701 : f32 to vector<16xf32>
        %mul3A_703 = arith.mulf %mul3A_702, %bitcast3A_697 : vector<16xf32>
        %swap3A_704 = arith.index_cast %add3A_637 : i32 to index
        %swap3A_705 = arith.constant 64 : index
        %swap3A_706 = tpu.vector_load %arg25[%swap3A_704, %swap3A_705] {strides = array<i32>} : memref<40x128xf32, #tpu.memory_space<vmem>>, vector<16xf32>,
        tpu.vector_store %arg25[%swap3A_704, %swap3A_705], %mul3A_703 {strides = array<i32>} : memref<40x128xf32, #tpu.memory_space<vmem>>, vector<16xf32>,
        %slice3A_707 = vector.extract_strided_slice %exp3A {offsets = [5], sizes = [1], strides = [1]} : vector<16xf32> to vector<1xf32>
        %squeeze3A_708 = vector.extract %slice3A_707[0] : f32 from vector<1xf32>
        %mul3A_709 = vector.broadcast %squeeze3A_708 : f32 to vector<16xf32>
        %mul3A_710 = arith.mulf %mul3A_709, %bitcast3A_699 : vector<16xf32>
        %swap3A_711 = arith.index_cast %add3A_637 : i32 to index
        %swap3A_712 = arith.constant 80 : index
        %swap3A_713 = tpu.vector_load %arg25[%swap3A_711, %swap3A_712] {strides = array<i32>} : memref<40x128xf32, #tpu.memory_space<vmem>>, vector<16xf32>,
        tpu.vector_store %arg25[%swap3A_711, %swap3A_712], %mul3A_710 {strides = array<i32>} : memref<40x128xf32, #tpu.memory_space<vmem>>, vector<16xf32>,
        %get3A_714 = arith.index_cast %add3A_637 : i32 to index
        %get3A_715 = arith.constant 112 : index
        %get3A_716 = tpu.vector_load %arg21[%get3A_714, %get3A_715] {strides = array<i32>} : memref<40x128xi32, #tpu.memory_space<vmem>>, vector<16xi32>,
        %bitcast3A_717 = vector.bitcast %get3A_716 : vector<16xi32> to vector<32xbf16>
        %add3A_718 = arith.addf %bitcast3A_717, %bitcast3A_397 : vector<32xbf16>
        %bitcast3A_719 = vector.bitcast %add3A_718 : vector<32xbf16> to vector<16xi32>
        %shift_left3A_720 = arith.constant 16 : i32
        %shift_left3A_721 = vector.broadcast %shift_left3A_720 : i32 to vector<16xi32>
        %shift_left3A_722 = arith.shli %bitcast3A_719, %shift_left3A_721 : vector<16xi32>
        %bitcast3A_723 = vector.bitcast %shift_left3A_722 : vector<16xi32> to vector<16xf32>
        %and3A_724 = arith.andi %bitcast3A_719, %broadcast_in_dim3A_6 : vector<16xi32>
        %bitcast3A_725 = vector.bitcast %and3A_724 : vector<16xi32> to vector<16xf32>
        %slice3A_726 = vector.extract_strided_slice %exp3A {offsets = [6], sizes = [1], strides = [1]} : vector<16xf32> to vector<1xf32>
        %squeeze3A_727 = vector.extract %slice3A_726[0] : f32 from vector<1xf32>
        %mul3A_728 = vector.broadcast %squeeze3A_727 : f32 to vector<16xf32>
        %mul3A_729 = arith.mulf %mul3A_728, %bitcast3A_723 : vector<16xf32>
        %swap3A_730 = arith.index_cast %add3A_637 : i32 to index
        %swap3A_731 = arith.constant 96 : index
        %swap3A_732 = tpu.vector_load %arg25[%swap3A_730, %swap3A_731] {strides = array<i32>} : memref<40x128xf32, #tpu.memory_space<vmem>>, vector<16xf32>,
        tpu.vector_store %arg25[%swap3A_730, %swap3A_731], %mul3A_729 {strides = array<i32>} : memref<40x128xf32, #tpu.memory_space<vmem>>, vector<16xf32>,
        %slice3A_733 = vector.extract_strided_slice %exp3A {offsets = [7], sizes = [1], strides = [1]} : vector<16xf32> to vector<1xf32>
        %squeeze3A_734 = vector.extract %slice3A_733[0] : f32 from vector<1xf32>
        %mul3A_735 = vector.broadcast %squeeze3A_734 : f32 to vector<16xf32>
        %mul3A_736 = arith.mulf %mul3A_735, %bitcast3A_725 : vector<16xf32>
        %swap3A_737 = arith.index_cast %add3A_637 : i32 to index
        %swap3A_738 = arith.constant 112 : index
        %swap3A_739 = tpu.vector_load %arg25[%swap3A_737, %swap3A_738] {strides = array<i32>} : memref<40x128xf32, #tpu.memory_space<vmem>>, vector<16xf32>,
        tpu.vector_store %arg25[%swap3A_737, %swap3A_738], %mul3A_736 {strides = array<i32>} : memref<40x128xf32, #tpu.memory_space<vmem>>, vector<16xf32>,
        %mul3A_740 = arith.constant 2 : i32
        %mul3A_741 = arith.muli %mul3A_740, %scan3A_259 : i32
        %add3A_742 = arith.constant 1 : i32
        %add3A_743 = arith.addi %mul3A_741, %add3A_742 : i32
        %get3A_744 = arith.index_cast %add3A_743 : i32 to index
        %get3A_745 = arith.constant 64 : index
        %get3A_746 = tpu.vector_load %arg21[%get3A_744, %get3A_745] {strides = array<i32>} : memref<40x128xi32, #tpu.memory_space<vmem>>, vector<16xi32>,
        %bitcast3A_747 = vector.bitcast %get3A_746 : vector<16xi32> to vector<32xbf16>
        %add3A_748 = arith.addf %bitcast3A_747, %bitcast3A_446 : vector<32xbf16>
        %bitcast3A_749 = vector.bitcast %add3A_748 : vector<32xbf16> to vector<16xi32>
        %shift_left3A_750 = arith.constant 16 : i32
        %shift_left3A_751 = vector.broadcast %shift_left3A_750 : i32 to vector<16xi32>
        %shift_left3A_752 = arith.shli %bitcast3A_749, %shift_left3A_751 : vector<16xi32>
        %bitcast3A_753 = vector.bitcast %shift_left3A_752 : vector<16xi32> to vector<16xf32>
        %and3A_754 = arith.andi %bitcast3A_749, %broadcast_in_dim3A_6 : vector<16xi32>
        %bitcast3A_755 = vector.bitcast %and3A_754 : vector<16xi32> to vector<16xf32>
        %slice3A_756 = vector.extract_strided_slice %exp3A {offsets = [8], sizes = [1], strides = [1]} : vector<16xf32> to vector<1xf32>
        %squeeze3A_757 = vector.extract %slice3A_756[0] : f32 from vector<1xf32>
        %mul3A_758 = vector.broadcast %squeeze3A_757 : f32 to vector<16xf32>
        %mul3A_759 = arith.mulf %mul3A_758, %bitcast3A_753 : vector<16xf32>
        %swap3A_760 = arith.index_cast %add3A_743 : i32 to index
        %swap3A_761 = arith.constant 0 : index
        %swap3A_762 = tpu.vector_load %arg25[%swap3A_760, %swap3A_761] {strides = array<i32>} : memref<40x128xf32, #tpu.memory_space<vmem>>, vector<16xf32>,
        tpu.vector_store %arg25[%swap3A_760, %swap3A_761], %mul3A_759 {strides = array<i32>} : memref<40x128xf32, #tpu.memory_space<vmem>>, vector<16xf32>,
        %slice3A_763 = vector.extract_strided_slice %exp3A {offsets = [9], sizes = [1], strides = [1]} : vector<16xf32> to vector<1xf32>
        %squeeze3A_764 = vector.extract %slice3A_763[0] : f32 from vector<1xf32>
        %mul3A_765 = vector.broadcast %squeeze3A_764 : f32 to vector<16xf32>
        %mul3A_766 = arith.mulf %mul3A_765, %bitcast3A_755 : vector<16xf32>
        %swap3A_767 = arith.index_cast %add3A_743 : i32 to index
        %swap3A_768 = arith.constant 16 : index
        %swap3A_769 = tpu.vector_load %arg25[%swap3A_767, %swap3A_768] {strides = array<i32>} : memref<40x128xf32, #tpu.memory_space<vmem>>, vector<16xf32>,
        tpu.vector_store %arg25[%swap3A_767, %swap3A_768], %mul3A_766 {strides = array<i32>} : memref<40x128xf32, #tpu.memory_space<vmem>>, vector<16xf32>,
        %get3A_770 = arith.index_cast %add3A_743 : i32 to index
        %get3A_771 = arith.constant 80 : index
        %get3A_772 = tpu.vector_load %arg21[%get3A_770, %get3A_771] {strides = array<i32>} : memref<40x128xi32, #tpu.memory_space<vmem>>, vector<16xi32>,
        %bitcast3A_773 = vector.bitcast %get3A_772 : vector<16xi32> to vector<32xbf16>
        %add3A_774 = arith.addf %bitcast3A_773, %bitcast3A_491 : vector<32xbf16>
        %bitcast3A_775 = vector.bitcast %add3A_774 : vector<32xbf16> to vector<16xi32>
        %shift_left3A_776 = arith.constant 16 : i32
        %shift_left3A_777 = vector.broadcast %shift_left3A_776 : i32 to vector<16xi32>
        %shift_left3A_778 = arith.shli %bitcast3A_775, %shift_left3A_777 : vector<16xi32>
        %bitcast3A_779 = vector.bitcast %shift_left3A_778 : vector<16xi32> to vector<16xf32>
        %and3A_780 = arith.andi %bitcast3A_775, %broadcast_in_dim3A_6 : vector<16xi32>
        %bitcast3A_781 = vector.bitcast %and3A_780 : vector<16xi32> to vector<16xf32>
        %slice3A_782 = vector.extract_strided_slice %exp3A {offsets = [10], sizes = [1], strides = [1]} : vector<16xf32> to vector<1xf32>
        %squeeze3A_783 = vector.extract %slice3A_782[0] : f32 from vector<1xf32>
        %mul3A_784 = vector.broadcast %squeeze3A_783 : f32 to vector<16xf32>
        %mul3A_785 = arith.mulf %mul3A_784, %bitcast3A_779 : vector<16xf32>
        %swap3A_786 = arith.index_cast %add3A_743 : i32 to index
        %swap3A_787 = arith.constant 32 : index
        %swap3A_788 = tpu.vector_load %arg25[%swap3A_786, %swap3A_787] {strides = array<i32>} : memref<40x128xf32, #tpu.memory_space<vmem>>, vector<16xf32>,
        tpu.vector_store %arg25[%swap3A_786, %swap3A_787], %mul3A_785 {strides = array<i32>} : memref<40x128xf32, #tpu.memory_space<vmem>>, vector<16xf32>,
        %slice3A_789 = vector.extract_strided_slice %exp3A {offsets = [11], sizes = [1], strides = [1]} : vector<16xf32> to vector<1xf32>
        %squeeze3A_790 = vector.extract %slice3A_789[0] : f32 from vector<1xf32>
        %mul3A_791 = vector.broadcast %squeeze3A_790 : f32 to vector<16xf32>
        %mul3A_792 = arith.mulf %mul3A_791, %bitcast3A_781 : vector<16xf32>
        %swap3A_793 = arith.index_cast %add3A_743 : i32 to index
        %swap3A_794 = arith.constant 48 : index
        %swap3A_795 = tpu.vector_load %arg25[%swap3A_793, %swap3A_794] {strides = array<i32>} : memref<40x128xf32, #tpu.memory_space<vmem>>, vector<16xf32>,
        tpu.vector_store %arg25[%swap3A_793, %swap3A_794], %mul3A_792 {strides = array<i32>} : memref<40x128xf32, #tpu.memory_space<vmem>>, vector<16xf32>,
        %get3A_796 = arith.index_cast %add3A_743 : i32 to index
        %get3A_797 = arith.constant 96 : index
        %get3A_798 = tpu.vector_load %arg21[%get3A_796, %get3A_797] {strides = array<i32>} : memref<40x128xi32, #tpu.memory_space<vmem>>, vector<16xi32>,
        %bitcast3A_799 = vector.bitcast %get3A_798 : vector<16xi32> to vector<32xbf16>
        %add3A_800 = arith.addf %bitcast3A_799, %bitcast3A_536 : vector<32xbf16>
        %bitcast3A_801 = vector.bitcast %add3A_800 : vector<32xbf16> to vector<16xi32>
        %shift_left3A_802 = arith.constant 16 : i32
        %shift_left3A_803 = vector.broadcast %shift_left3A_802 : i32 to vector<16xi32>
        %shift_left3A_804 = arith.shli %bitcast3A_801, %shift_left3A_803 : vector<16xi32>
        %bitcast3A_805 = vector.bitcast %shift_left3A_804 : vector<16xi32> to vector<16xf32>
        %and3A_806 = arith.andi %bitcast3A_801, %broadcast_in_dim3A_6 : vector<16xi32>
        %bitcast3A_807 = vector.bitcast %and3A_806 : vector<16xi32> to vector<16xf32>
        %slice3A_808 = vector.extract_strided_slice %exp3A {offsets = [12], sizes = [1], strides = [1]} : vector<16xf32> to vector<1xf32>
        %squeeze3A_809 = vector.extract %slice3A_808[0] : f32 from vector<1xf32>
        %mul3A_810 = vector.broadcast %squeeze3A_809 : f32 to vector<16xf32>
        %mul3A_811 = arith.mulf %mul3A_810, %bitcast3A_805 : vector<16xf32>
        %swap3A_812 = arith.index_cast %add3A_743 : i32 to index
        %swap3A_813 = arith.constant 64 : index
        %swap3A_814 = tpu.vector_load %arg25[%swap3A_812, %swap3A_813] {strides = array<i32>} : memref<40x128xf32, #tpu.memory_space<vmem>>, vector<16xf32>,
        tpu.vector_store %arg25[%swap3A_812, %swap3A_813], %mul3A_811 {strides = array<i32>} : memref<40x128xf32, #tpu.memory_space<vmem>>, vector<16xf32>,
        %slice3A_815 = vector.extract_strided_slice %exp3A {offsets = [13], sizes = [1], strides = [1]} : vector<16xf32> to vector<1xf32>
        %squeeze3A_816 = vector.extract %slice3A_815[0] : f32 from vector<1xf32>
        %mul3A_817 = vector.broadcast %squeeze3A_816 : f32 to vector<16xf32>
        %mul3A_818 = arith.mulf %mul3A_817, %bitcast3A_807 : vector<16xf32>
        %swap3A_819 = arith.index_cast %add3A_743 : i32 to index
        %swap3A_820 = arith.constant 80 : index
        %swap3A_821 = tpu.vector_load %arg25[%swap3A_819, %swap3A_820] {strides = array<i32>} : memref<40x128xf32, #tpu.memory_space<vmem>>, vector<16xf32>,
        tpu.vector_store %arg25[%swap3A_819, %swap3A_820], %mul3A_818 {strides = array<i32>} : memref<40x128xf32, #tpu.memory_space<vmem>>, vector<16xf32>,
        %get3A_822 = arith.index_cast %add3A_743 : i32 to index
        %get3A_823 = arith.constant 112 : index
        %get3A_824 = tpu.vector_load %arg21[%get3A_822, %get3A_823] {strides = array<i32>} : memref<40x128xi32, #tpu.memory_space<vmem>>, vector<16xi32>,
        %bitcast3A_825 = vector.bitcast %get3A_824 : vector<16xi32> to vector<32xbf16>
        %add3A_826 = arith.addf %bitcast3A_825, %bitcast3A_581 : vector<32xbf16>
        %bitcast3A_827 = vector.bitcast %add3A_826 : vector<32xbf16> to vector<16xi32>
        %shift_left3A_828 = arith.constant 16 : i32
        %shift_left3A_829 = vector.broadcast %shift_left3A_828 : i32 to vector<16xi32>
        %shift_left3A_830 = arith.shli %bitcast3A_827, %shift_left3A_829 : vector<16xi32>
        %bitcast3A_831 = vector.bitcast %shift_left3A_830 : vector<16xi32> to vector<16xf32>
        %and3A_832 = arith.andi %bitcast3A_827, %broadcast_in_dim3A_6 : vector<16xi32>
        %bitcast3A_833 = vector.bitcast %and3A_832 : vector<16xi32> to vector<16xf32>
        %slice3A_834 = vector.extract_strided_slice %exp3A {offsets = [14], sizes = [1], strides = [1]} : vector<16xf32> to vector<1xf32>
        %squeeze3A_835 = vector.extract %slice3A_834[0] : f32 from vector<1xf32>
        %mul3A_836 = vector.broadcast %squeeze3A_835 : f32 to vector<16xf32>
        %mul3A_837 = arith.mulf %mul3A_836, %bitcast3A_831 : vector<16xf32>
        %swap3A_838 = arith.index_cast %add3A_743 : i32 to index
        %swap3A_839 = arith.constant 96 : index
        %swap3A_840 = tpu.vector_load %arg25[%swap3A_838, %swap3A_839] {strides = array<i32>} : memref<40x128xf32, #tpu.memory_space<vmem>>, vector<16xf32>,
        tpu.vector_store %arg25[%swap3A_838, %swap3A_839], %mul3A_837 {strides = array<i32>} : memref<40x128xf32, #tpu.memory_space<vmem>>, vector<16xf32>,
        %slice3A_841 = vector.extract_strided_slice %exp3A {offsets = [15], sizes = [1], strides = [1]} : vector<16xf32> to vector<1xf32>
        %squeeze3A_842 = vector.extract %slice3A_841[0] : f32 from vector<1xf32>
        %mul3A_843 = vector.broadcast %squeeze3A_842 : f32 to vector<16xf32>
        %mul3A_844 = arith.mulf %mul3A_843, %bitcast3A_833 : vector<16xf32>
        %swap3A_845 = arith.index_cast %add3A_743 : i32 to index
        %swap3A_846 = arith.constant 112 : index
        %swap3A_847 = tpu.vector_load %arg25[%swap3A_845, %swap3A_846] {strides = array<i32>} : memref<40x128xf32, #tpu.memory_space<vmem>>, vector<16xf32>,
        tpu.vector_store %arg25[%swap3A_845, %swap3A_846], %mul3A_844 {strides = array<i32>} : memref<40x128xf32, #tpu.memory_space<vmem>>, vector<16xf32>,
        %mul3A_848 = arith.constant 16 : i32
        %mul3A_849 = arith.muli %scan3A_259, %mul3A_848 : i32
        %get3A_850 = arith.index_cast %mul3A_849 : i32 to index
        %get3A_851 = tpu.vector_load %arg24[%get3A_850] {strides = array<i32>} : memref<344xf32, #tpu.memory_space<vmem>>, vector<16xf32>,
        %mul3A_852 = arith.constant 16 : i32
        %mul3A_853 = arith.muli %scan3A_259, %mul3A_852 : i32
        %add3A_854 = arith.constant 16 : i32
        %add3A_855 = arith.addi %add3A_854, %mul3A_853 : i32
        %get3A_856 = arith.index_cast %add3A_855 : i32 to index
        %get3A_857 = tpu.vector_load %arg24[%get3A_856] {strides = array<i32>} : memref<344xf32, #tpu.memory_space<vmem>>, vector<16xf32>,
        %mul3A_858 = arith.constant 2 : i32
        %mul3A_859 = arith.muli %mul3A_858, %scan3A_259 : i32
        %get3A_860 = arith.index_cast %mul3A_859 : i32 to index
        %get3A_861 = tpu.vector_load %arg16[%get3A_860] {strides = array<i32>} : memref<56xi32, #tpu.memory_space<vmem>>, vector<16xi32>,
        %slice3A_862 = vector.extract_strided_slice %get3A_861 {offsets = [0], sizes = [1], strides = [1]} : vector<16xi32> to vector<1xi32>
        %squeeze3A_863 = vector.extract %slice3A_862[0] : i32 from vector<1xi32>
        %slice3A_864 = vector.extract_strided_slice %get3A_861 {offsets = [1], sizes = [1], strides = [1]} : vector<16xi32> to vector<1xi32>
        %squeeze3A_865 = vector.extract %slice3A_864[0] : i32 from vector<1xi32>
        %swap3A_866 = arith.index_cast %mul3A_629 : i32 to index
        %swap3A_867 = arith.constant 0 : index
        %swap3A_868 = tpu.vector_load %arg27[%swap3A_866, %swap3A_867] {strides = array<i32>} : memref<40x128xf32, #tpu.memory_space<vmem>>, vector<16xf32>,
        tpu.vector_store %arg27[%swap3A_866, %swap3A_867], %broadcast_in_dim3A_4 {strides = array<i32>} : memref<40x128xf32, #tpu.memory_space<vmem>>, vector<16xf32>,
        %swap3A_869 = arith.index_cast %add3A_633 : i32 to index
        %swap3A_870 = arith.constant 0 : index
        %swap3A_871 = tpu.vector_load %arg27[%swap3A_869, %swap3A_870] {strides = array<i32>} : memref<40x128xf32, #tpu.memory_space<vmem>>, vector<16xf32>,
        tpu.vector_store %arg27[%swap3A_869, %swap3A_870], %broadcast_in_dim3A_4 {strides = array<i32>} : memref<40x128xf32, #tpu.memory_space<vmem>>, vector<16xf32>,
        %swap3A_872 = arith.index_cast %mul3A_629 : i32 to index
        %swap3A_873 = arith.constant 16 : index
        %swap3A_874 = tpu.vector_load %arg27[%swap3A_872, %swap3A_873] {strides = array<i32>} : memref<40x128xf32, #tpu.memory_space<vmem>>, vector<16xf32>,
        tpu.vector_store %arg27[%swap3A_872, %swap3A_873], %broadcast_in_dim3A_4 {strides = array<i32>} : memref<40x128xf32, #tpu.memory_space<vmem>>, vector<16xf32>,
        %swap3A_875 = arith.index_cast %add3A_633 : i32 to index
        %swap3A_876 = arith.constant 16 : index
        %swap3A_877 = tpu.vector_load %arg27[%swap3A_875, %swap3A_876] {strides = array<i32>} : memref<40x128xf32, #tpu.memory_space<vmem>>, vector<16xf32>,
        tpu.vector_store %arg27[%swap3A_875, %swap3A_876], %broadcast_in_dim3A_4 {strides = array<i32>} : memref<40x128xf32, #tpu.memory_space<vmem>>, vector<16xf32>,
        %swap3A_878 = arith.index_cast %mul3A_629 : i32 to index
        %swap3A_879 = arith.constant 32 : index
        %swap3A_880 = tpu.vector_load %arg27[%swap3A_878, %swap3A_879] {strides = array<i32>} : memref<40x128xf32, #tpu.memory_space<vmem>>, vector<16xf32>,
        tpu.vector_store %arg27[%swap3A_878, %swap3A_879], %broadcast_in_dim3A_4 {strides = array<i32>} : memref<40x128xf32, #tpu.memory_space<vmem>>, vector<16xf32>,
        %swap3A_881 = arith.index_cast %add3A_633 : i32 to index
        %swap3A_882 = arith.constant 32 : index
        %swap3A_883 = tpu.vector_load %arg27[%swap3A_881, %swap3A_882] {strides = array<i32>} : memref<40x128xf32, #tpu.memory_space<vmem>>, vector<16xf32>,
        tpu.vector_store %arg27[%swap3A_881, %swap3A_882], %broadcast_in_dim3A_4 {strides = array<i32>} : memref<40x128xf32, #tpu.memory_space<vmem>>, vector<16xf32>,
        %swap3A_884 = arith.index_cast %mul3A_629 : i32 to index
        %swap3A_885 = arith.constant 48 : index
        %swap3A_886 = tpu.vector_load %arg27[%swap3A_884, %swap3A_885] {strides = array<i32>} : memref<40x128xf32, #tpu.memory_space<vmem>>, vector<16xf32>,
        tpu.vector_store %arg27[%swap3A_884, %swap3A_885], %broadcast_in_dim3A_4 {strides = array<i32>} : memref<40x128xf32, #tpu.memory_space<vmem>>, vector<16xf32>,
        %swap3A_887 = arith.index_cast %add3A_633 : i32 to index
        %swap3A_888 = arith.constant 48 : index
        %swap3A_889 = tpu.vector_load %arg27[%swap3A_887, %swap3A_888] {strides = array<i32>} : memref<40x128xf32, #tpu.memory_space<vmem>>, vector<16xf32>,
        tpu.vector_store %arg27[%swap3A_887, %swap3A_888], %broadcast_in_dim3A_4 {strides = array<i32>} : memref<40x128xf32, #tpu.memory_space<vmem>>, vector<16xf32>,
        %swap3A_890 = arith.index_cast %mul3A_629 : i32 to index
        %swap3A_891 = arith.constant 64 : index
        %swap3A_892 = tpu.vector_load %arg27[%swap3A_890, %swap3A_891] {strides = array<i32>} : memref<40x128xf32, #tpu.memory_space<vmem>>, vector<16xf32>,
        tpu.vector_store %arg27[%swap3A_890, %swap3A_891], %broadcast_in_dim3A_4 {strides = array<i32>} : memref<40x128xf32, #tpu.memory_space<vmem>>, vector<16xf32>,
        %swap3A_893 = arith.index_cast %add3A_633 : i32 to index
        %swap3A_894 = arith.constant 64 : index
        %swap3A_895 = tpu.vector_load %arg27[%swap3A_893, %swap3A_894] {strides = array<i32>} : memref<40x128xf32, #tpu.memory_space<vmem>>, vector<16xf32>,
        tpu.vector_store %arg27[%swap3A_893, %swap3A_894], %broadcast_in_dim3A_4 {strides = array<i32>} : memref<40x128xf32, #tpu.memory_space<vmem>>, vector<16xf32>,
        %swap3A_896 = arith.index_cast %mul3A_629 : i32 to index
        %swap3A_897 = arith.constant 80 : index
        %swap3A_898 = tpu.vector_load %arg27[%swap3A_896, %swap3A_897] {strides = array<i32>} : memref<40x128xf32, #tpu.memory_space<vmem>>, vector<16xf32>,
        tpu.vector_store %arg27[%swap3A_896, %swap3A_897], %broadcast_in_dim3A_4 {strides = array<i32>} : memref<40x128xf32, #tpu.memory_space<vmem>>, vector<16xf32>,
        %swap3A_899 = arith.index_cast %add3A_633 : i32 to index
        %swap3A_900 = arith.constant 80 : index
        %swap3A_901 = tpu.vector_load %arg27[%swap3A_899, %swap3A_900] {strides = array<i32>} : memref<40x128xf32, #tpu.memory_space<vmem>>, vector<16xf32>,
        tpu.vector_store %arg27[%swap3A_899, %swap3A_900], %broadcast_in_dim3A_4 {strides = array<i32>} : memref<40x128xf32, #tpu.memory_space<vmem>>, vector<16xf32>,
        %swap3A_902 = arith.index_cast %mul3A_629 : i32 to index
        %swap3A_903 = arith.constant 96 : index
        %swap3A_904 = tpu.vector_load %arg27[%swap3A_902, %swap3A_903] {strides = array<i32>} : memref<40x128xf32, #tpu.memory_space<vmem>>, vector<16xf32>,
        tpu.vector_store %arg27[%swap3A_902, %swap3A_903], %broadcast_in_dim3A_4 {strides = array<i32>} : memref<40x128xf32, #tpu.memory_space<vmem>>, vector<16xf32>,
        %swap3A_905 = arith.index_cast %add3A_633 : i32 to index
        %swap3A_906 = arith.constant 96 : index
        %swap3A_907 = tpu.vector_load %arg27[%swap3A_905, %swap3A_906] {strides = array<i32>} : memref<40x128xf32, #tpu.memory_space<vmem>>, vector<16xf32>,
        tpu.vector_store %arg27[%swap3A_905, %swap3A_906], %broadcast_in_dim3A_4 {strides = array<i32>} : memref<40x128xf32, #tpu.memory_space<vmem>>, vector<16xf32>,
        %swap3A_908 = arith.index_cast %mul3A_629 : i32 to index
        %swap3A_909 = arith.constant 112 : index
        %swap3A_910 = tpu.vector_load %arg27[%swap3A_908, %swap3A_909] {strides = array<i32>} : memref<40x128xf32, #tpu.memory_space<vmem>>, vector<16xf32>,
        tpu.vector_store %arg27[%swap3A_908, %swap3A_909], %broadcast_in_dim3A_4 {strides = array<i32>} : memref<40x128xf32, #tpu.memory_space<vmem>>, vector<16xf32>,
        %swap3A_911 = arith.index_cast %add3A_633 : i32 to index
        %swap3A_912 = arith.constant 112 : index
        %swap3A_913 = tpu.vector_load %arg27[%swap3A_911, %swap3A_912] {strides = array<i32>} : memref<40x128xf32, #tpu.memory_space<vmem>>, vector<16xf32>,
        tpu.vector_store %arg27[%swap3A_911, %swap3A_912], %broadcast_in_dim3A_4 {strides = array<i32>} : memref<40x128xf32, #tpu.memory_space<vmem>>, vector<16xf32>,
        %and3A_914 = arith.constant 15 : i32
        %and3A_915 = arith.andi %squeeze3A_863, %and3A_914 : i32
        %shift_right_arithmetic3A = arith.constant 1 : i32
        %shift_right_arithmetic3A_916 = arith.shrsi %and3A_915, %shift_right_arithmetic3A : i32
        %and3A_917 = arith.constant 15 : i32
        %and3A_918 = arith.andi %squeeze3A_865, %and3A_917 : i32
        %shift_right_arithmetic3A_919 = arith.constant 1 : i32
        %shift_right_arithmetic3A_920 = arith.shrsi %and3A_918, %shift_right_arithmetic3A_919 : i32
        %and3A_921 = arith.constant 1 : i32
        %and3A_922 = arith.andi %squeeze3A_863, %and3A_921 : i32
        %eq3A_923 = arith.constant 0 : i32
        %eq3A_924 = arith.cmpi eq, %and3A_922, %eq3A_923 : i32
        %jit3A = arith.constant 0.000000e+00 : f32
        %broadcast_in_dim3A_925 = vector.broadcast %jit3A : f32 to vector<16xf32>
        %select_n3A_926 = arith.select %lt3A_2, %exp3A, %broadcast_in_dim3A_925 : vector<16xi1>, vector<16xf32>
        %jit3A_927 = arith.constant 0.000000e+00 : f32
        %broadcast_in_dim3A_928 = vector.broadcast %jit3A_927 : f32 to vector<16xf32>
        %select_n3A_929 = arith.select %not3A_3, %get3A_851, %broadcast_in_dim3A_928 : vector<16xi1>, vector<16xf32>
        %select_n3A_930 = arith.select %eq3A_924, %select_n3A_926, %select_n3A_929 : vector<16xf32>
        %and3A_931 = arith.constant 1 : i32
        %and3A_932 = arith.andi %squeeze3A_865, %and3A_931 : i32
        %eq3A_933 = arith.constant 0 : i32
        %eq3A_934 = arith.cmpi eq, %and3A_932, %eq3A_933 : i32
        %jit3A_935 = arith.constant 0.000000e+00 : f32
        %broadcast_in_dim3A_936 = vector.broadcast %jit3A_935 : f32 to vector<16xf32>
        %select_n3A_937 = arith.select %lt3A_2, %get3A_857, %broadcast_in_dim3A_936 : vector<16xi1>, vector<16xf32>
        %jit3A_938 = arith.constant 0.000000e+00 : f32
        %broadcast_in_dim3A_939 = vector.broadcast %jit3A_938 : f32 to vector<16xf32>
        %select_n3A_940 = arith.select %not3A_3, %exp3A, %broadcast_in_dim3A_939 : vector<16xi1>, vector<16xf32>
        %select_n3A_941 = arith.select %eq3A_934, %select_n3A_937, %select_n3A_940 : vector<16xf32>
        %mul3A_942 = arith.constant 16 : i32
        %mul3A_943 = arith.muli %shift_right_arithmetic3A_916, %mul3A_942 : i32
        %swap3A_944 = arith.index_cast %mul3A_629 : i32 to index
        %swap3A_945 = arith.index_cast %mul3A_943 : i32 to index
        %swap3A_946 = tpu.vector_load %arg27[%swap3A_944, %swap3A_945] {strides = array<i32>} : memref<40x128xf32, #tpu.memory_space<vmem>>, vector<16xf32>,
        tpu.vector_store %arg27[%swap3A_944, %swap3A_945], %select_n3A_930 {strides = array<i32>} : memref<40x128xf32, #tpu.memory_space<vmem>>, vector<16xf32>,
        %mul3A_947 = arith.constant 16 : i32
        %mul3A_948 = arith.muli %shift_right_arithmetic3A_920, %mul3A_947 : i32
        %swap3A_949 = arith.index_cast %add3A_633 : i32 to index
        %swap3A_950 = arith.index_cast %mul3A_948 : i32 to index
        %swap3A_951 = tpu.vector_load %arg27[%swap3A_949, %swap3A_950] {strides = array<i32>} : memref<40x128xf32, #tpu.memory_space<vmem>>, vector<16xf32>,
        tpu.vector_store %arg27[%swap3A_949, %swap3A_950], %select_n3A_941 {strides = array<i32>} : memref<40x128xf32, #tpu.memory_space<vmem>>, vector<16xf32>,
        %scan3A_952 = arith.constant 0 : i32
        scf.yield %scan3A_952 : i32
      }
      %scan3A_239 = arith.constant 20 : i32
      %mul3A_240 = arith.constant 40 : i32
      %mul3A_241 = arith.muli %add3A_161, %mul3A_240 : i32
      %add3A_242 = arith.addi %mul3A_12, %mul3A_241 : i32
      %multiple_of3A_243 = tpu.assume_multiple %add3A_242, 8 : i32
      %mul3A_244 = arith.constant 8 : i32
      %mul3A_245 = arith.muli %multiple_of3A_243, %mul3A_244 : i32
      %dma_start3A_246 = arith.constant 8 : i32
      %dma_start3A_247 = tpu.memref_slice %arg24[%dma_start3A_246] : memref<344xf32, #tpu.memory_space<vmem>> -> memref<320xf32, #tpu.memory_space<vmem>>
      %dma_start3A_248 = tpu.memref_slice %arg8[%mul3A_245] : memref<2560000xf32, #tpu.memory_space<hbm>> -> memref<320xf32, #tpu.memory_space<hbm>>
      %dma_start3A_249 = tpu.memref_slice %arg8[%mul3A_245] : memref<2560000xf32, #tpu.memory_space<hbm>> -> memref<320xf32, #tpu.memory_space<hbm>>
      %dma_start3A_250 = arith.constant 8 : i32
      %dma_start3A_251 = tpu.memref_slice %arg24[%dma_start3A_250] : memref<344xf32, #tpu.memory_space<vmem>> -> memref<320xf32, #tpu.memory_space<vmem>>
      tpu.enqueue_dma source(%dma_start3A_251 : memref<320xf32, #tpu.memory_space<vmem>>) target(%dma_start3A_249 : memref<320xf32, #tpu.memory_space<hbm>>) target_semaphore(%arg34 : memref<!tpu.dma_semaphore, #tpu.memory_space<semaphore_mem>>)
      %dma_start3A_252 = arith.constant 0 : i32
      %dma_start3A_253 = arith.constant 0 : i32
      %dma_start3A_254 = tpu.memref_slice %arg29[%dma_start3A_252, %dma_start3A_253] : memref<10240x128xf32, #tpu.memory_space<vmem_shared>> -> memref<10240x128xf32, #tpu.memory_space<vmem_shared>>
      tpu.enqueue_indirect_dma source(%arg25 : memref<40x128xf32, #tpu.memory_space<vmem>>) target(%dma_start3A_254 : memref<10240x128xf32, #tpu.memory_space<vmem_shared>>) offsets(%arg26 : memref<40xi32, #tpu.memory_space<vmem>>) semaphore(%arg35 : memref<!tpu.dma_semaphore, #tpu.memory_space<semaphore_mem>>) {add = true}
      %dma_start3A_255 = arith.constant 0 : i32
      %dma_start3A_256 = arith.constant 0 : i32
      %dma_start3A_257 = tpu.memref_slice %arg30[%dma_start3A_255, %dma_start3A_256] : memref<640x128xf32, #tpu.memory_space<vmem_shared>> -> memref<640x128xf32, #tpu.memory_space<vmem_shared>>
      tpu.enqueue_indirect_dma source(%arg27 : memref<40x128xf32, #tpu.memory_space<vmem>>) target(%dma_start3A_257 : memref<640x128xf32, #tpu.memory_space<vmem_shared>>) offsets(%arg28 : memref<40xi32, #tpu.memory_space<vmem>>) semaphore(%arg35 : memref<!tpu.dma_semaphore, #tpu.memory_space<semaphore_mem>>) {add = true}
      %scan3A_258 = arith.constant 0 : i32
      scf.yield %scan3A_258 : i32
    }
    %scan3A_32 = arith.constant 125 : i32
    %dma_wait3A = arith.constant 8 : i32
    %dma_wait3A_33 = tpu.memref_slice %arg23[%dma_wait3A] : memref<344xf32, #tpu.memory_space<vmem>> -> memref<320xf32, #tpu.memory_space<vmem>>
    %dma_wait3A_34 = arith.constant 0 : i32
    %dma_wait3A_35 = tpu.memref_slice %arg8[%dma_wait3A_34] : memref<2560000xf32, #tpu.memory_space<hbm>> -> memref<320xf32, #tpu.memory_space<hbm>>
    %dma_wait3A_36 = arith.constant 0 : i32
    %dma_wait3A_37 = tpu.memref_slice %arg8[%dma_wait3A_36] : memref<2560000xf32, #tpu.memory_space<hbm>> -> memref<320xf32, #tpu.memory_space<hbm>>
    %dma_wait3A_38 = arith.constant 8 : i32
    %dma_wait3A_39 = tpu.memref_slice %arg23[%dma_wait3A_38] : memref<344xf32, #tpu.memory_space<vmem>> -> memref<320xf32, #tpu.memory_space<vmem>>
    tpu.wait_dma2 semaphore(%arg33 : memref<!tpu.dma_semaphore, #tpu.memory_space<semaphore_mem>>) src(%dma_wait3A_39 : memref<320xf32, #tpu.memory_space<vmem>>) dst(%dma_wait3A_37 : memref<320xf32, #tpu.memory_space<hbm>>)
    %dma_wait3A_40 = arith.constant 8 : i32
    %dma_wait3A_41 = tpu.memref_slice %arg24[%dma_wait3A_40] : memref<344xf32, #tpu.memory_space<vmem>> -> memref<320xf32, #tpu.memory_space<vmem>>
    %dma_wait3A_42 = arith.constant 0 : i32
    %dma_wait3A_43 = tpu.memref_slice %arg8[%dma_wait3A_42] : memref<2560000xf32, #tpu.memory_space<hbm>> -> memref<320xf32, #tpu.memory_space<hbm>>
    %dma_wait3A_44 = arith.constant 0 : i32
    %dma_wait3A_45 = tpu.memref_slice %arg8[%dma_wait3A_44] : memref<2560000xf32, #tpu.memory_space<hbm>> -> memref<320xf32, #tpu.memory_space<hbm>>
    %dma_wait3A_46 = arith.constant 8 : i32
    %dma_wait3A_47 = tpu.memref_slice %arg24[%dma_wait3A_46] : memref<344xf32, #tpu.memory_space<vmem>> -> memref<320xf32, #tpu.memory_space<vmem>>
    tpu.wait_dma2 semaphore(%arg34 : memref<!tpu.dma_semaphore, #tpu.memory_space<semaphore_mem>>) src(%dma_wait3A_47 : memref<320xf32, #tpu.memory_space<vmem>>) dst(%dma_wait3A_45 : memref<320xf32, #tpu.memory_space<hbm>>)
    %dma_wait3A_48 = arith.constant 0 : i32
    %dma_wait3A_49 = arith.constant 0 : i32
    %dma_wait3A_50 = tpu.memref_slice %arg29[%dma_wait3A_48, %dma_wait3A_49] : memref<10240x128xf32, #tpu.memory_space<vmem_shared>> -> memref<40x128xf32, #tpu.memory_space<vmem_shared>>
    %dma_wait3A_51 = arith.constant 0 : i32
    %dma_wait3A_52 = arith.constant 0 : i32
    %dma_wait3A_53 = tpu.memref_slice %arg29[%dma_wait3A_51, %dma_wait3A_52] : memref<10240x128xf32, #tpu.memory_space<vmem_shared>> -> memref<40x128xf32, #tpu.memory_space<vmem_shared>>
    tpu.wait_dma2 semaphore(%arg35 : memref<!tpu.dma_semaphore, #tpu.memory_space<semaphore_mem>>) src(%arg25 : memref<40x128xf32, #tpu.memory_space<vmem>>) dst(%dma_wait3A_53 : memref<40x128xf32, #tpu.memory_space<vmem_shared>>)
    %dma_wait3A_54 = arith.constant 0 : i32
    %dma_wait3A_55 = arith.constant 0 : i32
    %dma_wait3A_56 = tpu.memref_slice %arg30[%dma_wait3A_54, %dma_wait3A_55] : memref<640x128xf32, #tpu.memory_space<vmem_shared>> -> memref<40x128xf32, #tpu.memory_space<vmem_shared>>
    %dma_wait3A_57 = arith.constant 0 : i32
    %dma_wait3A_58 = arith.constant 0 : i32
    %dma_wait3A_59 = tpu.memref_slice %arg30[%dma_wait3A_57, %dma_wait3A_58] : memref<640x128xf32, #tpu.memory_space<vmem_shared>> -> memref<40x128xf32, #tpu.memory_space<vmem_shared>>
    tpu.wait_dma2 semaphore(%arg35 : memref<!tpu.dma_semaphore, #tpu.memory_space<semaphore_mem>>) src(%arg27 : memref<40x128xf32, #tpu.memory_space<vmem>>) dst(%dma_wait3A_59 : memref<40x128xf32, #tpu.memory_space<vmem_shared>>)
    %barrier3A_60 = arith.constant 0 : index
    tpu.barrier barrier_id(%barrier3A_60)
    "tpu.region"() ({
      %run_scoped3A = tpu.sem_alloc : memref<!tpu.dma_semaphore, #tpu.memory_space<semaphore_mem>>
      %dma_start3A_61 = arith.constant 0 : i32
      %dma_start3A_62 = tpu.memref_slice %arg9[%arg0, %mul3A_8, %dma_start3A_61] : memref<2x10240x128xf32, #tpu.memory_space<hbm>> -> memref<1x640x128xf32, #tpu.memory_space<hbm>>
      %dma_start3A_63 = tpu.memref_squeeze %dma_start3A_62 : memref<1x640x128xf32, #tpu.memory_space<hbm>> -> memref<640x128xf32, #tpu.memory_space<hbm>>
      %dma_start3A_64 = arith.constant 0 : i32
      %dma_start3A_65 = tpu.memref_slice %arg29[%mul3A_8, %dma_start3A_64] : memref<10240x128xf32, #tpu.memory_space<vmem_shared>> -> memref<640x128xf32, #tpu.memory_space<vmem_shared>>
      tpu.enqueue_dma source(%dma_start3A_65 : memref<640x128xf32, #tpu.memory_space<vmem_shared>>) target(%dma_start3A_63 : memref<640x128xf32, #tpu.memory_space<hbm>>) target_semaphore(%run_scoped3A : memref<!tpu.dma_semaphore, #tpu.memory_space<semaphore_mem>>)
      %dma_wait3A_66 = arith.constant 0 : i32
      %dma_wait3A_67 = tpu.memref_slice %arg9[%arg0, %mul3A_8, %dma_wait3A_66] : memref<2x10240x128xf32, #tpu.memory_space<hbm>> -> memref<1x640x128xf32, #tpu.memory_space<hbm>>
      %dma_wait3A_68 = tpu.memref_squeeze %dma_wait3A_67 : memref<1x640x128xf32, #tpu.memory_space<hbm>> -> memref<640x128xf32, #tpu.memory_space<hbm>>
      %dma_wait3A_69 = arith.constant 0 : i32
      %dma_wait3A_70 = tpu.memref_slice %arg29[%mul3A_8, %dma_wait3A_69] : memref<10240x128xf32, #tpu.memory_space<vmem_shared>> -> memref<640x128xf32, #tpu.memory_space<vmem_shared>>
      tpu.wait_dma2 semaphore(%run_scoped3A : memref<!tpu.dma_semaphore, #tpu.memory_space<semaphore_mem>>) src(%dma_wait3A_70 : memref<640x128xf32, #tpu.memory_space<vmem_shared>>) dst(%dma_wait3A_68 : memref<640x128xf32, #tpu.memory_space<hbm>>)
      tpu.yield
    }) : () -> ()
    "tpu.region"() ({
      %run_scoped3A = tpu.sem_alloc : memref<!tpu.dma_semaphore, #tpu.memory_space<semaphore_mem>>
      %dma_start3A_61 = arith.constant 0 : i32
      %dma_start3A_62 = tpu.memref_slice %arg10[%arg0, %mul3A_10, %dma_start3A_61] : memref<2x640x128xf32, #tpu.memory_space<hbm>> -> memref<1x40x128xf32, #tpu.memory_space<hbm>>
      %dma_start3A_63 = tpu.memref_squeeze %dma_start3A_62 : memref<1x40x128xf32, #tpu.memory_space<hbm>> -> memref<40x128xf32, #tpu.memory_space<hbm>>
      %dma_start3A_64 = arith.constant 0 : i32
      %dma_start3A_65 = tpu.memref_slice %arg30[%mul3A_10, %dma_start3A_64] : memref<640x128xf32, #tpu.memory_space<vmem_shared>> -> memref<40x128xf32, #tpu.memory_space<vmem_shared>>
      tpu.enqueue_dma source(%dma_start3A_65 : memref<40x128xf32, #tpu.memory_space<vmem_shared>>) target(%dma_start3A_63 : memref<40x128xf32, #tpu.memory_space<hbm>>) target_semaphore(%run_scoped3A : memref<!tpu.dma_semaphore, #tpu.memory_space<semaphore_mem>>)
      %dma_wait3A_66 = arith.constant 0 : i32
      %dma_wait3A_67 = tpu.memref_slice %arg10[%arg0, %mul3A_10, %dma_wait3A_66] : memref<2x640x128xf32, #tpu.memory_space<hbm>> -> memref<1x40x128xf32, #tpu.memory_space<hbm>>
      %dma_wait3A_68 = tpu.memref_squeeze %dma_wait3A_67 : memref<1x40x128xf32, #tpu.memory_space<hbm>> -> memref<40x128xf32, #tpu.memory_space<hbm>>
      %dma_wait3A_69 = arith.constant 0 : i32
      %dma_wait3A_70 = tpu.memref_slice %arg30[%mul3A_10, %dma_wait3A_69] : memref<640x128xf32, #tpu.memory_space<vmem_shared>> -> memref<40x128xf32, #tpu.memory_space<vmem_shared>>
      tpu.wait_dma2 semaphore(%run_scoped3A : memref<!tpu.dma_semaphore, #tpu.memory_space<semaphore_mem>>) src(%dma_wait3A_70 : memref<40x128xf32, #tpu.memory_space<vmem_shared>>) dst(%dma_wait3A_68 : memref<40x128xf32, #tpu.memory_space<hbm>>)
      tpu.yield
    }) : () -> ()
    return
  }
}

module attributes {stable_mosaic.version = 14 : i64} {
  func.func @_split_body(%arg0: memref<2x320000xi32, #tpu.memory_space<vmem>>, %arg1: memref<320000xi32, #tpu.memory_space<vmem>>, %arg2: memref<320000xi32, #tpu.memory_space<vmem>>) attributes {dimension_semantics = [], scalar_prefetch = 0 : i64, scratch_operands = 0 : i64, tpu.core_type = #tpu.core_type<tc>} {
    %get3A = arith.constant 0 : index
    %get3A_0 = arith.constant 0 : index
    %get3A_1 = vector.load %arg0[%get3A, %get3A_0] : memref<2x320000xi32, #tpu.memory_space<vmem>>, vector<1x320000xi32>
    %get3A_2 = vector.shape_cast %get3A_1 : vector<1x320000xi32> to vector<320000xi32>
    %swap3A = arith.constant 0 : index
    %swap3A_3 = vector.load %arg1[%swap3A] : memref<320000xi32, #tpu.memory_space<vmem>>, vector<320000xi32>
    tpu.vector_store %arg1[%swap3A], %get3A_2 {strides = array<i32>} : memref<320000xi32, #tpu.memory_space<vmem>>, vector<320000xi32>,
    %get3A_4 = arith.constant 1 : index
    %get3A_5 = arith.constant 0 : index
    %get3A_6 = vector.load %arg0[%get3A_4, %get3A_5] : memref<2x320000xi32, #tpu.memory_space<vmem>>, vector<1x320000xi32>
    %get3A_7 = vector.shape_cast %get3A_6 : vector<1x320000xi32> to vector<320000xi32>
    %swap3A_8 = arith.constant 0 : index
    %swap3A_9 = vector.load %arg2[%swap3A_8] : memref<320000xi32, #tpu.memory_space<vmem>>, vector<320000xi32>
    tpu.vector_store %arg2[%swap3A_8], %get3A_7 {strides = array<i32>} : memref<320000xi32, #tpu.memory_space<vmem>>, vector<320000xi32>,
    return
  }
}

module attributes {stable_mosaic.version = 14 : i64} {
  func.func @_proj_body(%arg0: i32, %arg1: memref<1000x128xf32, #tpu.memory_space<vmem>>, %arg2: memref<128x512xf32, #tpu.memory_space<vmem>>, %arg3: memref<1x512xf32, #tpu.memory_space<vmem>>, %arg4: memref<1000x128xi32, #tpu.memory_space<vmem>>, %arg5: memref<1000x128xi32, #tpu.memory_space<vmem>>, %arg6: memref<1000x128xf32, #tpu.memory_space<vmem>>) attributes {dimension_semantics = [#tpu.dimension_semantics<arbitrary>], iteration_bounds = array<i64: 10>, scalar_prefetch = 0 : i64, scratch_operands = 0 : i64, tpu.core_type = #tpu.core_type<tc>, window_params = [{transform_indices = @transform_0, window_bounds = array<i64: 1000, 128>}, {pipeline_mode = #tpu.pipeline_mode<synchronous>, transform_indices = @transform_1, window_bounds = array<i64: 128, 512>}, {pipeline_mode = #tpu.pipeline_mode<synchronous>, transform_indices = @transform_2, window_bounds = array<i64: 1, 512>}, {transform_indices = @transform_3, window_bounds = array<i64: 1000, 128>}, {transform_indices = @transform_4, window_bounds = array<i64: 1000, 128>}, {transform_indices = @transform_5, window_bounds = array<i64: 1000, 128>}]} {
    %get3A = arith.constant 0 : index
    %get3A_0 = arith.constant 0 : index
    %get3A_1 = vector.load %arg1[%get3A, %get3A_0] : memref<1000x128xf32, #tpu.memory_space<vmem>>, vector<1000x128xf32>
    %get3A_2 = arith.constant 0 : index
    %get3A_3 = arith.constant 0 : index
    %get3A_4 = vector.load %arg2[%get3A_2, %get3A_3] : memref<128x512xf32, #tpu.memory_space<vmem>>, vector<128x512xf32>
    %dot_general3A = arith.constant dense<0.000000e+00> : vector<1000x512xf32>
    %dot_general3A_5 = tpu.matmul %get3A_1, %get3A_4, %dot_general3A {dimension_numbers = #tpu.dot_dimension_numbers<[1], [0], [0], [1], [0, 0, 1, 1], [], []>, transpose_lhs_hint = false} : vector<1000x128xf32>, vector<128x512xf32>, vector<1000x512xf32> -> vector<1000x512xf32>
    %get3A_6 = arith.constant 0 : index
    %get3A_7 = arith.constant 0 : index
    %get3A_8 = vector.load %arg3[%get3A_6, %get3A_7] : memref<1x512xf32, #tpu.memory_space<vmem>>, vector<1x512xf32>
    %add3A = vector.broadcast %get3A_8 : vector<1x512xf32> to vector<1000x512xf32>
    %add3A_9 = arith.addf %dot_general3A_5, %add3A : vector<1000x512xf32>
    %slice3A = vector.extract_strided_slice %add3A_9 {offsets = [0, 0], sizes = [1000, 64], strides = [1, 1]} : vector<1000x512xf32> to vector<1000x64xf32>
    %slice3A_10 = vector.extract_strided_slice %add3A_9 {offsets = [0, 64], sizes = [1000, 64], strides = [1, 1]} : vector<1000x512xf32> to vector<1000x64xf32>
    %bitcast_convert_type3A = tpu.bitcast %slice3A : vector<1000x64xf32> -> vector<1000x64xi32>
    %add3A_11 = arith.constant 32767 : i32
    %add3A_12 = vector.broadcast %add3A_11 : i32 to vector<1000x64xi32>
    %add3A_13 = arith.addi %bitcast_convert_type3A, %add3A_12 : vector<1000x64xi32>
    %shift_right_logical3A = arith.constant 16 : i32
    %shift_right_logical3A_14 = vector.broadcast %shift_right_logical3A : i32 to vector<1000x64xi32>
    %shift_right_logical3A_15 = arith.shrui %bitcast_convert_type3A, %shift_right_logical3A_14 : vector<1000x64xi32>
    %and3A = arith.constant 1 : i32
    %and3A_16 = vector.broadcast %and3A : i32 to vector<1000x64xi32>
    %and3A_17 = arith.andi %shift_right_logical3A_15, %and3A_16 : vector<1000x64xi32>
    %add3A_18 = arith.addi %add3A_13, %and3A_17 : vector<1000x64xi32>
    %shift_right_logical3A_19 = arith.constant 16 : i32
    %shift_right_logical3A_20 = vector.broadcast %shift_right_logical3A_19 : i32 to vector<1000x64xi32>
    %shift_right_logical3A_21 = arith.shrui %add3A_18, %shift_right_logical3A_20 : vector<1000x64xi32>
    %bitcast_convert_type3A_22 = tpu.bitcast %slice3A_10 : vector<1000x64xf32> -> vector<1000x64xi32>
    %add3A_23 = arith.constant 32767 : i32
    %add3A_24 = vector.broadcast %add3A_23 : i32 to vector<1000x64xi32>
    %add3A_25 = arith.addi %bitcast_convert_type3A_22, %add3A_24 : vector<1000x64xi32>
    %shift_right_logical3A_26 = arith.constant 16 : i32
    %shift_right_logical3A_27 = vector.broadcast %shift_right_logical3A_26 : i32 to vector<1000x64xi32>
    %shift_right_logical3A_28 = arith.shrui %bitcast_convert_type3A_22, %shift_right_logical3A_27 : vector<1000x64xi32>
    %and3A_29 = arith.constant 1 : i32
    %and3A_30 = vector.broadcast %and3A_29 : i32 to vector<1000x64xi32>
    %and3A_31 = arith.andi %shift_right_logical3A_28, %and3A_30 : vector<1000x64xi32>
    %add3A_32 = arith.addi %add3A_25, %and3A_31 : vector<1000x64xi32>
    %shift_right_logical3A_33 = arith.constant 16 : i32
    %shift_right_logical3A_34 = vector.broadcast %shift_right_logical3A_33 : i32 to vector<1000x64xi32>
    %shift_right_logical3A_35 = arith.shrui %add3A_32, %shift_right_logical3A_34 : vector<1000x64xi32>
    %shift_left3A = arith.constant 16 : i32
    %shift_left3A_36 = vector.broadcast %shift_left3A : i32 to vector<1000x64xi32>
    %shift_left3A_37 = arith.shli %shift_right_logical3A_35, %shift_left3A_36 : vector<1000x64xi32>
    %or3A = arith.ori %shift_right_logical3A_21, %shift_left3A_37 : vector<1000x64xi32>
    %swap3A = arith.constant 0 : index
    %swap3A_38 = arith.constant 0 : index
    %swap3A_39 = vector.load %arg4[%swap3A, %swap3A_38] : memref<1000x128xi32, #tpu.memory_space<vmem>>, vector<1000x64xi32>
    tpu.vector_store %arg4[%swap3A, %swap3A_38], %or3A {strides = array<i32>} : memref<1000x128xi32, #tpu.memory_space<vmem>>, vector<1000x64xi32>,
    %broadcast_in_dim3A = arith.constant 0 : i32
    %broadcast_in_dim3A_40 = vector.broadcast %broadcast_in_dim3A : i32 to vector<1000x64xi32>
    %swap3A_41 = arith.constant 0 : index
    %swap3A_42 = arith.constant 64 : index
    %swap3A_43 = vector.load %arg4[%swap3A_41, %swap3A_42] : memref<1000x128xi32, #tpu.memory_space<vmem>>, vector<1000x64xi32>
    tpu.vector_store %arg4[%swap3A_41, %swap3A_42], %broadcast_in_dim3A_40 {strides = array<i32>} : memref<1000x128xi32, #tpu.memory_space<vmem>>, vector<1000x64xi32>,
    %slice3A_44 = vector.extract_strided_slice %add3A_9 {offsets = [0, 128], sizes = [1000, 64], strides = [1, 1]} : vector<1000x512xf32> to vector<1000x64xf32>
    %slice3A_45 = vector.extract_strided_slice %add3A_9 {offsets = [0, 192], sizes = [1000, 64], strides = [1, 1]} : vector<1000x512xf32> to vector<1000x64xf32>
    %bitcast_convert_type3A_46 = tpu.bitcast %slice3A_44 : vector<1000x64xf32> -> vector<1000x64xi32>
    %add3A_47 = arith.constant 32767 : i32
    %add3A_48 = vector.broadcast %add3A_47 : i32 to vector<1000x64xi32>
    %add3A_49 = arith.addi %bitcast_convert_type3A_46, %add3A_48 : vector<1000x64xi32>
    %shift_right_logical3A_50 = arith.constant 16 : i32
    %shift_right_logical3A_51 = vector.broadcast %shift_right_logical3A_50 : i32 to vector<1000x64xi32>
    %shift_right_logical3A_52 = arith.shrui %bitcast_convert_type3A_46, %shift_right_logical3A_51 : vector<1000x64xi32>
    %and3A_53 = arith.constant 1 : i32
    %and3A_54 = vector.broadcast %and3A_53 : i32 to vector<1000x64xi32>
    %and3A_55 = arith.andi %shift_right_logical3A_52, %and3A_54 : vector<1000x64xi32>
    %add3A_56 = arith.addi %add3A_49, %and3A_55 : vector<1000x64xi32>
    %shift_right_logical3A_57 = arith.constant 16 : i32
    %shift_right_logical3A_58 = vector.broadcast %shift_right_logical3A_57 : i32 to vector<1000x64xi32>
    %shift_right_logical3A_59 = arith.shrui %add3A_56, %shift_right_logical3A_58 : vector<1000x64xi32>
    %bitcast_convert_type3A_60 = tpu.bitcast %slice3A_45 : vector<1000x64xf32> -> vector<1000x64xi32>
    %add3A_61 = arith.constant 32767 : i32
    %add3A_62 = vector.broadcast %add3A_61 : i32 to vector<1000x64xi32>
    %add3A_63 = arith.addi %bitcast_convert_type3A_60, %add3A_62 : vector<1000x64xi32>
    %shift_right_logical3A_64 = arith.constant 16 : i32
    %shift_right_logical3A_65 = vector.broadcast %shift_right_logical3A_64 : i32 to vector<1000x64xi32>
    %shift_right_logical3A_66 = arith.shrui %bitcast_convert_type3A_60, %shift_right_logical3A_65 : vector<1000x64xi32>
    %and3A_67 = arith.constant 1 : i32
    %and3A_68 = vector.broadcast %and3A_67 : i32 to vector<1000x64xi32>
    %and3A_69 = arith.andi %shift_right_logical3A_66, %and3A_68 : vector<1000x64xi32>
    %add3A_70 = arith.addi %add3A_63, %and3A_69 : vector<1000x64xi32>
    %shift_right_logical3A_71 = arith.constant 16 : i32
    %shift_right_logical3A_72 = vector.broadcast %shift_right_logical3A_71 : i32 to vector<1000x64xi32>
    %shift_right_logical3A_73 = arith.shrui %add3A_70, %shift_right_logical3A_72 : vector<1000x64xi32>
    %shift_left3A_74 = arith.constant 16 : i32
    %shift_left3A_75 = vector.broadcast %shift_left3A_74 : i32 to vector<1000x64xi32>
    %shift_left3A_76 = arith.shli %shift_right_logical3A_73, %shift_left3A_75 : vector<1000x64xi32>
    %or3A_77 = arith.ori %shift_right_logical3A_59, %shift_left3A_76 : vector<1000x64xi32>
    %swap3A_78 = arith.constant 0 : index
    %swap3A_79 = arith.constant 0 : index
    %swap3A_80 = vector.load %arg5[%swap3A_78, %swap3A_79] : memref<1000x128xi32, #tpu.memory_space<vmem>>, vector<1000x64xi32>
    tpu.vector_store %arg5[%swap3A_78, %swap3A_79], %or3A_77 {strides = array<i32>} : memref<1000x128xi32, #tpu.memory_space<vmem>>, vector<1000x64xi32>,
    %slice3A_81 = vector.extract_strided_slice %add3A_9 {offsets = [0, 256], sizes = [1000, 64], strides = [1, 1]} : vector<1000x512xf32> to vector<1000x64xf32>
    %slice3A_82 = vector.extract_strided_slice %add3A_9 {offsets = [0, 320], sizes = [1000, 64], strides = [1, 1]} : vector<1000x512xf32> to vector<1000x64xf32>
    %bitcast_convert_type3A_83 = tpu.bitcast %slice3A_81 : vector<1000x64xf32> -> vector<1000x64xi32>
    %add3A_84 = arith.constant 32767 : i32
    %add3A_85 = vector.broadcast %add3A_84 : i32 to vector<1000x64xi32>
    %add3A_86 = arith.addi %bitcast_convert_type3A_83, %add3A_85 : vector<1000x64xi32>
    %shift_right_logical3A_87 = arith.constant 16 : i32
    %shift_right_logical3A_88 = vector.broadcast %shift_right_logical3A_87 : i32 to vector<1000x64xi32>
    %shift_right_logical3A_89 = arith.shrui %bitcast_convert_type3A_83, %shift_right_logical3A_88 : vector<1000x64xi32>
    %and3A_90 = arith.constant 1 : i32
    %and3A_91 = vector.broadcast %and3A_90 : i32 to vector<1000x64xi32>
    %and3A_92 = arith.andi %shift_right_logical3A_89, %and3A_91 : vector<1000x64xi32>
    %add3A_93 = arith.addi %add3A_86, %and3A_92 : vector<1000x64xi32>
    %shift_right_logical3A_94 = arith.constant 16 : i32
    %shift_right_logical3A_95 = vector.broadcast %shift_right_logical3A_94 : i32 to vector<1000x64xi32>
    %shift_right_logical3A_96 = arith.shrui %add3A_93, %shift_right_logical3A_95 : vector<1000x64xi32>
    %bitcast_convert_type3A_97 = tpu.bitcast %slice3A_82 : vector<1000x64xf32> -> vector<1000x64xi32>
    %add3A_98 = arith.constant 32767 : i32
    %add3A_99 = vector.broadcast %add3A_98 : i32 to vector<1000x64xi32>
    %add3A_100 = arith.addi %bitcast_convert_type3A_97, %add3A_99 : vector<1000x64xi32>
    %shift_right_logical3A_101 = arith.constant 16 : i32
    %shift_right_logical3A_102 = vector.broadcast %shift_right_logical3A_101 : i32 to vector<1000x64xi32>
    %shift_right_logical3A_103 = arith.shrui %bitcast_convert_type3A_97, %shift_right_logical3A_102 : vector<1000x64xi32>
    %and3A_104 = arith.constant 1 : i32
    %and3A_105 = vector.broadcast %and3A_104 : i32 to vector<1000x64xi32>
    %and3A_106 = arith.andi %shift_right_logical3A_103, %and3A_105 : vector<1000x64xi32>
    %add3A_107 = arith.addi %add3A_100, %and3A_106 : vector<1000x64xi32>
    %shift_right_logical3A_108 = arith.constant 16 : i32
    %shift_right_logical3A_109 = vector.broadcast %shift_right_logical3A_108 : i32 to vector<1000x64xi32>
    %shift_right_logical3A_110 = arith.shrui %add3A_107, %shift_right_logical3A_109 : vector<1000x64xi32>
    %shift_left3A_111 = arith.constant 16 : i32
    %shift_left3A_112 = vector.broadcast %shift_left3A_111 : i32 to vector<1000x64xi32>
    %shift_left3A_113 = arith.shli %shift_right_logical3A_110, %shift_left3A_112 : vector<1000x64xi32>
    %or3A_114 = arith.ori %shift_right_logical3A_96, %shift_left3A_113 : vector<1000x64xi32>
    %swap3A_115 = arith.constant 0 : index
    %swap3A_116 = arith.constant 64 : index
    %swap3A_117 = vector.load %arg5[%swap3A_115, %swap3A_116] : memref<1000x128xi32, #tpu.memory_space<vmem>>, vector<1000x64xi32>
    tpu.vector_store %arg5[%swap3A_115, %swap3A_116], %or3A_114 {strides = array<i32>} : memref<1000x128xi32, #tpu.memory_space<vmem>>, vector<1000x64xi32>,
    %slice3A_118 = vector.extract_strided_slice %add3A_9 {offsets = [0, 384], sizes = [1000, 128], strides = [1, 1]} : vector<1000x512xf32> to vector<1000x128xf32>
    %swap3A_119 = arith.constant 0 : index
    %swap3A_120 = arith.constant 0 : index
    %swap3A_121 = vector.load %arg6[%swap3A_119, %swap3A_120] : memref<1000x128xf32, #tpu.memory_space<vmem>>, vector<1000x128xf32>
    tpu.vector_store %arg6[%swap3A_119, %swap3A_120], %slice3A_118 {strides = array<i32>} : memref<1000x128xf32, #tpu.memory_space<vmem>>, vector<1000x128xf32>,
    return
  }
  func.func @transform_0(%arg0: i32) -> (i32, i32) {
    %c0_i32 = arith.constant 0 : i32
    %c0_i32_0 = arith.constant 0 : i32
    return %arg0, %c0_i32 : i32, i32
  }
  func.func @transform_1(%arg0: i32) -> (i32, i32) {
    %c0_i32 = arith.constant 0 : i32
    %c0_i32_0 = arith.constant 0 : i32
    %c0_i32_1 = arith.constant 0 : i32
    return %c0_i32, %c0_i32_0 : i32, i32
  }
  func.func @transform_2(%arg0: i32) -> (i32, i32) {
    %c0_i32 = arith.constant 0 : i32
    %c0_i32_0 = arith.constant 0 : i32
    %c0_i32_1 = arith.constant 0 : i32
    return %c0_i32, %c0_i32_0 : i32, i32
  }
  func.func @transform_3(%arg0: i32) -> (i32, i32) {
    %c0_i32 = arith.constant 0 : i32
    %c0_i32_0 = arith.constant 0 : i32
    return %arg0, %c0_i32 : i32, i32
  }
  func.func @transform_4(%arg0: i32) -> (i32, i32) {
    %c0_i32 = arith.constant 0 : i32
    %c0_i32_0 = arith.constant 0 : i32
    return %arg0, %c0_i32 : i32, i32
  }
  func.func @transform_5(%arg0: i32) -> (i32, i32) {
    %c0_i32 = arith.constant 0 : i32
    %c0_i32_0 = arith.constant 0 : i32
    return %arg0, %c0_i32 : i32, i32
  }
}

module attributes {stable_mosaic.version = 14 : i64} {
  func.func @_eproj_body(%arg0: i32, %arg1: memref<4000x128xf32, #tpu.memory_space<vmem>>, %arg2: memref<128x128xf32, #tpu.memory_space<vmem>>, %arg3: memref<1x128xf32, #tpu.memory_space<vmem>>, %arg4: memref<4000x64xi32, #tpu.memory_space<vmem>>) attributes {dimension_semantics = [#tpu.dimension_semantics<arbitrary>], iteration_bounds = array<i64: 80>, scalar_prefetch = 0 : i64, scratch_operands = 0 : i64, tpu.core_type = #tpu.core_type<tc>, window_params = [{transform_indices = @transform_0, window_bounds = array<i64: 4000, 128>}, {pipeline_mode = #tpu.pipeline_mode<synchronous>, transform_indices = @transform_1, window_bounds = array<i64: 128, 128>}, {pipeline_mode = #tpu.pipeline_mode<synchronous>, transform_indices = @transform_2, window_bounds = array<i64: 1, 128>}, {transform_indices = @transform_3, window_bounds = array<i64: 4000, 64>}]} {
    %get3A = arith.constant 0 : index
    %get3A_0 = arith.constant 0 : index
    %get3A_1 = vector.load %arg1[%get3A, %get3A_0] : memref<4000x128xf32, #tpu.memory_space<vmem>>, vector<4000x128xf32>
    %get3A_2 = arith.constant 0 : index
    %get3A_3 = arith.constant 0 : index
    %get3A_4 = vector.load %arg2[%get3A_2, %get3A_3] : memref<128x128xf32, #tpu.memory_space<vmem>>, vector<128x128xf32>
    %dot_general3A = arith.constant dense<0.000000e+00> : vector<4000x128xf32>
    %dot_general3A_5 = tpu.matmul %get3A_1, %get3A_4, %dot_general3A {dimension_numbers = #tpu.dot_dimension_numbers<[1], [0], [0], [1], [0, 0, 1, 1], [], []>, transpose_lhs_hint = false} : vector<4000x128xf32>, vector<128x128xf32>, vector<4000x128xf32> -> vector<4000x128xf32>
    %get3A_6 = arith.constant 0 : index
    %get3A_7 = arith.constant 0 : index
    %get3A_8 = vector.load %arg3[%get3A_6, %get3A_7] : memref<1x128xf32, #tpu.memory_space<vmem>>, vector<1x128xf32>
    %add3A = vector.broadcast %get3A_8 : vector<1x128xf32> to vector<4000x128xf32>
    %add3A_9 = arith.addf %dot_general3A_5, %add3A : vector<4000x128xf32>
    %slice3A = vector.extract_strided_slice %add3A_9 {offsets = [0, 0], sizes = [4000, 64], strides = [1, 1]} : vector<4000x128xf32> to vector<4000x64xf32>
    %slice3A_10 = vector.extract_strided_slice %add3A_9 {offsets = [0, 64], sizes = [4000, 64], strides = [1, 1]} : vector<4000x128xf32> to vector<4000x64xf32>
    %bitcast_convert_type3A = tpu.bitcast %slice3A : vector<4000x64xf32> -> vector<4000x64xi32>
    %add3A_11 = arith.constant 32767 : i32
    %add3A_12 = vector.broadcast %add3A_11 : i32 to vector<4000x64xi32>
    %add3A_13 = arith.addi %bitcast_convert_type3A, %add3A_12 : vector<4000x64xi32>
    %shift_right_logical3A = arith.constant 16 : i32
    %shift_right_logical3A_14 = vector.broadcast %shift_right_logical3A : i32 to vector<4000x64xi32>
    %shift_right_logical3A_15 = arith.shrui %bitcast_convert_type3A, %shift_right_logical3A_14 : vector<4000x64xi32>
    %and3A = arith.constant 1 : i32
    %and3A_16 = vector.broadcast %and3A : i32 to vector<4000x64xi32>
    %and3A_17 = arith.andi %shift_right_logical3A_15, %and3A_16 : vector<4000x64xi32>
    %add3A_18 = arith.addi %add3A_13, %and3A_17 : vector<4000x64xi32>
    %shift_right_logical3A_19 = arith.constant 16 : i32
    %shift_right_logical3A_20 = vector.broadcast %shift_right_logical3A_19 : i32 to vector<4000x64xi32>
    %shift_right_logical3A_21 = arith.shrui %add3A_18, %shift_right_logical3A_20 : vector<4000x64xi32>
    %bitcast_convert_type3A_22 = tpu.bitcast %slice3A_10 : vector<4000x64xf32> -> vector<4000x64xi32>
    %add3A_23 = arith.constant 32767 : i32
    %add3A_24 = vector.broadcast %add3A_23 : i32 to vector<4000x64xi32>
    %add3A_25 = arith.addi %bitcast_convert_type3A_22, %add3A_24 : vector<4000x64xi32>
    %shift_right_logical3A_26 = arith.constant 16 : i32
    %shift_right_logical3A_27 = vector.broadcast %shift_right_logical3A_26 : i32 to vector<4000x64xi32>
    %shift_right_logical3A_28 = arith.shrui %bitcast_convert_type3A_22, %shift_right_logical3A_27 : vector<4000x64xi32>
    %and3A_29 = arith.constant 1 : i32
    %and3A_30 = vector.broadcast %and3A_29 : i32 to vector<4000x64xi32>
    %and3A_31 = arith.andi %shift_right_logical3A_28, %and3A_30 : vector<4000x64xi32>
    %add3A_32 = arith.addi %add3A_25, %and3A_31 : vector<4000x64xi32>
    %shift_right_logical3A_33 = arith.constant 16 : i32
    %shift_right_logical3A_34 = vector.broadcast %shift_right_logical3A_33 : i32 to vector<4000x64xi32>
    %shift_right_logical3A_35 = arith.shrui %add3A_32, %shift_right_logical3A_34 : vector<4000x64xi32>
    %shift_left3A = arith.constant 16 : i32
    %shift_left3A_36 = vector.broadcast %shift_left3A : i32 to vector<4000x64xi32>
    %shift_left3A_37 = arith.shli %shift_right_logical3A_35, %shift_left3A_36 : vector<4000x64xi32>
    %or3A = arith.ori %shift_right_logical3A_21, %shift_left3A_37 : vector<4000x64xi32>
    %swap3A = arith.constant 0 : index
    %swap3A_38 = arith.constant 0 : index
    %swap3A_39 = vector.load %arg4[%swap3A, %swap3A_38] : memref<4000x64xi32, #tpu.memory_space<vmem>>, vector<4000x64xi32>
    tpu.vector_store %arg4[%swap3A, %swap3A_38], %or3A {strides = array<i32>} : memref<4000x64xi32, #tpu.memory_space<vmem>>, vector<4000x64xi32>,
    return
  }
  func.func @transform_0(%arg0: i32) -> (i32, i32) {
    %c0_i32 = arith.constant 0 : i32
    %c0_i32_0 = arith.constant 0 : i32
    return %arg0, %c0_i32 : i32, i32
  }
  func.func @transform_1(%arg0: i32) -> (i32, i32) {
    %c0_i32 = arith.constant 0 : i32
    %c0_i32_0 = arith.constant 0 : i32
    %c0_i32_1 = arith.constant 0 : i32
    return %c0_i32, %c0_i32_0 : i32, i32
  }
  func.func @transform_2(%arg0: i32) -> (i32, i32) {
    %c0_i32 = arith.constant 0 : i32
    %c0_i32_0 = arith.constant 0 : i32
    %c0_i32_1 = arith.constant 0 : i32
    return %c0_i32, %c0_i32_0 : i32, i32
  }
  func.func @transform_3(%arg0: i32) -> (i32, i32) {
    %c0_i32 = arith.constant 0 : i32
    %c0_i32_0 = arith.constant 0 : i32
    return %arg0, %c0_i32 : i32, i32
  }
}

module attributes {stable_mosaic.version = 14 : i64} {
  func.func @_fin_body(%arg0: i32, %arg1: memref<2x2000x128xf32, #tpu.memory_space<vmem>>, %arg2: memref<2x2000x8xf32, #tpu.memory_space<vmem>>, %arg3: memref<2000x128xf32, #tpu.memory_space<vmem>>, %arg4: memref<128x128xf32, #tpu.memory_space<vmem>>, %arg5: memref<128x128xf32, #tpu.memory_space<vmem>>, %arg6: memref<1x128xf32, #tpu.memory_space<vmem>>, %arg7: memref<1x128xf32, #tpu.memory_space<vmem>>, %arg8: memref<1x128xf32, #tpu.memory_space<vmem>>, %arg9: memref<2000x128xf32, #tpu.memory_space<vmem>>) attributes {dimension_semantics = [#tpu.dimension_semantics<arbitrary>], iteration_bounds = array<i64: 5>, scalar_prefetch = 0 : i64, scratch_operands = 0 : i64, tpu.core_type = #tpu.core_type<tc>, window_params = [{transform_indices = @transform_0, window_bounds = array<i64: 2, 2000, 128>}, {transform_indices = @transform_1, window_bounds = array<i64: 2, 2000, 8>}, {transform_indices = @transform_2, window_bounds = array<i64: 2000, 128>}, {pipeline_mode = #tpu.pipeline_mode<synchronous>, transform_indices = @transform_3, window_bounds = array<i64: 128, 128>}, {pipeline_mode = #tpu.pipeline_mode<synchronous>, transform_indices = @transform_4, window_bounds = array<i64: 128, 128>}, {pipeline_mode = #tpu.pipeline_mode<synchronous>, transform_indices = @transform_5, window_bounds = array<i64: 1, 128>}, {pipeline_mode = #tpu.pipeline_mode<synchronous>, transform_indices = @transform_6, window_bounds = array<i64: 1, 128>}, {pipeline_mode = #tpu.pipeline_mode<synchronous>, transform_indices = @transform_7, window_bounds = array<i64: 1, 128>}, {transform_indices = @transform_8, window_bounds = array<i64: 2000, 128>}]} {
    %get3A = arith.constant 0 : index
    %get3A_0 = arith.constant 0 : index
    %get3A_1 = arith.constant 0 : index
    %get3A_2 = vector.load %arg1[%get3A, %get3A_0, %get3A_1] : memref<2x2000x128xf32, #tpu.memory_space<vmem>>, vector<1x2000x128xf32>
    %get3A_3 = vector.shape_cast %get3A_2 : vector<1x2000x128xf32> to vector<2000x128xf32>
    %get3A_4 = arith.constant 1 : index
    %get3A_5 = arith.constant 0 : index
    %get3A_6 = arith.constant 0 : index
    %get3A_7 = vector.load %arg1[%get3A_4, %get3A_5, %get3A_6] : memref<2x2000x128xf32, #tpu.memory_space<vmem>>, vector<1x2000x128xf32>
    %get3A_8 = vector.shape_cast %get3A_7 : vector<1x2000x128xf32> to vector<2000x128xf32>
    %add3A = arith.addf %get3A_3, %get3A_8 : vector<2000x128xf32>
    %get3A_9 = arith.constant 0 : index
    %get3A_10 = arith.constant 0 : index
    %get3A_11 = arith.constant 0 : index
    %get3A_12 = vector.load %arg2[%get3A_9, %get3A_10, %get3A_11] : memref<2x2000x8xf32, #tpu.memory_space<vmem>>, vector<1x2000x8xf32>
    %get3A_13 = vector.shape_cast %get3A_12 : vector<1x2000x8xf32> to vector<2000x8xf32>
    %get3A_14 = arith.constant 1 : index
    %get3A_15 = arith.constant 0 : index
    %get3A_16 = arith.constant 0 : index
    %get3A_17 = vector.load %arg2[%get3A_14, %get3A_15, %get3A_16] : memref<2x2000x8xf32, #tpu.memory_space<vmem>>, vector<1x2000x8xf32>
    %get3A_18 = vector.shape_cast %get3A_17 : vector<1x2000x8xf32> to vector<2000x8xf32>
    %add3A_19 = arith.addf %get3A_13, %get3A_18 : vector<2000x8xf32>
    %add3A_20 = arith.constant 9.99999993E-9 : f32
    %add3A_21 = vector.broadcast %add3A_20 : f32 to vector<2000x8xf32>
    %add3A_22 = arith.addf %add3A_21, %add3A_19 : vector<2000x8xf32>
    %div3A = arith.constant 2.500000e-01 : f32
    %div3A_23 = vector.broadcast %div3A : f32 to vector<2000x8xf32>
    %div3A_24 = arith.divf %div3A_23, %add3A_22 : vector<2000x8xf32>
    %reshape3A = vector.shape_cast %add3A : vector<2000x128xf32> to vector<2000x8x16xf32>
    %broadcast_in_dim3A = vector.shape_cast %div3A_24 : vector<2000x8xf32> to vector<2000x8x1xf32>
    %mul3A = vector.broadcast %broadcast_in_dim3A : vector<2000x8x1xf32> to vector<2000x8x16xf32>
    %mul3A_25 = arith.mulf %reshape3A, %mul3A : vector<2000x8x16xf32>
    %reshape3A_26 = vector.shape_cast %mul3A_25 : vector<2000x8x16xf32> to vector<2000x128xf32>
    %get3A_27 = arith.constant 0 : index
    %get3A_28 = arith.constant 0 : index
    %get3A_29 = vector.load %arg3[%get3A_27, %get3A_28] : memref<2000x128xf32, #tpu.memory_space<vmem>>, vector<2000x128xf32>
    %get3A_30 = arith.constant 0 : index
    %get3A_31 = arith.constant 0 : index
    %get3A_32 = vector.load %arg4[%get3A_30, %get3A_31] : memref<128x128xf32, #tpu.memory_space<vmem>>, vector<128x128xf32>
    %dot_general3A = arith.constant dense<0.000000e+00> : vector<2000x128xf32>
    %dot_general3A_33 = tpu.matmul %reshape3A_26, %get3A_32, %dot_general3A {dimension_numbers = #tpu.dot_dimension_numbers<[1], [0], [0], [1], [0, 0, 1, 1], [], []>, transpose_lhs_hint = false} : vector<2000x128xf32>, vector<128x128xf32>, vector<2000x128xf32> -> vector<2000x128xf32>
    %get3A_34 = arith.constant 0 : index
    %get3A_35 = arith.constant 0 : index
    %get3A_36 = vector.load %arg5[%get3A_34, %get3A_35] : memref<128x128xf32, #tpu.memory_space<vmem>>, vector<128x128xf32>
    %dot_general3A_37 = arith.constant dense<0.000000e+00> : vector<2000x128xf32>
    %dot_general3A_38 = tpu.matmul %get3A_29, %get3A_36, %dot_general3A_37 {dimension_numbers = #tpu.dot_dimension_numbers<[1], [0], [0], [1], [0, 0, 1, 1], [], []>, transpose_lhs_hint = false} : vector<2000x128xf32>, vector<128x128xf32>, vector<2000x128xf32> -> vector<2000x128xf32>
    %add3A_39 = arith.addf %dot_general3A_33, %dot_general3A_38 : vector<2000x128xf32>
    %get3A_40 = arith.constant 0 : index
    %get3A_41 = arith.constant 0 : index
    %get3A_42 = vector.load %arg6[%get3A_40, %get3A_41] : memref<1x128xf32, #tpu.memory_space<vmem>>, vector<1x128xf32>
    %add3A_43 = vector.broadcast %get3A_42 : vector<1x128xf32> to vector<2000x128xf32>
    %add3A_44 = arith.addf %add3A_39, %add3A_43 : vector<2000x128xf32>
    %logistic3A = arith.negf %add3A_44 : vector<2000x128xf32>
    %logistic3A_45 = math.exp %logistic3A : vector<2000x128xf32>
    %logistic3A_46 = arith.constant 1.000000e+00 : f32
    %logistic3A_47 = vector.broadcast %logistic3A_46 : f32 to vector<2000x128xf32>
    %logistic3A_48 = arith.addf %logistic3A_47, %logistic3A_45 : vector<2000x128xf32>
    %logistic3A_49 = arith.divf %logistic3A_47, %logistic3A_48 : vector<2000x128xf32>
    %mul3A_50 = arith.mulf %logistic3A_49, %reshape3A_26 : vector<2000x128xf32>
    %sub3A = arith.subf %reshape3A_26, %mul3A_50 : vector<2000x128xf32>
    %mul3A_51 = arith.mulf %logistic3A_49, %get3A_29 : vector<2000x128xf32>
    %add3A_52 = arith.addf %sub3A, %mul3A_51 : vector<2000x128xf32>
    %reduce_sum3A = arith.constant dense<0.000000e+00> : vector<2000xf32>
    %reduce_sum3A_53 = vector.multi_reduction <add>, %add3A_52, %reduce_sum3A [1] : vector<2000x128xf32> to vector<2000xf32>
    %broadcast_in_dim3A_54 = vector.shape_cast %reduce_sum3A_53 : vector<2000xf32> to vector<2000x1xf32>
    %div3A_55 = arith.constant 1.280000e+02 : f32
    %div3A_56 = vector.broadcast %div3A_55 : f32 to vector<2000x1xf32>
    %div3A_57 = arith.divf %broadcast_in_dim3A_54, %div3A_56 : vector<2000x1xf32>
    %sub3A_58 = vector.broadcast %div3A_57 : vector<2000x1xf32> to vector<2000x128xf32>
    %sub3A_59 = arith.subf %add3A_52, %sub3A_58 : vector<2000x128xf32>
    %integer_pow3A = arith.mulf %sub3A_59, %sub3A_59 : vector<2000x128xf32>
    %reduce_sum3A_60 = arith.constant dense<0.000000e+00> : vector<2000xf32>
    %reduce_sum3A_61 = vector.multi_reduction <add>, %integer_pow3A, %reduce_sum3A_60 [1] : vector<2000x128xf32> to vector<2000xf32>
    %broadcast_in_dim3A_62 = vector.shape_cast %reduce_sum3A_61 : vector<2000xf32> to vector<2000x1xf32>
    %div3A_63 = arith.constant 1.280000e+02 : f32
    %div3A_64 = vector.broadcast %div3A_63 : f32 to vector<2000x1xf32>
    %div3A_65 = arith.divf %broadcast_in_dim3A_62, %div3A_64 : vector<2000x1xf32>
    %sub3A_66 = vector.broadcast %div3A_57 : vector<2000x1xf32> to vector<2000x128xf32>
    %sub3A_67 = arith.subf %add3A_52, %sub3A_66 : vector<2000x128xf32>
    %add3A_68 = arith.constant 9.99999974E-6 : f32
    %add3A_69 = vector.broadcast %add3A_68 : f32 to vector<2000x1xf32>
    %add3A_70 = arith.addf %div3A_65, %add3A_69 : vector<2000x1xf32>
    %sqrt3A = math.sqrt %add3A_70 : vector<2000x1xf32>
    %div3A_71 = vector.broadcast %sqrt3A : vector<2000x1xf32> to vector<2000x128xf32>
    %div3A_72 = arith.divf %sub3A_67, %div3A_71 : vector<2000x128xf32>
    %get3A_73 = arith.constant 0 : index
    %get3A_74 = arith.constant 0 : index
    %get3A_75 = vector.load %arg7[%get3A_73, %get3A_74] : memref<1x128xf32, #tpu.memory_space<vmem>>, vector<1x128xf32>
    %mul3A_76 = vector.broadcast %get3A_75 : vector<1x128xf32> to vector<2000x128xf32>
    %mul3A_77 = arith.mulf %div3A_72, %mul3A_76 : vector<2000x128xf32>
    %get3A_78 = arith.constant 0 : index
    %get3A_79 = arith.constant 0 : index
    %get3A_80 = vector.load %arg8[%get3A_78, %get3A_79] : memref<1x128xf32, #tpu.memory_space<vmem>>, vector<1x128xf32>
    %add3A_81 = vector.broadcast %get3A_80 : vector<1x128xf32> to vector<2000x128xf32>
    %add3A_82 = arith.addf %mul3A_77, %add3A_81 : vector<2000x128xf32>
    %ge3A = arith.constant 0.000000e+00 : f32
    %ge3A_83 = vector.broadcast %ge3A : f32 to vector<2000x128xf32>
    %ge3A_84 = arith.cmpf oge, %add3A_82, %ge3A_83 : vector<2000x128xf32>
    %mul3A_85 = arith.constant 0.00999999977 : f32
    %mul3A_86 = vector.broadcast %mul3A_85 : f32 to vector<2000x128xf32>
    %mul3A_87 = arith.mulf %mul3A_86, %add3A_82 : vector<2000x128xf32>
    %select_n3A = arith.select %ge3A_84, %add3A_82, %mul3A_87 : vector<2000x128xi1>, vector<2000x128xf32>
    %swap3A = arith.constant 0 : index
    %swap3A_88 = arith.constant 0 : index
    %swap3A_89 = vector.load %arg9[%swap3A, %swap3A_88] : memref<2000x128xf32, #tpu.memory_space<vmem>>, vector<2000x128xf32>
    tpu.vector_store %arg9[%swap3A, %swap3A_88], %select_n3A {strides = array<i32>} : memref<2000x128xf32, #tpu.memory_space<vmem>>, vector<2000x128xf32>,
    return
  }
  func.func @transform_0(%arg0: i32) -> (i32, i32, i32) {
    %c0_i32 = arith.constant 0 : i32
    %c0_i32_0 = arith.constant 0 : i32
    %c0_i32_1 = arith.constant 0 : i32
    return %c0_i32, %arg0, %c0_i32_0 : i32, i32, i32
  }
  func.func @transform_1(%arg0: i32) -> (i32, i32, i32) {
    %c0_i32 = arith.constant 0 : i32
    %c0_i32_0 = arith.constant 0 : i32
    %c0_i32_1 = arith.constant 0 : i32
    return %c0_i32, %arg0, %c0_i32_0 : i32, i32, i32
  }
  func.func @transform_2(%arg0: i32) -> (i32, i32) {
    %c0_i32 = arith.constant 0 : i32
    %c0_i32_0 = arith.constant 0 : i32
    return %arg0, %c0_i32 : i32, i32
  }
  func.func @transform_3(%arg0: i32) -> (i32, i32) {
    %c0_i32 = arith.constant 0 : i32
    %c0_i32_0 = arith.constant 0 : i32
    %c0_i32_1 = arith.constant 0 : i32
    return %c0_i32, %c0_i32_0 : i32, i32
  }
  func.func @transform_4(%arg0: i32) -> (i32, i32) {
    %c0_i32 = arith.constant 0 : i32
    %c0_i32_0 = arith.constant 0 : i32
    %c0_i32_1 = arith.constant 0 : i32
    return %c0_i32, %c0_i32_0 : i32, i32
  }
  func.func @transform_5(%arg0: i32) -> (i32, i32) {
    %c0_i32 = arith.constant 0 : i32
    %c0_i32_0 = arith.constant 0 : i32
    %c0_i32_1 = arith.constant 0 : i32
    return %c0_i32, %c0_i32_0 : i32, i32
  }
  func.func @transform_6(%arg0: i32) -> (i32, i32) {
    %c0_i32 = arith.constant 0 : i32
    %c0_i32_0 = arith.constant 0 : i32
    %c0_i32_1 = arith.constant 0 : i32
    return %c0_i32, %c0_i32_0 : i32, i32
  }
  func.func @transform_7(%arg0: i32) -> (i32, i32) {
    %c0_i32 = arith.constant 0 : i32
    %c0_i32_0 = arith.constant 0 : i32
    %c0_i32_1 = arith.constant 0 : i32
    return %c0_i32, %c0_i32_0 : i32, i32
  }
  func.func @transform_8(%arg0: i32) -> (i32, i32) {
    %c0_i32 = arith.constant 0 : i32
    %c0_i32_0 = arith.constant 0 : i32
    return %arg0, %c0_i32 : i32, i32
  }
}

</mosaic_0001>

<sc_bundles>
// kernel: kernel.11.cloned.1.call-start
scs
__scs_entry_jumppad:
0x0: {  	(pc) =	sbr.rel $0x88, $3  }
0x1: {  	(tag) =	ssettag $0x0;
	lr =	simm.s32 $0x1  }
0x2: {  	[smem:$0x3F90] =	sst lr;
	_ =	strace $0xD0000000  }
0x3: {  	_ = 	snop  }
0x4: {  	_ = 	snop  }
0x5: {  	_ = 	snop  }
0x6: {  	_ = 	snop  }
0x7: {  	_ = 	snop  }
__scs_overlays_trampoline_lowered:
0x8: {  	[smem:$0x3F9F] =	sst s0  }
0x9: {  	[smem:$0x3FA0] =	sst s1  }
0xa: {  	[smem:$0x3FA1] =	sst s2  }
0xb: {  	[smem:$0x3FA2] =	sst s3  }
0xc: {  	[smem:$0x3FA3] =	sst s4  }
0xd: {  	[smem:$0x3FA4] =	sst s5  }
0xe: {  	[smem:$0x3FA5] =	sst s6  }
0xf: {  	[smem:$0x3FA6] =	sst s7  }
0x10: {  	[smem:$0x3FA7] =	sst s8  }
0x11: {  	[smem:$0x3FA8] =	sst s9;
	s0 =	simm.s32 @!p0 $0x0  }
0x12: {  	s1 =	sld [smem:$0x3F8E];
	s0 =	simm.s32 @p0 $0x1  }
0x13: {  	[smem:$0x3FA9] =	sst s0;
	s0 =	simm.s32 @!p1 $0x0  }
0x14: {  	s2 =	sld [smem:$0x3F8D];
	s0 =	simm.s32 @p1 $0x1  }
0x15: {  	[smem:$0x3FAA] =	sst s0;
	s0 =	simm.s32 @!p2 $0x0  }
0x16: {  	s3 =	sld [smem:$0x3FDB];
	s0 =	simm.s32 @p2 $0x1  }
0x17: {  	s4 =	simm.s32 $0x1BF5;
	[smem:$0x3FAC] =	sst s0  }
0x18: {  	s0 =	sld [smem:$0x3F8F];
	_ =	swait.ge [sflag:s4], $0x0  }
0x19: {  	s7 =	sld [smem:$0x3F90]  }
0x1a: {  	s8 =	sadd.s32 $0xFFFFE003, lr  }
0x1b: {  	s9 =	sadd.s32 $0xFFFFFEF7, lr;
	s5 =	simm.s32 $0xFFFFFFFF;
	p2 =	slt.u32 s8, $0xFFFFF086  }
0x1c: {  	p1 =	slt.u32 s9, $0xF7A;
	s5 =	simm.s32 @!p2 $0x0  }
0x1d: {  	s5 =	simm.s32 @p1 $0x1;
	p0 =	seq.s32 s7, s2  }
0x1e: {  	s7 =	smul.u32 @!p0 $0xF7A, s2;
	p2 =	seq.s32 @!p0 s5, $0x0  }
0x1f: {  	s9 =	smul.u32 $0xF7A, s1;
	s8 =	simm.s32 @!p0 $0x1BF5;
	p2 =	por !p2, p0  }
0x20: {  	[sflag:s8] =	ssyncset.s32 @!p0 $0xFFFFF086;
	s6 =	sadd.s32 @!p0 s3, s7;
	s7 =	simm.s32 @!p0 $0x108  }
0x21: {  	s3 =	sadd.s32 s3, s9;
	s6 =	sadd.s32 @!p0 $0x88, s6;
	s7 =	simm.s32 @p2 $0x1082  }
0x22: {  	[simem:s7], [sflag:s8] =	dma.local @!p0 [hbm:s6], $0xF7A  }
0x23: {  	s9 =	sor.u32 $0xD0000000, s2;
	s6 =	simm.s32 $0x108;
	_ =	swait.ge @!p0 [sflag:s8], $0x0  }
0x24: {  	s3 =	sadd.s32 $0x88, s3;
	s6 =	simm.s32 @!p1 $0x1082;
	[sflag:s4] =	ssyncset.s32 $0xFFFFF086  }
0x25: {  	[simem:s6], [sflag:s4] =	dma.local [hbm:s3], $0xF7A  }
0x26: {  	[smem:$0x3F90] =	sst s1;
	(tag) =	ssettag s2;
	_ =	strace s9  }
0x27: {  	s1 =	sld [smem:$0x3FA0]  }
0x28: {  	s2 =	sld [smem:$0x3FA1]  }
0x29: {  	s4 =	sld [smem:$0x3FA3]  }
0x2a: {  	p0 =	seq.s32 s5, $0x0;
	s5 =	sld [smem:$0x3FA4]  }
0x2b: {  	s6 =	sld [smem:$0x3FA5]  }
0x2c: {  	s7 =	sld [smem:$0x3FA6]  }
0x2d: {  	s3 =	simm.s32 $0x108;
	s8 =	sld [smem:$0x3FA7]  }
0x2e: {  	s3 =	simm.s32 @!p0 $0x1082;
	s9 =	sld [smem:$0x3FA8]  }
0x2f: {  	lr =	sadd.s32 s0, s3;
	s0 =	sld [smem:$0x3F9F]  }
0x30: {  	s3 =	sld [smem:$0x3FA2]  }
0x31: {  	[smem:$0x3FAB] =	sst s10  }
0x32: {  	s10 =	sld [smem:$0x3FA9];
	_ =	sdelay $0x3  }
0x33: {  	p0 =	seq.s32 s10, $0x1;
	s10 =	sld [smem:$0x3FAB];
	_ =	sdelay $0x3  }
0x34: {  	[smem:$0x3FAB] =	sst s10  }
0x35: {  	s10 =	sld [smem:$0x3FAA];
	_ =	sdelay $0x3  }
0x36: {  	p1 =	seq.s32 s10, $0x1;
	s10 =	sld [smem:$0x3FAB];
	_ =	sdelay $0x3  }
0x37: {  	[smem:$0x3FAB] =	sst s10  }
0x38: {  	s10 =	sld [smem:$0x3FAC]  }
0x39: {  	_ = 	snop;
	(pc) =	sbr.ind lr, $3  }
0x3a: {  	_ = 	snop  }
0x3b: {  	_ = 	snop  }
0x3c: {  	p2 =	seq.s32 s10, $0x1;
	s10 =	sld [smem:$0x3FAB]  }
0x3d: {  	_ =	shalt  }
0x3e: {  	_ =	shalt  }
0x3f: {  	_ =	shalt  }
0x40: {  	_ =	shalt  }
0x41: {  	_ =	shalt  }
0x42: {  	_ =	shalt  }
0x43: {  	_ =	shalt  }
0x44: {  	_ =	shalt  }
0x45: {  	_ =	shalt  }
0x46: {  	_ =	shalt  }
0x47: {  	_ =	shalt  }
0x48: {  	_ =	shalt  }
0x49: {  	_ =	shalt  }
0x4a: {  	_ =	shalt  }
0x4b: {  	_ =	shalt  }
0x4c: {  	_ =	shalt  }
0x4d: {  	_ =	shalt  }
0x4e: {  	_ =	shalt  }
0x4f: {  	_ =	shalt  }
0x50: {  	_ =	shalt  }
0x51: {  	_ =	shalt  }
0x52: {  	_ =	shalt  }
0x53: {  	_ =	shalt  }
0x54: {  	_ =	shalt  }
0x55: {  	_ =	shalt  }
0x56: {  	_ =	shalt  }
0x57: {  	_ =	shalt  }
0x58: {  	_ =	shalt  }
0x59: {  	_ =	shalt  }
0x5a: {  	_ =	shalt  }
0x5b: {  	_ =	shalt  }
0x5c: {  	_ =	shalt  }
0x5d: {  	_ =	shalt  }
0x5e: {  	_ =	shalt  }
0x5f: {  	_ =	shalt  }
0x60: {  	_ =	shalt  }
0x61: {  	_ =	shalt  }
0x62: {  	_ =	shalt  }
0x63: {  	_ =	shalt  }
0x64: {  	_ =	shalt  }
0x65: {  	_ =	shalt  }
0x66: {  	_ =	shalt  }
0x67: {  	_ =	shalt  }
0x68: {  	_ =	shalt  }
0x69: {  	_ =	shalt  }
0x6a: {  	_ =	shalt  }
0x6b: {  	_ =	shalt  }
0x6c: {  	_ =	shalt  }
0x6d: {  	_ =	shalt  }
0x6e: {  	_ =	shalt  }
0x6f: {  	_ =	shalt  }
0x70: {  	_ =	shalt  }
0x71: {  	_ =	shalt  }
0x72: {  	_ =	shalt  }
0x73: {  	_ =	shalt  }
0x74: {  	_ =	shalt  }
0x75: {  	_ =	shalt  }
0x76: {  	_ =	shalt  }
0x77: {  	_ =	shalt  }
0x78: {  	_ =	shalt  }
0x79: {  	_ =	shalt  }
0x7a: {  	_ =	shalt  }
0x7b: {  	_ =	shalt  }
0x7c: {  	_ =	shalt  }
0x7d: {  	_ =	shalt  }
0x7e: {  	_ =	shalt  }
0x7f: {  	_ =	shalt  }
0x80: {  	_ =	shalt  }
0x81: {  	_ =	shalt  }
0x82: {  	_ =	shalt  }
0x83: {  	_ =	shalt  }
0x84: {  	_ =	shalt  }
0x85: {  	_ =	shalt  }
0x86: {  	_ =	shalt  }
0x87: {  	_ =	shalt  }
.Lfunc_end0:
.L_simem_size_0:
called_computation.1_lowered:
.L_overlay_start_0:
0x88: {  	s2 =	sld [smem:$0x3FD9]  }
0x89: {  	s3 =	sld [smem:$0x3FFE];
	_ =	sdelay $0x1  }
0x8a: {  	s1 =	srdreg.scid  }
0x8b: {  	s0 =	sand.u32 $0x1, s1  }
0x8c: {  	s14 =	sshll.u32 s0, $0xA;
	s2 =	sadd.s32 s3, s2  }
0x8d: {  	s2 =	sadd.s32 s2, s14  }
0x8e: {  	[smem:$0x3FB7] =	sst s2  }
0x8f: {  	_ = 	snop  }
0x90: {  	s2 =	sld [smem:$0x3FD0];
	_ =	sdelay $0x2  }
0x91: {  	s15 =	simm.s32 $0xA;
	s4 =	simm.s32 $0x10  }
0x92: {  	[smem:s4], [sflag:s15] =	dma.local [hbm:s2], $0x1  }
0x93: {  	_ =	swait.eq [sflag:s15], $0x1  }
0x94: {  	[sflag:s15] =	ssyncset.done $0x0  }
0x95: {  	[sflag:s15] =	ssyncadd.s32 $0xFFFFFFFF  }
0x96: {  	s16 =	sld [smem:$0x11];
	(tm) =	ssettm $0x1  }
0x97: {  	s17 =	sld [smem:$0x3FFB];
	_ =	sdelay $0x3  }
0x98: {  	_ =	strace s17  }
0x99: {  	s3 =	sld [smem:$0x3FFC];
	_ =	sdelay $0x3  }
0x9a: {  	_ =	strace s3  }
0x9b: {  	s3 =	sld [smem:$0x3FFD];
	_ =	sdelay $0x3  }
0x9c: {  	_ =	strace s3  }
0x9d: {  	_ =	strace $0x8FFFFFFF  }
0x9e: {  	s18 =	sld [smem:$0x3FDB];
	_ =	sdelay $0x1  }
0x9f: {  	s19 =	simm.s32 $_scs_section_size  }
0xa0: {  	s5 =	simm.s32 $_size__tile_overlayer_lowered;
	s6 =	simm.s32 $_tile_overlayer_lowered  }
0xa1: {  	s22 =	simm.s32 $0x1BFF;
	s21 =	sshll.u32 s6, $0x1;
	s3 =	sadd.s32 s19, s18  }
0xa2: {  	s7 =	simm.s32 $0x0;
	s20 =	sshll.u32 s5, $0x1;
	s5 =	sadd.s32 s21, s3  }
0xa3: {  	[timem:s7], [sflag:s22] =	dma.local [hbm:s5], s20  }
0xa4: {  	_ =	swait.ge [sflag:s22], s20  }
0xa5: {  	s4 =	ssub.s32 $0x0, s20;
	[sflag:s22] =	ssyncset.done $0x0  }
0xa6: {  	[sflag:s22] =	ssyncadd.s32 s4;
	_ =	sdelay $0x1  }
0xa7: {  	s23 =	simm.s32 $0x1B8B  }
0xa8: {  	_ =	swait.ge [sflag:s23], $0x1  }
0xa9: {  	[sflag:s23] =	ssyncset.done $0x0  }
0xaa: {  	s25 =	simm.s32 $0x1B8E;
	s24 =	sld [smem:$0x3FFE];
	[sflag:s23] =	ssyncadd.s32 $0xFFFFFFFF  }
0xab: {  	s26 =	simm.s32 $execute0_lowered;
	[smem:$0x3FD2] =	sst s25  }
0xac: {  	s5 =	sshll.u32 s26, $0x1;
	_ =	strace $0x80000049;
	[dreg:$0x1] =	wrdreg $0xFFFFFFFF  }
0xad: {  	s28 =	simm.s32 $_size_execute0_lowered;
	s3 =	sadd.s32 s3, s5;
	[dreg:$0x0] =	wrdreg $0x0  }
0xae: {  	s5 =	sshll.u32 s28, $0x1;
	[dreg:$0x2] =	wrdreg s3  }
0xaf: {  	[dreg:$0x3] =	wrdreg s5  }
0xb0: {  	[dreg:$0x4] =	wrdreg $0xC0  }
0xb1: {  	_ =	task [dreg:s7], $0x5FFFF  }
0xb2: {  	[dreg:$0x1] =	wrdreg $0xFFFFFFFF  }
0xb3: {  	[dreg:$0x0] =	wrdreg $0x60  }
0xb4: {  	[dreg:$0x2] =	wrdreg s24  }
0xb5: {  	[dreg:$0x3] =	wrdreg s16  }
0xb6: {  	[dreg:$0x4] =	wrdreg $0x184000  }
0xb7: {  	[dreg:$0x5] =	wrdreg $0x9  }
0xb8: {  	_ =	task.clear_ibuf [dreg:s7], $0x6FFFF;
	_ =	strace $0x90000049  }
0xb9: {  	s29 =	simm.s32 $0x9;
	_ =	strace $0x8000004B  }
0xba: {  	_ =	swait.ge [sflag:s29], $0x1  }
0xbb: {  	[sflag:s29] =	ssyncadd.s32 $0xFFFFFFFF  }
0xbc: {  	_ =	strace $0x9000004B  }
0xbd: {  	_ =	sfence  }
0xbe: {  	s30 =	sld [smem:$0x0];
	_ =	sdelay $0x2  }
0xbf: {  	s31 =	sshll.u32 s1, $0xD;
	s1 =	sshrl.u32 s1, $0x2  }
0xc0: {  	s3 =	sand.u32 $0x4000, s31;
	s1 =	sadd.s32 s1, s30  }
0xc1: {  	s0 =	sor.u32 s3, s0;
	s1 =	sshll.u32 s1, $0x11  }
0xc2: {  	s0 =	sor.u32 s1, s0  }
0xc3: {  	s0 =	sadd.s32 $0x8F2B, s0  }
0xc4: {  	[sflag:s0] =	ssyncadd.remote.s32 $0x1  }
0xc5: {  	_ =	sfence.sel $0xFFFF  }
0xc6: {  	[dreg:$0x0] =	wrdreg $0xFFFFFFFF;
	(pc) =	sbr.abs _section_cstart, $3  }
0xc7: {  	[dreg:$0x1] =	wrdreg $0xFFFFFFFF  }
0xc8: {  	_ =	task.clear_ibuf [dreg:s7], $0x2FFFF;
	_ =	strace $0x9FFFFFFF  }
0xc9: {  	(tm) =	ssettm $0x7FFFFFFF  }
tec
execute0_lowered:
.L_overlay_start_1:
0x0: {  	(tag) =	ssettag $0x1  }
0x1: {  	s0 =	rddreg [dreg:$0x0]  }
0x2: {  	s1 =	rddreg [dreg:$0x1]  }
0x3: {  	s8 =	rddreg [dreg:$0x2];
	s4 =	simm.s32 $0x0  }
0x4: {  	s7 =	stileid.u32;
	s3 =	srdreg.scid;
	s16 =	simm.s32 $0x14000  }
0x5: {  	s17 =	simm.s32 $0x5;
	s21 =	simm.s32 $0x16900;
	s22 =	simm.s32 $0x17080  }
0x6: {  	s28 =	simm.s32 $0x3;
	s29 =	simm.s32 $0x4;
	s30 =	simm.s32 $0x0  }
0x7: {  	[smem:$0x7FF] =	sst s4;
	s2 =	smul.u32 $0x1400, s7;
	s5 =	sadd.s32 $0x572C00, s0  }
0x8: {  	s3 =	sand.u32 $0x1, s3;
	s9 =	smul.u32 $0x5000, s7;
	_ =	strace $0x8000004A  }
0x9: {  	s6 =	sshll.u32 s3, $0x4;
	s3 =	ssub.s32 $0x2, s3;
	s2 =	sshrl.u32 s2, $0x3  }
0xa: {  	s6 =	sor.u32 s7, s6;
	s23 =	sshrl.u32 s3, $0x1;
	s26 =	sshrl.u32 s9, $0x2  }
0xb: {  	s2 =	sadd.s32 s2, s0;
	s14 =	smul.u32 $0x2710, s6;
	s6 =	sadd.s32 $0x3600, s0  }
0xc: {  	s24 =	ssub.s32 s3, s23;
	s23 =	simm.s32 $0x1;
	s25 =	sadd.s32 $0x5C0E00, s2  }
0xd: {  	s2 =	sadd.s32 $0x5C3600, s2;
	s15 =	smax.u32 s24, $0x1;
	[dreg:$0x4] =	wrdreg s25  }
0xe: {  	s24 =	simm.s32 $0x17700;
	[dreg:$0x5] =	wrdreg s2;
	s31 =	sshrl.u32 s14, $0x3  }
0xf: {  	s2 =	sadd.s32 s26, s8;
	s11 =	sadd.s32 s5, s14;
	s12 =	sadd.s32 $0xC8, s14  }
0x10: {  	v0 =	vlaneseq.u32;
	s13 =	sadd.s32 s1, s14;
	s14 =	sadd.s32 $0x190, s14;
	s25 =	simm.s32 $0x2  }
0x11: {  	vm0 =	vmmov $0xff;
	v0 =	vand.u32 $0x7, v0;
	s26 =	simm.s32 $0x17D80;
	[dreg:$0x6] =	wrdreg s2;
	s10 =	sadd.s32 s6, s31  }
.LBB2_1:
0x12: {  	s0 =	rddreg [dreg:$0x4]  }
0x13: {  	[tilespmem:s16], [sflag:$0x5] =	stream.linear.gather [hbm4b:s0+s4], $0x1400, $0x38;
	[tilespmem:$0x19800] =	vst v63  }
0x14: {  	_ =	swait.ge [sflag:s17], $0x1400  }
0x15: {  	[sflag:s17] =	ssyncset.done $0x0  }
0x16: {  	s2 =	simm.s32 $0x15400;
	s31 =	rddreg [dreg:$0x5];
	[sflag:s17] =	ssyncadd.s32 $0xFFFFEC00  }
0x17: {  	[tilespmem:s2], [sflag:$0x5] =	stream.linear.gather [hbm4b:s31+s4], $0x1400, $0x38;
	[tilespmem:$0x19800] =	vst v63  }
0x18: {  	_ =	swait.ge [sflag:s17], $0x1400  }
0x19: {  	[sflag:s17] =	ssyncset.done $0x0  }
0x1a: {  	s0 =	simm.s32 $0x0;
	[sflag:s17] =	ssyncadd.s32 $0xFFFFEC00  }
0x1b: {  	s2 =	simm.s32 $0x40;
	v1 =	vld [tilespmem:s0+$0x15400]  }
.LBB2_2:
0x1c: {  	p0 =	sne.s32 s2, $0x4FC0;
	v2 =	vld [tilespmem:s0+$0x14000];
	_ =	sdelay $0x4  }
0x1d: {  	v1 =	vadd.f32 v1, v2;
	_ =	sdelay $0x1  }
0x1e: {  	v1 =	vadd.f32 $9.999999930e-09, v1;
	_ =	sdelay $0x1  }
0x1f: {  	(erf) = vrcp.f32 v1;
	_ =	sdelay $0x7  }
.Ltmp0:
0x20: {  	(pc) =	sbr.rel @p0 .LBB2_2-.Ltmp0, $4  }
0x21: {  	v1 =	vpop (erf)  }
0x22: {  	v2 =	vmul.f32 $2.500000000e-01, v1  }
0x23: {  	s3 =	sshra.s32 s2, $0x2  }
0x24: {  	s2 =	sadd.s32 $0x40, s2;
	v1 =	vld [tilespmem:s3+$0x15400];
	[tilespmem:s0+$0x14000] =	vst v2;
	s0 =	smov.u32 s3  }
0x25: {  	v2 =	vld [tilespmem:s0+$0x14000];
	_ =	sdelay $0x4  }
0x26: {  	v1 =	vadd.f32 v1, v2;
	_ =	sdelay $0x1  }
0x27: {  	v1 =	vadd.f32 $9.999999930e-09, v1;
	_ =	sdelay $0x1  }
0x28: {  	(erf) = vrcp.f32 v1;
	_ =	sdelay $0x8  }
0x29: {  	v1 =	vpop (erf)  }
0x2a: {  	v1 =	vmul.f32 $2.500000000e-01, v1;
	_ =	sdelay $0x1  }
0x2b: {  	s9 =	rddreg [dreg:$0x6];
	[tilespmem:s0+$0x14000] =	vst v1  }
0x2c: {  	[spmem:s9] =	stream.linear.scatter [tilespmem:s16], [sflag:$0x5], $0x1400, $0x38;
	[tilespmem:$0x19800] =	vst v63  }
0x2d: {  	_ =	swait.ge [sflag:s17], $0x1400  }
0x2e: {  	[sflag:s17] =	ssyncset.done $0x0  }
0x2f: {  	[sflag:s17] =	ssyncadd.s32 $0xFFFFEC00  }
0x30: {  	[bflag:$0x0] =	sbarrier.arrive $0xFFFF  }
0x31: {  	s31 =	simm.s32 $0x0;
	s18 =	rddreg [dreg:$0x2]  }
0x32: {  	[tilespmem:s31], [sflag:$0x5] =	stream.linear.gather [spmem:s18], $0x14000, $0x38;
	[tilespmem:$0x19800] =	vst v63  }
0x33: {  	_ =	swait.ge [sflag:s17], $0x14000  }
0x34: {  	[sflag:s17] =	ssyncset.done $0x0  }
0x35: {  	s19 =	simm.s32 $0x16800;
	[sflag:s17] =	ssyncadd.s32 $0xFFFEC000  }
0x36: {  	[tilespmem:s19], [sflag:$0x1] =	stream.linear.gather [hbm4b:s10+s31], $0xC8, $0x38;
	[tilespmem:$0x19800] =	vst v63  }
0x37: {  	s20 =	simm.s32 $0x16A00  }
0x38: {  	[tilespmem:s20], [sflag:$0x1] =	stream.linear.gather [hbm4b:s11+s31], $0x640, $0x38;
	[tilespmem:$0x19800] =	vst v63  }
.LBB2_4:
0x39: {  	s2 =	smul.u32 $0x190, s31;
	_ =	sdelay $0x1  }
0x3a: {  	s0 =	sadd.s32 s2, s12  }
0x3b: {  	s3 =	sshrl.u32 s0, $0x3  }
0x3c: {  	s3 =	sadd.s32 s6, s3  }
0x3d: {  	[tilespmem:s21], [sflag:$0x2] =	stream.linear.gather [hbm4b:s3+s4], $0xC8, $0x38;
	[tilespmem:$0x19800] =	vst v63  }
0x3e: {  	s20 =	sadd.s32 s5, s0  }
0x3f: {  	[tilespmem:s22], [sflag:$0x2] =	stream.linear.gather [hbm4b:s20+s4], $0x640, $0x38;
	[tilespmem:$0x19800] =	vst v63  }
0x40: {  	_ =	swait.ge [sflag:s23], $0xC8  }
0x41: {  	[sflag:s23] =	ssyncset.done $0x0  }
0x42: {  	[sflag:s23] =	ssyncadd.s32 $0xFFFFFF38  }
0x43: {  	_ =	swait.ge [sflag:s23], $0x640  }
0x44: {  	p0 =	seq.s32 s31, $0x0;
	[sflag:s23] =	ssyncset.done $0x0  }
0x45: {  	s3 =	simm.s32 @!p0 $0x3;
	[sflag:s23] =	ssyncadd.s32 $0xFFFFF9C0  }
0x46: {  	_ =	swait.ge @!p0 [sflag:s3], $0x640  }
0x47: {  	[sflag:s3] =	ssyncset.done @!p0 $0x0  }
0x48: {  	s18 =	simm.s32 $0x16800;
	[sflag:s3] =	ssyncadd.s32 @!p0 $0xFFFFF9C0  }
0x49: {  	s19 =	simm.s32 $0x40;
	s3 =	simm.s32 $0x0;
	v1 =	vld [tilespmem:s18+$0x0]  }
.LBB2_5:
0x4a: {  	p1 =	sne.s32 s19, $0x18C0;
	_ =	sdelay $0x3  }
0x4b: {  	(v2sf) =	vpush v1, $0x1  }
0x4c: {  	(v2sf) =	vpush v1, $0x0;
	_ =	sdelay $0xd  }
0x4d: {  	s20 =	spop (v2sf)  }
0x4e: {  	s7 =	sshrl.u32 s20, $0x4;
	s20 =	sshll.u32 s20, $0x3;
	s8 =	spop (v2sf)  }
0x4f: {  	s9 =	sshrl.u32 s8, $0x4;
	v1 =	vmov s7;
	s7 =	sshll.u32 s8, $0x3;
	s8 =	sand.u32 $0x78, s20  }
0x50: {  	v1 =	vsel vm0, s9, v1;
	s7 =	sand.u32 $0x78, s7;
	v2 =	vmov s8  }
0x51: {  	v2 =	vsel vm0, s7, v2;
	v1 =	vshll.u32 v1, $0x7  }
0x52: {  	v1 =	vor.u32 v1, v2  }
0x53: {  	v1 =	vor.u32 v0, v1;
	_ =	sdelay $0x4  }
0x54: {  	s7 =	sshra.s32 s3, $0x2;
	s3 =	smov.u32 s19;
	v1 =	vld.idx.msk [tilespmem:v1+s4+$0x0], $0xffff  }
0x55: {  	v2 =	vld [tilespmem:s7+$0x16A00];
	_ =	sdelay $0x3  }
.Ltmp1:
0x56: {  	(pc) =	sbr.rel @p1 .LBB2_5-.Ltmp1, $3  }
0x57: {  	v1 =	vmul.f32 v2, v1;
	_ =	sdelay $0x1  }
0x58: {  	s18 =	sadd.s32 $0x2, s18;
	[tilespmem:s7+$0x17700] =	vst v1  }
0x59: {  	s19 =	sadd.s32 $0x40, s19;
	v1 =	vld [tilespmem:s18+$0x0]  }
0x5a: {  	_ =	sdelay $0x3  }
0x5b: {  	(v2sf) =	vpush v1, $0x1  }
0x5c: {  	(v2sf) =	vpush v1, $0x0;
	_ =	sdelay $0xd  }
0x5d: {  	s7 =	spop (v2sf)  }
0x5e: {  	s8 =	sshrl.u32 s7, $0x4;
	s7 =	sshll.u32 s7, $0x3;
	s9 =	spop (v2sf)  }
0x5f: {  	s18 =	sshrl.u32 s9, $0x4;
	v1 =	vmov s8;
	s19 =	sshll.u32 s9, $0x3;
	s7 =	sand.u32 $0x78, s7  }
0x60: {  	v1 =	vsel vm0, s18, v1;
	s8 =	sand.u32 $0x78, s19;
	v2 =	vmov s7  }
0x61: {  	v2 =	vsel vm0, s8, v2;
	v1 =	vshll.u32 v1, $0x7  }
0x62: {  	v1 =	vor.u32 v1, v2  }
0x63: {  	v1 =	vor.u32 v0, v1;
	_ =	sdelay $0x2  }
0x64: {  	s3 =	sshra.s32 s3, $0x2  }
0x65: {  	v2 =	vld [tilespmem:s3+$0x16A00]  }
0x66: {  	v1 =	vld.idx.msk [tilespmem:v1+s4+$0x0], $0xffff;
	_ =	sdelay $0x4  }
0x67: {  	p1 =	seq.s32 s31, $0x18;
	v1 =	vmul.f32 v2, v1  }
0x68: {  	s20 =	sadd.s32 s2, s13;
	s2 =	sadd.s32 @!p1 s2, s14  }
0x69: {  	[tilespmem:s3+$0x17700] =	vst v1;
	s3 =	sshrl.u32 @!p1 s2, $0x3  }
0x6a: {  	[hbm4b:s20+s4] =	stream.linear.scatter [tilespmem:s24], [sflag:$0x3], $0x640, $0x38;
	[tilespmem:$0x19800] =	vst v63  }
0x6b: {  	s7 =	simm.s32 @!p1 $0x0;
	s8 =	simm.s32 @!p1 $0x16800;
	s3 =	sadd.s32 @!p1 s6, s3  }
0x6c: {  	[tilespmem:s8], [sflag:$0x1] =	stream.linear.gather @!p1 [hbm4b:s3+s7], $0xC8, $0x38;
	[tilespmem:$0x19800] =	vst v63  }
0x6d: {  	s2 =	sadd.s32 @!p1 s5, s2;
	s3 =	simm.s32 @!p1 $0x16A00  }
0x6e: {  	[tilespmem:s3], [sflag:$0x1] =	stream.linear.gather @!p1 [hbm4b:s2+s7], $0x640, $0x38;
	[tilespmem:$0x19800] =	vst v63  }
0x6f: {  	_ =	swait.ge [sflag:s25], $0xC8  }
0x70: {  	[sflag:s25] =	ssyncset.done $0x0  }
0x71: {  	[sflag:s25] =	ssyncadd.s32 $0xFFFFFF38  }
0x72: {  	_ =	swait.ge [sflag:s25], $0x640  }
0x73: {  	[sflag:s25] =	ssyncset.done $0x0  }
0x74: {  	s2 =	simm.s32 @!p0 $0x4;
	[sflag:s25] =	ssyncadd.s32 $0xFFFFF9C0  }
0x75: {  	_ =	swait.ge @!p0 [sflag:s2], $0x640  }
0x76: {  	[sflag:s2] =	ssyncset.done @!p0 $0x0  }
0x77: {  	s3 =	simm.s32 $0x16900;
	[sflag:s2] =	ssyncadd.s32 @!p0 $0xFFFFF9C0  }
0x78: {  	s18 =	simm.s32 $0x40;
	s2 =	simm.s32 $0x0;
	v1 =	vld [tilespmem:s3+$0x0]  }
.LBB2_7:
0x79: {  	p0 =	sne.s32 s18, $0x18C0;
	_ =	sdelay $0x3  }
0x7a: {  	(v2sf) =	vpush v1, $0x1  }
0x7b: {  	(v2sf) =	vpush v1, $0x0;
	_ =	sdelay $0xd  }
0x7c: {  	s7 =	spop (v2sf)  }
0x7d: {  	s8 =	sshrl.u32 s7, $0x4;
	s7 =	sshll.u32 s7, $0x3;
	s9 =	spop (v2sf)  }
0x7e: {  	s19 =	sshrl.u32 s9, $0x4;
	v1 =	vmov s8;
	s8 =	sshll.u32 s9, $0x3;
	s7 =	sand.u32 $0x78, s7  }
0x7f: {  	v1 =	vsel vm0, s19, v1;
	s8 =	sand.u32 $0x78, s8;
	v2 =	vmov s7  }
0x80: {  	v2 =	vsel vm0, s8, v2;
	v1 =	vshll.u32 v1, $0x7  }
0x81: {  	v1 =	vor.u32 v1, v2  }
0x82: {  	v1 =	vor.u32 v0, v1;
	_ =	sdelay $0x4  }
0x83: {  	s7 =	sshra.s32 s2, $0x2;
	s2 =	smov.u32 s18;
	v1 =	vld.idx.msk [tilespmem:v1+s4+$0x0], $0xffff  }
0x84: {  	v2 =	vld [tilespmem:s7+$0x17080];
	_ =	sdelay $0x3  }
.Ltmp2:
0x85: {  	(pc) =	sbr.rel @p0 .LBB2_7-.Ltmp2, $3  }
0x86: {  	v1 =	vmul.f32 v2, v1;
	_ =	sdelay $0x1  }
0x87: {  	s3 =	sadd.s32 $0x2, s3;
	[tilespmem:s7+$0x17D80] =	vst v1  }
0x88: {  	s18 =	sadd.s32 $0x40, s18;
	v1 =	vld [tilespmem:s3+$0x0]  }
0x89: {  	_ =	sdelay $0x3  }
0x8a: {  	(v2sf) =	vpush v1, $0x1  }
0x8b: {  	(v2sf) =	vpush v1, $0x0;
	_ =	sdelay $0xd  }
0x8c: {  	s3 =	spop (v2sf)  }
0x8d: {  	s7 =	sshrl.u32 s3, $0x4;
	s3 =	sshll.u32 s3, $0x3;
	s8 =	spop (v2sf)  }
0x8e: {  	s9 =	sshrl.u32 s8, $0x4;
	v1 =	vmov s7;
	s20 =	sshll.u32 s8, $0x3;
	s3 =	sand.u32 $0x78, s3  }
0x8f: {  	v1 =	vsel vm0, s9, v1;
	s7 =	sand.u32 $0x78, s20;
	v2 =	vmov s3  }
0x90: {  	v2 =	vsel vm0, s7, v2;
	v1 =	vshll.u32 v1, $0x7  }
0x91: {  	v1 =	vor.u32 v1, v2  }
0x92: {  	v1 =	vor.u32 v0, v1;
	_ =	sdelay $0x2  }
0x93: {  	s2 =	sshra.s32 s2, $0x2  }
0x94: {  	v2 =	vld [tilespmem:s2+$0x17080]  }
0x95: {  	v1 =	vld.idx.msk [tilespmem:v1+s4+$0x0], $0xffff;
	_ =	sdelay $0x1  }
0x96: {  	s31 =	sadd.s32 $0x1, s31  }
0x97: {  	p0 =	sne.s32 s31, $0x19  }
.Ltmp3:
0x98: {  	_ = 	snop;
	(pc) =	sbr.rel @p0 .LBB2_4-.Ltmp3, $3  }
0x99: {  	v1 =	vmul.f32 v2, v1;
	_ =	sdelay $0x1  }
0x9a: {  	s0 =	sadd.s32 s1, s0;
	[tilespmem:s2+$0x17D80] =	vst v1  }
0x9b: {  	[hbm4b:s0+s4] =	stream.linear.scatter [tilespmem:s26], [sflag:$0x4], $0x640, $0x38;
	[tilespmem:$0x19800] =	vst v63  }
0x9c: {  	s30 =	sadd.s32 $0x1, s30  }
0x9d: {  	_ =	swait.ge [sflag:s28], $0x640;
	p0 =	sne.s32 s30, s15  }
.Ltmp4:
0x9e: {  	[sflag:s28] =	ssyncset.done $0x0;
	(pc) =	sbr.rel @p0 .LBB2_1-.Ltmp4, $4  }
0x9f: {  	[sflag:s28] =	ssyncadd.s32 $0xFFFFF9C0  }
0xa0: {  	_ =	swait.ge [sflag:s29], $0x640  }
0xa1: {  	[sflag:s29] =	ssyncset.done $0x0  }
0xa2: {  	[sflag:s29] =	ssyncadd.s32 $0xFFFFF9C0  }
0xa3: {  	_ =	sfence.sel $0x180000  }
0xa4: {  	[bflag:$0x0] =	sbarrier.arrive $0xFFFF  }
0xa5: {  	_ =	strace $0x9000004A  }
0xa6: {  	s0 =	stileid.u32;
	[bflag:$0x2] =	sbarrier.arrive $0xFFFF  }
0xa7: {  	p0 =	sne.s32 s0, $0x0;
	s0 =	rddreg [dreg:$0x3]  }
0xa8: {  	s0 =	sadd.s32 @!p0 $0x100000, s0  }
0xa9: {  	[sflag:s0] =	ssyncadd.tile.s32 @!p0 $0x1;
	_ =	shalt  }
.Lfunc_end2:
_tile_overlayer_lowered:
.L_overlay_start_2:
0xaa: {  	(tag) =	ssettag $0x2  }
0xab: {  	s0 =	rddreg [dreg:$0x0];
	s2 =	stileid.u32  }
0xac: {  	s1 =	rddreg [dreg:$0x1];
	p0 =	sne.s32 s2, $0x0  }
0xad: {  	s3 =	rddreg [dreg:$0x2];
	[bflag:$0x3] =	sbarrier.arrive $0xFFFF;
	s2 =	simm.s32 @!p0 $0x1C05  }
0xae: {  	[timem:s3], [sflag:s2] =	dma.local @!p0 [hbm:s0], s1  }
0xaf: {  	s0 =	simm.s32 @!p0 $0x5  }
0xb0: {  	_ =	swait.ge @!p0 [sflag:s0], s1  }
0xb1: {  	s1 =	ssub.s32 @!p0 $0x0, s1;
	[sflag:s0] =	ssyncset.done @!p0 $0x0  }
0xb2: {  	[sflag:s0] =	ssyncadd.s32 @!p0 s1  }
0xb3: {  	[bflag:$0x3] =	sbarrier.arrive $0xFFFF  }
0xb4: {  	_ =	shalt  }

// kernel: kernel.8.cloned.1.call-start
scs
__scs_entry_jumppad:
0x0: {  	(pc) =	sbr.rel $0x88, $3  }
0x1: {  	(tag) =	ssettag $0x0;
	lr =	simm.s32 $0x1  }
0x2: {  	[smem:$0x3F90] =	sst lr;
	_ =	strace $0xD0000000  }
0x3: {  	_ = 	snop  }
0x4: {  	_ = 	snop  }
0x5: {  	_ = 	snop  }
0x6: {  	_ = 	snop  }
0x7: {  	_ = 	snop  }
__scs_overlays_trampoline_lowered:
0x8: {  	[smem:$0x3F9F] =	sst s0  }
0x9: {  	[smem:$0x3FA0] =	sst s1  }
0xa: {  	[smem:$0x3FA1] =	sst s2  }
0xb: {  	[smem:$0x3FA2] =	sst s3  }
0xc: {  	[smem:$0x3FA3] =	sst s4  }
0xd: {  	[smem:$0x3FA4] =	sst s5  }
0xe: {  	[smem:$0x3FA5] =	sst s6  }
0xf: {  	[smem:$0x3FA6] =	sst s7  }
0x10: {  	[smem:$0x3FA7] =	sst s8  }
0x11: {  	[smem:$0x3FA8] =	sst s9;
	s0 =	simm.s32 @!p0 $0x0  }
0x12: {  	s1 =	sld [smem:$0x3F8E];
	s0 =	simm.s32 @p0 $0x1  }
0x13: {  	[smem:$0x3FA9] =	sst s0;
	s0 =	simm.s32 @!p1 $0x0  }
0x14: {  	s2 =	sld [smem:$0x3F8D];
	s0 =	simm.s32 @p1 $0x1  }
0x15: {  	[smem:$0x3FAA] =	sst s0;
	s0 =	simm.s32 @!p2 $0x0  }
0x16: {  	s3 =	sld [smem:$0x3FDB];
	s0 =	simm.s32 @p2 $0x1  }
0x17: {  	s4 =	simm.s32 $0x1BF5;
	[smem:$0x3FAC] =	sst s0  }
0x18: {  	s0 =	sld [smem:$0x3F8F];
	_ =	swait.ge [sflag:s4], $0x0  }
0x19: {  	s7 =	sld [smem:$0x3F90]  }
0x1a: {  	s8 =	sadd.s32 $0xFFFFE003, lr  }
0x1b: {  	s9 =	sadd.s32 $0xFFFFFEF7, lr;
	s5 =	simm.s32 $0xFFFFFFFF;
	p2 =	slt.u32 s8, $0xFFFFF086  }
0x1c: {  	p1 =	slt.u32 s9, $0xF7A;
	s5 =	simm.s32 @!p2 $0x0  }
0x1d: {  	s5 =	simm.s32 @p1 $0x1;
	p0 =	seq.s32 s7, s2  }
0x1e: {  	s7 =	smul.u32 @!p0 $0xF7A, s2;
	p2 =	seq.s32 @!p0 s5, $0x0  }
0x1f: {  	s9 =	smul.u32 $0xF7A, s1;
	s8 =	simm.s32 @!p0 $0x1BF5;
	p2 =	por !p2, p0  }
0x20: {  	[sflag:s8] =	ssyncset.s32 @!p0 $0xFFFFF086;
	s6 =	sadd.s32 @!p0 s3, s7;
	s7 =	simm.s32 @!p0 $0x108  }
0x21: {  	s3 =	sadd.s32 s3, s9;
	s6 =	sadd.s32 @!p0 $0x88, s6;
	s7 =	simm.s32 @p2 $0x1082  }
0x22: {  	[simem:s7], [sflag:s8] =	dma.local @!p0 [hbm:s6], $0xF7A  }
0x23: {  	s9 =	sor.u32 $0xD0000000, s2;
	s6 =	simm.s32 $0x108;
	_ =	swait.ge @!p0 [sflag:s8], $0x0  }
0x24: {  	s3 =	sadd.s32 $0x88, s3;
	s6 =	simm.s32 @!p1 $0x1082;
	[sflag:s4] =	ssyncset.s32 $0xFFFFF086  }
0x25: {  	[simem:s6], [sflag:s4] =	dma.local [hbm:s3], $0xF7A  }
0x26: {  	[smem:$0x3F90] =	sst s1;
	(tag) =	ssettag s2;
	_ =	strace s9  }
0x27: {  	s1 =	sld [smem:$0x3FA0]  }
0x28: {  	s2 =	sld [smem:$0x3FA1]  }
0x29: {  	s4 =	sld [smem:$0x3FA3]  }
0x2a: {  	p0 =	seq.s32 s5, $0x0;
	s5 =	sld [smem:$0x3FA4]  }
0x2b: {  	s6 =	sld [smem:$0x3FA5]  }
0x2c: {  	s7 =	sld [smem:$0x3FA6]  }
0x2d: {  	s3 =	simm.s32 $0x108;
	s8 =	sld [smem:$0x3FA7]  }
0x2e: {  	s3 =	simm.s32 @!p0 $0x1082;
	s9 =	sld [smem:$0x3FA8]  }
0x2f: {  	lr =	sadd.s32 s0, s3;
	s0 =	sld [smem:$0x3F9F]  }
0x30: {  	s3 =	sld [smem:$0x3FA2]  }
0x31: {  	[smem:$0x3FAB] =	sst s10  }
0x32: {  	s10 =	sld [smem:$0x3FA9];
	_ =	sdelay $0x3  }
0x33: {  	p0 =	seq.s32 s10, $0x1;
	s10 =	sld [smem:$0x3FAB];
	_ =	sdelay $0x3  }
0x34: {  	[smem:$0x3FAB] =	sst s10  }
0x35: {  	s10 =	sld [smem:$0x3FAA];
	_ =	sdelay $0x3  }
0x36: {  	p1 =	seq.s32 s10, $0x1;
	s10 =	sld [smem:$0x3FAB];
	_ =	sdelay $0x3  }
0x37: {  	[smem:$0x3FAB] =	sst s10  }
0x38: {  	s10 =	sld [smem:$0x3FAC]  }
0x39: {  	_ = 	snop;
	(pc) =	sbr.ind lr, $3  }
0x3a: {  	_ = 	snop  }
0x3b: {  	_ = 	snop  }
0x3c: {  	p2 =	seq.s32 s10, $0x1;
	s10 =	sld [smem:$0x3FAB]  }
0x3d: {  	_ =	shalt  }
0x3e: {  	_ =	shalt  }
0x3f: {  	_ =	shalt  }
0x40: {  	_ =	shalt  }
0x41: {  	_ =	shalt  }
0x42: {  	_ =	shalt  }
0x43: {  	_ =	shalt  }
0x44: {  	_ =	shalt  }
0x45: {  	_ =	shalt  }
0x46: {  	_ =	shalt  }
0x47: {  	_ =	shalt  }
0x48: {  	_ =	shalt  }
0x49: {  	_ =	shalt  }
0x4a: {  	_ =	shalt  }
0x4b: {  	_ =	shalt  }
0x4c: {  	_ =	shalt  }
0x4d: {  	_ =	shalt  }
0x4e: {  	_ =	shalt  }
0x4f: {  	_ =	shalt  }
0x50: {  	_ =	shalt  }
0x51: {  	_ =	shalt  }
0x52: {  	_ =	shalt  }
0x53: {  	_ =	shalt  }
0x54: {  	_ =	shalt  }
0x55: {  	_ =	shalt  }
0x56: {  	_ =	shalt  }
0x57: {  	_ =	shalt  }
0x58: {  	_ =	shalt  }
0x59: {  	_ =	shalt  }
0x5a: {  	_ =	shalt  }
0x5b: {  	_ =	shalt  }
0x5c: {  	_ =	shalt  }
0x5d: {  	_ =	shalt  }
0x5e: {  	_ =	shalt  }
0x5f: {  	_ =	shalt  }
0x60: {  	_ =	shalt  }
0x61: {  	_ =	shalt  }
0x62: {  	_ =	shalt  }
0x63: {  	_ =	shalt  }
0x64: {  	_ =	shalt  }
0x65: {  	_ =	shalt  }
0x66: {  	_ =	shalt  }
0x67: {  	_ =	shalt  }
0x68: {  	_ =	shalt  }
0x69: {  	_ =	shalt  }
0x6a: {  	_ =	shalt  }
0x6b: {  	_ =	shalt  }
0x6c: {  	_ =	shalt  }
0x6d: {  	_ =	shalt  }
0x6e: {  	_ =	shalt  }
0x6f: {  	_ =	shalt  }
0x70: {  	_ =	shalt  }
0x71: {  	_ =	shalt  }
0x72: {  	_ =	shalt  }
0x73: {  	_ =	shalt  }
0x74: {  	_ =	shalt  }
0x75: {  	_ =	shalt  }
0x76: {  	_ =	shalt  }
0x77: {  	_ =	shalt  }
0x78: {  	_ =	shalt  }
0x79: {  	_ =	shalt  }
0x7a: {  	_ =	shalt  }
0x7b: {  	_ =	shalt  }
0x7c: {  	_ =	shalt  }
0x7d: {  	_ =	shalt  }
0x7e: {  	_ =	shalt  }
0x7f: {  	_ =	shalt  }
0x80: {  	_ =	shalt  }
0x81: {  	_ =	shalt  }
0x82: {  	_ =	shalt  }
0x83: {  	_ =	shalt  }
0x84: {  	_ =	shalt  }
0x85: {  	_ =	shalt  }
0x86: {  	_ =	shalt  }
0x87: {  	_ =	shalt  }
.Lfunc_end0:
.L_simem_size_0:
called_computation_lowered:
.L_overlay_start_0:
0x88: {  	s2 =	sld [smem:$0x3FD9]  }
0x89: {  	s3 =	sld [smem:$0x3FFE];
	_ =	sdelay $0x1  }
0x8a: {  	s1 =	srdreg.scid  }
0x8b: {  	s0 =	sand.u32 $0x1, s1  }
0x8c: {  	s14 =	sshll.u32 s0, $0xA;
	s2 =	sadd.s32 s3, s2  }
0x8d: {  	s2 =	sadd.s32 s2, s14  }
0x8e: {  	[smem:$0x3FB7] =	sst s2  }
0x8f: {  	_ = 	snop  }
0x90: {  	s2 =	sld [smem:$0x3FD0];
	_ =	sdelay $0x2  }
0x91: {  	s15 =	simm.s32 $0xA;
	s4 =	simm.s32 $0x10  }
0x92: {  	[smem:s4], [sflag:s15] =	dma.local [hbm:s2], $0x1  }
0x93: {  	_ =	swait.eq [sflag:s15], $0x1  }
0x94: {  	[sflag:s15] =	ssyncset.done $0x0  }
0x95: {  	s16 =	sld [smem:$0x10];
	[sflag:s15] =	ssyncadd.s32 $0xFFFFFFFF  }
0x96: {  	s17 =	sld [smem:$0x11];
	(tm) =	ssettm $0x1  }
0x97: {  	s18 =	sld [smem:$0x3FFB];
	_ =	sdelay $0x3  }
0x98: {  	_ =	strace s18  }
0x99: {  	s4 =	sld [smem:$0x3FFC];
	_ =	sdelay $0x3  }
0x9a: {  	_ =	strace s4  }
0x9b: {  	s4 =	sld [smem:$0x3FFD];
	_ =	sdelay $0x3  }
0x9c: {  	_ =	strace s4  }
0x9d: {  	_ =	strace $0x8FFFFFFF  }
0x9e: {  	s19 =	sld [smem:$0x3FDB];
	_ =	sdelay $0x1  }
0x9f: {  	s5 =	simm.s32 $_scs_section_size  }
0xa0: {  	s6 =	simm.s32 $_size__tile_overlayer_lowered;
	s7 =	simm.s32 $_tile_overlayer_lowered  }
0xa1: {  	s22 =	simm.s32 $0x1BFF;
	s21 =	sshll.u32 s7, $0x1;
	s4 =	sadd.s32 s5, s19  }
0xa2: {  	s8 =	simm.s32 $0x0;
	s20 =	sshll.u32 s6, $0x1;
	s6 =	sadd.s32 s21, s4  }
0xa3: {  	[timem:s8], [sflag:s22] =	dma.local [hbm:s6], s20  }
0xa4: {  	_ =	swait.ge [sflag:s22], s20  }
0xa5: {  	s5 =	ssub.s32 $0x0, s20;
	[sflag:s22] =	ssyncset.done $0x0  }
0xa6: {  	[sflag:s22] =	ssyncadd.s32 s5;
	_ =	sdelay $0x1  }
0xa7: {  	s23 =	simm.s32 $0x1B8B  }
0xa8: {  	_ =	swait.ge [sflag:s23], $0x1  }
0xa9: {  	[sflag:s23] =	ssyncset.done $0x0  }
0xaa: {  	s25 =	simm.s32 $0x1B8E;
	s24 =	sld [smem:$0x3FFE];
	[sflag:s23] =	ssyncadd.s32 $0xFFFFFFFF  }
0xab: {  	s26 =	simm.s32 $execute0_lowered;
	[smem:$0x3FD2] =	sst s25  }
0xac: {  	s6 =	sshll.u32 s26, $0x1;
	_ =	strace $0x80000046;
	[dreg:$0x1] =	wrdreg $0xFFFFFFFF  }
0xad: {  	s28 =	simm.s32 $_size_execute0_lowered;
	s4 =	sadd.s32 s4, s6;
	[dreg:$0x0] =	wrdreg $0x0  }
0xae: {  	s6 =	sshll.u32 s28, $0x1;
	[dreg:$0x2] =	wrdreg s4  }
0xaf: {  	[dreg:$0x3] =	wrdreg s6  }
0xb0: {  	[dreg:$0x4] =	wrdreg $0xC0  }
0xb1: {  	_ =	task [dreg:s8], $0x5FFFF  }
0xb2: {  	[dreg:$0x1] =	wrdreg $0xFFFFFFFF  }
0xb3: {  	[dreg:$0x0] =	wrdreg $0x60  }
0xb4: {  	[dreg:$0x2] =	wrdreg s16  }
0xb5: {  	[dreg:$0x3] =	wrdreg s17  }
0xb6: {  	[dreg:$0x4] =	wrdreg s24  }
0xb7: {  	[dreg:$0x5] =	wrdreg $0xA7000  }
0xb8: {  	[dreg:$0x6] =	wrdreg $0x1E7000  }
0xb9: {  	[dreg:$0x7] =	wrdreg $0x9  }
0xba: {  	_ =	task.clear_ibuf [dreg:s8], $0x8FFFF;
	_ =	strace $0x90000046  }
0xbb: {  	s29 =	simm.s32 $0x9;
	_ =	strace $0x80000048  }
0xbc: {  	_ =	swait.ge [sflag:s29], $0x1  }
0xbd: {  	[sflag:s29] =	ssyncadd.s32 $0xFFFFFFFF  }
0xbe: {  	_ =	strace $0x90000048  }
0xbf: {  	_ =	sfence  }
0xc0: {  	s30 =	sld [smem:$0x0];
	_ =	sdelay $0x2  }
0xc1: {  	s31 =	sshll.u32 s1, $0xD;
	s1 =	sshrl.u32 s1, $0x2  }
0xc2: {  	s3 =	sand.u32 $0x4000, s31;
	s1 =	sadd.s32 s1, s30  }
0xc3: {  	s0 =	sor.u32 s3, s0;
	s1 =	sshll.u32 s1, $0x11  }
0xc4: {  	s0 =	sor.u32 s1, s0  }
0xc5: {  	s0 =	sadd.s32 $0x8F2B, s0  }
0xc6: {  	[sflag:s0] =	ssyncadd.remote.s32 $0x1  }
0xc7: {  	_ =	sfence.sel $0xFFFF  }
0xc8: {  	[dreg:$0x0] =	wrdreg $0xFFFFFFFF;
	(pc) =	sbr.abs _section_cstart, $3  }
0xc9: {  	[dreg:$0x1] =	wrdreg $0xFFFFFFFF  }
0xca: {  	_ =	task.clear_ibuf [dreg:s8], $0x2FFFF;
	_ =	strace $0x9FFFFFFF  }
0xcb: {  	(tm) =	ssettm $0x7FFFFFFF  }
tec
execute0_lowered:
.L_overlay_start_1:
0x0: {  	(tag) =	ssettag $0x1  }
0x1: {  	s31 =	rddreg [dreg:$0x0]  }
0x2: {  	s2 =	rddreg [dreg:$0x2];
	s3 =	srdreg.scid  }
0x3: {  	s1 =	rddreg [dreg:$0x3];
	s0 =	stileid.u32  }
0x4: {  	s4 =	rddreg [dreg:$0x4];
	s11 =	smul.u32 $0x14000, s0  }
0x5: {  	s6 =	simm.s32 $0x0;
	s29 =	simm.s32 $0x28;
	s13 =	smul.u32 $0x1400, s0  }
0x6: {  	s3 =	sand.u32 $0x1, s3;
	[smem:$0x7FF] =	sst s6;
	s17 =	smul.u32 $0x50000, s0  }
0x7: {  	s7 =	sadd.s32 $0x3E400, s2;
	s8 =	sadd.s32 $0xD400, s2;
	s15 =	smul.u32 $0x5000, s0  }
0x8: {  	s9 =	sadd.s32 $0x3600, s2;
	s5 =	sadd.s32 $0x520400, s2;
	s10 =	smul.u32 $0x140000, s3  }
0x9: {  	s30 =	sadd.s32 $0x572C00, s2;
	s16 =	sshll.u32 s0, $0x6;
	s12 =	smul.u32 $0x14000, s3  }
0xa: {  	_ =	strace $0x80000047;
	[dreg:$0x6] =	wrdreg s5;
	s5 =	simm.s32 $0x0  }
0xb: {  	s18 =	sshrl.u32 s15, $0x2;
	s10 =	sadd.s32 s11, s10;
	s28 =	sadd.s32 s13, s12  }
0xc: {  	s11 =	ssub.s32 $0x2, s3;
	s3 =	sshll.u32 s3, $0x4;
	s13 =	sshrl.u32 s17, $0x2  }
0xd: {  	s21 =	sadd.s32 s18, s4;
	s17 =	smov.u32 s30;
	s10 =	sshrl.u32 s10, $0x3  }
0xe: {  	s12 =	sshrl.u32 s28, $0x3;
	s14 =	sshrl.u32 s11, $0x1;
	s3 =	sor.u32 s0, s3  }
0xf: {  	s13 =	sadd.s32 s13, s1;
	s1 =	sor.u32 $0x1C06, s16;
	[dreg:$0x8] =	wrdreg s21  }
0x10: {  	s21 =	simm.s32 $0x9280;
	s10 =	sadd.s32 s10, s2;
	s19 =	smul.u32 $0x2710, s3  }
0x11: {  	s2 =	sadd.s32 s12, s2;
	s12 =	ssub.s32 s11, s14;
	s3 =	smul.u32 $0x27100, s3  }
0x12: {  	s11 =	smov.u32 s4;
	s4 =	sshrl.u32 s13, $0x3;
	s13 =	simm.s32 $0x9200  }
0x13: {  	s14 =	simm.s32 $0xA680;
	[dreg:$0x7] =	wrdreg s1;
	s26 =	sadd.s32 $0x522C00, s10  }
0x14: {  	s28 =	sadd.s32 $0x5C0E00, s2;
	s2 =	simm.s32 $0x200;
	[dreg:$0x10] =	wrdreg s4  }
0x15: {  	v0 =	vlaneseq.u32;
	s10 =	simm.s32 $0x5;
	s20 =	sshrl.u32 s19, $0x3;
	[dreg:$0xd] =	wrdreg s26  }
0x16: {  	vm0 =	vmmov $0x1;
	vm1 =	vmmov $0x3;
	vm2 =	vmmov $0x7;
	s24 =	sadd.s32 s7, s3;
	s25 =	sadd.s32 $0x28, s19;
	[dreg:$0xe] =	wrdreg s28  }
0x17: {  	vm3 =	vmmov $0xf;
	vm4 =	vmmov $0x1f;
	vm5 =	vmmov $0x3f;
	s18 =	sadd.s32 $0x50, s19;
	s19 =	sadd.s32 s30, s19;
	[dreg:$0xb] =	wrdreg s24  }
0x18: {  	vm6 =	vmmov $0x7f;
	vm7 =	vmmov $0xff;
	vm8 =	vmmov $0x1ff;
	s30 =	smax.u32 s12, $0x1;
	s3 =	simm.s32 $0x180;
	[dreg:$0xc] =	wrdreg s25  }
0x19: {  	vm9 =	vmmov $0x3ff;
	vm10 =	vmmov $0x7ff;
	vm11 =	vmmov $0xfff;
	s22 =	sadd.s32 s8, s20;
	s23 =	sadd.s32 s9, s20;
	[dreg:$0xf] =	wrdreg s30  }
0x1a: {  	vm12 =	vmmov $0x1fff;
	vm13 =	vmmov $0x3fff;
	vm14 =	vmmov $0x7fff;
	s24 =	simm.s32 $0x6;
	s25 =	simm.s32 $0x1;
	[dreg:$0x9] =	wrdreg s22  }
0x1b: {  	v3 =	vimm.f32 $0.0e+00;
	v1 =	vor.u32 $0x10, v0;
	v2 =	vor.u32 $0x20, v0;
	s20 =	simm.s32 $0x7E00;
	[dreg:$0xa] =	wrdreg s23;
	s22 =	simm.s32 $0x2  }
.LBB2_1:
0x1c: {  	[dreg:$0x11] =	wrdreg s5  }
0x1d: {  	s0 =	rddreg [dreg:$0x6]  }
0x1e: {  	[spmem:s4], [sflag:s1] =	dma.local [hbm:s0], $0x2800  }
0x1f: {  	_ =	swait.ge [sflag:s24], $0x2800  }
0x20: {  	s30 =	rddreg [dreg:$0x8]  }
0x21: {  	[sflag:s24] =	ssyncset.done $0x0;
	s4 =	sshrl.u32 s30, $0x3  }
0x22: {  	[sflag:s24] =	ssyncadd.s32 $0xFFFFD800;
	[dreg:$0x12] =	wrdreg s4  }
0x23: {  	[spmem:s4], [sflag:s1] =	dma.local [hbm:s0], $0x280  }
0x24: {  	_ =	swait.ge [sflag:s24], $0x280  }
0x25: {  	[sflag:s24] =	ssyncset.done $0x0  }
0x26: {  	[sflag:s24] =	ssyncadd.s32 $0xFFFFFD80  }
0x27: {  	[bflag:$0x0] =	sbarrier.arrive $0xFFFF  }
0x28: {  	s4 =	rddreg [dreg:$0x9]  }
0x29: {  	[tilespmem:s6], [sflag:$0x6] =	stream.linear.gather [hbm4b:s4+s6], $0x28, $0x38;
	[tilespmem:$0x1FB00] =	vst v63  }
0x2a: {  	_ =	swait.ge [sflag:s24], $0x28  }
0x2b: {  	[sflag:s24] =	ssyncset.done $0x0  }
0x2c: {  	s12 =	simm.s32 $0x80;
	s5 =	rddreg [dreg:$0xa];
	[sflag:s24] =	ssyncadd.s32 $0xFFFFFFD8  }
0x2d: {  	[tilespmem:s12], [sflag:$0x6] =	stream.linear.gather [hbm4b:s5+s6], $0x28, $0x38;
	[tilespmem:$0x1FB00] =	vst v63  }
0x2e: {  	_ =	swait.ge [sflag:s24], $0x28  }
0x2f: {  	[sflag:s24] =	ssyncset.done $0x0  }
0x30: {  	s15 =	simm.s32 $0x100;
	[sflag:s24] =	ssyncadd.s32 $0xFFFFFFD8  }
0x31: {  	[tilespmem:s15], [sflag:$0x6] =	stream.linear.gather [hbm4b:s5+s6], $0x28, $0x38;
	[tilespmem:$0x1FB00] =	vst v63  }
0x32: {  	_ =	swait.ge [sflag:s24], $0x28  }
0x33: {  	[sflag:s24] =	ssyncset.done $0x0  }
0x34: {  	s23 =	simm.s32 $0x2B00;
	s16 =	rddreg [dreg:$0xb];
	[sflag:s24] =	ssyncadd.s32 $0xFFFFFFD8  }
0x35: {  	[tilespmem:s23], [sflag:$0x1] =	stream.linear.gather [hbm4b:s16+s6], $0x1400, $0x38;
	[tilespmem:$0x1FB00] =	vst v63  }
0x36: {  	s26 =	simm.s32 $0x300  }
0x37: {  	[tilespmem:s26], [sflag:$0x1] =	stream.indirect.gather [hbm4b:s31+s29], $0x80, s12, s29, $0xb8;
	[tilespmem:$0x1FB00] =	vst v63  }
0x38: {  	s30 =	simm.s32 $0x1700;
	s28 =	rddreg [dreg:$0x1];
	s12 =	simm.s32 $0x0  }
0x39: {  	[tilespmem:s30], [sflag:$0x1] =	stream.indirect.gather [hbm4b:s28+s29], $0x80, s6, s29, $0xb8;
	[tilespmem:$0x1FB00] =	vst v63  }
.LBB2_2:
0x3a: {  	s26 =	smul.u32 $0x50, s12  }
0x3b: {  	s0 =	rddreg [dreg:$0xc]  }
0x3c: {  	s23 =	sadd.s32 s26, s0  }
0x3d: {  	s16 =	sshrl.u32 s23, $0x3  }
0x3e: {  	s28 =	sadd.s32 s8, s16  }
0x3f: {  	[tilespmem:s3], [sflag:$0x6] =	stream.linear.gather [hbm4b:s28+s6], $0x28, $0x38;
	[tilespmem:$0x1FB00] =	vst v63  }
0x40: {  	_ =	swait.ge [sflag:s24], $0x28  }
0x41: {  	[sflag:s24] =	ssyncset.done $0x0  }
0x42: {  	s16 =	sadd.s32 s9, s16;
	[sflag:s24] =	ssyncadd.s32 $0xFFFFFFD8  }
0x43: {  	[tilespmem:s2], [sflag:$0x6] =	stream.linear.gather [hbm4b:s16+s6], $0x28, $0x38;
	[tilespmem:$0x1FB00] =	vst v63  }
0x44: {  	_ =	swait.ge [sflag:s24], $0x28  }
0x45: {  	[sflag:s24] =	ssyncset.done $0x0  }
0x46: {  	s1 =	simm.s32 $0x280;
	[sflag:s24] =	ssyncadd.s32 $0xFFFFFFD8  }
0x47: {  	[tilespmem:s1], [sflag:$0x6] =	stream.linear.gather [hbm4b:s16+s6], $0x28, $0x38;
	[tilespmem:$0x1FB00] =	vst v63  }
0x48: {  	_ =	swait.ge [sflag:s24], $0x28  }
0x49: {  	s4 =	sshll.u32 s23, $0x4;
	[sflag:s24] =	ssyncset.done $0x0  }
0x4a: {  	s5 =	simm.s32 $0x6700;
	s16 =	sadd.s32 s7, s4;
	[sflag:s24] =	ssyncadd.s32 $0xFFFFFFD8  }
0x4b: {  	[tilespmem:s5], [sflag:$0x2] =	stream.linear.gather [hbm4b:s16+s6], $0x1400, $0x38;
	[tilespmem:$0x1FB00] =	vst v63  }
0x4c: {  	s15 =	simm.s32 $0x3F00  }
0x4d: {  	[tilespmem:s15], [sflag:$0x2] =	stream.indirect.gather [hbm4b:s31+s29], $0x80, s2, s29, $0xb8;
	[tilespmem:$0x1FB00] =	vst v63  }
0x4e: {  	s4 =	simm.s32 $0x5300;
	s16 =	rddreg [dreg:$0x1]  }
0x4f: {  	[tilespmem:s4], [sflag:$0x2] =	stream.indirect.gather [hbm4b:s16+s29], $0x80, s3, s29, $0xb8;
	[tilespmem:$0x1FB00] =	vst v63  }
0x50: {  	_ =	swait.ge [sflag:s25], $0x1400  }
0x51: {  	[sflag:s25] =	ssyncset.done $0x0  }
0x52: {  	[sflag:s25] =	ssyncadd.s32 $0xFFFFEC00  }
0x53: {  	_ =	swait.ge [sflag:s25], $0x1400  }
0x54: {  	[sflag:s25] =	ssyncset.done $0x0  }
0x55: {  	[sflag:s25] =	ssyncadd.s32 $0xFFFFEC00  }
0x56: {  	_ =	swait.ge [sflag:s25], $0x1400  }
0x57: {  	p0 =	seq.s32 s12, $0x0;
	[sflag:s25] =	ssyncset.done $0x0  }
0x58: {  	s16 =	simm.s32 @!p0 $0x3;
	[sflag:s25] =	ssyncadd.s32 $0xFFFFEC00  }
0x59: {  	_ =	swait.ge @!p0 [sflag:s16], $0x140  }
0x5a: {  	[sflag:s16] =	ssyncset.done @!p0 $0x0  }
0x5b: {  	[sflag:s16] =	ssyncadd.s32 @!p0 $0xFFFFFEC0;
	s16 =	simm.s32 @!p0 $0x5  }
0x5c: {  	_ =	swait.ge @!p0 [sflag:s16], $0x1400  }
0x5d: {  	[sflag:s16] =	ssyncset.done @!p0 $0x0  }
0x5e: {  	[sflag:s16] =	ssyncadd.s32 @!p0 $0xFFFFEC00  }
0x5f: {  	_ =	swait.ge @!p0 [sflag:s16], $0x1400  }
0x60: {  	[sflag:s16] =	ssyncset.done @!p0 $0x0  }
0x61: {  	[sflag:s16] =	ssyncadd.s32 @!p0 $0xFFFFEC00  }
0x62: {  	v4 =	vld [tilespmem:$0x100];
	_ =	sdelay $0x4  }
0x63: {  	[tilespmem:v0+s13+$0x0] =	vst.idx.msk $0xffff, v4;
	v4 =	vshrl.u32 v4, $0x4  }
0x64: {  	[tilespmem:v0+s14+$0x0] =	vst.idx.msk $0xffff, v4  }
0x65: {  	v4 =	vld [tilespmem:$0x110];
	_ =	sdelay $0x4  }
0x66: {  	[tilespmem:v1+s13+$0x0] =	vst.idx.msk $0xffff, v4;
	v4 =	vshrl.u32 v4, $0x4  }
0x67: {  	[tilespmem:v1+s14+$0x0] =	vst.idx.msk $0xffff, v4  }
0x68: {  	v4 =	vld [tilespmem:$0x120];
	_ =	sdelay $0x4  }
0x69: {  	s30 =	simm.s32 $0x100;
	[tilespmem:v2+s13+$0x0] =	vst.idx.msk $0xff, v4;
	v4 =	vshrl.u32 v4, $0x4  }
0x6a: {  	s28 =	simm.s32 $0x0;
	s1 =	smov.u32 s31;
	s31 =	simm.s32 $0x7B08;
	[tilespmem:v2+s14+$0x0] =	vst.idx.msk $0xff, v4  }
.LBB2_3:
0x6b: {  	s16 =	sshra.s32 s28, $0x2  }
0x6c: {  	v11 =	vld [tilespmem:s16+$0x2B00]  }
0x6d: {  	v4 =	vld [tilespmem:s16+$0x1700]  }
0x6e: {  	v6 =	vld [tilespmem:s16+$0x300]  }
0x6f: {  	v10 =	vld [tilespmem:s16+$0x2B10]  }
0x70: {  	v7 =	vld [tilespmem:s16+$0x1710]  }
0x71: {  	v9 =	vld [tilespmem:s16+$0x310]  }
0x72: {  	v8 =	vld [tilespmem:s16+$0x2B20]  }
0x73: {  	v12 =	vld [tilespmem:s16+$0x1720]  }
0x74: {  	v13 =	vld [tilespmem:s16+$0x320]  }
0x75: {  	v5 =	vld [tilespmem:s16+$0x2B30];
	v4 =	vadd.bf16 v4, v11  }
0x76: {  	v16 =	vld [tilespmem:s16+$0x1730]  }
0x77: {  	v59 =	vld [tilespmem:s16+$0x330];
	v15 =	vshll.u32 v6, $0x10;
	v14 =	vshll.u32 v4, $0x10  }
0x78: {  	v61 =	vld [tilespmem:s16+$0x1780];
	v14 =	vmul.f32 v14, v15  }
0x79: {  	v19 =	vld [tilespmem:s16+$0x380]  }
0x7a: {  	v20 =	vld [tilespmem:s16+$0x1790];
	v6 =	vand.u32 $0xFFFF0000, v6;
	v17 =	vand.u32 $0xFFFF0000, v4;
	(xrf2) =	vadd.scan.msk.f32 $0xffff, v14  }
0x7b: {  	v21 =	vld [tilespmem:s16+$0x390];
	v7 =	vadd.bf16 v7, v10;
	v6 =	vmul.f32 v17, v6  }
0x7c: {  	v23 =	vld [tilespmem:s16+$0x17A0];
	v18 =	vshll.u32 v9, $0x10;
	v9 =	vand.u32 $0xFFFF0000, v9;
	v12 =	vadd.bf16 v12, v8  }
0x7d: {  	v63 =	vshll.u32 v13, $0x10;
	v16 =	vadd.bf16 v16, v5;
	v13 =	vand.u32 $0xFFFF0000, v13;
	v4 =	vld [tilespmem:s16+$0x2B80];
	(xrf2) =	vadd.scan.msk.f32 $0xffff, v6  }
0x7e: {  	v26 =	vld [tilespmem:s16+$0x3A0];
	v22 =	vshll.u32 v59, $0x10;
	v60 =	vshll.u32 v7, $0x10;
	v7 =	vand.u32 $0xFFFF0000, v7  }
0x7f: {  	v28 =	vshll.u32 v19, $0x10;
	v9 =	vmul.f32 v7, v9;
	v7 =	vld [tilespmem:s16+$0x2B90];
	v14 =	vmul.f32 v60, v18  }
0x80: {  	v30 =	vld [tilespmem:s16+$0x17B0];
	v29 =	vand.u32 $0xFFFF0000, v19;
	v34 =	vshll.u32 v21, $0x10;
	v62 =	vshll.u32 v12, $0x10  }
0x81: {  	v21 =	vand.u32 $0xFFFF0000, v21;
	v12 =	vand.u32 $0xFFFF0000, v12;
	v18 =	vmul.f32 v62, v63;
	v6 =	vld [tilespmem:s16+$0x2BA0];
	(xrf2) =	vadd.scan.msk.f32 $0xffff, v14  }
0x82: {  	v36 =	vld [tilespmem:s16+$0x3B0];
	v24 =	vshll.u32 v16, $0x10;
	v12 =	vmul.f32 v12, v13;
	v17 =	vadd.bf16 v61, v4;
	(xrf2) =	vadd.scan.msk.f32 $0xffff, v9  }
0x83: {  	v16 =	vand.u32 $0xFFFF0000, v16;
	v15 =	vand.u32 $0xFFFF0000, v59;
	v13 =	vmul.f32 v24, v22;
	v9 =	vld [tilespmem:s16+$0x2BB0];
	(xrf2) =	vadd.scan.msk.f32 $0xffff, v18  }
0x84: {  	v25 =	vmul.f32 v16, v15;
	v20 =	vadd.bf16 v20, v7;
	v27 =	vshll.u32 v17, $0x10;
	v31, _, _ =	vpop (xrf2);
	(xrf2) =	vadd.scan.msk.f32 $0xffff, v12  }
0x85: {  	v41 =	vshll.u32 v26, $0x10;
	v17 =	vand.u32 $0xFFFF0000, v17;
	v16 =	vmul.f32 v27, v28;
	(xrf2) =	vadd.scan.msk.f32 $0xffff, v13  }
0x86: {  	v32 =	vmul.f32 v17, v29;
	v33 =	vshll.u32 v20, $0x10;
	v38 =	vadd.bf16 v23, v6;
	(xrf2) =	vadd.scan.msk.f32 $0xffff, v25  }
0x87: {  	v44 =	vshll.u32 v36, $0x10;
	v20 =	vand.u32 $0xFFFF0000, v20;
	v17 =	vmul.f32 v33, v34;
	v37, _, _ =	vpop (xrf2);
	(xrf2) =	vadd.scan.msk.f32 $0xffff, v16  }
0x88: {  	v39 =	vmul.f32 v20, v21;
	v40 =	vshll.u32 v38, $0x10;
	v19 =	vadd.bf16 v30, v9;
	(xrf2) =	vadd.scan.msk.f32 $0xffff, v32  }
0x89: {  	v15 =	vand.u32 $0xFFFF0000, v26;
	v42 =	vand.u32 $0xFFFF0000, v38;
	v12 =	vmul.f32 v40, v41;
	(xrf2) =	vadd.scan.msk.f32 $0xffff, v17  }
0x8a: {  	v15 =	vmul.f32 v42, v15;
	v43 =	vshll.u32 v19, $0x10;
	v35 =	vbroadcast v31, $0xF;
	(xrf2) =	vadd.scan.msk.f32 $0xffff, v39  }
0x8b: {  	v46 =	vmul.f32 v43, v44;
	v14 =	vbroadcast v37, $0xF;
	v45, _, _ =	vpop (xrf2);
	(xrf2) =	vadd.scan.msk.f32 $0xffff, v12  }
0x8c: {  	v18 =	vand.u32 $0xFFFF0000, v36;
	v47, _, _ =	vpop (xrf2);
	v48 =	vbroadcast v45, $0xF;
	(xrf2) =	vadd.scan.msk.f32 $0xffff, v15  }
0x8d: {  	v50 =	vand.u32 $0xFFFF0000, v19;
	v13 =	vsel vm0, v35, v14;
	v14 =	vbroadcast v47, $0xF;
	v49, _, _ =	vpop (xrf2);
	(xrf2) =	vadd.scan.msk.f32 $0xffff, v46  }
0x8e: {  	v52 =	vmul.f32 v50, v18;
	v13 =	vsel vm1, v13, v48;
	v15 =	vbroadcast v49, $0xF;
	v51, _, _ =	vpop (xrf2)  }
0x8f: {  	v13 =	vsel vm2, v13, v14;
	v53, _, _ =	vpop (xrf2);
	v12 =	vbroadcast v51, $0xF  }
0x90: {  	v13 =	vsel vm3, v13, v15;
	(xrf2) =	vadd.scan.msk.f32 $0xffff, v52;
	v54, _, _ =	vpop (xrf2);
	v55 =	vbroadcast v53, $0xF  }
0x91: {  	v56, _, _ =	vpop (xrf2);
	v12 =	vsel vm4, v13, v12;
	v57 =	vbroadcast v54, $0xF  }
0x92: {  	v58, _, _ =	vpop (xrf2);
	v12 =	vsel vm5, v12, v55;
	v59 =	vbroadcast v56, $0xF  }
0x93: {  	v60, _, _ =	vpop (xrf2);
	v12 =	vsel vm6, v12, v57;
	v61 =	vbroadcast v58, $0xF  }
0x94: {  	v62, _, _ =	vpop (xrf2);
	v12 =	vsel vm7, v12, v59;
	v63 =	vbroadcast v60, $0xF  }
0x95: {  	v20, _, _ =	vpop (xrf2);
	v12 =	vsel vm8, v12, v61;
	v21 =	vbroadcast v62, $0xF  }
0x96: {  	v22, _, _ =	vpop (xrf2);
	v12 =	vsel vm9, v12, v63;
	v23 =	vbroadcast v20, $0xF  }
0x97: {  	v24, _, _ =	vpop (xrf2);
	v12 =	vsel vm10, v12, v21;
	v25 =	vbroadcast v22, $0xF  }
0x98: {  	v12 =	vsel vm11, v12, v23;
	v26 =	vbroadcast v24, $0xF  }
0x99: {  	v12 =	vsel vm12, v12, v25  }
0x9a: {  	v27, _, _ =	vpop (xrf2);
	v12 =	vsel vm13, v12, v26  }
0x9b: {  	v12 =	vsel vm14, v12, v27  }
0x9c: {  	v12 =	vmul.f32 $1.442695020e+00, v12;
	_ =	sdelay $0x1  }
0x9d: {  	(erf) = vpow2.f32 v12;
	_ =	sdelay $0x8  }
0x9e: {  	v12 =	vpop (erf)  }
0x9f: {  	[tilespmem:s31+$0x0] =	vst v12  }
0xa0: {  	v28 =	vld [tilespmem:s16+$0x1740];
	_ =	sdelay $0x1  }
0xa1: {  	v29 =	vld [tilespmem:s16+$0x1750]  }
0xa2: {  	v31 =	vbroadcast v12, $0x0  }
0xa3: {  	v33 =	vbroadcast v12, $0x1;
	v35 =	vbroadcast v12, $0x2;
	v30 =	vld [tilespmem:s16+$0x1760]  }
0xa4: {  	v37 =	vbroadcast v12, $0x3;
	v39 =	vbroadcast v12, $0x4;
	v11 =	vadd.bf16 v28, v11  }
0xa5: {  	v41 =	vbroadcast v12, $0x5;
	v44 =	vbroadcast v12, $0x6;
	v34 =	vld [tilespmem:s16+$0x1770]  }
0xa6: {  	v46 =	vbroadcast v12, $0x7;
	v38 =	vld [tilespmem:s16+$0x17C0];
	v10 =	vadd.bf16 v29, v10;
	v32 =	vshll.u32 v11, $0x10  }
0xa7: {  	v48 =	vbroadcast v12, $0x8;
	v11 =	vand.u32 $0xFFFF0000, v11;
	v15 =	vmul.f32 v32, v31  }
0xa8: {  	v42 =	vld [tilespmem:s16+$0x17D0];
	v8 =	vadd.bf16 v30, v8;
	v36 =	vshll.u32 v10, $0x10;
	v11 =	vmul.f32 v11, v33  }
0xa9: {  	v50 =	vbroadcast v12, $0x9;
	v10 =	vand.u32 $0xFFFF0000, v10;
	v16 =	vmul.f32 v36, v35;
	[tilespmem:s16+$0x7E00] =	vst v15  }
0xaa: {  	v5 =	vadd.bf16 v34, v5;
	v40 =	vshll.u32 v8, $0x10;
	v10 =	vmul.f32 v10, v37;
	[tilespmem:s16+$0x7E10] =	vst v11  }
0xab: {  	v47 =	vld [tilespmem:s16+$0x17E0];
	v4 =	vadd.bf16 v38, v4;
	v8 =	vand.u32 $0xFFFF0000, v8;
	v43 =	vmul.f32 v40, v39;
	[tilespmem:s16+$0x7E20] =	vst v16  }
0xac: {  	v45 =	vshll.u32 v5, $0x10;
	v5 =	vand.u32 $0xFFFF0000, v5;
	v8 =	vmul.f32 v8, v41;
	[tilespmem:s16+$0x7E30] =	vst v10  }
0xad: {  	v51 =	vld [tilespmem:s16+$0x17F0];
	v7 =	vadd.bf16 v42, v7;
	v49 =	vshll.u32 v4, $0x10;
	v5 =	vmul.f32 v5, v46;
	[tilespmem:s16+$0x7E40] =	vst v43  }
0xae: {  	v53 =	vbroadcast v12, $0xA;
	v4 =	vand.u32 $0xFFFF0000, v4;
	v52 =	vmul.f32 v49, v48;
	[tilespmem:s16+$0x7E50] =	vst v8  }
0xaf: {  	v55 =	vbroadcast v12, $0xB;
	v54 =	vshll.u32 v7, $0x10;
	v4 =	vmul.f32 v4, v50;
	[tilespmem:s16+$0x7E70] =	vst v5  }
0xb0: {  	v57 =	vbroadcast v12, $0xC;
	v6 =	vadd.bf16 v47, v6;
	v56 =	vmul.f32 v54, v53;
	[tilespmem:s16+$0x7E80] =	vst v52  }
0xb1: {  	v58 =	vbroadcast v12, $0xD;
	v11 =	vmul.f32 v45, v44;
	v5 =	vand.u32 $0xFFFF0000, v7;
	[tilespmem:s16+$0x7E90] =	vst v4  }
0xb2: {  	v9 =	vadd.bf16 v51, v9;
	v4 =	vshll.u32 v6, $0x10;
	[tilespmem:s16+$0x7EA0] =	vst v56;
	v5 =	vmul.f32 v5, v55  }
0xb3: {  	v59 =	vbroadcast v12, $0xE;
	v6 =	vand.u32 $0xFFFF0000, v6;
	v4 =	vmul.f32 v4, v57;
	[tilespmem:s16+$0x7E60] =	vst v11  }
0xb4: {  	v61 =	vbroadcast v12, $0xF;
	v60 =	vshll.u32 v9, $0x10;
	[tilespmem:s16+$0x7EB0] =	vst v5;
	v5 =	vmul.f32 v6, v58  }
0xb5: {  	[tilespmem:s16+$0x7EC0] =	vst v4;
	v4 =	vand.u32 $0xFFFF0000, v9;
	v6 =	vmul.f32 v60, v59  }
0xb6: {  	v4 =	vmul.f32 v4, v61;
	[tilespmem:s16+$0x7ED0] =	vst v5  }
0xb7: {  	[tilespmem:s16+$0x7EE0] =	vst v6  }
0xb8: {  	[tilespmem:s16+$0x7EF0] =	vst v4  }
0xb9: {  	v4 =	vld [tilespmem:s30+$0x0];
	_ =	sdelay $0x4  }
0xba: {  	(v2sf) =	vpush v4, $0x0;
	_ =	sdelay $0x3  }
0xbb: {  	(v2sf) =	vpush v4, $0x1  }
0xbc: {  	v5 =	vld [tilespmem:s31+$0x8]  }
0xbd: {  	v4 =	vld [tilespmem:s31+$0xFFFFFFF8];
	[tilespmem:s16+$0x9280] =	vst v3  }
0xbe: {  	[tilespmem:s16+$0x9300] =	vst v3  }
0xbf: {  	[tilespmem:s16+$0x9290] =	vst v3  }
0xc0: {  	[tilespmem:s16+$0x9310] =	vst v3  }
0xc1: {  	[tilespmem:s16+$0x92A0] =	vst v3  }
0xc2: {  	[tilespmem:s16+$0x9320] =	vst v3  }
0xc3: {  	[tilespmem:s16+$0x92B0] =	vst v3  }
0xc4: {  	[tilespmem:s16+$0x9330] =	vst v3  }
0xc5: {  	[tilespmem:s16+$0x92C0] =	vst v3  }
0xc6: {  	[tilespmem:s16+$0x9340] =	vst v3;
	s15 =	spop (v2sf)  }
0xc7: {  	[tilespmem:s16+$0x92D0] =	vst v3;
	s5 =	sand.u32 $0x1, s15  }
0xc8: {  	v62 =	vnsel vm7, $0x0, v12;
	[tilespmem:s16+$0x9350] =	vst v3;
	v4 =	vsel vm7, $0x0, v4;
	p1 =	seq.s32 s5, $0x1  }
0xc9: {  	s0 =	sadd.s32 $0x9280, s16;
	[tilespmem:s16+$0x92E0] =	vst v3;
	v4 =	vpsel p1, v4, v62;
	p1 =	sne.s32 s28, $0x4C00  }
.Ltmp0:
0xca: {  	[tilespmem:s16+$0x9360] =	vst v3;
	s4 =	spop (v2sf);
	s5 =	sshll.u32 s15, $0x3;
	(pc) =	sbr.rel @p1 .LBB2_3-.Ltmp0, $4  }
0xcb: {  	[tilespmem:s16+$0x92F0] =	vst v3;
	s15 =	sand.u32 $0x1, s4;
	s4 =	sshll.u32 s4, $0x3;
	s5 =	sand.u32 $0x70, s5  }
0xcc: {  	v63 =	vsel vm7, $0x0, v12;
	v5 =	vnsel vm7, $0x0, v5;
	[tilespmem:s16+$0x9370] =	vst v3;
	p6 =	seq.s32 s15, $0x1;
	s4 =	sand.u32 $0x70, s4;
	s5 =	sadd.s32 s16, s5  }
0xcd: {  	v5 =	vpsel p6, v63, v5;
	s0 =	sadd.s32 s4, s0;
	[tilespmem:s5+$0x9280] =	vst v4  }
0xce: {  	s30 =	sadd.s32 $0x2, s30;
	s31 =	sadd.s32 $0x10, s31;
	s28 =	sadd.s32 $0x400, s28;
	[tilespmem:s0+$0x80] =	vst v5  }
0xcf: {  	s0 =	sadd.s32 s26, s19;
	s4 =	simm.s32 $0x7B08;
	p1 =	seq.s32 s12, $0x7C  }
0xd0: {  	[hbm4b:s0+s6] =	stream.linear.scatter [tilespmem:s4], [sflag:$0x3], $0x140, $0x38;
	[tilespmem:$0x1FB00] =	vst v63  }
0xd1: {  	s16 =	rddreg [dreg:$0x3];
	s0 =	sadd.s32 @!p1 s26, s18  }
0xd2: {  	[spmem:s16] =	stream.indirect.scatter.add.f32 [tilespmem:s20], [sflag:$0x5], $0x80, s13, s29, $0xb8;
	[tilespmem:$0x1FB00] =	vst v63  }
0xd3: {  	s4 =	sshrl.u32 @!p1 s0, $0x3  }
0xd4: {  	[spmem:s11] =	stream.indirect.scatter.add.f32 [tilespmem:s21], [sflag:$0x5], $0x80, s14, s29, $0xb8;
	[tilespmem:$0x1FB00] =	vst v63  }
0xd5: {  	s15 =	simm.s32 @!p1 $0x0;
	s5 =	sadd.s32 @!p1 s8, s4  }
0xd6: {  	[tilespmem:s15], [sflag:$0x6] =	stream.linear.gather @!p1 [hbm4b:s5+s15], $0x28, $0x38;
	[tilespmem:$0x1FB00] =	vst v63  }
0xd7: {  	s5 =	simm.s32 @!p1 $0x6  }
0xd8: {  	_ =	swait.ge @!p1 [sflag:s5], $0x28  }
0xd9: {  	[sflag:s5] =	ssyncset.done @!p1 $0x0  }
0xda: {  	s4 =	sadd.s32 @!p1 s9, s4;
	s16 =	simm.s32 @!p1 $0x80;
	[sflag:s5] =	ssyncadd.s32 @!p1 $0xFFFFFFD8  }
0xdb: {  	[tilespmem:s16], [sflag:$0x6] =	stream.linear.gather @!p1 [hbm4b:s4+s15], $0x28, $0x38;
	[tilespmem:$0x1FB00] =	vst v63  }
0xdc: {  	_ =	swait.ge @!p1 [sflag:s5], $0x28  }
0xdd: {  	[sflag:s5] =	ssyncset.done @!p1 $0x0  }
0xde: {  	s26 =	simm.s32 @!p1 $0x100;
	[sflag:s5] =	ssyncadd.s32 @!p1 $0xFFFFFFD8  }
0xdf: {  	[tilespmem:s26], [sflag:$0x6] =	stream.linear.gather @!p1 [hbm4b:s4+s15], $0x28, $0x38;
	[tilespmem:$0x1FB00] =	vst v63  }
0xe0: {  	_ =	swait.ge @!p1 [sflag:s5], $0x28  }
0xe1: {  	s0 =	sshll.u32 @!p1 s0, $0x4;
	[sflag:s5] =	ssyncset.done @!p1 $0x0  }
0xe2: {  	s0 =	sadd.s32 @!p1 s7, s0;
	s4 =	simm.s32 @!p1 $0x2B00;
	[sflag:s5] =	ssyncadd.s32 @!p1 $0xFFFFFFD8  }
0xe3: {  	[tilespmem:s4], [sflag:$0x1] =	stream.linear.gather @!p1 [hbm4b:s0+s15], $0x1400, $0x38;
	[tilespmem:$0x1FB00] =	vst v63  }
0xe4: {  	s0 =	simm.s32 @!p1 $0x28;
	s4 =	simm.s32 @!p1 $0x300  }
0xe5: {  	[tilespmem:s4], [sflag:$0x1] =	stream.indirect.gather @!p1 [hbm4b:s1+s0], $0x80, s16, s0, $0xb8;
	[tilespmem:$0x1FB00] =	vst v63  }
0xe6: {  	s31 =	smov.u32 s1;
	s4 =	simm.s32 @!p1 $0x1700;
	s1 =	rddreg [dreg:$0x1]  }
0xe7: {  	[tilespmem:s4], [sflag:$0x1] =	stream.indirect.gather @!p1 [hbm4b:s1+s0], $0x80, s15, s0, $0xb8;
	[tilespmem:$0x1FB00] =	vst v63  }
0xe8: {  	_ =	swait.ge [sflag:s22], $0x1400  }
0xe9: {  	[sflag:s22] =	ssyncset.done $0x0  }
0xea: {  	[sflag:s22] =	ssyncadd.s32 $0xFFFFEC00  }
0xeb: {  	_ =	swait.ge [sflag:s22], $0x1400  }
0xec: {  	[sflag:s22] =	ssyncset.done $0x0  }
0xed: {  	[sflag:s22] =	ssyncadd.s32 $0xFFFFEC00  }
0xee: {  	_ =	swait.ge [sflag:s22], $0x1400  }
0xef: {  	[sflag:s22] =	ssyncset.done $0x0  }
0xf0: {  	s0 =	simm.s32 @!p0 $0x4;
	[sflag:s22] =	ssyncadd.s32 $0xFFFFEC00  }
0xf1: {  	_ =	swait.ge @!p0 [sflag:s0], $0x140  }
0xf2: {  	[sflag:s0] =	ssyncset.done @!p0 $0x0  }
0xf3: {  	[sflag:s0] =	ssyncadd.s32 @!p0 $0xFFFFFEC0  }
0xf4: {  	_ =	swait.ge [sflag:s10], $0x1400  }
0xf5: {  	[sflag:s10] =	ssyncset.done $0x0  }
0xf6: {  	[sflag:s10] =	ssyncadd.s32 $0xFFFFEC00  }
0xf7: {  	_ =	swait.ge [sflag:s10], $0x1400  }
0xf8: {  	[sflag:s10] =	ssyncset.done $0x0  }
0xf9: {  	[sflag:s10] =	ssyncadd.s32 $0xFFFFEC00  }
0xfa: {  	v4 =	vld [tilespmem:$0x280];
	_ =	sdelay $0x4  }
0xfb: {  	[tilespmem:v0+s13+$0x0] =	vst.idx.msk $0xffff, v4;
	v4 =	vshrl.u32 v4, $0x4  }
0xfc: {  	[tilespmem:v0+s14+$0x0] =	vst.idx.msk $0xffff, v4  }
0xfd: {  	v4 =	vld [tilespmem:$0x290];
	_ =	sdelay $0x4  }
0xfe: {  	[tilespmem:v1+s13+$0x0] =	vst.idx.msk $0xffff, v4;
	v4 =	vshrl.u32 v4, $0x4  }
0xff: {  	[tilespmem:v1+s14+$0x0] =	vst.idx.msk $0xffff, v4  }
0x100: {  	v4 =	vld [tilespmem:$0x2A0];
	_ =	sdelay $0x4  }
0x101: {  	[tilespmem:v2+s13+$0x0] =	vst.idx.msk $0xff, v4;
	v4 =	vshrl.u32 v4, $0x4  }
0x102: {  	s28 =	simm.s32 $0x280;
	s30 =	simm.s32 $0x7C88;
	s26 =	simm.s32 $0x0;
	[tilespmem:v2+s14+$0x0] =	vst.idx.msk $0xff, v4  }
.LBB2_5:
0x103: {  	s16 =	sshra.s32 s26, $0x2  }
0x104: {  	v11 =	vld [tilespmem:s16+$0x6700]  }
0x105: {  	v4 =	vld [tilespmem:s16+$0x5300]  }
0x106: {  	v6 =	vld [tilespmem:s16+$0x3F00]  }
0x107: {  	v10 =	vld [tilespmem:s16+$0x6710]  }
0x108: {  	v7 =	vld [tilespmem:s16+$0x5310]  }
0x109: {  	v9 =	vld [tilespmem:s16+$0x3F10]  }
0x10a: {  	v8 =	vld [tilespmem:s16+$0x6720]  }
0x10b: {  	v12 =	vld [tilespmem:s16+$0x5320]  }
0x10c: {  	v13 =	vld [tilespmem:s16+$0x3F20]  }
0x10d: {  	v5 =	vld [tilespmem:s16+$0x6730];
	v4 =	vadd.bf16 v4, v11  }
0x10e: {  	v16 =	vld [tilespmem:s16+$0x5330]  }
0x10f: {  	v59 =	vld [tilespmem:s16+$0x3F30];
	v15 =	vshll.u32 v6, $0x10;
	v14 =	vshll.u32 v4, $0x10  }
0x110: {  	v61 =	vld [tilespmem:s16+$0x5380];
	v14 =	vmul.f32 v14, v15  }
0x111: {  	v19 =	vld [tilespmem:s16+$0x3F80]  }
0x112: {  	v20 =	vld [tilespmem:s16+$0x5390];
	v6 =	vand.u32 $0xFFFF0000, v6;
	v17 =	vand.u32 $0xFFFF0000, v4;
	(xrf2) =	vadd.scan.msk.f32 $0xffff, v14  }
0x113: {  	v21 =	vld [tilespmem:s16+$0x3F90];
	v7 =	vadd.bf16 v7, v10;
	v6 =	vmul.f32 v17, v6  }
0x114: {  	v23 =	vld [tilespmem:s16+$0x53A0];
	v18 =	vshll.u32 v9, $0x10;
	v9 =	vand.u32 $0xFFFF0000, v9;
	v12 =	vadd.bf16 v12, v8  }
0x115: {  	v63 =	vshll.u32 v13, $0x10;
	v16 =	vadd.bf16 v16, v5;
	v13 =	vand.u32 $0xFFFF0000, v13;
	v4 =	vld [tilespmem:s16+$0x6780];
	(xrf2) =	vadd.scan.msk.f32 $0xffff, v6  }
0x116: {  	v26 =	vld [tilespmem:s16+$0x3FA0];
	v22 =	vshll.u32 v59, $0x10;
	v60 =	vshll.u32 v7, $0x10;
	v7 =	vand.u32 $0xFFFF0000, v7  }
0x117: {  	v28 =	vshll.u32 v19, $0x10;
	v9 =	vmul.f32 v7, v9;
	v7 =	vld [tilespmem:s16+$0x6790];
	v14 =	vmul.f32 v60, v18  }
0x118: {  	v30 =	vld [tilespmem:s16+$0x53B0];
	v29 =	vand.u32 $0xFFFF0000, v19;
	v34 =	vshll.u32 v21, $0x10;
	v62 =	vshll.u32 v12, $0x10  }
0x119: {  	v21 =	vand.u32 $0xFFFF0000, v21;
	v12 =	vand.u32 $0xFFFF0000, v12;
	v18 =	vmul.f32 v62, v63;
	v6 =	vld [tilespmem:s16+$0x67A0];
	(xrf2) =	vadd.scan.msk.f32 $0xffff, v14  }
0x11a: {  	v36 =	vld [tilespmem:s16+$0x3FB0];
	v24 =	vshll.u32 v16, $0x10;
	v12 =	vmul.f32 v12, v13;
	v17 =	vadd.bf16 v61, v4;
	(xrf2) =	vadd.scan.msk.f32 $0xffff, v9  }
0x11b: {  	v16 =	vand.u32 $0xFFFF0000, v16;
	v15 =	vand.u32 $0xFFFF0000, v59;
	v13 =	vmul.f32 v24, v22;
	v9 =	vld [tilespmem:s16+$0x67B0];
	(xrf2) =	vadd.scan.msk.f32 $0xffff, v18  }
0x11c: {  	v25 =	vmul.f32 v16, v15;
	v20 =	vadd.bf16 v20, v7;
	v27 =	vshll.u32 v17, $0x10;
	v31, _, _ =	vpop (xrf2);
	(xrf2) =	vadd.scan.msk.f32 $0xffff, v12  }
0x11d: {  	v41 =	vshll.u32 v26, $0x10;
	v17 =	vand.u32 $0xFFFF0000, v17;
	v16 =	vmul.f32 v27, v28;
	(xrf2) =	vadd.scan.msk.f32 $0xffff, v13  }
0x11e: {  	v32 =	vmul.f32 v17, v29;
	v33 =	vshll.u32 v20, $0x10;
	v38 =	vadd.bf16 v23, v6;
	(xrf2) =	vadd.scan.msk.f32 $0xffff, v25  }
0x11f: {  	v44 =	vshll.u32 v36, $0x10;
	v20 =	vand.u32 $0xFFFF0000, v20;
	v17 =	vmul.f32 v33, v34;
	v37, _, _ =	vpop (xrf2);
	(xrf2) =	vadd.scan.msk.f32 $0xffff, v16  }
0x120: {  	v39 =	vmul.f32 v20, v21;
	v40 =	vshll.u32 v38, $0x10;
	v19 =	vadd.bf16 v30, v9;
	(xrf2) =	vadd.scan.msk.f32 $0xffff, v32  }
0x121: {  	v15 =	vand.u32 $0xFFFF0000, v26;
	v42 =	vand.u32 $0xFFFF0000, v38;
	v12 =	vmul.f32 v40, v41;
	(xrf2) =	vadd.scan.msk.f32 $0xffff, v17  }
0x122: {  	v15 =	vmul.f32 v42, v15;
	v43 =	vshll.u32 v19, $0x10;
	v35 =	vbroadcast v31, $0xF;
	(xrf2) =	vadd.scan.msk.f32 $0xffff, v39  }
0x123: {  	v46 =	vmul.f32 v43, v44;
	v14 =	vbroadcast v37, $0xF;
	v45, _, _ =	vpop (xrf2);
	(xrf2) =	vadd.scan.msk.f32 $0xffff, v12  }
0x124: {  	v18 =	vand.u32 $0xFFFF0000, v36;
	v47, _, _ =	vpop (xrf2);
	v48 =	vbroadcast v45, $0xF;
	(xrf2) =	vadd.scan.msk.f32 $0xffff, v15  }
0x125: {  	v50 =	vand.u32 $0xFFFF0000, v19;
	v13 =	vsel vm0, v35, v14;
	v14 =	vbroadcast v47, $0xF;
	v49, _, _ =	vpop (xrf2);
	(xrf2) =	vadd.scan.msk.f32 $0xffff, v46  }
0x126: {  	v52 =	vmul.f32 v50, v18;
	v13 =	vsel vm1, v13, v48;
	v15 =	vbroadcast v49, $0xF;
	v51, _, _ =	vpop (xrf2)  }
0x127: {  	v13 =	vsel vm2, v13, v14;
	v53, _, _ =	vpop (xrf2);
	v12 =	vbroadcast v51, $0xF  }
0x128: {  	v13 =	vsel vm3, v13, v15;
	(xrf2) =	vadd.scan.msk.f32 $0xffff, v52;
	v54, _, _ =	vpop (xrf2);
	v55 =	vbroadcast v53, $0xF  }
0x129: {  	v56, _, _ =	vpop (xrf2);
	v12 =	vsel vm4, v13, v12;
	v57 =	vbroadcast v54, $0xF  }
0x12a: {  	v58, _, _ =	vpop (xrf2);
	v12 =	vsel vm5, v12, v55;
	v59 =	vbroadcast v56, $0xF  }
0x12b: {  	v60, _, _ =	vpop (xrf2);
	v12 =	vsel vm6, v12, v57;
	v61 =	vbroadcast v58, $0xF  }
0x12c: {  	v62, _, _ =	vpop (xrf2);
	v12 =	vsel vm7, v12, v59;
	v63 =	vbroadcast v60, $0xF  }
0x12d: {  	v20, _, _ =	vpop (xrf2);
	v12 =	vsel vm8, v12, v61;
	v21 =	vbroadcast v62, $0xF  }
0x12e: {  	v22, _, _ =	vpop (xrf2);
	v12 =	vsel vm9, v12, v63;
	v23 =	vbroadcast v20, $0xF  }
0x12f: {  	v24, _, _ =	vpop (xrf2);
	v12 =	vsel vm10, v12, v21;
	v25 =	vbroadcast v22, $0xF  }
0x130: {  	v12 =	vsel vm11, v12, v23;
	v26 =	vbroadcast v24, $0xF  }
0x131: {  	v12 =	vsel vm12, v12, v25  }
0x132: {  	v27, _, _ =	vpop (xrf2);
	v12 =	vsel vm13, v12, v26  }
0x133: {  	v12 =	vsel vm14, v12, v27  }
0x134: {  	v12 =	vmul.f32 $1.442695020e+00, v12;
	_ =	sdelay $0x1  }
0x135: {  	(erf) = vpow2.f32 v12;
	_ =	sdelay $0x8  }
0x136: {  	v12 =	vpop (erf)  }
0x137: {  	[tilespmem:s30+$0x0] =	vst v12  }
0x138: {  	v28 =	vld [tilespmem:s16+$0x5340];
	_ =	sdelay $0x1  }
0x139: {  	v29 =	vld [tilespmem:s16+$0x5350]  }
0x13a: {  	v31 =	vbroadcast v12, $0x0  }
0x13b: {  	v33 =	vbroadcast v12, $0x1;
	v35 =	vbroadcast v12, $0x2;
	v30 =	vld [tilespmem:s16+$0x5360]  }
0x13c: {  	v37 =	vbroadcast v12, $0x3;
	v39 =	vbroadcast v12, $0x4;
	v11 =	vadd.bf16 v28, v11  }
0x13d: {  	v41 =	vbroadcast v12, $0x5;
	v44 =	vbroadcast v12, $0x6;
	v34 =	vld [tilespmem:s16+$0x5370]  }
0x13e: {  	v46 =	vbroadcast v12, $0x7;
	v38 =	vld [tilespmem:s16+$0x53C0];
	v10 =	vadd.bf16 v29, v10;
	v32 =	vshll.u32 v11, $0x10  }
0x13f: {  	v48 =	vbroadcast v12, $0x8;
	v11 =	vand.u32 $0xFFFF0000, v11;
	v15 =	vmul.f32 v32, v31  }
0x140: {  	v42 =	vld [tilespmem:s16+$0x53D0];
	v8 =	vadd.bf16 v30, v8;
	v36 =	vshll.u32 v10, $0x10;
	v11 =	vmul.f32 v11, v33  }
0x141: {  	v50 =	vbroadcast v12, $0x9;
	v10 =	vand.u32 $0xFFFF0000, v10;
	v16 =	vmul.f32 v36, v35;
	[tilespmem:s16+$0x7E00] =	vst v15  }
0x142: {  	v5 =	vadd.bf16 v34, v5;
	v40 =	vshll.u32 v8, $0x10;
	v10 =	vmul.f32 v10, v37;
	[tilespmem:s16+$0x7E10] =	vst v11  }
0x143: {  	v47 =	vld [tilespmem:s16+$0x53E0];
	v4 =	vadd.bf16 v38, v4;
	v8 =	vand.u32 $0xFFFF0000, v8;
	v43 =	vmul.f32 v40, v39;
	[tilespmem:s16+$0x7E20] =	vst v16  }
0x144: {  	v45 =	vshll.u32 v5, $0x10;
	v5 =	vand.u32 $0xFFFF0000, v5;
	v8 =	vmul.f32 v8, v41;
	[tilespmem:s16+$0x7E30] =	vst v10  }
0x145: {  	v51 =	vld [tilespmem:s16+$0x53F0];
	v7 =	vadd.bf16 v42, v7;
	v49 =	vshll.u32 v4, $0x10;
	v5 =	vmul.f32 v5, v46;
	[tilespmem:s16+$0x7E40] =	vst v43  }
0x146: {  	v53 =	vbroadcast v12, $0xA;
	v4 =	vand.u32 $0xFFFF0000, v4;
	v52 =	vmul.f32 v49, v48;
	[tilespmem:s16+$0x7E50] =	vst v8  }
0x147: {  	v55 =	vbroadcast v12, $0xB;
	v54 =	vshll.u32 v7, $0x10;
	v4 =	vmul.f32 v4, v50;
	[tilespmem:s16+$0x7E70] =	vst v5  }
0x148: {  	v57 =	vbroadcast v12, $0xC;
	v6 =	vadd.bf16 v47, v6;
	v56 =	vmul.f32 v54, v53;
	[tilespmem:s16+$0x7E80] =	vst v52  }
0x149: {  	v58 =	vbroadcast v12, $0xD;
	v11 =	vmul.f32 v45, v44;
	v5 =	vand.u32 $0xFFFF0000, v7;
	[tilespmem:s16+$0x7E90] =	vst v4  }
0x14a: {  	v9 =	vadd.bf16 v51, v9;
	v4 =	vshll.u32 v6, $0x10;
	[tilespmem:s16+$0x7EA0] =	vst v56;
	v5 =	vmul.f32 v5, v55  }
0x14b: {  	v59 =	vbroadcast v12, $0xE;
	v6 =	vand.u32 $0xFFFF0000, v6;
	v4 =	vmul.f32 v4, v57;
	[tilespmem:s16+$0x7E60] =	vst v11  }
0x14c: {  	v61 =	vbroadcast v12, $0xF;
	v60 =	vshll.u32 v9, $0x10;
	[tilespmem:s16+$0x7EB0] =	vst v5;
	v5 =	vmul.f32 v6, v58  }
0x14d: {  	[tilespmem:s16+$0x7EC0] =	vst v4;
	v4 =	vand.u32 $0xFFFF0000, v9;
	v6 =	vmul.f32 v60, v59  }
0x14e: {  	v4 =	vmul.f32 v4, v61;
	[tilespmem:s16+$0x7ED0] =	vst v5  }
0x14f: {  	[tilespmem:s16+$0x7EE0] =	vst v6  }
0x150: {  	[tilespmem:s16+$0x7EF0] =	vst v4  }
0x151: {  	v4 =	vld [tilespmem:s28+$0x0];
	_ =	sdelay $0x4  }
0x152: {  	(v2sf) =	vpush v4, $0x0;
	_ =	sdelay $0x3  }
0x153: {  	(v2sf) =	vpush v4, $0x1  }
0x154: {  	v5 =	vld [tilespmem:s30+$0x8]  }
0x155: {  	v4 =	vld [tilespmem:s30+$0xFFFFFFF8];
	[tilespmem:s16+$0x9280] =	vst v3  }
0x156: {  	[tilespmem:s16+$0x9300] =	vst v3  }
0x157: {  	[tilespmem:s16+$0x9290] =	vst v3  }
0x158: {  	[tilespmem:s16+$0x9310] =	vst v3  }
0x159: {  	[tilespmem:s16+$0x92A0] =	vst v3  }
0x15a: {  	[tilespmem:s16+$0x9320] =	vst v3  }
0x15b: {  	[tilespmem:s16+$0x92B0] =	vst v3  }
0x15c: {  	[tilespmem:s16+$0x9330] =	vst v3  }
0x15d: {  	[tilespmem:s16+$0x92C0] =	vst v3  }
0x15e: {  	[tilespmem:s16+$0x9340] =	vst v3;
	s0 =	spop (v2sf)  }
0x15f: {  	[tilespmem:s16+$0x92D0] =	vst v3;
	s5 =	sand.u32 $0x1, s0  }
0x160: {  	v62 =	vnsel vm7, $0x0, v12;
	[tilespmem:s16+$0x9350] =	vst v3;
	v4 =	vsel vm7, $0x0, v4;
	p0 =	seq.s32 s5, $0x1  }
0x161: {  	s15 =	sadd.s32 $0x9280, s16;
	[tilespmem:s16+$0x92E0] =	vst v3;
	v4 =	vpsel p0, v4, v62;
	p0 =	sne.s32 s26, $0x4C00  }
.Ltmp1:
0x162: {  	[tilespmem:s16+$0x9360] =	vst v3;
	s4 =	spop (v2sf);
	s0 =	sshll.u32 s0, $0x3;
	(pc) =	sbr.rel @p0 .LBB2_5-.Ltmp1, $4  }
0x163: {  	[tilespmem:s16+$0x92F0] =	vst v3;
	s1 =	sand.u32 $0x1, s4;
	s0 =	sand.u32 $0x70, s0;
	s4 =	sshll.u32 s4, $0x3  }
0x164: {  	v63 =	vsel vm7, $0x0, v12;
	v5 =	vnsel vm7, $0x0, v5;
	[tilespmem:s16+$0x9370] =	vst v3;
	p6 =	seq.s32 s1, $0x1;
	s0 =	sadd.s32 s16, s0;
	s4 =	sand.u32 $0x70, s4  }
0x165: {  	v5 =	vpsel p6, v63, v5;
	[tilespmem:s0+$0x9280] =	vst v4;
	s16 =	sadd.s32 s4, s15  }
0x166: {  	s28 =	sadd.s32 $0x2, s28;
	s30 =	sadd.s32 $0x10, s30;
	s26 =	sadd.s32 $0x400, s26;
	[tilespmem:s16+$0x80] =	vst v5  }
0x167: {  	s0 =	sadd.s32 s17, s23;
	s1 =	simm.s32 $0x7C88;
	s12 =	sadd.s32 $0x1, s12  }
0x168: {  	[hbm4b:s0+s6] =	stream.linear.scatter [tilespmem:s1], [sflag:$0x4], $0x140, $0x38;
	[tilespmem:$0x1FB00] =	vst v63  }
0x169: {  	p0 =	sne.s32 s12, $0x7D  }
.Ltmp2:
0x16a: {  	_ = 	snop;
	(pc) =	sbr.rel @p0 .LBB2_2-.Ltmp2, $4  }
0x16b: {  	s30 =	rddreg [dreg:$0x3]  }
0x16c: {  	[spmem:s30] =	stream.indirect.scatter.add.f32 [tilespmem:s20], [sflag:$0x5], $0x80, s13, s29, $0xb8;
	[tilespmem:$0x1FB00] =	vst v63  }
0x16d: {  	_ = 	snop  }
0x16e: {  	[spmem:s11] =	stream.indirect.scatter.add.f32 [tilespmem:s21], [sflag:$0x5], $0x80, s14, s29, $0xb8;
	[tilespmem:$0x1FB00] =	vst v63  }
0x16f: {  	s0 =	simm.s32 $0x3  }
0x170: {  	_ =	swait.ge [sflag:s0], $0x140  }
0x171: {  	[sflag:s0] =	ssyncset.done $0x0  }
0x172: {  	s16 =	simm.s32 $0x4;
	[sflag:s0] =	ssyncadd.s32 $0xFFFFFEC0  }
0x173: {  	_ =	swait.ge [sflag:s16], $0x140  }
0x174: {  	[sflag:s16] =	ssyncset.done $0x0  }
0x175: {  	[sflag:s16] =	ssyncadd.s32 $0xFFFFFEC0  }
0x176: {  	_ =	swait.ge [sflag:s10], $0x1400  }
0x177: {  	[sflag:s10] =	ssyncset.done $0x0  }
0x178: {  	[sflag:s10] =	ssyncadd.s32 $0xFFFFEC00  }
0x179: {  	_ =	swait.ge [sflag:s10], $0x1400  }
0x17a: {  	[sflag:s10] =	ssyncset.done $0x0  }
0x17b: {  	[sflag:s10] =	ssyncadd.s32 $0xFFFFEC00  }
0x17c: {  	[bflag:$0x0] =	sbarrier.arrive $0xFFFF  }
0x17d: {  	s1 =	rddreg [dreg:$0x7]  }
0x17e: {  	s23 =	rddreg [dreg:$0xd]  }
0x17f: {  	s4 =	rddreg [dreg:$0x10]  }
0x180: {  	[hbm:s23], [sflag:s1] =	dma.local [spmem:s4], $0x2800  }
0x181: {  	_ =	swait.ge [sflag:s24], $0x2800  }
0x182: {  	[sflag:s24] =	ssyncset.done $0x0;
	s26 =	rddreg [dreg:$0xe]  }
0x183: {  	s5 =	rddreg [dreg:$0x12];
	[sflag:s24] =	ssyncadd.s32 $0xFFFFD800  }
0x184: {  	[hbm:s26], [sflag:s1] =	dma.local [spmem:s5], $0x280  }
0x185: {  	_ =	swait.ge [sflag:s24], $0x280  }
0x186: {  	s28 =	rddreg [dreg:$0x11]  }
0x187: {  	s30 =	rddreg [dreg:$0xf];
	s5 =	sadd.s32 $0x1, s28  }
0x188: {  	p0 =	sne.s32 s5, s30  }
.Ltmp3:
0x189: {  	_ = 	snop;
	(pc) =	sbr.rel @p0 .LBB2_1-.Ltmp3, $3  }
0x18a: {  	_ =	sdelay $0x1  }
0x18b: {  	[sflag:s24] =	ssyncset.done $0x0  }
0x18c: {  	[sflag:s24] =	ssyncadd.s32 $0xFFFFFD80  }
0x18d: {  	_ =	sfence.sel $0x180000  }
0x18e: {  	[bflag:$0x0] =	sbarrier.arrive $0xFFFF  }
0x18f: {  	_ =	strace $0x90000047  }
0x190: {  	s0 =	stileid.u32;
	[bflag:$0x2] =	sbarrier.arrive $0xFFFF  }
0x191: {  	p0 =	sne.s32 s0, $0x0;
	s0 =	rddreg [dreg:$0x5]  }
0x192: {  	s0 =	sadd.s32 @!p0 $0x100000, s0  }
0x193: {  	[sflag:s0] =	ssyncadd.tile.s32 @!p0 $0x1;
	_ =	shalt  }
.Lfunc_end2:
_tile_overlayer_lowered:
.L_overlay_start_2:
0x194: {  	(tag) =	ssettag $0x2  }
0x195: {  	s0 =	rddreg [dreg:$0x0];
	s2 =	stileid.u32  }
0x196: {  	s1 =	rddreg [dreg:$0x1];
	p0 =	sne.s32 s2, $0x0  }
0x197: {  	s3 =	rddreg [dreg:$0x2];
	[bflag:$0x3] =	sbarrier.arrive $0xFFFF;
	s2 =	simm.s32 @!p0 $0x1C06  }
0x198: {  	[timem:s3], [sflag:s2] =	dma.local @!p0 [hbm:s0], s1  }
0x199: {  	s0 =	simm.s32 @!p0 $0x6  }
0x19a: {  	_ =	swait.ge @!p0 [sflag:s0], s1  }
0x19b: {  	s1 =	ssub.s32 @!p0 $0x0, s1;
	[sflag:s0] =	ssyncset.done @!p0 $0x0  }
0x19c: {  	[sflag:s0] =	ssyncadd.s32 @!p0 s1  }
0x19d: {  	[bflag:$0x3] =	sbarrier.arrive $0xFFFF  }
0x19e: {  	_ =	shalt  }

</sc_bundles>
